<compile_context>
chip_gen: v7x
topology: tpu7x:2x2x1
jax: 0.10.2.dev20260603
libtpu: 0.0.44.dev20260713+nightly
codegen_flags: <defaults>
</compile_context>

<pallas_src>
import functools

import jax
import jax.numpy as jnp
from jax import lax
from jax.experimental import pallas as pl
from jax.experimental.pallas import tpu as pltpu
from jax.experimental.pallas import tpu_sc as plsc

N = 4096
D_IN = 1024
D_OUT = 1024
E = 16
TOP_K = 2

TM = 256
PAD = N * TOP_K + E * TM
T = PAD // TM

NC = 2
NS = 16
NW = NC * NS
TPW = N // NW
WSW = 128
CH = 32
NCH = TPW // CH
CHC = 16
NCHC = TPW // CHC


def _router_plan_body(x_ref, wr_ref, p0_ref, p1_ref, wb0_ref, wb1_ref,
                      te_ref, loss_ref):
    x = x_ref[...]
    logits = jnp.dot(x, wr_ref[...], preferred_element_type=jnp.float32)
    m = jnp.max(logits, axis=1, keepdims=True)
    ex = jnp.exp(logits - m)
    probs = ex / jnp.sum(ex, axis=1, keepdims=True)

    iota = lax.broadcasted_iota(jnp.int32, probs.shape, 1)
    pv1 = jnp.max(probs, axis=1, keepdims=True)
    i1 = jnp.min(jnp.where(probs == pv1, iota, E), axis=1, keepdims=True)
    oh1 = (iota == i1)
    masked = jnp.where(oh1, -jnp.inf, probs)
    pv2 = jnp.max(masked, axis=1, keepdims=True)
    i2 = jnp.min(jnp.where(masked == pv2, iota, E), axis=1, keepdims=True)
    oh2 = (iota == i2)

    wsum = pv1 + pv2
    w1 = pv1 / wsum
    w2 = pv2 / wsum
    wb0_ref[...] = jnp.broadcast_to(w1, (N, WSW))
    wb1_ref[...] = jnp.broadcast_to(w2, (N, WSW))

    ohf1 = oh1.astype(jnp.float32)
    ohf2 = oh2.astype(jnp.float32)
    ohsum = ohf1 + ohf2
    counts = jnp.sum(ohsum, axis=0)
    imp = jnp.sum(probs, axis=0) / N
    loss_ref[...] = (E * jnp.sum(imp * counts) / (N * TOP_K)).reshape(1, 1)

    B = 512
    NB = N // B
    r = lax.broadcasted_iota(jnp.int32, (B, B), 0)
    c = lax.broadcasted_iota(jnp.int32, (B, B), 1)
    tri = (r > c).astype(jnp.float32)
    parts = []
    tots = []
    for bi in range(NB):
        blk = ohsum[bi * B:(bi + 1) * B, :]
        parts.append(jnp.dot(tri, blk, preferred_element_type=jnp.float32))
        tots.append(jnp.sum(blk, axis=0, keepdims=True))
    totm = jnp.concatenate(tots, axis=0)
    rb = lax.broadcasted_iota(jnp.int32, (NB, NB), 0)
    cb = lax.broadcasted_iota(jnp.int32, (NB, NB), 1)
    trib = (rb > cb).astype(jnp.float32)
    offs = jnp.dot(trib, totm, preferred_element_type=jnp.float32)
    S = jnp.concatenate(
        [parts[bi] + offs[bi:bi + 1, :] for bi in range(NB)], axis=0)

    ac = jnp.ceil(counts / TM) * TM
    re16 = lax.broadcasted_iota(jnp.int32, (E, E), 0)
    ce16 = lax.broadcasted_iota(jnp.int32, (E, E), 1)
    sue = (re16 < ce16).astype(jnp.float32)
    start = jnp.dot(ac[None, :], sue,
                    preferred_element_type=jnp.float32)

    base = start + S
    p0_ref[...] = jnp.sum(ohf1 * base, axis=1, keepdims=True).astype(jnp.int32)
    p1_ref[...] = jnp.sum(ohf2 * base, axis=1, keepdims=True).astype(jnp.int32)

    endt = (start + ac[None, :]) / TM
    tcol = lax.broadcasted_iota(jnp.int32, (TM, E), 0).astype(jnp.float32)
    te = jnp.sum((tcol >= endt).astype(jnp.int32), axis=1, keepdims=True)
    te_ref[...] = jnp.minimum(te, E - 1)


def _grouped_matmul_body(te_ref, xs_ref, ws_ref, w_ref, b_ref, ys_ref):
    cw = ws_ref[:, 0:1]
    ys_ref[...] = (jnp.dot(xs_ref[...] * cw, w_ref[0],
                           preferred_element_type=jnp.float32)
                   + cw * b_ref[0])


def _sc_dispatch_body(x_hbm, posd_hbm, wb0_hbm, wb1_hbm, xs_hbm, ws_hbm,
                      idx_v, rows_v, w0_v, w1_v, sem_ld, sem_sc):
    wid = lax.axis_index("s") * NC + lax.axis_index("c")
    pltpu.sync_copy(posd_hbm.at[wid], idx_v)
    lds = [None, None]
    scs = [[], []]

    def issue_load(ci):
        par = ci % 2
        base = wid * TPW + ci * CH
        lds[par] = [
            pltpu.async_copy(x_hbm.at[pl.ds(base, CH)], rows_v.at[par], sem_ld),
            pltpu.async_copy(wb0_hbm.at[pl.ds(base, CH)], w0_v.at[par], sem_ld),
            pltpu.async_copy(wb1_hbm.at[pl.ds(base, CH)], w1_v.at[par], sem_ld),
        ]

    issue_load(0)
    for ci in range(NCH):
        par = ci % 2
        for h in lds[par]:
            h.wait()
        if ci + 1 < NCH:
            for h in scs[1 - par]:
                h.wait()
            issue_load(ci + 1)
        scs[par] = [
            pltpu.async_copy(rows_v.at[par], xs_hbm.at[idx_v.at[2 * ci]],
                             sem_sc),
            pltpu.async_copy(rows_v.at[par], xs_hbm.at[idx_v.at[2 * ci + 1]],
                             sem_sc),
            pltpu.async_copy(w0_v.at[par], ws_hbm.at[idx_v.at[2 * ci]],
                             sem_sc),
            pltpu.async_copy(w1_v.at[par], ws_hbm.at[idx_v.at[2 * ci + 1]],
                             sem_sc),
        ]
    for par in (0, 1):
        for h in scs[par]:
            h.wait()


def _sc_combine_body(ys_hbm, posc_hbm, out_hbm, idx_v, g0_v, g1_v,
                     sem_g, sem_o0, sem_o1):
    wid = lax.axis_index("s") * NC + lax.axis_index("c")
    pltpu.sync_copy(posc_hbm.at[wid], idx_v)
    gas = [[], []]
    ows = [None, None]

    def issue_gather(ci):
        par = ci % 2
        gas[par] = [
            pltpu.async_copy(ys_hbm.at[idx_v.at[2 * ci]], g0_v.at[par],
                             sem_g),
            pltpu.async_copy(ys_hbm.at[idx_v.at[2 * ci + 1]], g1_v.at[par],
                             sem_g),
        ]

    issue_gather(0)
    for ci in range(NCHC):
        par = ci % 2
        for h in gas[par]:
            h.wait()
        if ci + 1 < NCHC:
            if ows[1 - par] is not None:
                ows[1 - par].wait()
            issue_gather(ci + 1)

        def row_loop(rr, _, par=par):
            def add_vec(j, _):
                sl = pl.ds(j * 16, 16)
                g0_v[par, rr, sl] = g0_v[par, rr, sl] + g1_v[par, rr, sl]
                return 0
            lax.fori_loop(0, D_OUT // 16, add_vec, 0, unroll=4)
            return 0
        lax.fori_loop(0, CHC, row_loop, 0)
        ows[par] = pltpu.async_copy(
            g0_v.at[par], out_hbm.at[pl.ds(wid * TPW + ci * CHC, CHC)],
            sem_o0 if par == 0 else sem_o1)
    for par in (0, 1):
        if ows[par] is not None:
            ows[par].wait()


def kernel(input, Wr, W, b):
    x = input

    p0, p1, wb0, wb1, te2, loss = pl.pallas_call(
        _router_plan_body,
        out_shape=(
            jax.ShapeDtypeStruct((N, 1), jnp.int32),
            jax.ShapeDtypeStruct((N, 1), jnp.int32),
            jax.ShapeDtypeStruct((N, WSW), jnp.float32),
            jax.ShapeDtypeStruct((N, WSW), jnp.float32),
            jax.ShapeDtypeStruct((TM, 1), jnp.int32),
            jax.ShapeDtypeStruct((1, 1), jnp.float32),
        ),
    )(x, Wr)

    te = te2.reshape(-1)[:T]
    posd = jnp.stack(
        [p0.reshape(NW, NCH, CH), p1.reshape(NW, NCH, CH)], axis=2
    ).reshape(NW, 2 * NCH, CH)

    mesh = plsc.VectorSubcoreMesh(
        core_axis_name="c", subcore_axis_name="s",
        num_cores=NC, num_subcores=NS)

    xs, ws = pl.kernel(
        _sc_dispatch_body,
        out_type=(
            jax.ShapeDtypeStruct((PAD, D_IN), jnp.float32),
            jax.ShapeDtypeStruct((PAD, WSW), jnp.float32),
        ),
        mesh=mesh,
        scratch_types=[
            pltpu.VMEM((2 * NCH, CH), jnp.int32),
            pltpu.VMEM((2, CH, D_IN), jnp.float32),
            pltpu.VMEM((2, CH, WSW), jnp.float32),
            pltpu.VMEM((2, CH, WSW), jnp.float32),
            pltpu.SemaphoreType.DMA,
            pltpu.SemaphoreType.DMA,
        ],
    )(x, posd, wb0, wb1)

    ys = pl.pallas_call(
        _grouped_matmul_body,
        grid_spec=pltpu.PrefetchScalarGridSpec(
            num_scalar_prefetch=1,
            grid=(T,),
            in_specs=[
                pl.BlockSpec((TM, D_IN), lambda t, te: (t, 0)),
                pl.BlockSpec((TM, WSW), lambda t, te: (t, 0)),
                pl.BlockSpec((1, D_IN, D_OUT), lambda t, te: (te[t], 0, 0)),
                pl.BlockSpec((1, 1, D_OUT), lambda t, te: (te[t], 0, 0)),
            ],
            out_specs=pl.BlockSpec((TM, D_OUT), lambda t, te: (t, 0)),
        ),
        out_shape=jax.ShapeDtypeStruct((PAD, D_OUT), jnp.float32),
    )(te, xs, ws, W, b.reshape(E, 1, D_OUT))

    posc = jnp.stack(
        [p0.reshape(NW, NCHC, CHC), p1.reshape(NW, NCHC, CHC)], axis=2
    ).reshape(NW, 2 * NCHC, CHC)

    out = pl.kernel(
        _sc_combine_body,
        out_type=jax.ShapeDtypeStruct((N, D_OUT), jnp.float32),
        mesh=mesh,
        scratch_types=[
            pltpu.VMEM((2 * NCHC, CHC), jnp.int32),
            pltpu.VMEM((2, CHC, D_OUT), jnp.float32),
            pltpu.VMEM((2, CHC, D_OUT), jnp.float32),
            pltpu.SemaphoreType.DMA,
            pltpu.SemaphoreType.DMA,
            pltpu.SemaphoreType.DMA,
        ],
    )(ys, posc)

    return (out, loss[0, 0])

# --- scband reference (transcript-rebuilt; emitter-appended) ---
"""Pipeline reference for scband-adaptive-parameter-layer-57449482551772 (READ-ONLY COPY).

The authoritative reference and input builder live on the scoring server;
editing this copy changes nothing except your own understanding.
"""

import jax, jax.numpy as jnp
import numpy as np

N = 4096        # tokens = batch(2) * seq_len(2048)
D_IN = 1024     # input_dim
D_OUT = 1024    # output_dim
E = 16          # num experts (mixture components)
TOP_K = 2


def setup_inputs(seed: int = 0) -> dict:
    key = jax.random.key(seed)
    k1, k2, k3, k4 = jax.random.split(key, 4)
    x = jax.random.normal(k1, (N, D_IN), dtype=jnp.float32)
    # Router (shared for weights and biases, SHARED_ROUTER option)
    Wr = jax.random.normal(k2, (D_IN, E), dtype=jnp.float32) * 0.02
    # Mixture-of-matrices: per-expert weight matrices for the adaptive affine transform
    W = jax.random.normal(k3, (E, D_IN, D_OUT), dtype=jnp.float32) * 0.02
    # Per-expert bias vectors (adaptive bias enabled, shares router probs/indices)
    b = jax.random.normal(k4, (E, D_OUT), dtype=jnp.float32) * 0.02
    return {"input": x, "Wr": Wr, "W": W, "b": b}


def reference(input, Wr, W, b):
    x = input
    # __sample_weight_probabilities_and_indices: router logits + sampler top-k
    logits = x @ Wr                                   # [N, E]
    probs_full = jax.nn.softmax(logits, axis=-1)      # [N, E]
    top_p, top_i = jax.lax.top_k(probs_full, TOP_K)   # [N, k], [N, k]
    top_p = top_p / jnp.sum(top_p, axis=-1, keepdims=True)
    # __generate_weight_parameters: mixture of expert matrices applied to input
    # (computed as per-expert affine outputs then gathered -- mathematically
    #  identical to mixing the weight matrices, compute-bound)
    expert_out = jnp.einsum('nd,edf->nef', x, W)      # [N, E, D_OUT]
    sel_out = jnp.take_along_axis(expert_out, top_i[:, :, None], axis=1)  # [N, k, D_OUT]
    out = jnp.sum(top_p[:, :, None] * sel_out, axis=1)                    # [N, D_OUT]
    # __generate_bias_parameters: mixture of expert biases (shared router)
    sel_b = b[top_i]                                  # [N, k, D_OUT]
    bias = jnp.sum(top_p[:, :, None] * sel_b, axis=1) # [N, D_OUT]
    out = out + bias
    # sampler load-balancing auxiliary loss (Switch-style)
    importance = jnp.mean(probs_full, axis=0)                          # [E]
    counts = jnp.zeros((E,), dtype=jnp.float32).at[top_i.reshape(-1)].add(1.0)
    dispatch_frac = counts / (N * TOP_K)
    total_layer_loss = E * jnp.sum(importance * dispatch_frac)
    return (out, total_layer_loss)

if __name__ == "__main__":
    import jax
    _d = setup_inputs()
    print(jax.jit(kernel)(*tuple(_d.values())))

</pallas_src>

<mosaic_0001>
#map = affine_map<(d0, d1) -> (0, 0)>
#map1 = affine_map<(d0, d1) -> (0, 0, 0)>
module attributes {stable_mosaic.version = 14 : i64} {
  func.func @_sc_combine_body(%arg0: i32, %arg1: i32, %arg2: memref<12288x1024xf32, #tpu.memory_space<hbm>>, %arg3: memref<32x16x16xi32, #tpu.memory_space<hbm>>, %arg4: memref<4096x1024xf32, #tpu.memory_space<hbm>>, %arg5: memref<16x16xi32, #tpu.memory_space<vmem>>, %arg6: memref<2x16x1024xf32, #tpu.memory_space<vmem>>, %arg7: memref<2x16x1024xf32, #tpu.memory_space<vmem>>, %arg8: memref<!tpu.dma_semaphore, #tpu.memory_space<semaphore_mem>>, %arg9: memref<!tpu.dma_semaphore, #tpu.memory_space<semaphore_mem>>, %arg10: memref<!tpu.dma_semaphore, #tpu.memory_space<semaphore_mem>>) attributes {dimension_semantics = [#tpu.dimension_semantics<core_parallel>, #tpu.dimension_semantics<subcore_parallel>], iteration_bounds = array<i64: 2, 16>, scalar_prefetch = 0 : i64, scratch_operands = 6 : i64, tpu.core_type = #tpu.core_type<sc_vector_subcore>, window_params = [{transform_indices = #map}, {transform_indices = #map1}, {transform_indices = #map}]} {
    %mul3A = arith.constant 2 : i32
    %mul3A_0 = arith.muli %arg1, %mul3A : i32
    %add3A = arith.addi %mul3A_0, %arg0 : i32
    "tpu.region"() ({
      %run_scoped3A = tpu.sem_alloc : memref<!tpu.dma_semaphore, #tpu.memory_space<semaphore_mem>>
      %dma_start3A_678 = arith.constant 0 : i32
      %dma_start3A_679 = arith.constant 0 : i32
      %dma_start3A_680 = tpu.memref_slice %arg3[%add3A, %dma_start3A_678, %dma_start3A_679] : memref<32x16x16xi32, #tpu.memory_space<hbm>> -> memref<1x16x16xi32, #tpu.memory_space<hbm>>
      %dma_start3A_681 = tpu.memref_squeeze %dma_start3A_680 : memref<1x16x16xi32, #tpu.memory_space<hbm>> -> memref<16x16xi32, #tpu.memory_space<hbm>>
      %dma_start3A_682 = arith.constant 0 : i32
      %dma_start3A_683 = arith.constant 0 : i32
      %dma_start3A_684 = tpu.memref_slice %arg3[%add3A, %dma_start3A_682, %dma_start3A_683] : memref<32x16x16xi32, #tpu.memory_space<hbm>> -> memref<1x16x16xi32, #tpu.memory_space<hbm>>
      %dma_start3A_685 = tpu.memref_squeeze %dma_start3A_684 : memref<1x16x16xi32, #tpu.memory_space<hbm>> -> memref<16x16xi32, #tpu.memory_space<hbm>>
      tpu.enqueue_dma source(%dma_start3A_685 : memref<16x16xi32, #tpu.memory_space<hbm>>) target(%arg5 : memref<16x16xi32, #tpu.memory_space<vmem>>) target_semaphore(%run_scoped3A : memref<!tpu.dma_semaphore, #tpu.memory_space<semaphore_mem>>)
      %dma_wait3A_686 = arith.constant 0 : i32
      %dma_wait3A_687 = arith.constant 0 : i32
      %dma_wait3A_688 = tpu.memref_slice %arg3[%add3A, %dma_wait3A_686, %dma_wait3A_687] : memref<32x16x16xi32, #tpu.memory_space<hbm>> -> memref<1x16x16xi32, #tpu.memory_space<hbm>>
      %dma_wait3A_689 = tpu.memref_squeeze %dma_wait3A_688 : memref<1x16x16xi32, #tpu.memory_space<hbm>> -> memref<16x16xi32, #tpu.memory_space<hbm>>
      %dma_wait3A_690 = arith.constant 0 : i32
      %dma_wait3A_691 = arith.constant 0 : i32
      %dma_wait3A_692 = tpu.memref_slice %arg3[%add3A, %dma_wait3A_690, %dma_wait3A_691] : memref<32x16x16xi32, #tpu.memory_space<hbm>> -> memref<1x16x16xi32, #tpu.memory_space<hbm>>
      %dma_wait3A_693 = tpu.memref_squeeze %dma_wait3A_692 : memref<1x16x16xi32, #tpu.memory_space<hbm>> -> memref<16x16xi32, #tpu.memory_space<hbm>>
      tpu.wait_dma2 semaphore(%run_scoped3A : memref<!tpu.dma_semaphore, #tpu.memory_space<semaphore_mem>>) src(%dma_wait3A_693 : memref<16x16xi32, #tpu.memory_space<hbm>>) dst(%arg5 : memref<16x16xi32, #tpu.memory_space<vmem>>)
      tpu.yield
    }) : () -> ()
    %dma_start3A = arith.constant 0 : i32
    %dma_start3A_1 = arith.constant 0 : i32
    %dma_start3A_2 = arith.constant 0 : i32
    %dma_start3A_3 = arith.constant 0 : i32
    %dma_start3A_4 = tpu.memref_slice %arg6[%dma_start3A_1, %dma_start3A_2, %dma_start3A_3] : memref<2x16x1024xf32, #tpu.memory_space<vmem>> -> memref<1x16x1024xf32, #tpu.memory_space<vmem>>
    %dma_start3A_5 = tpu.memref_squeeze %dma_start3A_4 : memref<1x16x1024xf32, #tpu.memory_space<vmem>> -> memref<16x1024xf32, #tpu.memory_space<vmem>>
    %dma_start3A_6 = arith.constant 0 : i32
    %dma_start3A_7 = tpu.memref_slice %arg5[%dma_start3A, %dma_start3A_6] : memref<16x16xi32, #tpu.memory_space<vmem>> -> memref<1x16xi32, #tpu.memory_space<vmem>>
    %dma_start3A_8 = tpu.memref_squeeze %dma_start3A_7 : memref<1x16xi32, #tpu.memory_space<vmem>> -> memref<16xi32, #tpu.memory_space<vmem>>
    %dma_start3A_9 = arith.constant 0 : i32
    %dma_start3A_10 = arith.constant 0 : i32
    %dma_start3A_11 = tpu.memref_slice %arg2[%dma_start3A_9, %dma_start3A_10] : memref<12288x1024xf32, #tpu.memory_space<hbm>> -> memref<12288x1024xf32, #tpu.memory_space<hbm>>
    tpu.enqueue_indirect_dma source(%dma_start3A_11 : memref<12288x1024xf32, #tpu.memory_space<hbm>>) target(%dma_start3A_5 : memref<16x1024xf32, #tpu.memory_space<vmem>>) offsets(%dma_start3A_8 : memref<16xi32, #tpu.memory_space<vmem>>) semaphore(%arg8 : memref<!tpu.dma_semaphore, #tpu.memory_space<semaphore_mem>>)
    %dma_start3A_12 = arith.constant 1 : i32
    %dma_start3A_13 = arith.constant 0 : i32
    %dma_start3A_14 = arith.constant 0 : i32
    %dma_start3A_15 = arith.constant 0 : i32
    %dma_start3A_16 = tpu.memref_slice %arg7[%dma_start3A_13, %dma_start3A_14, %dma_start3A_15] : memref<2x16x1024xf32, #tpu.memory_space<vmem>> -> memref<1x16x1024xf32, #tpu.memory_space<vmem>>
    %dma_start3A_17 = tpu.memref_squeeze %dma_start3A_16 : memref<1x16x1024xf32, #tpu.memory_space<vmem>> -> memref<16x1024xf32, #tpu.memory_space<vmem>>
    %dma_start3A_18 = arith.constant 0 : i32
    %dma_start3A_19 = tpu.memref_slice %arg5[%dma_start3A_12, %dma_start3A_18] : memref<16x16xi32, #tpu.memory_space<vmem>> -> memref<1x16xi32, #tpu.memory_space<vmem>>
    %dma_start3A_20 = tpu.memref_squeeze %dma_start3A_19 : memref<1x16xi32, #tpu.memory_space<vmem>> -> memref<16xi32, #tpu.memory_space<vmem>>
    %dma_start3A_21 = arith.constant 0 : i32
    %dma_start3A_22 = arith.constant 0 : i32
    %dma_start3A_23 = tpu.memref_slice %arg2[%dma_start3A_21, %dma_start3A_22] : memref<12288x1024xf32, #tpu.memory_space<hbm>> -> memref<12288x1024xf32, #tpu.memory_space<hbm>>
    tpu.enqueue_indirect_dma source(%dma_start3A_23 : memref<12288x1024xf32, #tpu.memory_space<hbm>>) target(%dma_start3A_17 : memref<16x1024xf32, #tpu.memory_space<vmem>>) offsets(%dma_start3A_20 : memref<16xi32, #tpu.memory_space<vmem>>) semaphore(%arg8 : memref<!tpu.dma_semaphore, #tpu.memory_space<semaphore_mem>>)
    %dma_wait3A = arith.constant 0 : i32
    %dma_wait3A_24 = arith.constant 0 : i32
    %dma_wait3A_25 = arith.constant 0 : i32
    %dma_wait3A_26 = arith.constant 0 : i32
    %dma_wait3A_27 = tpu.memref_slice %arg6[%dma_wait3A_24, %dma_wait3A_25, %dma_wait3A_26] : memref<2x16x1024xf32, #tpu.memory_space<vmem>> -> memref<1x16x1024xf32, #tpu.memory_space<vmem>>
    %dma_wait3A_28 = tpu.memref_squeeze %dma_wait3A_27 : memref<1x16x1024xf32, #tpu.memory_space<vmem>> -> memref<16x1024xf32, #tpu.memory_space<vmem>>
    %dma_wait3A_29 = arith.constant 0 : i32
    %dma_wait3A_30 = tpu.memref_slice %arg5[%dma_wait3A, %dma_wait3A_29] : memref<16x16xi32, #tpu.memory_space<vmem>> -> memref<1x16xi32, #tpu.memory_space<vmem>>
    %dma_wait3A_31 = tpu.memref_squeeze %dma_wait3A_30 : memref<1x16xi32, #tpu.memory_space<vmem>> -> memref<16xi32, #tpu.memory_space<vmem>>
    %dma_wait3A_32 = arith.constant 0 : i32
    %dma_wait3A_33 = arith.constant 0 : i32
    %dma_wait3A_34 = tpu.memref_slice %arg2[%dma_wait3A_32, %dma_wait3A_33] : memref<12288x1024xf32, #tpu.memory_space<hbm>> -> memref<12288x1024xf32, #tpu.memory_space<hbm>>
    tpu.wait_indirect_dma semaphore(%arg8 : memref<!tpu.dma_semaphore, #tpu.memory_space<semaphore_mem>>) src(%dma_wait3A_34 : memref<12288x1024xf32, #tpu.memory_space<hbm>>) dst(%dma_wait3A_28 : memref<16x1024xf32, #tpu.memory_space<vmem>>)
    %dma_wait3A_35 = arith.constant 1 : i32
    %dma_wait3A_36 = arith.constant 0 : i32
    %dma_wait3A_37 = arith.constant 0 : i32
    %dma_wait3A_38 = arith.constant 0 : i32
    %dma_wait3A_39 = tpu.memref_slice %arg7[%dma_wait3A_36, %dma_wait3A_37, %dma_wait3A_38] : memref<2x16x1024xf32, #tpu.memory_space<vmem>> -> memref<1x16x1024xf32, #tpu.memory_space<vmem>>
    %dma_wait3A_40 = tpu.memref_squeeze %dma_wait3A_39 : memref<1x16x1024xf32, #tpu.memory_space<vmem>> -> memref<16x1024xf32, #tpu.memory_space<vmem>>
    %dma_wait3A_41 = arith.constant 0 : i32
    %dma_wait3A_42 = tpu.memref_slice %arg5[%dma_wait3A_35, %dma_wait3A_41] : memref<16x16xi32, #tpu.memory_space<vmem>> -> memref<1x16xi32, #tpu.memory_space<vmem>>
    %dma_wait3A_43 = tpu.memref_squeeze %dma_wait3A_42 : memref<1x16xi32, #tpu.memory_space<vmem>> -> memref<16xi32, #tpu.memory_space<vmem>>
    %dma_wait3A_44 = arith.constant 0 : i32
    %dma_wait3A_45 = arith.constant 0 : i32
    %dma_wait3A_46 = tpu.memref_slice %arg2[%dma_wait3A_44, %dma_wait3A_45] : memref<12288x1024xf32, #tpu.memory_space<hbm>> -> memref<12288x1024xf32, #tpu.memory_space<hbm>>
    tpu.wait_indirect_dma semaphore(%arg8 : memref<!tpu.dma_semaphore, #tpu.memory_space<semaphore_mem>>) src(%dma_wait3A_46 : memref<12288x1024xf32, #tpu.memory_space<hbm>>) dst(%dma_wait3A_40 : memref<16x1024xf32, #tpu.memory_space<vmem>>)
    %dma_start3A_47 = arith.constant 2 : i32
    %dma_start3A_48 = arith.constant 1 : i32
    %dma_start3A_49 = arith.constant 0 : i32
    %dma_start3A_50 = arith.constant 0 : i32
    %dma_start3A_51 = tpu.memref_slice %arg6[%dma_start3A_48, %dma_start3A_49, %dma_start3A_50] : memref<2x16x1024xf32, #tpu.memory_space<vmem>> -> memref<1x16x1024xf32, #tpu.memory_space<vmem>>
    %dma_start3A_52 = tpu.memref_squeeze %dma_start3A_51 : memref<1x16x1024xf32, #tpu.memory_space<vmem>> -> memref<16x1024xf32, #tpu.memory_space<vmem>>
    %dma_start3A_53 = arith.constant 0 : i32
    %dma_start3A_54 = tpu.memref_slice %arg5[%dma_start3A_47, %dma_start3A_53] : memref<16x16xi32, #tpu.memory_space<vmem>> -> memref<1x16xi32, #tpu.memory_space<vmem>>
    %dma_start3A_55 = tpu.memref_squeeze %dma_start3A_54 : memref<1x16xi32, #tpu.memory_space<vmem>> -> memref<16xi32, #tpu.memory_space<vmem>>
    %dma_start3A_56 = arith.constant 0 : i32
    %dma_start3A_57 = arith.constant 0 : i32
    %dma_start3A_58 = tpu.memref_slice %arg2[%dma_start3A_56, %dma_start3A_57] : memref<12288x1024xf32, #tpu.memory_space<hbm>> -> memref<12288x1024xf32, #tpu.memory_space<hbm>>
    tpu.enqueue_indirect_dma source(%dma_start3A_58 : memref<12288x1024xf32, #tpu.memory_space<hbm>>) target(%dma_start3A_52 : memref<16x1024xf32, #tpu.memory_space<vmem>>) offsets(%dma_start3A_55 : memref<16xi32, #tpu.memory_space<vmem>>) semaphore(%arg8 : memref<!tpu.dma_semaphore, #tpu.memory_space<semaphore_mem>>)
    %dma_start3A_59 = arith.constant 3 : i32
    %dma_start3A_60 = arith.constant 1 : i32
    %dma_start3A_61 = arith.constant 0 : i32
    %dma_start3A_62 = arith.constant 0 : i32
    %dma_start3A_63 = tpu.memref_slice %arg7[%dma_start3A_60, %dma_start3A_61, %dma_start3A_62] : memref<2x16x1024xf32, #tpu.memory_space<vmem>> -> memref<1x16x1024xf32, #tpu.memory_space<vmem>>
    %dma_start3A_64 = tpu.memref_squeeze %dma_start3A_63 : memref<1x16x1024xf32, #tpu.memory_space<vmem>> -> memref<16x1024xf32, #tpu.memory_space<vmem>>
    %dma_start3A_65 = arith.constant 0 : i32
    %dma_start3A_66 = tpu.memref_slice %arg5[%dma_start3A_59, %dma_start3A_65] : memref<16x16xi32, #tpu.memory_space<vmem>> -> memref<1x16xi32, #tpu.memory_space<vmem>>
    %dma_start3A_67 = tpu.memref_squeeze %dma_start3A_66 : memref<1x16xi32, #tpu.memory_space<vmem>> -> memref<16xi32, #tpu.memory_space<vmem>>
    %dma_start3A_68 = arith.constant 0 : i32
    %dma_start3A_69 = arith.constant 0 : i32
    %dma_start3A_70 = tpu.memref_slice %arg2[%dma_start3A_68, %dma_start3A_69] : memref<12288x1024xf32, #tpu.memory_space<hbm>> -> memref<12288x1024xf32, #tpu.memory_space<hbm>>
    tpu.enqueue_indirect_dma source(%dma_start3A_70 : memref<12288x1024xf32, #tpu.memory_space<hbm>>) target(%dma_start3A_64 : memref<16x1024xf32, #tpu.memory_space<vmem>>) offsets(%dma_start3A_67 : memref<16xi32, #tpu.memory_space<vmem>>) semaphore(%arg8 : memref<!tpu.dma_semaphore, #tpu.memory_space<semaphore_mem>>)
    %scan3A = arith.constant 0 : i32
    %scan3A_71 = arith.constant 0 : i32
    %scan3A_72 = arith.constant 16 : i32
    %scan3A_73 = arith.addi %scan3A_71, %scan3A_72 : i32
    %scan3A_74 = arith.constant 1 : i32
    %scan3A_75 = scf.for %scan3A_678 = %scan3A_71 to %scan3A_73 step %scan3A_74 iter_args(%scan3A_679 = %scan3A) -> (i32)  : i32 {
      %scan3A_680 = arith.constant 0 : i32
      %scan3A_681 = arith.constant 0 : i32
      %scan3A_682 = arith.constant 64 : i32
      %scan3A_683 = arith.addi %scan3A_681, %scan3A_682 : i32
      %scan3A_684 = arith.constant 4 : i32
      %scan3A_685 = scf.for %scan3A_688 = %scan3A_681 to %scan3A_683 step %scan3A_684 iter_args(%scan3A_689 = %scan3A_680) -> (i32)  : i32 {
        %mul3A_690 = arith.constant 16 : i32
        %mul3A_691 = arith.muli %scan3A_688, %mul3A_690 : i32
        %get3A = arith.constant 0 : i32
        %get3A_692 = arith.index_cast %get3A : i32 to index
        %get3A_693 = arith.index_cast %scan3A_678 : i32 to index
        %get3A_694 = arith.index_cast %mul3A_691 : i32 to index
        %get3A_695 = tpu.vector_load %arg6[%get3A_692, %get3A_693, %get3A_694] {strides = array<i32>} : memref<2x16x1024xf32, #tpu.memory_space<vmem>>, vector<1x1x16xf32>,
        %get3A_696 = vector.shape_cast %get3A_695 : vector<1x1x16xf32> to vector<16xf32>
        %get3A_697 = arith.constant 0 : i32
        %get3A_698 = arith.index_cast %get3A_697 : i32 to index
        %get3A_699 = arith.index_cast %scan3A_678 : i32 to index
        %get3A_700 = arith.index_cast %mul3A_691 : i32 to index
        %get3A_701 = tpu.vector_load %arg7[%get3A_698, %get3A_699, %get3A_700] {strides = array<i32>} : memref<2x16x1024xf32, #tpu.memory_space<vmem>>, vector<1x1x16xf32>,
        %get3A_702 = vector.shape_cast %get3A_701 : vector<1x1x16xf32> to vector<16xf32>
        %add3A_703 = arith.addf %get3A_696, %get3A_702 : vector<16xf32>
        %swap3A = arith.constant 0 : i32
        %swap3A_704 = arith.index_cast %swap3A : i32 to index
        %swap3A_705 = arith.index_cast %scan3A_678 : i32 to index
        %swap3A_706 = arith.index_cast %mul3A_691 : i32 to index
        %swap3A_707 = tpu.vector_load %arg6[%swap3A_704, %swap3A_705, %swap3A_706] {strides = array<i32>} : memref<2x16x1024xf32, #tpu.memory_space<vmem>>, vector<1x1x16xf32>,
        %swap3A_708 = vector.shape_cast %swap3A_707 : vector<1x1x16xf32> to vector<16xf32>
        %swap3A_709 = vector.shape_cast %add3A_703 : vector<16xf32> to vector<1x1x16xf32>
        tpu.vector_store %arg6[%swap3A_704, %swap3A_705, %swap3A_706], %swap3A_709 {strides = array<i32>} : memref<2x16x1024xf32, #tpu.memory_space<vmem>>, vector<1x1x16xf32>,
        %scan3A_710 = arith.constant 0 : i32
        %scan3A_711 = arith.constant 1 : i32
        %scan3A_712 = arith.addi %scan3A_688, %scan3A_711 : i32
        %mul3A_713 = arith.constant 16 : i32
        %mul3A_714 = arith.muli %scan3A_712, %mul3A_713 : i32
        %get3A_715 = arith.constant 0 : i32
        %get3A_716 = arith.index_cast %get3A_715 : i32 to index
        %get3A_717 = arith.index_cast %scan3A_678 : i32 to index
        %get3A_718 = arith.index_cast %mul3A_714 : i32 to index
        %get3A_719 = tpu.vector_load %arg6[%get3A_716, %get3A_717, %get3A_718] {strides = array<i32>} : memref<2x16x1024xf32, #tpu.memory_space<vmem>>, vector<1x1x16xf32>,
        %get3A_720 = vector.shape_cast %get3A_719 : vector<1x1x16xf32> to vector<16xf32>
        %get3A_721 = arith.constant 0 : i32
        %get3A_722 = arith.index_cast %get3A_721 : i32 to index
        %get3A_723 = arith.index_cast %scan3A_678 : i32 to index
        %get3A_724 = arith.index_cast %mul3A_714 : i32 to index
        %get3A_725 = tpu.vector_load %arg7[%get3A_722, %get3A_723, %get3A_724] {strides = array<i32>} : memref<2x16x1024xf32, #tpu.memory_space<vmem>>, vector<1x1x16xf32>,
        %get3A_726 = vector.shape_cast %get3A_725 : vector<1x1x16xf32> to vector<16xf32>
        %add3A_727 = arith.addf %get3A_720, %get3A_726 : vector<16xf32>
        %swap3A_728 = arith.constant 0 : i32
        %swap3A_729 = arith.index_cast %swap3A_728 : i32 to index
        %swap3A_730 = arith.index_cast %scan3A_678 : i32 to index
        %swap3A_731 = arith.index_cast %mul3A_714 : i32 to index
        %swap3A_732 = tpu.vector_load %arg6[%swap3A_729, %swap3A_730, %swap3A_731] {strides = array<i32>} : memref<2x16x1024xf32, #tpu.memory_space<vmem>>, vector<1x1x16xf32>,
        %swap3A_733 = vector.shape_cast %swap3A_732 : vector<1x1x16xf32> to vector<16xf32>
        %swap3A_734 = vector.shape_cast %add3A_727 : vector<16xf32> to vector<1x1x16xf32>
        tpu.vector_store %arg6[%swap3A_729, %swap3A_730, %swap3A_731], %swap3A_734 {strides = array<i32>} : memref<2x16x1024xf32, #tpu.memory_space<vmem>>, vector<1x1x16xf32>,
        %scan3A_735 = arith.constant 0 : i32
        %scan3A_736 = arith.constant 2 : i32
        %scan3A_737 = arith.addi %scan3A_688, %scan3A_736 : i32
        %mul3A_738 = arith.constant 16 : i32
        %mul3A_739 = arith.muli %scan3A_737, %mul3A_738 : i32
        %get3A_740 = arith.constant 0 : i32
        %get3A_741 = arith.index_cast %get3A_740 : i32 to index
        %get3A_742 = arith.index_cast %scan3A_678 : i32 to index
        %get3A_743 = arith.index_cast %mul3A_739 : i32 to index
        %get3A_744 = tpu.vector_load %arg6[%get3A_741, %get3A_742, %get3A_743] {strides = array<i32>} : memref<2x16x1024xf32, #tpu.memory_space<vmem>>, vector<1x1x16xf32>,
        %get3A_745 = vector.shape_cast %get3A_744 : vector<1x1x16xf32> to vector<16xf32>
        %get3A_746 = arith.constant 0 : i32
        %get3A_747 = arith.index_cast %get3A_746 : i32 to index
        %get3A_748 = arith.index_cast %scan3A_678 : i32 to index
        %get3A_749 = arith.index_cast %mul3A_739 : i32 to index
        %get3A_750 = tpu.vector_load %arg7[%get3A_747, %get3A_748, %get3A_749] {strides = array<i32>} : memref<2x16x1024xf32, #tpu.memory_space<vmem>>, vector<1x1x16xf32>,
        %get3A_751 = vector.shape_cast %get3A_750 : vector<1x1x16xf32> to vector<16xf32>
        %add3A_752 = arith.addf %get3A_745, %get3A_751 : vector<16xf32>
        %swap3A_753 = arith.constant 0 : i32
        %swap3A_754 = arith.index_cast %swap3A_753 : i32 to index
        %swap3A_755 = arith.index_cast %scan3A_678 : i32 to index
        %swap3A_756 = arith.index_cast %mul3A_739 : i32 to index
        %swap3A_757 = tpu.vector_load %arg6[%swap3A_754, %swap3A_755, %swap3A_756] {strides = array<i32>} : memref<2x16x1024xf32, #tpu.memory_space<vmem>>, vector<1x1x16xf32>,
        %swap3A_758 = vector.shape_cast %swap3A_757 : vector<1x1x16xf32> to vector<16xf32>
        %swap3A_759 = vector.shape_cast %add3A_752 : vector<16xf32> to vector<1x1x16xf32>
        tpu.vector_store %arg6[%swap3A_754, %swap3A_755, %swap3A_756], %swap3A_759 {strides = array<i32>} : memref<2x16x1024xf32, #tpu.memory_space<vmem>>, vector<1x1x16xf32>,
        %scan3A_760 = arith.constant 0 : i32
        %scan3A_761 = arith.constant 3 : i32
        %scan3A_762 = arith.addi %scan3A_688, %scan3A_761 : i32
        %mul3A_763 = arith.constant 16 : i32
        %mul3A_764 = arith.muli %scan3A_762, %mul3A_763 : i32
        %get3A_765 = arith.constant 0 : i32
        %get3A_766 = arith.index_cast %get3A_765 : i32 to index
        %get3A_767 = arith.index_cast %scan3A_678 : i32 to index
        %get3A_768 = arith.index_cast %mul3A_764 : i32 to index
        %get3A_769 = tpu.vector_load %arg6[%get3A_766, %get3A_767, %get3A_768] {strides = array<i32>} : memref<2x16x1024xf32, #tpu.memory_space<vmem>>, vector<1x1x16xf32>,
        %get3A_770 = vector.shape_cast %get3A_769 : vector<1x1x16xf32> to vector<16xf32>
        %get3A_771 = arith.constant 0 : i32
        %get3A_772 = arith.index_cast %get3A_771 : i32 to index
        %get3A_773 = arith.index_cast %scan3A_678 : i32 to index
        %get3A_774 = arith.index_cast %mul3A_764 : i32 to index
        %get3A_775 = tpu.vector_load %arg7[%get3A_772, %get3A_773, %get3A_774] {strides = array<i32>} : memref<2x16x1024xf32, #tpu.memory_space<vmem>>, vector<1x1x16xf32>,
        %get3A_776 = vector.shape_cast %get3A_775 : vector<1x1x16xf32> to vector<16xf32>
        %add3A_777 = arith.addf %get3A_770, %get3A_776 : vector<16xf32>
        %swap3A_778 = arith.constant 0 : i32
        %swap3A_779 = arith.index_cast %swap3A_778 : i32 to index
        %swap3A_780 = arith.index_cast %scan3A_678 : i32 to index
        %swap3A_781 = arith.index_cast %mul3A_764 : i32 to index
        %swap3A_782 = tpu.vector_load %arg6[%swap3A_779, %swap3A_780, %swap3A_781] {strides = array<i32>} : memref<2x16x1024xf32, #tpu.memory_space<vmem>>, vector<1x1x16xf32>,
        %swap3A_783 = vector.shape_cast %swap3A_782 : vector<1x1x16xf32> to vector<16xf32>
        %swap3A_784 = vector.shape_cast %add3A_777 : vector<16xf32> to vector<1x1x16xf32>
        tpu.vector_store %arg6[%swap3A_779, %swap3A_780, %swap3A_781], %swap3A_784 {strides = array<i32>} : memref<2x16x1024xf32, #tpu.memory_space<vmem>>, vector<1x1x16xf32>,
        %scan3A_785 = arith.constant 0 : i32
        scf.yield %scan3A_785 : i32
      }
      %scan3A_686 = arith.constant 64 : i32
      %scan3A_687 = arith.constant 0 : i32
      scf.yield %scan3A_687 : i32
    }
    %scan3A_76 = arith.constant 16 : i32
    %mul3A_77 = arith.constant 128 : i32
    %mul3A_78 = arith.muli %add3A, %mul3A_77 : i32
    %add3A_79 = arith.constant 0 : i32
    %add3A_80 = arith.addi %mul3A_78, %add3A_79 : i32
    %dma_start3A_81 = arith.constant 0 : i32
    %dma_start3A_82 = arith.constant 0 : i32
    %dma_start3A_83 = arith.constant 0 : i32
    %dma_start3A_84 = tpu.memref_slice %arg6[%dma_start3A_81, %dma_start3A_82, %dma_start3A_83] : memref<2x16x1024xf32, #tpu.memory_space<vmem>> -> memref<1x16x1024xf32, #tpu.memory_space<vmem>>
    %dma_start3A_85 = tpu.memref_squeeze %dma_start3A_84 : memref<1x16x1024xf32, #tpu.memory_space<vmem>> -> memref<16x1024xf32, #tpu.memory_space<vmem>>
    %dma_start3A_86 = arith.constant 0 : i32
    %dma_start3A_87 = tpu.memref_slice %arg4[%add3A_80, %dma_start3A_86] : memref<4096x1024xf32, #tpu.memory_space<hbm>> -> memref<16x1024xf32, #tpu.memory_space<hbm>>
    %dma_start3A_88 = arith.constant 0 : i32
    %dma_start3A_89 = tpu.memref_slice %arg4[%add3A_80, %dma_start3A_88] : memref<4096x1024xf32, #tpu.memory_space<hbm>> -> memref<16x1024xf32, #tpu.memory_space<hbm>>
    %dma_start3A_90 = arith.constant 0 : i32
    %dma_start3A_91 = arith.constant 0 : i32
    %dma_start3A_92 = tpu.memref_slice %arg6[%dma_start3A_81, %dma_start3A_90, %dma_start3A_91] : memref<2x16x1024xf32, #tpu.memory_space<vmem>> -> memref<1x16x1024xf32, #tpu.memory_space<vmem>>
    %dma_start3A_93 = tpu.memref_squeeze %dma_start3A_92 : memref<1x16x1024xf32, #tpu.memory_space<vmem>> -> memref<16x1024xf32, #tpu.memory_space<vmem>>
    tpu.enqueue_dma source(%dma_start3A_93 : memref<16x1024xf32, #tpu.memory_space<vmem>>) target(%dma_start3A_89 : memref<16x1024xf32, #tpu.memory_space<hbm>>) target_semaphore(%arg9 : memref<!tpu.dma_semaphore, #tpu.memory_space<semaphore_mem>>)
    %dma_wait3A_94 = arith.constant 2 : i32
    %dma_wait3A_95 = arith.constant 1 : i32
    %dma_wait3A_96 = arith.constant 0 : i32
    %dma_wait3A_97 = arith.constant 0 : i32
    %dma_wait3A_98 = tpu.memref_slice %arg6[%dma_wait3A_95, %dma_wait3A_96, %dma_wait3A_97] : memref<2x16x1024xf32, #tpu.memory_space<vmem>> -> memref<1x16x1024xf32, #tpu.memory_space<vmem>>
    %dma_wait3A_99 = tpu.memref_squeeze %dma_wait3A_98 : memref<1x16x1024xf32, #tpu.memory_space<vmem>> -> memref<16x1024xf32, #tpu.memory_space<vmem>>
    %dma_wait3A_100 = arith.constant 0 : i32
    %dma_wait3A_101 = tpu.memref_slice %arg5[%dma_wait3A_94, %dma_wait3A_100] : memref<16x16xi32, #tpu.memory_space<vmem>> -> memref<1x16xi32, #tpu.memory_space<vmem>>
    %dma_wait3A_102 = tpu.memref_squeeze %dma_wait3A_101 : memref<1x16xi32, #tpu.memory_space<vmem>> -> memref<16xi32, #tpu.memory_space<vmem>>
    %dma_wait3A_103 = arith.constant 0 : i32
    %dma_wait3A_104 = arith.constant 0 : i32
    %dma_wait3A_105 = tpu.memref_slice %arg2[%dma_wait3A_103, %dma_wait3A_104] : memref<12288x1024xf32, #tpu.memory_space<hbm>> -> memref<12288x1024xf32, #tpu.memory_space<hbm>>
    tpu.wait_indirect_dma semaphore(%arg8 : memref<!tpu.dma_semaphore, #tpu.memory_space<semaphore_mem>>) src(%dma_wait3A_105 : memref<12288x1024xf32, #tpu.memory_space<hbm>>) dst(%dma_wait3A_99 : memref<16x1024xf32, #tpu.memory_space<vmem>>)
    %dma_wait3A_106 = arith.constant 3 : i32
    %dma_wait3A_107 = arith.constant 1 : i32
    %dma_wait3A_108 = arith.constant 0 : i32
    %dma_wait3A_109 = arith.constant 0 : i32
    %dma_wait3A_110 = tpu.memref_slice %arg7[%dma_wait3A_107, %dma_wait3A_108, %dma_wait3A_109] : memref<2x16x1024xf32, #tpu.memory_space<vmem>> -> memref<1x16x1024xf32, #tpu.memory_space<vmem>>
    %dma_wait3A_111 = tpu.memref_squeeze %dma_wait3A_110 : memref<1x16x1024xf32, #tpu.memory_space<vmem>> -> memref<16x1024xf32, #tpu.memory_space<vmem>>
    %dma_wait3A_112 = arith.constant 0 : i32
    %dma_wait3A_113 = tpu.memref_slice %arg5[%dma_wait3A_106, %dma_wait3A_112] : memref<16x16xi32, #tpu.memory_space<vmem>> -> memref<1x16xi32, #tpu.memory_space<vmem>>
    %dma_wait3A_114 = tpu.memref_squeeze %dma_wait3A_113 : memref<1x16xi32, #tpu.memory_space<vmem>> -> memref<16xi32, #tpu.memory_space<vmem>>
    %dma_wait3A_115 = arith.constant 0 : i32
    %dma_wait3A_116 = arith.constant 0 : i32
    %dma_wait3A_117 = tpu.memref_slice %arg2[%dma_wait3A_115, %dma_wait3A_116] : memref<12288x1024xf32, #tpu.memory_space<hbm>> -> memref<12288x1024xf32, #tpu.memory_space<hbm>>
    tpu.wait_indirect_dma semaphore(%arg8 : memref<!tpu.dma_semaphore, #tpu.memory_space<semaphore_mem>>) src(%dma_wait3A_117 : memref<12288x1024xf32, #tpu.memory_space<hbm>>) dst(%dma_wait3A_111 : memref<16x1024xf32, #tpu.memory_space<vmem>>)
    %dma_wait3A_118 = arith.constant 0 : i32
    %dma_wait3A_119 = arith.constant 0 : i32
    %dma_wait3A_120 = arith.constant 0 : i32
    %dma_wait3A_121 = tpu.memref_slice %arg6[%dma_wait3A_118, %dma_wait3A_119, %dma_wait3A_120] : memref<2x16x1024xf32, #tpu.memory_space<vmem>> -> memref<1x16x1024xf32, #tpu.memory_space<vmem>>
    %dma_wait3A_122 = tpu.memref_squeeze %dma_wait3A_121 : memref<1x16x1024xf32, #tpu.memory_space<vmem>> -> memref<16x1024xf32, #tpu.memory_space<vmem>>
    %dma_wait3A_123 = arith.constant 0 : i32
    %dma_wait3A_124 = tpu.memref_slice %arg4[%add3A_80, %dma_wait3A_123] : memref<4096x1024xf32, #tpu.memory_space<hbm>> -> memref<16x1024xf32, #tpu.memory_space<hbm>>
    %dma_wait3A_125 = arith.constant 0 : i32
    %dma_wait3A_126 = tpu.memref_slice %arg4[%add3A_80, %dma_wait3A_125] : memref<4096x1024xf32, #tpu.memory_space<hbm>> -> memref<16x1024xf32, #tpu.memory_space<hbm>>
    %dma_wait3A_127 = arith.constant 0 : i32
    %dma_wait3A_128 = arith.constant 0 : i32
    %dma_wait3A_129 = tpu.memref_slice %arg6[%dma_wait3A_118, %dma_wait3A_127, %dma_wait3A_128] : memref<2x16x1024xf32, #tpu.memory_space<vmem>> -> memref<1x16x1024xf32, #tpu.memory_space<vmem>>
    %dma_wait3A_130 = tpu.memref_squeeze %dma_wait3A_129 : memref<1x16x1024xf32, #tpu.memory_space<vmem>> -> memref<16x1024xf32, #tpu.memory_space<vmem>>
    tpu.wait_dma2 semaphore(%arg9 : memref<!tpu.dma_semaphore, #tpu.memory_space<semaphore_mem>>) src(%dma_wait3A_130 : memref<16x1024xf32, #tpu.memory_space<vmem>>) dst(%dma_wait3A_126 : memref<16x1024xf32, #tpu.memory_space<hbm>>)
    %dma_start3A_131 = arith.constant 4 : i32
    %dma_start3A_132 = arith.constant 0 : i32
    %dma_start3A_133 = arith.constant 0 : i32
    %dma_start3A_134 = arith.constant 0 : i32
    %dma_start3A_135 = tpu.memref_slice %arg6[%dma_start3A_132, %dma_start3A_133, %dma_start3A_134] : memref<2x16x1024xf32, #tpu.memory_space<vmem>> -> memref<1x16x1024xf32, #tpu.memory_space<vmem>>
    %dma_start3A_136 = tpu.memref_squeeze %dma_start3A_135 : memref<1x16x1024xf32, #tpu.memory_space<vmem>> -> memref<16x1024xf32, #tpu.memory_space<vmem>>
    %dma_start3A_137 = arith.constant 0 : i32
    %dma_start3A_138 = tpu.memref_slice %arg5[%dma_start3A_131, %dma_start3A_137] : memref<16x16xi32, #tpu.memory_space<vmem>> -> memref<1x16xi32, #tpu.memory_space<vmem>>
    %dma_start3A_139 = tpu.memref_squeeze %dma_start3A_138 : memref<1x16xi32, #tpu.memory_space<vmem>> -> memref<16xi32, #tpu.memory_space<vmem>>
    %dma_start3A_140 = arith.constant 0 : i32
    %dma_start3A_141 = arith.constant 0 : i32
    %dma_start3A_142 = tpu.memref_slice %arg2[%dma_start3A_140, %dma_start3A_141] : memref<12288x1024xf32, #tpu.memory_space<hbm>> -> memref<12288x1024xf32, #tpu.memory_space<hbm>>
    tpu.enqueue_indirect_dma source(%dma_start3A_142 : memref<12288x1024xf32, #tpu.memory_space<hbm>>) target(%dma_start3A_136 : memref<16x1024xf32, #tpu.memory_space<vmem>>) offsets(%dma_start3A_139 : memref<16xi32, #tpu.memory_space<vmem>>) semaphore(%arg8 : memref<!tpu.dma_semaphore, #tpu.memory_space<semaphore_mem>>)
    %dma_start3A_143 = arith.constant 5 : i32
    %dma_start3A_144 = arith.constant 0 : i32
    %dma_start3A_145 = arith.constant 0 : i32
    %dma_start3A_146 = arith.constant 0 : i32
    %dma_start3A_147 = tpu.memref_slice %arg7[%dma_start3A_144, %dma_start3A_145, %dma_start3A_146] : memref<2x16x1024xf32, #tpu.memory_space<vmem>> -> memref<1x16x1024xf32, #tpu.memory_space<vmem>>
    %dma_start3A_148 = tpu.memref_squeeze %dma_start3A_147 : memref<1x16x1024xf32, #tpu.memory_space<vmem>> -> memref<16x1024xf32, #tpu.memory_space<vmem>>
    %dma_start3A_149 = arith.constant 0 : i32
    %dma_start3A_150 = tpu.memref_slice %arg5[%dma_start3A_143, %dma_start3A_149] : memref<16x16xi32, #tpu.memory_space<vmem>> -> memref<1x16xi32, #tpu.memory_space<vmem>>
    %dma_start3A_151 = tpu.memref_squeeze %dma_start3A_150 : memref<1x16xi32, #tpu.memory_space<vmem>> -> memref<16xi32, #tpu.memory_space<vmem>>
    %dma_start3A_152 = arith.constant 0 : i32
    %dma_start3A_153 = arith.constant 0 : i32
    %dma_start3A_154 = tpu.memref_slice %arg2[%dma_start3A_152, %dma_start3A_153] : memref<12288x1024xf32, #tpu.memory_space<hbm>> -> memref<12288x1024xf32, #tpu.memory_space<hbm>>
    tpu.enqueue_indirect_dma source(%dma_start3A_154 : memref<12288x1024xf32, #tpu.memory_space<hbm>>) target(%dma_start3A_148 : memref<16x1024xf32, #tpu.memory_space<vmem>>) offsets(%dma_start3A_151 : memref<16xi32, #tpu.memory_space<vmem>>) semaphore(%arg8 : memref<!tpu.dma_semaphore, #tpu.memory_space<semaphore_mem>>)
    %scan3A_155 = arith.constant 0 : i32
    %scan3A_156 = arith.constant 0 : i32
    %scan3A_157 = arith.constant 16 : i32
    %scan3A_158 = arith.addi %scan3A_156, %scan3A_157 : i32
    %scan3A_159 = arith.constant 1 : i32
    %scan3A_160 = scf.for %scan3A_678 = %scan3A_156 to %scan3A_158 step %scan3A_159 iter_args(%scan3A_679 = %scan3A_155) -> (i32)  : i32 {
      %scan3A_680 = arith.constant 0 : i32
      %scan3A_681 = arith.constant 0 : i32
      %scan3A_682 = arith.constant 64 : i32
      %scan3A_683 = arith.addi %scan3A_681, %scan3A_682 : i32
      %scan3A_684 = arith.constant 4 : i32
      %scan3A_685 = scf.for %scan3A_688 = %scan3A_681 to %scan3A_683 step %scan3A_684 iter_args(%scan3A_689 = %scan3A_680) -> (i32)  : i32 {
        %mul3A_690 = arith.constant 16 : i32
        %mul3A_691 = arith.muli %scan3A_688, %mul3A_690 : i32
        %get3A = arith.constant 1 : i32
        %get3A_692 = arith.index_cast %get3A : i32 to index
        %get3A_693 = arith.index_cast %scan3A_678 : i32 to index
        %get3A_694 = arith.index_cast %mul3A_691 : i32 to index
        %get3A_695 = tpu.vector_load %arg6[%get3A_692, %get3A_693, %get3A_694] {strides = array<i32>} : memref<2x16x1024xf32, #tpu.memory_space<vmem>>, vector<1x1x16xf32>,
        %get3A_696 = vector.shape_cast %get3A_695 : vector<1x1x16xf32> to vector<16xf32>
        %get3A_697 = arith.constant 1 : i32
        %get3A_698 = arith.index_cast %get3A_697 : i32 to index
        %get3A_699 = arith.index_cast %scan3A_678 : i32 to index
        %get3A_700 = arith.index_cast %mul3A_691 : i32 to index
        %get3A_701 = tpu.vector_load %arg7[%get3A_698, %get3A_699, %get3A_700] {strides = array<i32>} : memref<2x16x1024xf32, #tpu.memory_space<vmem>>, vector<1x1x16xf32>,
        %get3A_702 = vector.shape_cast %get3A_701 : vector<1x1x16xf32> to vector<16xf32>
        %add3A_703 = arith.addf %get3A_696, %get3A_702 : vector<16xf32>
        %swap3A = arith.constant 1 : i32
        %swap3A_704 = arith.index_cast %swap3A : i32 to index
        %swap3A_705 = arith.index_cast %scan3A_678 : i32 to index
        %swap3A_706 = arith.index_cast %mul3A_691 : i32 to index
        %swap3A_707 = tpu.vector_load %arg6[%swap3A_704, %swap3A_705, %swap3A_706] {strides = array<i32>} : memref<2x16x1024xf32, #tpu.memory_space<vmem>>, vector<1x1x16xf32>,
        %swap3A_708 = vector.shape_cast %swap3A_707 : vector<1x1x16xf32> to vector<16xf32>
        %swap3A_709 = vector.shape_cast %add3A_703 : vector<16xf32> to vector<1x1x16xf32>
        tpu.vector_store %arg6[%swap3A_704, %swap3A_705, %swap3A_706], %swap3A_709 {strides = array<i32>} : memref<2x16x1024xf32, #tpu.memory_space<vmem>>, vector<1x1x16xf32>,
        %scan3A_710 = arith.constant 0 : i32
        %scan3A_711 = arith.constant 1 : i32
        %scan3A_712 = arith.addi %scan3A_688, %scan3A_711 : i32
        %mul3A_713 = arith.constant 16 : i32
        %mul3A_714 = arith.muli %scan3A_712, %mul3A_713 : i32
        %get3A_715 = arith.constant 1 : i32
        %get3A_716 = arith.index_cast %get3A_715 : i32 to index
        %get3A_717 = arith.index_cast %scan3A_678 : i32 to index
        %get3A_718 = arith.index_cast %mul3A_714 : i32 to index
        %get3A_719 = tpu.vector_load %arg6[%get3A_716, %get3A_717, %get3A_718] {strides = array<i32>} : memref<2x16x1024xf32, #tpu.memory_space<vmem>>, vector<1x1x16xf32>,
        %get3A_720 = vector.shape_cast %get3A_719 : vector<1x1x16xf32> to vector<16xf32>
        %get3A_721 = arith.constant 1 : i32
        %get3A_722 = arith.index_cast %get3A_721 : i32 to index
        %get3A_723 = arith.index_cast %scan3A_678 : i32 to index
        %get3A_724 = arith.index_cast %mul3A_714 : i32 to index
        %get3A_725 = tpu.vector_load %arg7[%get3A_722, %get3A_723, %get3A_724] {strides = array<i32>} : memref<2x16x1024xf32, #tpu.memory_space<vmem>>, vector<1x1x16xf32>,
        %get3A_726 = vector.shape_cast %get3A_725 : vector<1x1x16xf32> to vector<16xf32>
        %add3A_727 = arith.addf %get3A_720, %get3A_726 : vector<16xf32>
        %swap3A_728 = arith.constant 1 : i32
        %swap3A_729 = arith.index_cast %swap3A_728 : i32 to index
        %swap3A_730 = arith.index_cast %scan3A_678 : i32 to index
        %swap3A_731 = arith.index_cast %mul3A_714 : i32 to index
        %swap3A_732 = tpu.vector_load %arg6[%swap3A_729, %swap3A_730, %swap3A_731] {strides = array<i32>} : memref<2x16x1024xf32, #tpu.memory_space<vmem>>, vector<1x1x16xf32>,
        %swap3A_733 = vector.shape_cast %swap3A_732 : vector<1x1x16xf32> to vector<16xf32>
        %swap3A_734 = vector.shape_cast %add3A_727 : vector<16xf32> to vector<1x1x16xf32>
        tpu.vector_store %arg6[%swap3A_729, %swap3A_730, %swap3A_731], %swap3A_734 {strides = array<i32>} : memref<2x16x1024xf32, #tpu.memory_space<vmem>>, vector<1x1x16xf32>,
        %scan3A_735 = arith.constant 0 : i32
        %scan3A_736 = arith.constant 2 : i32
        %scan3A_737 = arith.addi %scan3A_688, %scan3A_736 : i32
        %mul3A_738 = arith.constant 16 : i32
        %mul3A_739 = arith.muli %scan3A_737, %mul3A_738 : i32
        %get3A_740 = arith.constant 1 : i32
        %get3A_741 = arith.index_cast %get3A_740 : i32 to index
        %get3A_742 = arith.index_cast %scan3A_678 : i32 to index
        %get3A_743 = arith.index_cast %mul3A_739 : i32 to index
        %get3A_744 = tpu.vector_load %arg6[%get3A_741, %get3A_742, %get3A_743] {strides = array<i32>} : memref<2x16x1024xf32, #tpu.memory_space<vmem>>, vector<1x1x16xf32>,
        %get3A_745 = vector.shape_cast %get3A_744 : vector<1x1x16xf32> to vector<16xf32>
        %get3A_746 = arith.constant 1 : i32
        %get3A_747 = arith.index_cast %get3A_746 : i32 to index
        %get3A_748 = arith.index_cast %scan3A_678 : i32 to index
        %get3A_749 = arith.index_cast %mul3A_739 : i32 to index
        %get3A_750 = tpu.vector_load %arg7[%get3A_747, %get3A_748, %get3A_749] {strides = array<i32>} : memref<2x16x1024xf32, #tpu.memory_space<vmem>>, vector<1x1x16xf32>,
        %get3A_751 = vector.shape_cast %get3A_750 : vector<1x1x16xf32> to vector<16xf32>
        %add3A_752 = arith.addf %get3A_745, %get3A_751 : vector<16xf32>
        %swap3A_753 = arith.constant 1 : i32
        %swap3A_754 = arith.index_cast %swap3A_753 : i32 to index
        %swap3A_755 = arith.index_cast %scan3A_678 : i32 to index
        %swap3A_756 = arith.index_cast %mul3A_739 : i32 to index
        %swap3A_757 = tpu.vector_load %arg6[%swap3A_754, %swap3A_755, %swap3A_756] {strides = array<i32>} : memref<2x16x1024xf32, #tpu.memory_space<vmem>>, vector<1x1x16xf32>,
        %swap3A_758 = vector.shape_cast %swap3A_757 : vector<1x1x16xf32> to vector<16xf32>
        %swap3A_759 = vector.shape_cast %add3A_752 : vector<16xf32> to vector<1x1x16xf32>
        tpu.vector_store %arg6[%swap3A_754, %swap3A_755, %swap3A_756], %swap3A_759 {strides = array<i32>} : memref<2x16x1024xf32, #tpu.memory_space<vmem>>, vector<1x1x16xf32>,
        %scan3A_760 = arith.constant 0 : i32
        %scan3A_761 = arith.constant 3 : i32
        %scan3A_762 = arith.addi %scan3A_688, %scan3A_761 : i32
        %mul3A_763 = arith.constant 16 : i32
        %mul3A_764 = arith.muli %scan3A_762, %mul3A_763 : i32
        %get3A_765 = arith.constant 1 : i32
        %get3A_766 = arith.index_cast %get3A_765 : i32 to index
        %get3A_767 = arith.index_cast %scan3A_678 : i32 to index
        %get3A_768 = arith.index_cast %mul3A_764 : i32 to index
        %get3A_769 = tpu.vector_load %arg6[%get3A_766, %get3A_767, %get3A_768] {strides = array<i32>} : memref<2x16x1024xf32, #tpu.memory_space<vmem>>, vector<1x1x16xf32>,
        %get3A_770 = vector.shape_cast %get3A_769 : vector<1x1x16xf32> to vector<16xf32>
        %get3A_771 = arith.constant 1 : i32
        %get3A_772 = arith.index_cast %get3A_771 : i32 to index
        %get3A_773 = arith.index_cast %scan3A_678 : i32 to index
        %get3A_774 = arith.index_cast %mul3A_764 : i32 to index
        %get3A_775 = tpu.vector_load %arg7[%get3A_772, %get3A_773, %get3A_774] {strides = array<i32>} : memref<2x16x1024xf32, #tpu.memory_space<vmem>>, vector<1x1x16xf32>,
        %get3A_776 = vector.shape_cast %get3A_775 : vector<1x1x16xf32> to vector<16xf32>
        %add3A_777 = arith.addf %get3A_770, %get3A_776 : vector<16xf32>
        %swap3A_778 = arith.constant 1 : i32
        %swap3A_779 = arith.index_cast %swap3A_778 : i32 to index
        %swap3A_780 = arith.index_cast %scan3A_678 : i32 to index
        %swap3A_781 = arith.index_cast %mul3A_764 : i32 to index
        %swap3A_782 = tpu.vector_load %arg6[%swap3A_779, %swap3A_780, %swap3A_781] {strides = array<i32>} : memref<2x16x1024xf32, #tpu.memory_space<vmem>>, vector<1x1x16xf32>,
        %swap3A_783 = vector.shape_cast %swap3A_782 : vector<1x1x16xf32> to vector<16xf32>
        %swap3A_784 = vector.shape_cast %add3A_777 : vector<16xf32> to vector<1x1x16xf32>
        tpu.vector_store %arg6[%swap3A_779, %swap3A_780, %swap3A_781], %swap3A_784 {strides = array<i32>} : memref<2x16x1024xf32, #tpu.memory_space<vmem>>, vector<1x1x16xf32>,
        %scan3A_785 = arith.constant 0 : i32
        scf.yield %scan3A_785 : i32
      }
      %scan3A_686 = arith.constant 64 : i32
      %scan3A_687 = arith.constant 0 : i32
      scf.yield %scan3A_687 : i32
    }
    %scan3A_161 = arith.constant 16 : i32
    %mul3A_162 = arith.constant 128 : i32
    %mul3A_163 = arith.muli %add3A, %mul3A_162 : i32
    %add3A_164 = arith.constant 16 : i32
    %add3A_165 = arith.addi %mul3A_163, %add3A_164 : i32
    %dma_start3A_166 = arith.constant 1 : i32
    %dma_start3A_167 = arith.constant 0 : i32
    %dma_start3A_168 = arith.constant 0 : i32
    %dma_start3A_169 = tpu.memref_slice %arg6[%dma_start3A_166, %dma_start3A_167, %dma_start3A_168] : memref<2x16x1024xf32, #tpu.memory_space<vmem>> -> memref<1x16x1024xf32, #tpu.memory_space<vmem>>
    %dma_start3A_170 = tpu.memref_squeeze %dma_start3A_169 : memref<1x16x1024xf32, #tpu.memory_space<vmem>> -> memref<16x1024xf32, #tpu.memory_space<vmem>>
    %dma_start3A_171 = arith.constant 0 : i32
    %dma_start3A_172 = tpu.memref_slice %arg4[%add3A_165, %dma_start3A_171] : memref<4096x1024xf32, #tpu.memory_space<hbm>> -> memref<16x1024xf32, #tpu.memory_space<hbm>>
    %dma_start3A_173 = arith.constant 0 : i32
    %dma_start3A_174 = tpu.memref_slice %arg4[%add3A_165, %dma_start3A_173] : memref<4096x1024xf32, #tpu.memory_space<hbm>> -> memref<16x1024xf32, #tpu.memory_space<hbm>>
    %dma_start3A_175 = arith.constant 0 : i32
    %dma_start3A_176 = arith.constant 0 : i32
    %dma_start3A_177 = tpu.memref_slice %arg6[%dma_start3A_166, %dma_start3A_175, %dma_start3A_176] : memref<2x16x1024xf32, #tpu.memory_space<vmem>> -> memref<1x16x1024xf32, #tpu.memory_space<vmem>>
    %dma_start3A_178 = tpu.memref_squeeze %dma_start3A_177 : memref<1x16x1024xf32, #tpu.memory_space<vmem>> -> memref<16x1024xf32, #tpu.memory_space<vmem>>
    tpu.enqueue_dma source(%dma_start3A_178 : memref<16x1024xf32, #tpu.memory_space<vmem>>) target(%dma_start3A_174 : memref<16x1024xf32, #tpu.memory_space<hbm>>) target_semaphore(%arg10 : memref<!tpu.dma_semaphore, #tpu.memory_space<semaphore_mem>>)
    %dma_wait3A_179 = arith.constant 4 : i32
    %dma_wait3A_180 = arith.constant 0 : i32
    %dma_wait3A_181 = arith.constant 0 : i32
    %dma_wait3A_182 = arith.constant 0 : i32
    %dma_wait3A_183 = tpu.memref_slice %arg6[%dma_wait3A_180, %dma_wait3A_181, %dma_wait3A_182] : memref<2x16x1024xf32, #tpu.memory_space<vmem>> -> memref<1x16x1024xf32, #tpu.memory_space<vmem>>
    %dma_wait3A_184 = tpu.memref_squeeze %dma_wait3A_183 : memref<1x16x1024xf32, #tpu.memory_space<vmem>> -> memref<16x1024xf32, #tpu.memory_space<vmem>>
    %dma_wait3A_185 = arith.constant 0 : i32
    %dma_wait3A_186 = tpu.memref_slice %arg5[%dma_wait3A_179, %dma_wait3A_185] : memref<16x16xi32, #tpu.memory_space<vmem>> -> memref<1x16xi32, #tpu.memory_space<vmem>>
    %dma_wait3A_187 = tpu.memref_squeeze %dma_wait3A_186 : memref<1x16xi32, #tpu.memory_space<vmem>> -> memref<16xi32, #tpu.memory_space<vmem>>
    %dma_wait3A_188 = arith.constant 0 : i32
    %dma_wait3A_189 = arith.constant 0 : i32
    %dma_wait3A_190 = tpu.memref_slice %arg2[%dma_wait3A_188, %dma_wait3A_189] : memref<12288x1024xf32, #tpu.memory_space<hbm>> -> memref<12288x1024xf32, #tpu.memory_space<hbm>>
    tpu.wait_indirect_dma semaphore(%arg8 : memref<!tpu.dma_semaphore, #tpu.memory_space<semaphore_mem>>) src(%dma_wait3A_190 : memref<12288x1024xf32, #tpu.memory_space<hbm>>) dst(%dma_wait3A_184 : memref<16x1024xf32, #tpu.memory_space<vmem>>)
    %dma_wait3A_191 = arith.constant 5 : i32
    %dma_wait3A_192 = arith.constant 0 : i32
    %dma_wait3A_193 = arith.constant 0 : i32
    %dma_wait3A_194 = arith.constant 0 : i32
    %dma_wait3A_195 = tpu.memref_slice %arg7[%dma_wait3A_192, %dma_wait3A_193, %dma_wait3A_194] : memref<2x16x1024xf32, #tpu.memory_space<vmem>> -> memref<1x16x1024xf32, #tpu.memory_space<vmem>>
    %dma_wait3A_196 = tpu.memref_squeeze %dma_wait3A_195 : memref<1x16x1024xf32, #tpu.memory_space<vmem>> -> memref<16x1024xf32, #tpu.memory_space<vmem>>
    %dma_wait3A_197 = arith.constant 0 : i32
    %dma_wait3A_198 = tpu.memref_slice %arg5[%dma_wait3A_191, %dma_wait3A_197] : memref<16x16xi32, #tpu.memory_space<vmem>> -> memref<1x16xi32, #tpu.memory_space<vmem>>
    %dma_wait3A_199 = tpu.memref_squeeze %dma_wait3A_198 : memref<1x16xi32, #tpu.memory_space<vmem>> -> memref<16xi32, #tpu.memory_space<vmem>>
    %dma_wait3A_200 = arith.constant 0 : i32
    %dma_wait3A_201 = arith.constant 0 : i32
    %dma_wait3A_202 = tpu.memref_slice %arg2[%dma_wait3A_200, %dma_wait3A_201] : memref<12288x1024xf32, #tpu.memory_space<hbm>> -> memref<12288x1024xf32, #tpu.memory_space<hbm>>
    tpu.wait_indirect_dma semaphore(%arg8 : memref<!tpu.dma_semaphore, #tpu.memory_space<semaphore_mem>>) src(%dma_wait3A_202 : memref<12288x1024xf32, #tpu.memory_space<hbm>>) dst(%dma_wait3A_196 : memref<16x1024xf32, #tpu.memory_space<vmem>>)
    %dma_wait3A_203 = arith.constant 1 : i32
    %dma_wait3A_204 = arith.constant 0 : i32
    %dma_wait3A_205 = arith.constant 0 : i32
    %dma_wait3A_206 = tpu.memref_slice %arg6[%dma_wait3A_203, %dma_wait3A_204, %dma_wait3A_205] : memref<2x16x1024xf32, #tpu.memory_space<vmem>> -> memref<1x16x1024xf32, #tpu.memory_space<vmem>>
    %dma_wait3A_207 = tpu.memref_squeeze %dma_wait3A_206 : memref<1x16x1024xf32, #tpu.memory_space<vmem>> -> memref<16x1024xf32, #tpu.memory_space<vmem>>
    %dma_wait3A_208 = arith.constant 0 : i32
    %dma_wait3A_209 = tpu.memref_slice %arg4[%add3A_165, %dma_wait3A_208] : memref<4096x1024xf32, #tpu.memory_space<hbm>> -> memref<16x1024xf32, #tpu.memory_space<hbm>>
    %dma_wait3A_210 = arith.constant 0 : i32
    %dma_wait3A_211 = tpu.memref_slice %arg4[%add3A_165, %dma_wait3A_210] : memref<4096x1024xf32, #tpu.memory_space<hbm>> -> memref<16x1024xf32, #tpu.memory_space<hbm>>
    %dma_wait3A_212 = arith.constant 0 : i32
    %dma_wait3A_213 = arith.constant 0 : i32
    %dma_wait3A_214 = tpu.memref_slice %arg6[%dma_wait3A_203, %dma_wait3A_212, %dma_wait3A_213] : memref<2x16x1024xf32, #tpu.memory_space<vmem>> -> memref<1x16x1024xf32, #tpu.memory_space<vmem>>
    %dma_wait3A_215 = tpu.memref_squeeze %dma_wait3A_214 : memref<1x16x1024xf32, #tpu.memory_space<vmem>> -> memref<16x1024xf32, #tpu.memory_space<vmem>>
    tpu.wait_dma2 semaphore(%arg10 : memref<!tpu.dma_semaphore, #tpu.memory_space<semaphore_mem>>) src(%dma_wait3A_215 : memref<16x1024xf32, #tpu.memory_space<vmem>>) dst(%dma_wait3A_211 : memref<16x1024xf32, #tpu.memory_space<hbm>>)
    %dma_start3A_216 = arith.constant 6 : i32
    %dma_start3A_217 = arith.constant 1 : i32
    %dma_start3A_218 = arith.constant 0 : i32
    %dma_start3A_219 = arith.constant 0 : i32
    %dma_start3A_220 = tpu.memref_slice %arg6[%dma_start3A_217, %dma_start3A_218, %dma_start3A_219] : memref<2x16x1024xf32, #tpu.memory_space<vmem>> -> memref<1x16x1024xf32, #tpu.memory_space<vmem>>
    %dma_start3A_221 = tpu.memref_squeeze %dma_start3A_220 : memref<1x16x1024xf32, #tpu.memory_space<vmem>> -> memref<16x1024xf32, #tpu.memory_space<vmem>>
    %dma_start3A_222 = arith.constant 0 : i32
    %dma_start3A_223 = tpu.memref_slice %arg5[%dma_start3A_216, %dma_start3A_222] : memref<16x16xi32, #tpu.memory_space<vmem>> -> memref<1x16xi32, #tpu.memory_space<vmem>>
    %dma_start3A_224 = tpu.memref_squeeze %dma_start3A_223 : memref<1x16xi32, #tpu.memory_space<vmem>> -> memref<16xi32, #tpu.memory_space<vmem>>
    %dma_start3A_225 = arith.constant 0 : i32
    %dma_start3A_226 = arith.constant 0 : i32
    %dma_start3A_227 = tpu.memref_slice %arg2[%dma_start3A_225, %dma_start3A_226] : memref<12288x1024xf32, #tpu.memory_space<hbm>> -> memref<12288x1024xf32, #tpu.memory_space<hbm>>
    tpu.enqueue_indirect_dma source(%dma_start3A_227 : memref<12288x1024xf32, #tpu.memory_space<hbm>>) target(%dma_start3A_221 : memref<16x1024xf32, #tpu.memory_space<vmem>>) offsets(%dma_start3A_224 : memref<16xi32, #tpu.memory_space<vmem>>) semaphore(%arg8 : memref<!tpu.dma_semaphore, #tpu.memory_space<semaphore_mem>>)
    %dma_start3A_228 = arith.constant 7 : i32
    %dma_start3A_229 = arith.constant 1 : i32
    %dma_start3A_230 = arith.constant 0 : i32
    %dma_start3A_231 = arith.constant 0 : i32
    %dma_start3A_232 = tpu.memref_slice %arg7[%dma_start3A_229, %dma_start3A_230, %dma_start3A_231] : memref<2x16x1024xf32, #tpu.memory_space<vmem>> -> memref<1x16x1024xf32, #tpu.memory_space<vmem>>
    %dma_start3A_233 = tpu.memref_squeeze %dma_start3A_232 : memref<1x16x1024xf32, #tpu.memory_space<vmem>> -> memref<16x1024xf32, #tpu.memory_space<vmem>>
    %dma_start3A_234 = arith.constant 0 : i32
    %dma_start3A_235 = tpu.memref_slice %arg5[%dma_start3A_228, %dma_start3A_234] : memref<16x16xi32, #tpu.memory_space<vmem>> -> memref<1x16xi32, #tpu.memory_space<vmem>>
    %dma_start3A_236 = tpu.memref_squeeze %dma_start3A_235 : memref<1x16xi32, #tpu.memory_space<vmem>> -> memref<16xi32, #tpu.memory_space<vmem>>
    %dma_start3A_237 = arith.constant 0 : i32
    %dma_start3A_238 = arith.constant 0 : i32
    %dma_start3A_239 = tpu.memref_slice %arg2[%dma_start3A_237, %dma_start3A_238] : memref<12288x1024xf32, #tpu.memory_space<hbm>> -> memref<12288x1024xf32, #tpu.memory_space<hbm>>
    tpu.enqueue_indirect_dma source(%dma_start3A_239 : memref<12288x1024xf32, #tpu.memory_space<hbm>>) target(%dma_start3A_233 : memref<16x1024xf32, #tpu.memory_space<vmem>>) offsets(%dma_start3A_236 : memref<16xi32, #tpu.memory_space<vmem>>) semaphore(%arg8 : memref<!tpu.dma_semaphore, #tpu.memory_space<semaphore_mem>>)
    %scan3A_240 = arith.constant 0 : i32
    %scan3A_241 = arith.constant 0 : i32
    %scan3A_242 = arith.constant 16 : i32
    %scan3A_243 = arith.addi %scan3A_241, %scan3A_242 : i32
    %scan3A_244 = arith.constant 1 : i32
    %scan3A_245 = scf.for %scan3A_678 = %scan3A_241 to %scan3A_243 step %scan3A_244 iter_args(%scan3A_679 = %scan3A_240) -> (i32)  : i32 {
      %scan3A_680 = arith.constant 0 : i32
      %scan3A_681 = arith.constant 0 : i32
      %scan3A_682 = arith.constant 64 : i32
      %scan3A_683 = arith.addi %scan3A_681, %scan3A_682 : i32
      %scan3A_684 = arith.constant 4 : i32
      %scan3A_685 = scf.for %scan3A_688 = %scan3A_681 to %scan3A_683 step %scan3A_684 iter_args(%scan3A_689 = %scan3A_680) -> (i32)  : i32 {
        %mul3A_690 = arith.constant 16 : i32
        %mul3A_691 = arith.muli %scan3A_688, %mul3A_690 : i32
        %get3A = arith.constant 0 : i32
        %get3A_692 = arith.index_cast %get3A : i32 to index
        %get3A_693 = arith.index_cast %scan3A_678 : i32 to index
        %get3A_694 = arith.index_cast %mul3A_691 : i32 to index
        %get3A_695 = tpu.vector_load %arg6[%get3A_692, %get3A_693, %get3A_694] {strides = array<i32>} : memref<2x16x1024xf32, #tpu.memory_space<vmem>>, vector<1x1x16xf32>,
        %get3A_696 = vector.shape_cast %get3A_695 : vector<1x1x16xf32> to vector<16xf32>
        %get3A_697 = arith.constant 0 : i32
        %get3A_698 = arith.index_cast %get3A_697 : i32 to index
        %get3A_699 = arith.index_cast %scan3A_678 : i32 to index
        %get3A_700 = arith.index_cast %mul3A_691 : i32 to index
        %get3A_701 = tpu.vector_load %arg7[%get3A_698, %get3A_699, %get3A_700] {strides = array<i32>} : memref<2x16x1024xf32, #tpu.memory_space<vmem>>, vector<1x1x16xf32>,
        %get3A_702 = vector.shape_cast %get3A_701 : vector<1x1x16xf32> to vector<16xf32>
        %add3A_703 = arith.addf %get3A_696, %get3A_702 : vector<16xf32>
        %swap3A = arith.constant 0 : i32
        %swap3A_704 = arith.index_cast %swap3A : i32 to index
        %swap3A_705 = arith.index_cast %scan3A_678 : i32 to index
        %swap3A_706 = arith.index_cast %mul3A_691 : i32 to index
        %swap3A_707 = tpu.vector_load %arg6[%swap3A_704, %swap3A_705, %swap3A_706] {strides = array<i32>} : memref<2x16x1024xf32, #tpu.memory_space<vmem>>, vector<1x1x16xf32>,
        %swap3A_708 = vector.shape_cast %swap3A_707 : vector<1x1x16xf32> to vector<16xf32>
        %swap3A_709 = vector.shape_cast %add3A_703 : vector<16xf32> to vector<1x1x16xf32>
        tpu.vector_store %arg6[%swap3A_704, %swap3A_705, %swap3A_706], %swap3A_709 {strides = array<i32>} : memref<2x16x1024xf32, #tpu.memory_space<vmem>>, vector<1x1x16xf32>,
        %scan3A_710 = arith.constant 0 : i32
        %scan3A_711 = arith.constant 1 : i32
        %scan3A_712 = arith.addi %scan3A_688, %scan3A_711 : i32
        %mul3A_713 = arith.constant 16 : i32
        %mul3A_714 = arith.muli %scan3A_712, %mul3A_713 : i32
        %get3A_715 = arith.constant 0 : i32
        %get3A_716 = arith.index_cast %get3A_715 : i32 to index
        %get3A_717 = arith.index_cast %scan3A_678 : i32 to index
        %get3A_718 = arith.index_cast %mul3A_714 : i32 to index
        %get3A_719 = tpu.vector_load %arg6[%get3A_716, %get3A_717, %get3A_718] {strides = array<i32>} : memref<2x16x1024xf32, #tpu.memory_space<vmem>>, vector<1x1x16xf32>,
        %get3A_720 = vector.shape_cast %get3A_719 : vector<1x1x16xf32> to vector<16xf32>
        %get3A_721 = arith.constant 0 : i32
        %get3A_722 = arith.index_cast %get3A_721 : i32 to index
        %get3A_723 = arith.index_cast %scan3A_678 : i32 to index
        %get3A_724 = arith.index_cast %mul3A_714 : i32 to index
        %get3A_725 = tpu.vector_load %arg7[%get3A_722, %get3A_723, %get3A_724] {strides = array<i32>} : memref<2x16x1024xf32, #tpu.memory_space<vmem>>, vector<1x1x16xf32>,
        %get3A_726 = vector.shape_cast %get3A_725 : vector<1x1x16xf32> to vector<16xf32>
        %add3A_727 = arith.addf %get3A_720, %get3A_726 : vector<16xf32>
        %swap3A_728 = arith.constant 0 : i32
        %swap3A_729 = arith.index_cast %swap3A_728 : i32 to index
        %swap3A_730 = arith.index_cast %scan3A_678 : i32 to index
        %swap3A_731 = arith.index_cast %mul3A_714 : i32 to index
        %swap3A_732 = tpu.vector_load %arg6[%swap3A_729, %swap3A_730, %swap3A_731] {strides = array<i32>} : memref<2x16x1024xf32, #tpu.memory_space<vmem>>, vector<1x1x16xf32>,
        %swap3A_733 = vector.shape_cast %swap3A_732 : vector<1x1x16xf32> to vector<16xf32>
        %swap3A_734 = vector.shape_cast %add3A_727 : vector<16xf32> to vector<1x1x16xf32>
        tpu.vector_store %arg6[%swap3A_729, %swap3A_730, %swap3A_731], %swap3A_734 {strides = array<i32>} : memref<2x16x1024xf32, #tpu.memory_space<vmem>>, vector<1x1x16xf32>,
        %scan3A_735 = arith.constant 0 : i32
        %scan3A_736 = arith.constant 2 : i32
        %scan3A_737 = arith.addi %scan3A_688, %scan3A_736 : i32
        %mul3A_738 = arith.constant 16 : i32
        %mul3A_739 = arith.muli %scan3A_737, %mul3A_738 : i32
        %get3A_740 = arith.constant 0 : i32
        %get3A_741 = arith.index_cast %get3A_740 : i32 to index
        %get3A_742 = arith.index_cast %scan3A_678 : i32 to index
        %get3A_743 = arith.index_cast %mul3A_739 : i32 to index
        %get3A_744 = tpu.vector_load %arg6[%get3A_741, %get3A_742, %get3A_743] {strides = array<i32>} : memref<2x16x1024xf32, #tpu.memory_space<vmem>>, vector<1x1x16xf32>,
        %get3A_745 = vector.shape_cast %get3A_744 : vector<1x1x16xf32> to vector<16xf32>
        %get3A_746 = arith.constant 0 : i32
        %get3A_747 = arith.index_cast %get3A_746 : i32 to index
        %get3A_748 = arith.index_cast %scan3A_678 : i32 to index
        %get3A_749 = arith.index_cast %mul3A_739 : i32 to index
        %get3A_750 = tpu.vector_load %arg7[%get3A_747, %get3A_748, %get3A_749] {strides = array<i32>} : memref<2x16x1024xf32, #tpu.memory_space<vmem>>, vector<1x1x16xf32>,
        %get3A_751 = vector.shape_cast %get3A_750 : vector<1x1x16xf32> to vector<16xf32>
        %add3A_752 = arith.addf %get3A_745, %get3A_751 : vector<16xf32>
        %swap3A_753 = arith.constant 0 : i32
        %swap3A_754 = arith.index_cast %swap3A_753 : i32 to index
        %swap3A_755 = arith.index_cast %scan3A_678 : i32 to index
        %swap3A_756 = arith.index_cast %mul3A_739 : i32 to index
        %swap3A_757 = tpu.vector_load %arg6[%swap3A_754, %swap3A_755, %swap3A_756] {strides = array<i32>} : memref<2x16x1024xf32, #tpu.memory_space<vmem>>, vector<1x1x16xf32>,
        %swap3A_758 = vector.shape_cast %swap3A_757 : vector<1x1x16xf32> to vector<16xf32>
        %swap3A_759 = vector.shape_cast %add3A_752 : vector<16xf32> to vector<1x1x16xf32>
        tpu.vector_store %arg6[%swap3A_754, %swap3A_755, %swap3A_756], %swap3A_759 {strides = array<i32>} : memref<2x16x1024xf32, #tpu.memory_space<vmem>>, vector<1x1x16xf32>,
        %scan3A_760 = arith.constant 0 : i32
        %scan3A_761 = arith.constant 3 : i32
        %scan3A_762 = arith.addi %scan3A_688, %scan3A_761 : i32
        %mul3A_763 = arith.constant 16 : i32
        %mul3A_764 = arith.muli %scan3A_762, %mul3A_763 : i32
        %get3A_765 = arith.constant 0 : i32
        %get3A_766 = arith.index_cast %get3A_765 : i32 to index
        %get3A_767 = arith.index_cast %scan3A_678 : i32 to index
        %get3A_768 = arith.index_cast %mul3A_764 : i32 to index
        %get3A_769 = tpu.vector_load %arg6[%get3A_766, %get3A_767, %get3A_768] {strides = array<i32>} : memref<2x16x1024xf32, #tpu.memory_space<vmem>>, vector<1x1x16xf32>,
        %get3A_770 = vector.shape_cast %get3A_769 : vector<1x1x16xf32> to vector<16xf32>
        %get3A_771 = arith.constant 0 : i32
        %get3A_772 = arith.index_cast %get3A_771 : i32 to index
        %get3A_773 = arith.index_cast %scan3A_678 : i32 to index
        %get3A_774 = arith.index_cast %mul3A_764 : i32 to index
        %get3A_775 = tpu.vector_load %arg7[%get3A_772, %get3A_773, %get3A_774] {strides = array<i32>} : memref<2x16x1024xf32, #tpu.memory_space<vmem>>, vector<1x1x16xf32>,
        %get3A_776 = vector.shape_cast %get3A_775 : vector<1x1x16xf32> to vector<16xf32>
        %add3A_777 = arith.addf %get3A_770, %get3A_776 : vector<16xf32>
        %swap3A_778 = arith.constant 0 : i32
        %swap3A_779 = arith.index_cast %swap3A_778 : i32 to index
        %swap3A_780 = arith.index_cast %scan3A_678 : i32 to index
        %swap3A_781 = arith.index_cast %mul3A_764 : i32 to index
        %swap3A_782 = tpu.vector_load %arg6[%swap3A_779, %swap3A_780, %swap3A_781] {strides = array<i32>} : memref<2x16x1024xf32, #tpu.memory_space<vmem>>, vector<1x1x16xf32>,
        %swap3A_783 = vector.shape_cast %swap3A_782 : vector<1x1x16xf32> to vector<16xf32>
        %swap3A_784 = vector.shape_cast %add3A_777 : vector<16xf32> to vector<1x1x16xf32>
        tpu.vector_store %arg6[%swap3A_779, %swap3A_780, %swap3A_781], %swap3A_784 {strides = array<i32>} : memref<2x16x1024xf32, #tpu.memory_space<vmem>>, vector<1x1x16xf32>,
        %scan3A_785 = arith.constant 0 : i32
        scf.yield %scan3A_785 : i32
      }
      %scan3A_686 = arith.constant 64 : i32
      %scan3A_687 = arith.constant 0 : i32
      scf.yield %scan3A_687 : i32
    }
    %scan3A_246 = arith.constant 16 : i32
    %mul3A_247 = arith.constant 128 : i32
    %mul3A_248 = arith.muli %add3A, %mul3A_247 : i32
    %add3A_249 = arith.constant 32 : i32
    %add3A_250 = arith.addi %mul3A_248, %add3A_249 : i32
    %dma_start3A_251 = arith.constant 0 : i32
    %dma_start3A_252 = arith.constant 0 : i32
    %dma_start3A_253 = arith.constant 0 : i32
    %dma_start3A_254 = tpu.memref_slice %arg6[%dma_start3A_251, %dma_start3A_252, %dma_start3A_253] : memref<2x16x1024xf32, #tpu.memory_space<vmem>> -> memref<1x16x1024xf32, #tpu.memory_space<vmem>>
    %dma_start3A_255 = tpu.memref_squeeze %dma_start3A_254 : memref<1x16x1024xf32, #tpu.memory_space<vmem>> -> memref<16x1024xf32, #tpu.memory_space<vmem>>
    %dma_start3A_256 = arith.constant 0 : i32
    %dma_start3A_257 = tpu.memref_slice %arg4[%add3A_250, %dma_start3A_256] : memref<4096x1024xf32, #tpu.memory_space<hbm>> -> memref<16x1024xf32, #tpu.memory_space<hbm>>
    %dma_start3A_258 = arith.constant 0 : i32
    %dma_start3A_259 = tpu.memref_slice %arg4[%add3A_250, %dma_start3A_258] : memref<4096x1024xf32, #tpu.memory_space<hbm>> -> memref<16x1024xf32, #tpu.memory_space<hbm>>
    %dma_start3A_260 = arith.constant 0 : i32
    %dma_start3A_261 = arith.constant 0 : i32
    %dma_start3A_262 = tpu.memref_slice %arg6[%dma_start3A_251, %dma_start3A_260, %dma_start3A_261] : memref<2x16x1024xf32, #tpu.memory_space<vmem>> -> memref<1x16x1024xf32, #tpu.memory_space<vmem>>
    %dma_start3A_263 = tpu.memref_squeeze %dma_start3A_262 : memref<1x16x1024xf32, #tpu.memory_space<vmem>> -> memref<16x1024xf32, #tpu.memory_space<vmem>>
    tpu.enqueue_dma source(%dma_start3A_263 : memref<16x1024xf32, #tpu.memory_space<vmem>>) target(%dma_start3A_259 : memref<16x1024xf32, #tpu.memory_space<hbm>>) target_semaphore(%arg9 : memref<!tpu.dma_semaphore, #tpu.memory_space<semaphore_mem>>)
    %dma_wait3A_264 = arith.constant 6 : i32
    %dma_wait3A_265 = arith.constant 1 : i32
    %dma_wait3A_266 = arith.constant 0 : i32
    %dma_wait3A_267 = arith.constant 0 : i32
    %dma_wait3A_268 = tpu.memref_slice %arg6[%dma_wait3A_265, %dma_wait3A_266, %dma_wait3A_267] : memref<2x16x1024xf32, #tpu.memory_space<vmem>> -> memref<1x16x1024xf32, #tpu.memory_space<vmem>>
    %dma_wait3A_269 = tpu.memref_squeeze %dma_wait3A_268 : memref<1x16x1024xf32, #tpu.memory_space<vmem>> -> memref<16x1024xf32, #tpu.memory_space<vmem>>
    %dma_wait3A_270 = arith.constant 0 : i32
    %dma_wait3A_271 = tpu.memref_slice %arg5[%dma_wait3A_264, %dma_wait3A_270] : memref<16x16xi32, #tpu.memory_space<vmem>> -> memref<1x16xi32, #tpu.memory_space<vmem>>
    %dma_wait3A_272 = tpu.memref_squeeze %dma_wait3A_271 : memref<1x16xi32, #tpu.memory_space<vmem>> -> memref<16xi32, #tpu.memory_space<vmem>>
    %dma_wait3A_273 = arith.constant 0 : i32
    %dma_wait3A_274 = arith.constant 0 : i32
    %dma_wait3A_275 = tpu.memref_slice %arg2[%dma_wait3A_273, %dma_wait3A_274] : memref<12288x1024xf32, #tpu.memory_space<hbm>> -> memref<12288x1024xf32, #tpu.memory_space<hbm>>
    tpu.wait_indirect_dma semaphore(%arg8 : memref<!tpu.dma_semaphore, #tpu.memory_space<semaphore_mem>>) src(%dma_wait3A_275 : memref<12288x1024xf32, #tpu.memory_space<hbm>>) dst(%dma_wait3A_269 : memref<16x1024xf32, #tpu.memory_space<vmem>>)
    %dma_wait3A_276 = arith.constant 7 : i32
    %dma_wait3A_277 = arith.constant 1 : i32
    %dma_wait3A_278 = arith.constant 0 : i32
    %dma_wait3A_279 = arith.constant 0 : i32
    %dma_wait3A_280 = tpu.memref_slice %arg7[%dma_wait3A_277, %dma_wait3A_278, %dma_wait3A_279] : memref<2x16x1024xf32, #tpu.memory_space<vmem>> -> memref<1x16x1024xf32, #tpu.memory_space<vmem>>
    %dma_wait3A_281 = tpu.memref_squeeze %dma_wait3A_280 : memref<1x16x1024xf32, #tpu.memory_space<vmem>> -> memref<16x1024xf32, #tpu.memory_space<vmem>>
    %dma_wait3A_282 = arith.constant 0 : i32
    %dma_wait3A_283 = tpu.memref_slice %arg5[%dma_wait3A_276, %dma_wait3A_282] : memref<16x16xi32, #tpu.memory_space<vmem>> -> memref<1x16xi32, #tpu.memory_space<vmem>>
    %dma_wait3A_284 = tpu.memref_squeeze %dma_wait3A_283 : memref<1x16xi32, #tpu.memory_space<vmem>> -> memref<16xi32, #tpu.memory_space<vmem>>
    %dma_wait3A_285 = arith.constant 0 : i32
    %dma_wait3A_286 = arith.constant 0 : i32
    %dma_wait3A_287 = tpu.memref_slice %arg2[%dma_wait3A_285, %dma_wait3A_286] : memref<12288x1024xf32, #tpu.memory_space<hbm>> -> memref<12288x1024xf32, #tpu.memory_space<hbm>>
    tpu.wait_indirect_dma semaphore(%arg8 : memref<!tpu.dma_semaphore, #tpu.memory_space<semaphore_mem>>) src(%dma_wait3A_287 : memref<12288x1024xf32, #tpu.memory_space<hbm>>) dst(%dma_wait3A_281 : memref<16x1024xf32, #tpu.memory_space<vmem>>)
    %dma_wait3A_288 = arith.constant 0 : i32
    %dma_wait3A_289 = arith.constant 0 : i32
    %dma_wait3A_290 = arith.constant 0 : i32
    %dma_wait3A_291 = tpu.memref_slice %arg6[%dma_wait3A_288, %dma_wait3A_289, %dma_wait3A_290] : memref<2x16x1024xf32, #tpu.memory_space<vmem>> -> memref<1x16x1024xf32, #tpu.memory_space<vmem>>
    %dma_wait3A_292 = tpu.memref_squeeze %dma_wait3A_291 : memref<1x16x1024xf32, #tpu.memory_space<vmem>> -> memref<16x1024xf32, #tpu.memory_space<vmem>>
    %dma_wait3A_293 = arith.constant 0 : i32
    %dma_wait3A_294 = tpu.memref_slice %arg4[%add3A_250, %dma_wait3A_293] : memref<4096x1024xf32, #tpu.memory_space<hbm>> -> memref<16x1024xf32, #tpu.memory_space<hbm>>
    %dma_wait3A_295 = arith.constant 0 : i32
    %dma_wait3A_296 = tpu.memref_slice %arg4[%add3A_250, %dma_wait3A_295] : memref<4096x1024xf32, #tpu.memory_space<hbm>> -> memref<16x1024xf32, #tpu.memory_space<hbm>>
    %dma_wait3A_297 = arith.constant 0 : i32
    %dma_wait3A_298 = arith.constant 0 : i32
    %dma_wait3A_299 = tpu.memref_slice %arg6[%dma_wait3A_288, %dma_wait3A_297, %dma_wait3A_298] : memref<2x16x1024xf32, #tpu.memory_space<vmem>> -> memref<1x16x1024xf32, #tpu.memory_space<vmem>>
    %dma_wait3A_300 = tpu.memref_squeeze %dma_wait3A_299 : memref<1x16x1024xf32, #tpu.memory_space<vmem>> -> memref<16x1024xf32, #tpu.memory_space<vmem>>
    tpu.wait_dma2 semaphore(%arg9 : memref<!tpu.dma_semaphore, #tpu.memory_space<semaphore_mem>>) src(%dma_wait3A_300 : memref<16x1024xf32, #tpu.memory_space<vmem>>) dst(%dma_wait3A_296 : memref<16x1024xf32, #tpu.memory_space<hbm>>)
    %dma_start3A_301 = arith.constant 8 : i32
    %dma_start3A_302 = arith.constant 0 : i32
    %dma_start3A_303 = arith.constant 0 : i32
    %dma_start3A_304 = arith.constant 0 : i32
    %dma_start3A_305 = tpu.memref_slice %arg6[%dma_start3A_302, %dma_start3A_303, %dma_start3A_304] : memref<2x16x1024xf32, #tpu.memory_space<vmem>> -> memref<1x16x1024xf32, #tpu.memory_space<vmem>>
    %dma_start3A_306 = tpu.memref_squeeze %dma_start3A_305 : memref<1x16x1024xf32, #tpu.memory_space<vmem>> -> memref<16x1024xf32, #tpu.memory_space<vmem>>
    %dma_start3A_307 = arith.constant 0 : i32
    %dma_start3A_308 = tpu.memref_slice %arg5[%dma_start3A_301, %dma_start3A_307] : memref<16x16xi32, #tpu.memory_space<vmem>> -> memref<1x16xi32, #tpu.memory_space<vmem>>
    %dma_start3A_309 = tpu.memref_squeeze %dma_start3A_308 : memref<1x16xi32, #tpu.memory_space<vmem>> -> memref<16xi32, #tpu.memory_space<vmem>>
    %dma_start3A_310 = arith.constant 0 : i32
    %dma_start3A_311 = arith.constant 0 : i32
    %dma_start3A_312 = tpu.memref_slice %arg2[%dma_start3A_310, %dma_start3A_311] : memref<12288x1024xf32, #tpu.memory_space<hbm>> -> memref<12288x1024xf32, #tpu.memory_space<hbm>>
    tpu.enqueue_indirect_dma source(%dma_start3A_312 : memref<12288x1024xf32, #tpu.memory_space<hbm>>) target(%dma_start3A_306 : memref<16x1024xf32, #tpu.memory_space<vmem>>) offsets(%dma_start3A_309 : memref<16xi32, #tpu.memory_space<vmem>>) semaphore(%arg8 : memref<!tpu.dma_semaphore, #tpu.memory_space<semaphore_mem>>)
    %dma_start3A_313 = arith.constant 9 : i32
    %dma_start3A_314 = arith.constant 0 : i32
    %dma_start3A_315 = arith.constant 0 : i32
    %dma_start3A_316 = arith.constant 0 : i32
    %dma_start3A_317 = tpu.memref_slice %arg7[%dma_start3A_314, %dma_start3A_315, %dma_start3A_316] : memref<2x16x1024xf32, #tpu.memory_space<vmem>> -> memref<1x16x1024xf32, #tpu.memory_space<vmem>>
    %dma_start3A_318 = tpu.memref_squeeze %dma_start3A_317 : memref<1x16x1024xf32, #tpu.memory_space<vmem>> -> memref<16x1024xf32, #tpu.memory_space<vmem>>
    %dma_start3A_319 = arith.constant 0 : i32
    %dma_start3A_320 = tpu.memref_slice %arg5[%dma_start3A_313, %dma_start3A_319] : memref<16x16xi32, #tpu.memory_space<vmem>> -> memref<1x16xi32, #tpu.memory_space<vmem>>
    %dma_start3A_321 = tpu.memref_squeeze %dma_start3A_320 : memref<1x16xi32, #tpu.memory_space<vmem>> -> memref<16xi32, #tpu.memory_space<vmem>>
    %dma_start3A_322 = arith.constant 0 : i32
    %dma_start3A_323 = arith.constant 0 : i32
    %dma_start3A_324 = tpu.memref_slice %arg2[%dma_start3A_322, %dma_start3A_323] : memref<12288x1024xf32, #tpu.memory_space<hbm>> -> memref<12288x1024xf32, #tpu.memory_space<hbm>>
    tpu.enqueue_indirect_dma source(%dma_start3A_324 : memref<12288x1024xf32, #tpu.memory_space<hbm>>) target(%dma_start3A_318 : memref<16x1024xf32, #tpu.memory_space<vmem>>) offsets(%dma_start3A_321 : memref<16xi32, #tpu.memory_space<vmem>>) semaphore(%arg8 : memref<!tpu.dma_semaphore, #tpu.memory_space<semaphore_mem>>)
    %scan3A_325 = arith.constant 0 : i32
    %scan3A_326 = arith.constant 0 : i32
    %scan3A_327 = arith.constant 16 : i32
    %scan3A_328 = arith.addi %scan3A_326, %scan3A_327 : i32
    %scan3A_329 = arith.constant 1 : i32
    %scan3A_330 = scf.for %scan3A_678 = %scan3A_326 to %scan3A_328 step %scan3A_329 iter_args(%scan3A_679 = %scan3A_325) -> (i32)  : i32 {
      %scan3A_680 = arith.constant 0 : i32
      %scan3A_681 = arith.constant 0 : i32
      %scan3A_682 = arith.constant 64 : i32
      %scan3A_683 = arith.addi %scan3A_681, %scan3A_682 : i32
      %scan3A_684 = arith.constant 4 : i32
      %scan3A_685 = scf.for %scan3A_688 = %scan3A_681 to %scan3A_683 step %scan3A_684 iter_args(%scan3A_689 = %scan3A_680) -> (i32)  : i32 {
        %mul3A_690 = arith.constant 16 : i32
        %mul3A_691 = arith.muli %scan3A_688, %mul3A_690 : i32
        %get3A = arith.constant 1 : i32
        %get3A_692 = arith.index_cast %get3A : i32 to index
        %get3A_693 = arith.index_cast %scan3A_678 : i32 to index
        %get3A_694 = arith.index_cast %mul3A_691 : i32 to index
        %get3A_695 = tpu.vector_load %arg6[%get3A_692, %get3A_693, %get3A_694] {strides = array<i32>} : memref<2x16x1024xf32, #tpu.memory_space<vmem>>, vector<1x1x16xf32>,
        %get3A_696 = vector.shape_cast %get3A_695 : vector<1x1x16xf32> to vector<16xf32>
        %get3A_697 = arith.constant 1 : i32
        %get3A_698 = arith.index_cast %get3A_697 : i32 to index
        %get3A_699 = arith.index_cast %scan3A_678 : i32 to index
        %get3A_700 = arith.index_cast %mul3A_691 : i32 to index
        %get3A_701 = tpu.vector_load %arg7[%get3A_698, %get3A_699, %get3A_700] {strides = array<i32>} : memref<2x16x1024xf32, #tpu.memory_space<vmem>>, vector<1x1x16xf32>,
        %get3A_702 = vector.shape_cast %get3A_701 : vector<1x1x16xf32> to vector<16xf32>
        %add3A_703 = arith.addf %get3A_696, %get3A_702 : vector<16xf32>
        %swap3A = arith.constant 1 : i32
        %swap3A_704 = arith.index_cast %swap3A : i32 to index
        %swap3A_705 = arith.index_cast %scan3A_678 : i32 to index
        %swap3A_706 = arith.index_cast %mul3A_691 : i32 to index
        %swap3A_707 = tpu.vector_load %arg6[%swap3A_704, %swap3A_705, %swap3A_706] {strides = array<i32>} : memref<2x16x1024xf32, #tpu.memory_space<vmem>>, vector<1x1x16xf32>,
        %swap3A_708 = vector.shape_cast %swap3A_707 : vector<1x1x16xf32> to vector<16xf32>
        %swap3A_709 = vector.shape_cast %add3A_703 : vector<16xf32> to vector<1x1x16xf32>
        tpu.vector_store %arg6[%swap3A_704, %swap3A_705, %swap3A_706], %swap3A_709 {strides = array<i32>} : memref<2x16x1024xf32, #tpu.memory_space<vmem>>, vector<1x1x16xf32>,
        %scan3A_710 = arith.constant 0 : i32
        %scan3A_711 = arith.constant 1 : i32
        %scan3A_712 = arith.addi %scan3A_688, %scan3A_711 : i32
        %mul3A_713 = arith.constant 16 : i32
        %mul3A_714 = arith.muli %scan3A_712, %mul3A_713 : i32
        %get3A_715 = arith.constant 1 : i32
        %get3A_716 = arith.index_cast %get3A_715 : i32 to index
        %get3A_717 = arith.index_cast %scan3A_678 : i32 to index
        %get3A_718 = arith.index_cast %mul3A_714 : i32 to index
        %get3A_719 = tpu.vector_load %arg6[%get3A_716, %get3A_717, %get3A_718] {strides = array<i32>} : memref<2x16x1024xf32, #tpu.memory_space<vmem>>, vector<1x1x16xf32>,
        %get3A_720 = vector.shape_cast %get3A_719 : vector<1x1x16xf32> to vector<16xf32>
        %get3A_721 = arith.constant 1 : i32
        %get3A_722 = arith.index_cast %get3A_721 : i32 to index
        %get3A_723 = arith.index_cast %scan3A_678 : i32 to index
        %get3A_724 = arith.index_cast %mul3A_714 : i32 to index
        %get3A_725 = tpu.vector_load %arg7[%get3A_722, %get3A_723, %get3A_724] {strides = array<i32>} : memref<2x16x1024xf32, #tpu.memory_space<vmem>>, vector<1x1x16xf32>,
        %get3A_726 = vector.shape_cast %get3A_725 : vector<1x1x16xf32> to vector<16xf32>
        %add3A_727 = arith.addf %get3A_720, %get3A_726 : vector<16xf32>
        %swap3A_728 = arith.constant 1 : i32
        %swap3A_729 = arith.index_cast %swap3A_728 : i32 to index
        %swap3A_730 = arith.index_cast %scan3A_678 : i32 to index
        %swap3A_731 = arith.index_cast %mul3A_714 : i32 to index
        %swap3A_732 = tpu.vector_load %arg6[%swap3A_729, %swap3A_730, %swap3A_731] {strides = array<i32>} : memref<2x16x1024xf32, #tpu.memory_space<vmem>>, vector<1x1x16xf32>,
        %swap3A_733 = vector.shape_cast %swap3A_732 : vector<1x1x16xf32> to vector<16xf32>
        %swap3A_734 = vector.shape_cast %add3A_727 : vector<16xf32> to vector<1x1x16xf32>
        tpu.vector_store %arg6[%swap3A_729, %swap3A_730, %swap3A_731], %swap3A_734 {strides = array<i32>} : memref<2x16x1024xf32, #tpu.memory_space<vmem>>, vector<1x1x16xf32>,
        %scan3A_735 = arith.constant 0 : i32
        %scan3A_736 = arith.constant 2 : i32
        %scan3A_737 = arith.addi %scan3A_688, %scan3A_736 : i32
        %mul3A_738 = arith.constant 16 : i32
        %mul3A_739 = arith.muli %scan3A_737, %mul3A_738 : i32
        %get3A_740 = arith.constant 1 : i32
        %get3A_741 = arith.index_cast %get3A_740 : i32 to index
        %get3A_742 = arith.index_cast %scan3A_678 : i32 to index
        %get3A_743 = arith.index_cast %mul3A_739 : i32 to index
        %get3A_744 = tpu.vector_load %arg6[%get3A_741, %get3A_742, %get3A_743] {strides = array<i32>} : memref<2x16x1024xf32, #tpu.memory_space<vmem>>, vector<1x1x16xf32>,
        %get3A_745 = vector.shape_cast %get3A_744 : vector<1x1x16xf32> to vector<16xf32>
        %get3A_746 = arith.constant 1 : i32
        %get3A_747 = arith.index_cast %get3A_746 : i32 to index
        %get3A_748 = arith.index_cast %scan3A_678 : i32 to index
        %get3A_749 = arith.index_cast %mul3A_739 : i32 to index
        %get3A_750 = tpu.vector_load %arg7[%get3A_747, %get3A_748, %get3A_749] {strides = array<i32>} : memref<2x16x1024xf32, #tpu.memory_space<vmem>>, vector<1x1x16xf32>,
        %get3A_751 = vector.shape_cast %get3A_750 : vector<1x1x16xf32> to vector<16xf32>
        %add3A_752 = arith.addf %get3A_745, %get3A_751 : vector<16xf32>
        %swap3A_753 = arith.constant 1 : i32
        %swap3A_754 = arith.index_cast %swap3A_753 : i32 to index
        %swap3A_755 = arith.index_cast %scan3A_678 : i32 to index
        %swap3A_756 = arith.index_cast %mul3A_739 : i32 to index
        %swap3A_757 = tpu.vector_load %arg6[%swap3A_754, %swap3A_755, %swap3A_756] {strides = array<i32>} : memref<2x16x1024xf32, #tpu.memory_space<vmem>>, vector<1x1x16xf32>,
        %swap3A_758 = vector.shape_cast %swap3A_757 : vector<1x1x16xf32> to vector<16xf32>
        %swap3A_759 = vector.shape_cast %add3A_752 : vector<16xf32> to vector<1x1x16xf32>
        tpu.vector_store %arg6[%swap3A_754, %swap3A_755, %swap3A_756], %swap3A_759 {strides = array<i32>} : memref<2x16x1024xf32, #tpu.memory_space<vmem>>, vector<1x1x16xf32>,
        %scan3A_760 = arith.constant 0 : i32
        %scan3A_761 = arith.constant 3 : i32
        %scan3A_762 = arith.addi %scan3A_688, %scan3A_761 : i32
        %mul3A_763 = arith.constant 16 : i32
        %mul3A_764 = arith.muli %scan3A_762, %mul3A_763 : i32
        %get3A_765 = arith.constant 1 : i32
        %get3A_766 = arith.index_cast %get3A_765 : i32 to index
        %get3A_767 = arith.index_cast %scan3A_678 : i32 to index
        %get3A_768 = arith.index_cast %mul3A_764 : i32 to index
        %get3A_769 = tpu.vector_load %arg6[%get3A_766, %get3A_767, %get3A_768] {strides = array<i32>} : memref<2x16x1024xf32, #tpu.memory_space<vmem>>, vector<1x1x16xf32>,
        %get3A_770 = vector.shape_cast %get3A_769 : vector<1x1x16xf32> to vector<16xf32>
        %get3A_771 = arith.constant 1 : i32
        %get3A_772 = arith.index_cast %get3A_771 : i32 to index
        %get3A_773 = arith.index_cast %scan3A_678 : i32 to index
        %get3A_774 = arith.index_cast %mul3A_764 : i32 to index
        %get3A_775 = tpu.vector_load %arg7[%get3A_772, %get3A_773, %get3A_774] {strides = array<i32>} : memref<2x16x1024xf32, #tpu.memory_space<vmem>>, vector<1x1x16xf32>,
        %get3A_776 = vector.shape_cast %get3A_775 : vector<1x1x16xf32> to vector<16xf32>
        %add3A_777 = arith.addf %get3A_770, %get3A_776 : vector<16xf32>
        %swap3A_778 = arith.constant 1 : i32
        %swap3A_779 = arith.index_cast %swap3A_778 : i32 to index
        %swap3A_780 = arith.index_cast %scan3A_678 : i32 to index
        %swap3A_781 = arith.index_cast %mul3A_764 : i32 to index
        %swap3A_782 = tpu.vector_load %arg6[%swap3A_779, %swap3A_780, %swap3A_781] {strides = array<i32>} : memref<2x16x1024xf32, #tpu.memory_space<vmem>>, vector<1x1x16xf32>,
        %swap3A_783 = vector.shape_cast %swap3A_782 : vector<1x1x16xf32> to vector<16xf32>
        %swap3A_784 = vector.shape_cast %add3A_777 : vector<16xf32> to vector<1x1x16xf32>
        tpu.vector_store %arg6[%swap3A_779, %swap3A_780, %swap3A_781], %swap3A_784 {strides = array<i32>} : memref<2x16x1024xf32, #tpu.memory_space<vmem>>, vector<1x1x16xf32>,
        %scan3A_785 = arith.constant 0 : i32
        scf.yield %scan3A_785 : i32
      }
      %scan3A_686 = arith.constant 64 : i32
      %scan3A_687 = arith.constant 0 : i32
      scf.yield %scan3A_687 : i32
    }
    %scan3A_331 = arith.constant 16 : i32
    %mul3A_332 = arith.constant 128 : i32
    %mul3A_333 = arith.muli %add3A, %mul3A_332 : i32
    %add3A_334 = arith.constant 48 : i32
    %add3A_335 = arith.addi %mul3A_333, %add3A_334 : i32
    %dma_start3A_336 = arith.constant 1 : i32
    %dma_start3A_337 = arith.constant 0 : i32
    %dma_start3A_338 = arith.constant 0 : i32
    %dma_start3A_339 = tpu.memref_slice %arg6[%dma_start3A_336, %dma_start3A_337, %dma_start3A_338] : memref<2x16x1024xf32, #tpu.memory_space<vmem>> -> memref<1x16x1024xf32, #tpu.memory_space<vmem>>
    %dma_start3A_340 = tpu.memref_squeeze %dma_start3A_339 : memref<1x16x1024xf32, #tpu.memory_space<vmem>> -> memref<16x1024xf32, #tpu.memory_space<vmem>>
    %dma_start3A_341 = arith.constant 0 : i32
    %dma_start3A_342 = tpu.memref_slice %arg4[%add3A_335, %dma_start3A_341] : memref<4096x1024xf32, #tpu.memory_space<hbm>> -> memref<16x1024xf32, #tpu.memory_space<hbm>>
    %dma_start3A_343 = arith.constant 0 : i32
    %dma_start3A_344 = tpu.memref_slice %arg4[%add3A_335, %dma_start3A_343] : memref<4096x1024xf32, #tpu.memory_space<hbm>> -> memref<16x1024xf32, #tpu.memory_space<hbm>>
    %dma_start3A_345 = arith.constant 0 : i32
    %dma_start3A_346 = arith.constant 0 : i32
    %dma_start3A_347 = tpu.memref_slice %arg6[%dma_start3A_336, %dma_start3A_345, %dma_start3A_346] : memref<2x16x1024xf32, #tpu.memory_space<vmem>> -> memref<1x16x1024xf32, #tpu.memory_space<vmem>>
    %dma_start3A_348 = tpu.memref_squeeze %dma_start3A_347 : memref<1x16x1024xf32, #tpu.memory_space<vmem>> -> memref<16x1024xf32, #tpu.memory_space<vmem>>
    tpu.enqueue_dma source(%dma_start3A_348 : memref<16x1024xf32, #tpu.memory_space<vmem>>) target(%dma_start3A_344 : memref<16x1024xf32, #tpu.memory_space<hbm>>) target_semaphore(%arg10 : memref<!tpu.dma_semaphore, #tpu.memory_space<semaphore_mem>>)
    %dma_wait3A_349 = arith.constant 8 : i32
    %dma_wait3A_350 = arith.constant 0 : i32
    %dma_wait3A_351 = arith.constant 0 : i32
    %dma_wait3A_352 = arith.constant 0 : i32
    %dma_wait3A_353 = tpu.memref_slice %arg6[%dma_wait3A_350, %dma_wait3A_351, %dma_wait3A_352] : memref<2x16x1024xf32, #tpu.memory_space<vmem>> -> memref<1x16x1024xf32, #tpu.memory_space<vmem>>
    %dma_wait3A_354 = tpu.memref_squeeze %dma_wait3A_353 : memref<1x16x1024xf32, #tpu.memory_space<vmem>> -> memref<16x1024xf32, #tpu.memory_space<vmem>>
    %dma_wait3A_355 = arith.constant 0 : i32
    %dma_wait3A_356 = tpu.memref_slice %arg5[%dma_wait3A_349, %dma_wait3A_355] : memref<16x16xi32, #tpu.memory_space<vmem>> -> memref<1x16xi32, #tpu.memory_space<vmem>>
    %dma_wait3A_357 = tpu.memref_squeeze %dma_wait3A_356 : memref<1x16xi32, #tpu.memory_space<vmem>> -> memref<16xi32, #tpu.memory_space<vmem>>
    %dma_wait3A_358 = arith.constant 0 : i32
    %dma_wait3A_359 = arith.constant 0 : i32
    %dma_wait3A_360 = tpu.memref_slice %arg2[%dma_wait3A_358, %dma_wait3A_359] : memref<12288x1024xf32, #tpu.memory_space<hbm>> -> memref<12288x1024xf32, #tpu.memory_space<hbm>>
    tpu.wait_indirect_dma semaphore(%arg8 : memref<!tpu.dma_semaphore, #tpu.memory_space<semaphore_mem>>) src(%dma_wait3A_360 : memref<12288x1024xf32, #tpu.memory_space<hbm>>) dst(%dma_wait3A_354 : memref<16x1024xf32, #tpu.memory_space<vmem>>)
    %dma_wait3A_361 = arith.constant 9 : i32
    %dma_wait3A_362 = arith.constant 0 : i32
    %dma_wait3A_363 = arith.constant 0 : i32
    %dma_wait3A_364 = arith.constant 0 : i32
    %dma_wait3A_365 = tpu.memref_slice %arg7[%dma_wait3A_362, %dma_wait3A_363, %dma_wait3A_364] : memref<2x16x1024xf32, #tpu.memory_space<vmem>> -> memref<1x16x1024xf32, #tpu.memory_space<vmem>>
    %dma_wait3A_366 = tpu.memref_squeeze %dma_wait3A_365 : memref<1x16x1024xf32, #tpu.memory_space<vmem>> -> memref<16x1024xf32, #tpu.memory_space<vmem>>
    %dma_wait3A_367 = arith.constant 0 : i32
    %dma_wait3A_368 = tpu.memref_slice %arg5[%dma_wait3A_361, %dma_wait3A_367] : memref<16x16xi32, #tpu.memory_space<vmem>> -> memref<1x16xi32, #tpu.memory_space<vmem>>
    %dma_wait3A_369 = tpu.memref_squeeze %dma_wait3A_368 : memref<1x16xi32, #tpu.memory_space<vmem>> -> memref<16xi32, #tpu.memory_space<vmem>>
    %dma_wait3A_370 = arith.constant 0 : i32
    %dma_wait3A_371 = arith.constant 0 : i32
    %dma_wait3A_372 = tpu.memref_slice %arg2[%dma_wait3A_370, %dma_wait3A_371] : memref<12288x1024xf32, #tpu.memory_space<hbm>> -> memref<12288x1024xf32, #tpu.memory_space<hbm>>
    tpu.wait_indirect_dma semaphore(%arg8 : memref<!tpu.dma_semaphore, #tpu.memory_space<semaphore_mem>>) src(%dma_wait3A_372 : memref<12288x1024xf32, #tpu.memory_space<hbm>>) dst(%dma_wait3A_366 : memref<16x1024xf32, #tpu.memory_space<vmem>>)
    %dma_wait3A_373 = arith.constant 1 : i32
    %dma_wait3A_374 = arith.constant 0 : i32
    %dma_wait3A_375 = arith.constant 0 : i32
    %dma_wait3A_376 = tpu.memref_slice %arg6[%dma_wait3A_373, %dma_wait3A_374, %dma_wait3A_375] : memref<2x16x1024xf32, #tpu.memory_space<vmem>> -> memref<1x16x1024xf32, #tpu.memory_space<vmem>>
    %dma_wait3A_377 = tpu.memref_squeeze %dma_wait3A_376 : memref<1x16x1024xf32, #tpu.memory_space<vmem>> -> memref<16x1024xf32, #tpu.memory_space<vmem>>
    %dma_wait3A_378 = arith.constant 0 : i32
    %dma_wait3A_379 = tpu.memref_slice %arg4[%add3A_335, %dma_wait3A_378] : memref<4096x1024xf32, #tpu.memory_space<hbm>> -> memref<16x1024xf32, #tpu.memory_space<hbm>>
    %dma_wait3A_380 = arith.constant 0 : i32
    %dma_wait3A_381 = tpu.memref_slice %arg4[%add3A_335, %dma_wait3A_380] : memref<4096x1024xf32, #tpu.memory_space<hbm>> -> memref<16x1024xf32, #tpu.memory_space<hbm>>
    %dma_wait3A_382 = arith.constant 0 : i32
    %dma_wait3A_383 = arith.constant 0 : i32
    %dma_wait3A_384 = tpu.memref_slice %arg6[%dma_wait3A_373, %dma_wait3A_382, %dma_wait3A_383] : memref<2x16x1024xf32, #tpu.memory_space<vmem>> -> memref<1x16x1024xf32, #tpu.memory_space<vmem>>
    %dma_wait3A_385 = tpu.memref_squeeze %dma_wait3A_384 : memref<1x16x1024xf32, #tpu.memory_space<vmem>> -> memref<16x1024xf32, #tpu.memory_space<vmem>>
    tpu.wait_dma2 semaphore(%arg10 : memref<!tpu.dma_semaphore, #tpu.memory_space<semaphore_mem>>) src(%dma_wait3A_385 : memref<16x1024xf32, #tpu.memory_space<vmem>>) dst(%dma_wait3A_381 : memref<16x1024xf32, #tpu.memory_space<hbm>>)
    %dma_start3A_386 = arith.constant 10 : i32
    %dma_start3A_387 = arith.constant 1 : i32
    %dma_start3A_388 = arith.constant 0 : i32
    %dma_start3A_389 = arith.constant 0 : i32
    %dma_start3A_390 = tpu.memref_slice %arg6[%dma_start3A_387, %dma_start3A_388, %dma_start3A_389] : memref<2x16x1024xf32, #tpu.memory_space<vmem>> -> memref<1x16x1024xf32, #tpu.memory_space<vmem>>
    %dma_start3A_391 = tpu.memref_squeeze %dma_start3A_390 : memref<1x16x1024xf32, #tpu.memory_space<vmem>> -> memref<16x1024xf32, #tpu.memory_space<vmem>>
    %dma_start3A_392 = arith.constant 0 : i32
    %dma_start3A_393 = tpu.memref_slice %arg5[%dma_start3A_386, %dma_start3A_392] : memref<16x16xi32, #tpu.memory_space<vmem>> -> memref<1x16xi32, #tpu.memory_space<vmem>>
    %dma_start3A_394 = tpu.memref_squeeze %dma_start3A_393 : memref<1x16xi32, #tpu.memory_space<vmem>> -> memref<16xi32, #tpu.memory_space<vmem>>
    %dma_start3A_395 = arith.constant 0 : i32
    %dma_start3A_396 = arith.constant 0 : i32
    %dma_start3A_397 = tpu.memref_slice %arg2[%dma_start3A_395, %dma_start3A_396] : memref<12288x1024xf32, #tpu.memory_space<hbm>> -> memref<12288x1024xf32, #tpu.memory_space<hbm>>
    tpu.enqueue_indirect_dma source(%dma_start3A_397 : memref<12288x1024xf32, #tpu.memory_space<hbm>>) target(%dma_start3A_391 : memref<16x1024xf32, #tpu.memory_space<vmem>>) offsets(%dma_start3A_394 : memref<16xi32, #tpu.memory_space<vmem>>) semaphore(%arg8 : memref<!tpu.dma_semaphore, #tpu.memory_space<semaphore_mem>>)
    %dma_start3A_398 = arith.constant 11 : i32
    %dma_start3A_399 = arith.constant 1 : i32
    %dma_start3A_400 = arith.constant 0 : i32
    %dma_start3A_401 = arith.constant 0 : i32
    %dma_start3A_402 = tpu.memref_slice %arg7[%dma_start3A_399, %dma_start3A_400, %dma_start3A_401] : memref<2x16x1024xf32, #tpu.memory_space<vmem>> -> memref<1x16x1024xf32, #tpu.memory_space<vmem>>
    %dma_start3A_403 = tpu.memref_squeeze %dma_start3A_402 : memref<1x16x1024xf32, #tpu.memory_space<vmem>> -> memref<16x1024xf32, #tpu.memory_space<vmem>>
    %dma_start3A_404 = arith.constant 0 : i32
    %dma_start3A_405 = tpu.memref_slice %arg5[%dma_start3A_398, %dma_start3A_404] : memref<16x16xi32, #tpu.memory_space<vmem>> -> memref<1x16xi32, #tpu.memory_space<vmem>>
    %dma_start3A_406 = tpu.memref_squeeze %dma_start3A_405 : memref<1x16xi32, #tpu.memory_space<vmem>> -> memref<16xi32, #tpu.memory_space<vmem>>
    %dma_start3A_407 = arith.constant 0 : i32
    %dma_start3A_408 = arith.constant 0 : i32
    %dma_start3A_409 = tpu.memref_slice %arg2[%dma_start3A_407, %dma_start3A_408] : memref<12288x1024xf32, #tpu.memory_space<hbm>> -> memref<12288x1024xf32, #tpu.memory_space<hbm>>
    tpu.enqueue_indirect_dma source(%dma_start3A_409 : memref<12288x1024xf32, #tpu.memory_space<hbm>>) target(%dma_start3A_403 : memref<16x1024xf32, #tpu.memory_space<vmem>>) offsets(%dma_start3A_406 : memref<16xi32, #tpu.memory_space<vmem>>) semaphore(%arg8 : memref<!tpu.dma_semaphore, #tpu.memory_space<semaphore_mem>>)
    %scan3A_410 = arith.constant 0 : i32
    %scan3A_411 = arith.constant 0 : i32
    %scan3A_412 = arith.constant 16 : i32
    %scan3A_413 = arith.addi %scan3A_411, %scan3A_412 : i32
    %scan3A_414 = arith.constant 1 : i32
    %scan3A_415 = scf.for %scan3A_678 = %scan3A_411 to %scan3A_413 step %scan3A_414 iter_args(%scan3A_679 = %scan3A_410) -> (i32)  : i32 {
      %scan3A_680 = arith.constant 0 : i32
      %scan3A_681 = arith.constant 0 : i32
      %scan3A_682 = arith.constant 64 : i32
      %scan3A_683 = arith.addi %scan3A_681, %scan3A_682 : i32
      %scan3A_684 = arith.constant 4 : i32
      %scan3A_685 = scf.for %scan3A_688 = %scan3A_681 to %scan3A_683 step %scan3A_684 iter_args(%scan3A_689 = %scan3A_680) -> (i32)  : i32 {
        %mul3A_690 = arith.constant 16 : i32
        %mul3A_691 = arith.muli %scan3A_688, %mul3A_690 : i32
        %get3A = arith.constant 0 : i32
        %get3A_692 = arith.index_cast %get3A : i32 to index
        %get3A_693 = arith.index_cast %scan3A_678 : i32 to index
        %get3A_694 = arith.index_cast %mul3A_691 : i32 to index
        %get3A_695 = tpu.vector_load %arg6[%get3A_692, %get3A_693, %get3A_694] {strides = array<i32>} : memref<2x16x1024xf32, #tpu.memory_space<vmem>>, vector<1x1x16xf32>,
        %get3A_696 = vector.shape_cast %get3A_695 : vector<1x1x16xf32> to vector<16xf32>
        %get3A_697 = arith.constant 0 : i32
        %get3A_698 = arith.index_cast %get3A_697 : i32 to index
        %get3A_699 = arith.index_cast %scan3A_678 : i32 to index
        %get3A_700 = arith.index_cast %mul3A_691 : i32 to index
        %get3A_701 = tpu.vector_load %arg7[%get3A_698, %get3A_699, %get3A_700] {strides = array<i32>} : memref<2x16x1024xf32, #tpu.memory_space<vmem>>, vector<1x1x16xf32>,
        %get3A_702 = vector.shape_cast %get3A_701 : vector<1x1x16xf32> to vector<16xf32>
        %add3A_703 = arith.addf %get3A_696, %get3A_702 : vector<16xf32>
        %swap3A = arith.constant 0 : i32
        %swap3A_704 = arith.index_cast %swap3A : i32 to index
        %swap3A_705 = arith.index_cast %scan3A_678 : i32 to index
        %swap3A_706 = arith.index_cast %mul3A_691 : i32 to index
        %swap3A_707 = tpu.vector_load %arg6[%swap3A_704, %swap3A_705, %swap3A_706] {strides = array<i32>} : memref<2x16x1024xf32, #tpu.memory_space<vmem>>, vector<1x1x16xf32>,
        %swap3A_708 = vector.shape_cast %swap3A_707 : vector<1x1x16xf32> to vector<16xf32>
        %swap3A_709 = vector.shape_cast %add3A_703 : vector<16xf32> to vector<1x1x16xf32>
        tpu.vector_store %arg6[%swap3A_704, %swap3A_705, %swap3A_706], %swap3A_709 {strides = array<i32>} : memref<2x16x1024xf32, #tpu.memory_space<vmem>>, vector<1x1x16xf32>,
        %scan3A_710 = arith.constant 0 : i32
        %scan3A_711 = arith.constant 1 : i32
        %scan3A_712 = arith.addi %scan3A_688, %scan3A_711 : i32
        %mul3A_713 = arith.constant 16 : i32
        %mul3A_714 = arith.muli %scan3A_712, %mul3A_713 : i32
        %get3A_715 = arith.constant 0 : i32
        %get3A_716 = arith.index_cast %get3A_715 : i32 to index
        %get3A_717 = arith.index_cast %scan3A_678 : i32 to index
        %get3A_718 = arith.index_cast %mul3A_714 : i32 to index
        %get3A_719 = tpu.vector_load %arg6[%get3A_716, %get3A_717, %get3A_718] {strides = array<i32>} : memref<2x16x1024xf32, #tpu.memory_space<vmem>>, vector<1x1x16xf32>,
        %get3A_720 = vector.shape_cast %get3A_719 : vector<1x1x16xf32> to vector<16xf32>
        %get3A_721 = arith.constant 0 : i32
        %get3A_722 = arith.index_cast %get3A_721 : i32 to index
        %get3A_723 = arith.index_cast %scan3A_678 : i32 to index
        %get3A_724 = arith.index_cast %mul3A_714 : i32 to index
        %get3A_725 = tpu.vector_load %arg7[%get3A_722, %get3A_723, %get3A_724] {strides = array<i32>} : memref<2x16x1024xf32, #tpu.memory_space<vmem>>, vector<1x1x16xf32>,
        %get3A_726 = vector.shape_cast %get3A_725 : vector<1x1x16xf32> to vector<16xf32>
        %add3A_727 = arith.addf %get3A_720, %get3A_726 : vector<16xf32>
        %swap3A_728 = arith.constant 0 : i32
        %swap3A_729 = arith.index_cast %swap3A_728 : i32 to index
        %swap3A_730 = arith.index_cast %scan3A_678 : i32 to index
        %swap3A_731 = arith.index_cast %mul3A_714 : i32 to index
        %swap3A_732 = tpu.vector_load %arg6[%swap3A_729, %swap3A_730, %swap3A_731] {strides = array<i32>} : memref<2x16x1024xf32, #tpu.memory_space<vmem>>, vector<1x1x16xf32>,
        %swap3A_733 = vector.shape_cast %swap3A_732 : vector<1x1x16xf32> to vector<16xf32>
        %swap3A_734 = vector.shape_cast %add3A_727 : vector<16xf32> to vector<1x1x16xf32>
        tpu.vector_store %arg6[%swap3A_729, %swap3A_730, %swap3A_731], %swap3A_734 {strides = array<i32>} : memref<2x16x1024xf32, #tpu.memory_space<vmem>>, vector<1x1x16xf32>,
        %scan3A_735 = arith.constant 0 : i32
        %scan3A_736 = arith.constant 2 : i32
        %scan3A_737 = arith.addi %scan3A_688, %scan3A_736 : i32
        %mul3A_738 = arith.constant 16 : i32
        %mul3A_739 = arith.muli %scan3A_737, %mul3A_738 : i32
        %get3A_740 = arith.constant 0 : i32
        %get3A_741 = arith.index_cast %get3A_740 : i32 to index
        %get3A_742 = arith.index_cast %scan3A_678 : i32 to index
        %get3A_743 = arith.index_cast %mul3A_739 : i32 to index
        %get3A_744 = tpu.vector_load %arg6[%get3A_741, %get3A_742, %get3A_743] {strides = array<i32>} : memref<2x16x1024xf32, #tpu.memory_space<vmem>>, vector<1x1x16xf32>,
        %get3A_745 = vector.shape_cast %get3A_744 : vector<1x1x16xf32> to vector<16xf32>
        %get3A_746 = arith.constant 0 : i32
        %get3A_747 = arith.index_cast %get3A_746 : i32 to index
        %get3A_748 = arith.index_cast %scan3A_678 : i32 to index
        %get3A_749 = arith.index_cast %mul3A_739 : i32 to index
        %get3A_750 = tpu.vector_load %arg7[%get3A_747, %get3A_748, %get3A_749] {strides = array<i32>} : memref<2x16x1024xf32, #tpu.memory_space<vmem>>, vector<1x1x16xf32>,
        %get3A_751 = vector.shape_cast %get3A_750 : vector<1x1x16xf32> to vector<16xf32>
        %add3A_752 = arith.addf %get3A_745, %get3A_751 : vector<16xf32>
        %swap3A_753 = arith.constant 0 : i32
        %swap3A_754 = arith.index_cast %swap3A_753 : i32 to index
        %swap3A_755 = arith.index_cast %scan3A_678 : i32 to index
        %swap3A_756 = arith.index_cast %mul3A_739 : i32 to index
        %swap3A_757 = tpu.vector_load %arg6[%swap3A_754, %swap3A_755, %swap3A_756] {strides = array<i32>} : memref<2x16x1024xf32, #tpu.memory_space<vmem>>, vector<1x1x16xf32>,
        %swap3A_758 = vector.shape_cast %swap3A_757 : vector<1x1x16xf32> to vector<16xf32>
        %swap3A_759 = vector.shape_cast %add3A_752 : vector<16xf32> to vector<1x1x16xf32>
        tpu.vector_store %arg6[%swap3A_754, %swap3A_755, %swap3A_756], %swap3A_759 {strides = array<i32>} : memref<2x16x1024xf32, #tpu.memory_space<vmem>>, vector<1x1x16xf32>,
        %scan3A_760 = arith.constant 0 : i32
        %scan3A_761 = arith.constant 3 : i32
        %scan3A_762 = arith.addi %scan3A_688, %scan3A_761 : i32
        %mul3A_763 = arith.constant 16 : i32
        %mul3A_764 = arith.muli %scan3A_762, %mul3A_763 : i32
        %get3A_765 = arith.constant 0 : i32
        %get3A_766 = arith.index_cast %get3A_765 : i32 to index
        %get3A_767 = arith.index_cast %scan3A_678 : i32 to index
        %get3A_768 = arith.index_cast %mul3A_764 : i32 to index
        %get3A_769 = tpu.vector_load %arg6[%get3A_766, %get3A_767, %get3A_768] {strides = array<i32>} : memref<2x16x1024xf32, #tpu.memory_space<vmem>>, vector<1x1x16xf32>,
        %get3A_770 = vector.shape_cast %get3A_769 : vector<1x1x16xf32> to vector<16xf32>
        %get3A_771 = arith.constant 0 : i32
        %get3A_772 = arith.index_cast %get3A_771 : i32 to index
        %get3A_773 = arith.index_cast %scan3A_678 : i32 to index
        %get3A_774 = arith.index_cast %mul3A_764 : i32 to index
        %get3A_775 = tpu.vector_load %arg7[%get3A_772, %get3A_773, %get3A_774] {strides = array<i32>} : memref<2x16x1024xf32, #tpu.memory_space<vmem>>, vector<1x1x16xf32>,
        %get3A_776 = vector.shape_cast %get3A_775 : vector<1x1x16xf32> to vector<16xf32>
        %add3A_777 = arith.addf %get3A_770, %get3A_776 : vector<16xf32>
        %swap3A_778 = arith.constant 0 : i32
        %swap3A_779 = arith.index_cast %swap3A_778 : i32 to index
        %swap3A_780 = arith.index_cast %scan3A_678 : i32 to index
        %swap3A_781 = arith.index_cast %mul3A_764 : i32 to index
        %swap3A_782 = tpu.vector_load %arg6[%swap3A_779, %swap3A_780, %swap3A_781] {strides = array<i32>} : memref<2x16x1024xf32, #tpu.memory_space<vmem>>, vector<1x1x16xf32>,
        %swap3A_783 = vector.shape_cast %swap3A_782 : vector<1x1x16xf32> to vector<16xf32>
        %swap3A_784 = vector.shape_cast %add3A_777 : vector<16xf32> to vector<1x1x16xf32>
        tpu.vector_store %arg6[%swap3A_779, %swap3A_780, %swap3A_781], %swap3A_784 {strides = array<i32>} : memref<2x16x1024xf32, #tpu.memory_space<vmem>>, vector<1x1x16xf32>,
        %scan3A_785 = arith.constant 0 : i32
        scf.yield %scan3A_785 : i32
      }
      %scan3A_686 = arith.constant 64 : i32
      %scan3A_687 = arith.constant 0 : i32
      scf.yield %scan3A_687 : i32
    }
    %scan3A_416 = arith.constant 16 : i32
    %mul3A_417 = arith.constant 128 : i32
    %mul3A_418 = arith.muli %add3A, %mul3A_417 : i32
    %add3A_419 = arith.constant 64 : i32
    %add3A_420 = arith.addi %mul3A_418, %add3A_419 : i32
    %dma_start3A_421 = arith.constant 0 : i32
    %dma_start3A_422 = arith.constant 0 : i32
    %dma_start3A_423 = arith.constant 0 : i32
    %dma_start3A_424 = tpu.memref_slice %arg6[%dma_start3A_421, %dma_start3A_422, %dma_start3A_423] : memref<2x16x1024xf32, #tpu.memory_space<vmem>> -> memref<1x16x1024xf32, #tpu.memory_space<vmem>>
    %dma_start3A_425 = tpu.memref_squeeze %dma_start3A_424 : memref<1x16x1024xf32, #tpu.memory_space<vmem>> -> memref<16x1024xf32, #tpu.memory_space<vmem>>
    %dma_start3A_426 = arith.constant 0 : i32
    %dma_start3A_427 = tpu.memref_slice %arg4[%add3A_420, %dma_start3A_426] : memref<4096x1024xf32, #tpu.memory_space<hbm>> -> memref<16x1024xf32, #tpu.memory_space<hbm>>
    %dma_start3A_428 = arith.constant 0 : i32
    %dma_start3A_429 = tpu.memref_slice %arg4[%add3A_420, %dma_start3A_428] : memref<4096x1024xf32, #tpu.memory_space<hbm>> -> memref<16x1024xf32, #tpu.memory_space<hbm>>
    %dma_start3A_430 = arith.constant 0 : i32
    %dma_start3A_431 = arith.constant 0 : i32
    %dma_start3A_432 = tpu.memref_slice %arg6[%dma_start3A_421, %dma_start3A_430, %dma_start3A_431] : memref<2x16x1024xf32, #tpu.memory_space<vmem>> -> memref<1x16x1024xf32, #tpu.memory_space<vmem>>
    %dma_start3A_433 = tpu.memref_squeeze %dma_start3A_432 : memref<1x16x1024xf32, #tpu.memory_space<vmem>> -> memref<16x1024xf32, #tpu.memory_space<vmem>>
    tpu.enqueue_dma source(%dma_start3A_433 : memref<16x1024xf32, #tpu.memory_space<vmem>>) target(%dma_start3A_429 : memref<16x1024xf32, #tpu.memory_space<hbm>>) target_semaphore(%arg9 : memref<!tpu.dma_semaphore, #tpu.memory_space<semaphore_mem>>)
    %dma_wait3A_434 = arith.constant 10 : i32
    %dma_wait3A_435 = arith.constant 1 : i32
    %dma_wait3A_436 = arith.constant 0 : i32
    %dma_wait3A_437 = arith.constant 0 : i32
    %dma_wait3A_438 = tpu.memref_slice %arg6[%dma_wait3A_435, %dma_wait3A_436, %dma_wait3A_437] : memref<2x16x1024xf32, #tpu.memory_space<vmem>> -> memref<1x16x1024xf32, #tpu.memory_space<vmem>>
    %dma_wait3A_439 = tpu.memref_squeeze %dma_wait3A_438 : memref<1x16x1024xf32, #tpu.memory_space<vmem>> -> memref<16x1024xf32, #tpu.memory_space<vmem>>
    %dma_wait3A_440 = arith.constant 0 : i32
    %dma_wait3A_441 = tpu.memref_slice %arg5[%dma_wait3A_434, %dma_wait3A_440] : memref<16x16xi32, #tpu.memory_space<vmem>> -> memref<1x16xi32, #tpu.memory_space<vmem>>
    %dma_wait3A_442 = tpu.memref_squeeze %dma_wait3A_441 : memref<1x16xi32, #tpu.memory_space<vmem>> -> memref<16xi32, #tpu.memory_space<vmem>>
    %dma_wait3A_443 = arith.constant 0 : i32
    %dma_wait3A_444 = arith.constant 0 : i32
    %dma_wait3A_445 = tpu.memref_slice %arg2[%dma_wait3A_443, %dma_wait3A_444] : memref<12288x1024xf32, #tpu.memory_space<hbm>> -> memref<12288x1024xf32, #tpu.memory_space<hbm>>
    tpu.wait_indirect_dma semaphore(%arg8 : memref<!tpu.dma_semaphore, #tpu.memory_space<semaphore_mem>>) src(%dma_wait3A_445 : memref<12288x1024xf32, #tpu.memory_space<hbm>>) dst(%dma_wait3A_439 : memref<16x1024xf32, #tpu.memory_space<vmem>>)
    %dma_wait3A_446 = arith.constant 11 : i32
    %dma_wait3A_447 = arith.constant 1 : i32
    %dma_wait3A_448 = arith.constant 0 : i32
    %dma_wait3A_449 = arith.constant 0 : i32
    %dma_wait3A_450 = tpu.memref_slice %arg7[%dma_wait3A_447, %dma_wait3A_448, %dma_wait3A_449] : memref<2x16x1024xf32, #tpu.memory_space<vmem>> -> memref<1x16x1024xf32, #tpu.memory_space<vmem>>
    %dma_wait3A_451 = tpu.memref_squeeze %dma_wait3A_450 : memref<1x16x1024xf32, #tpu.memory_space<vmem>> -> memref<16x1024xf32, #tpu.memory_space<vmem>>
    %dma_wait3A_452 = arith.constant 0 : i32
    %dma_wait3A_453 = tpu.memref_slice %arg5[%dma_wait3A_446, %dma_wait3A_452] : memref<16x16xi32, #tpu.memory_space<vmem>> -> memref<1x16xi32, #tpu.memory_space<vmem>>
    %dma_wait3A_454 = tpu.memref_squeeze %dma_wait3A_453 : memref<1x16xi32, #tpu.memory_space<vmem>> -> memref<16xi32, #tpu.memory_space<vmem>>
    %dma_wait3A_455 = arith.constant 0 : i32
    %dma_wait3A_456 = arith.constant 0 : i32
    %dma_wait3A_457 = tpu.memref_slice %arg2[%dma_wait3A_455, %dma_wait3A_456] : memref<12288x1024xf32, #tpu.memory_space<hbm>> -> memref<12288x1024xf32, #tpu.memory_space<hbm>>
    tpu.wait_indirect_dma semaphore(%arg8 : memref<!tpu.dma_semaphore, #tpu.memory_space<semaphore_mem>>) src(%dma_wait3A_457 : memref<12288x1024xf32, #tpu.memory_space<hbm>>) dst(%dma_wait3A_451 : memref<16x1024xf32, #tpu.memory_space<vmem>>)
    %dma_wait3A_458 = arith.constant 0 : i32
    %dma_wait3A_459 = arith.constant 0 : i32
    %dma_wait3A_460 = arith.constant 0 : i32
    %dma_wait3A_461 = tpu.memref_slice %arg6[%dma_wait3A_458, %dma_wait3A_459, %dma_wait3A_460] : memref<2x16x1024xf32, #tpu.memory_space<vmem>> -> memref<1x16x1024xf32, #tpu.memory_space<vmem>>
    %dma_wait3A_462 = tpu.memref_squeeze %dma_wait3A_461 : memref<1x16x1024xf32, #tpu.memory_space<vmem>> -> memref<16x1024xf32, #tpu.memory_space<vmem>>
    %dma_wait3A_463 = arith.constant 0 : i32
    %dma_wait3A_464 = tpu.memref_slice %arg4[%add3A_420, %dma_wait3A_463] : memref<4096x1024xf32, #tpu.memory_space<hbm>> -> memref<16x1024xf32, #tpu.memory_space<hbm>>
    %dma_wait3A_465 = arith.constant 0 : i32
    %dma_wait3A_466 = tpu.memref_slice %arg4[%add3A_420, %dma_wait3A_465] : memref<4096x1024xf32, #tpu.memory_space<hbm>> -> memref<16x1024xf32, #tpu.memory_space<hbm>>
    %dma_wait3A_467 = arith.constant 0 : i32
    %dma_wait3A_468 = arith.constant 0 : i32
    %dma_wait3A_469 = tpu.memref_slice %arg6[%dma_wait3A_458, %dma_wait3A_467, %dma_wait3A_468] : memref<2x16x1024xf32, #tpu.memory_space<vmem>> -> memref<1x16x1024xf32, #tpu.memory_space<vmem>>
    %dma_wait3A_470 = tpu.memref_squeeze %dma_wait3A_469 : memref<1x16x1024xf32, #tpu.memory_space<vmem>> -> memref<16x1024xf32, #tpu.memory_space<vmem>>
    tpu.wait_dma2 semaphore(%arg9 : memref<!tpu.dma_semaphore, #tpu.memory_space<semaphore_mem>>) src(%dma_wait3A_470 : memref<16x1024xf32, #tpu.memory_space<vmem>>) dst(%dma_wait3A_466 : memref<16x1024xf32, #tpu.memory_space<hbm>>)
    %dma_start3A_471 = arith.constant 12 : i32
    %dma_start3A_472 = arith.constant 0 : i32
    %dma_start3A_473 = arith.constant 0 : i32
    %dma_start3A_474 = arith.constant 0 : i32
    %dma_start3A_475 = tpu.memref_slice %arg6[%dma_start3A_472, %dma_start3A_473, %dma_start3A_474] : memref<2x16x1024xf32, #tpu.memory_space<vmem>> -> memref<1x16x1024xf32, #tpu.memory_space<vmem>>
    %dma_start3A_476 = tpu.memref_squeeze %dma_start3A_475 : memref<1x16x1024xf32, #tpu.memory_space<vmem>> -> memref<16x1024xf32, #tpu.memory_space<vmem>>
    %dma_start3A_477 = arith.constant 0 : i32
    %dma_start3A_478 = tpu.memref_slice %arg5[%dma_start3A_471, %dma_start3A_477] : memref<16x16xi32, #tpu.memory_space<vmem>> -> memref<1x16xi32, #tpu.memory_space<vmem>>
    %dma_start3A_479 = tpu.memref_squeeze %dma_start3A_478 : memref<1x16xi32, #tpu.memory_space<vmem>> -> memref<16xi32, #tpu.memory_space<vmem>>
    %dma_start3A_480 = arith.constant 0 : i32
    %dma_start3A_481 = arith.constant 0 : i32
    %dma_start3A_482 = tpu.memref_slice %arg2[%dma_start3A_480, %dma_start3A_481] : memref<12288x1024xf32, #tpu.memory_space<hbm>> -> memref<12288x1024xf32, #tpu.memory_space<hbm>>
    tpu.enqueue_indirect_dma source(%dma_start3A_482 : memref<12288x1024xf32, #tpu.memory_space<hbm>>) target(%dma_start3A_476 : memref<16x1024xf32, #tpu.memory_space<vmem>>) offsets(%dma_start3A_479 : memref<16xi32, #tpu.memory_space<vmem>>) semaphore(%arg8 : memref<!tpu.dma_semaphore, #tpu.memory_space<semaphore_mem>>)
    %dma_start3A_483 = arith.constant 13 : i32
    %dma_start3A_484 = arith.constant 0 : i32
    %dma_start3A_485 = arith.constant 0 : i32
    %dma_start3A_486 = arith.constant 0 : i32
    %dma_start3A_487 = tpu.memref_slice %arg7[%dma_start3A_484, %dma_start3A_485, %dma_start3A_486] : memref<2x16x1024xf32, #tpu.memory_space<vmem>> -> memref<1x16x1024xf32, #tpu.memory_space<vmem>>
    %dma_start3A_488 = tpu.memref_squeeze %dma_start3A_487 : memref<1x16x1024xf32, #tpu.memory_space<vmem>> -> memref<16x1024xf32, #tpu.memory_space<vmem>>
    %dma_start3A_489 = arith.constant 0 : i32
    %dma_start3A_490 = tpu.memref_slice %arg5[%dma_start3A_483, %dma_start3A_489] : memref<16x16xi32, #tpu.memory_space<vmem>> -> memref<1x16xi32, #tpu.memory_space<vmem>>
    %dma_start3A_491 = tpu.memref_squeeze %dma_start3A_490 : memref<1x16xi32, #tpu.memory_space<vmem>> -> memref<16xi32, #tpu.memory_space<vmem>>
    %dma_start3A_492 = arith.constant 0 : i32
    %dma_start3A_493 = arith.constant 0 : i32
    %dma_start3A_494 = tpu.memref_slice %arg2[%dma_start3A_492, %dma_start3A_493] : memref<12288x1024xf32, #tpu.memory_space<hbm>> -> memref<12288x1024xf32, #tpu.memory_space<hbm>>
    tpu.enqueue_indirect_dma source(%dma_start3A_494 : memref<12288x1024xf32, #tpu.memory_space<hbm>>) target(%dma_start3A_488 : memref<16x1024xf32, #tpu.memory_space<vmem>>) offsets(%dma_start3A_491 : memref<16xi32, #tpu.memory_space<vmem>>) semaphore(%arg8 : memref<!tpu.dma_semaphore, #tpu.memory_space<semaphore_mem>>)
    %scan3A_495 = arith.constant 0 : i32
    %scan3A_496 = arith.constant 0 : i32
    %scan3A_497 = arith.constant 16 : i32
    %scan3A_498 = arith.addi %scan3A_496, %scan3A_497 : i32
    %scan3A_499 = arith.constant 1 : i32
    %scan3A_500 = scf.for %scan3A_678 = %scan3A_496 to %scan3A_498 step %scan3A_499 iter_args(%scan3A_679 = %scan3A_495) -> (i32)  : i32 {
      %scan3A_680 = arith.constant 0 : i32
      %scan3A_681 = arith.constant 0 : i32
      %scan3A_682 = arith.constant 64 : i32
      %scan3A_683 = arith.addi %scan3A_681, %scan3A_682 : i32
      %scan3A_684 = arith.constant 4 : i32
      %scan3A_685 = scf.for %scan3A_688 = %scan3A_681 to %scan3A_683 step %scan3A_684 iter_args(%scan3A_689 = %scan3A_680) -> (i32)  : i32 {
        %mul3A_690 = arith.constant 16 : i32
        %mul3A_691 = arith.muli %scan3A_688, %mul3A_690 : i32
        %get3A = arith.constant 1 : i32
        %get3A_692 = arith.index_cast %get3A : i32 to index
        %get3A_693 = arith.index_cast %scan3A_678 : i32 to index
        %get3A_694 = arith.index_cast %mul3A_691 : i32 to index
        %get3A_695 = tpu.vector_load %arg6[%get3A_692, %get3A_693, %get3A_694] {strides = array<i32>} : memref<2x16x1024xf32, #tpu.memory_space<vmem>>, vector<1x1x16xf32>,
        %get3A_696 = vector.shape_cast %get3A_695 : vector<1x1x16xf32> to vector<16xf32>
        %get3A_697 = arith.constant 1 : i32
        %get3A_698 = arith.index_cast %get3A_697 : i32 to index
        %get3A_699 = arith.index_cast %scan3A_678 : i32 to index
        %get3A_700 = arith.index_cast %mul3A_691 : i32 to index
        %get3A_701 = tpu.vector_load %arg7[%get3A_698, %get3A_699, %get3A_700] {strides = array<i32>} : memref<2x16x1024xf32, #tpu.memory_space<vmem>>, vector<1x1x16xf32>,
        %get3A_702 = vector.shape_cast %get3A_701 : vector<1x1x16xf32> to vector<16xf32>
        %add3A_703 = arith.addf %get3A_696, %get3A_702 : vector<16xf32>
        %swap3A = arith.constant 1 : i32
        %swap3A_704 = arith.index_cast %swap3A : i32 to index
        %swap3A_705 = arith.index_cast %scan3A_678 : i32 to index
        %swap3A_706 = arith.index_cast %mul3A_691 : i32 to index
        %swap3A_707 = tpu.vector_load %arg6[%swap3A_704, %swap3A_705, %swap3A_706] {strides = array<i32>} : memref<2x16x1024xf32, #tpu.memory_space<vmem>>, vector<1x1x16xf32>,
        %swap3A_708 = vector.shape_cast %swap3A_707 : vector<1x1x16xf32> to vector<16xf32>
        %swap3A_709 = vector.shape_cast %add3A_703 : vector<16xf32> to vector<1x1x16xf32>
        tpu.vector_store %arg6[%swap3A_704, %swap3A_705, %swap3A_706], %swap3A_709 {strides = array<i32>} : memref<2x16x1024xf32, #tpu.memory_space<vmem>>, vector<1x1x16xf32>,
        %scan3A_710 = arith.constant 0 : i32
        %scan3A_711 = arith.constant 1 : i32
        %scan3A_712 = arith.addi %scan3A_688, %scan3A_711 : i32
        %mul3A_713 = arith.constant 16 : i32
        %mul3A_714 = arith.muli %scan3A_712, %mul3A_713 : i32
        %get3A_715 = arith.constant 1 : i32
        %get3A_716 = arith.index_cast %get3A_715 : i32 to index
        %get3A_717 = arith.index_cast %scan3A_678 : i32 to index
        %get3A_718 = arith.index_cast %mul3A_714 : i32 to index
        %get3A_719 = tpu.vector_load %arg6[%get3A_716, %get3A_717, %get3A_718] {strides = array<i32>} : memref<2x16x1024xf32, #tpu.memory_space<vmem>>, vector<1x1x16xf32>,
        %get3A_720 = vector.shape_cast %get3A_719 : vector<1x1x16xf32> to vector<16xf32>
        %get3A_721 = arith.constant 1 : i32
        %get3A_722 = arith.index_cast %get3A_721 : i32 to index
        %get3A_723 = arith.index_cast %scan3A_678 : i32 to index
        %get3A_724 = arith.index_cast %mul3A_714 : i32 to index
        %get3A_725 = tpu.vector_load %arg7[%get3A_722, %get3A_723, %get3A_724] {strides = array<i32>} : memref<2x16x1024xf32, #tpu.memory_space<vmem>>, vector<1x1x16xf32>,
        %get3A_726 = vector.shape_cast %get3A_725 : vector<1x1x16xf32> to vector<16xf32>
        %add3A_727 = arith.addf %get3A_720, %get3A_726 : vector<16xf32>
        %swap3A_728 = arith.constant 1 : i32
        %swap3A_729 = arith.index_cast %swap3A_728 : i32 to index
        %swap3A_730 = arith.index_cast %scan3A_678 : i32 to index
        %swap3A_731 = arith.index_cast %mul3A_714 : i32 to index
        %swap3A_732 = tpu.vector_load %arg6[%swap3A_729, %swap3A_730, %swap3A_731] {strides = array<i32>} : memref<2x16x1024xf32, #tpu.memory_space<vmem>>, vector<1x1x16xf32>,
        %swap3A_733 = vector.shape_cast %swap3A_732 : vector<1x1x16xf32> to vector<16xf32>
        %swap3A_734 = vector.shape_cast %add3A_727 : vector<16xf32> to vector<1x1x16xf32>
        tpu.vector_store %arg6[%swap3A_729, %swap3A_730, %swap3A_731], %swap3A_734 {strides = array<i32>} : memref<2x16x1024xf32, #tpu.memory_space<vmem>>, vector<1x1x16xf32>,
        %scan3A_735 = arith.constant 0 : i32
        %scan3A_736 = arith.constant 2 : i32
        %scan3A_737 = arith.addi %scan3A_688, %scan3A_736 : i32
        %mul3A_738 = arith.constant 16 : i32
        %mul3A_739 = arith.muli %scan3A_737, %mul3A_738 : i32
        %get3A_740 = arith.constant 1 : i32
        %get3A_741 = arith.index_cast %get3A_740 : i32 to index
        %get3A_742 = arith.index_cast %scan3A_678 : i32 to index
        %get3A_743 = arith.index_cast %mul3A_739 : i32 to index
        %get3A_744 = tpu.vector_load %arg6[%get3A_741, %get3A_742, %get3A_743] {strides = array<i32>} : memref<2x16x1024xf32, #tpu.memory_space<vmem>>, vector<1x1x16xf32>,
        %get3A_745 = vector.shape_cast %get3A_744 : vector<1x1x16xf32> to vector<16xf32>
        %get3A_746 = arith.constant 1 : i32
        %get3A_747 = arith.index_cast %get3A_746 : i32 to index
        %get3A_748 = arith.index_cast %scan3A_678 : i32 to index
        %get3A_749 = arith.index_cast %mul3A_739 : i32 to index
        %get3A_750 = tpu.vector_load %arg7[%get3A_747, %get3A_748, %get3A_749] {strides = array<i32>} : memref<2x16x1024xf32, #tpu.memory_space<vmem>>, vector<1x1x16xf32>,
        %get3A_751 = vector.shape_cast %get3A_750 : vector<1x1x16xf32> to vector<16xf32>
        %add3A_752 = arith.addf %get3A_745, %get3A_751 : vector<16xf32>
        %swap3A_753 = arith.constant 1 : i32
        %swap3A_754 = arith.index_cast %swap3A_753 : i32 to index
        %swap3A_755 = arith.index_cast %scan3A_678 : i32 to index
        %swap3A_756 = arith.index_cast %mul3A_739 : i32 to index
        %swap3A_757 = tpu.vector_load %arg6[%swap3A_754, %swap3A_755, %swap3A_756] {strides = array<i32>} : memref<2x16x1024xf32, #tpu.memory_space<vmem>>, vector<1x1x16xf32>,
        %swap3A_758 = vector.shape_cast %swap3A_757 : vector<1x1x16xf32> to vector<16xf32>
        %swap3A_759 = vector.shape_cast %add3A_752 : vector<16xf32> to vector<1x1x16xf32>
        tpu.vector_store %arg6[%swap3A_754, %swap3A_755, %swap3A_756], %swap3A_759 {strides = array<i32>} : memref<2x16x1024xf32, #tpu.memory_space<vmem>>, vector<1x1x16xf32>,
        %scan3A_760 = arith.constant 0 : i32
        %scan3A_761 = arith.constant 3 : i32
        %scan3A_762 = arith.addi %scan3A_688, %scan3A_761 : i32
        %mul3A_763 = arith.constant 16 : i32
        %mul3A_764 = arith.muli %scan3A_762, %mul3A_763 : i32
        %get3A_765 = arith.constant 1 : i32
        %get3A_766 = arith.index_cast %get3A_765 : i32 to index
        %get3A_767 = arith.index_cast %scan3A_678 : i32 to index
        %get3A_768 = arith.index_cast %mul3A_764 : i32 to index
        %get3A_769 = tpu.vector_load %arg6[%get3A_766, %get3A_767, %get3A_768] {strides = array<i32>} : memref<2x16x1024xf32, #tpu.memory_space<vmem>>, vector<1x1x16xf32>,
        %get3A_770 = vector.shape_cast %get3A_769 : vector<1x1x16xf32> to vector<16xf32>
        %get3A_771 = arith.constant 1 : i32
        %get3A_772 = arith.index_cast %get3A_771 : i32 to index
        %get3A_773 = arith.index_cast %scan3A_678 : i32 to index
        %get3A_774 = arith.index_cast %mul3A_764 : i32 to index
        %get3A_775 = tpu.vector_load %arg7[%get3A_772, %get3A_773, %get3A_774] {strides = array<i32>} : memref<2x16x1024xf32, #tpu.memory_space<vmem>>, vector<1x1x16xf32>,
        %get3A_776 = vector.shape_cast %get3A_775 : vector<1x1x16xf32> to vector<16xf32>
        %add3A_777 = arith.addf %get3A_770, %get3A_776 : vector<16xf32>
        %swap3A_778 = arith.constant 1 : i32
        %swap3A_779 = arith.index_cast %swap3A_778 : i32 to index
        %swap3A_780 = arith.index_cast %scan3A_678 : i32 to index
        %swap3A_781 = arith.index_cast %mul3A_764 : i32 to index
        %swap3A_782 = tpu.vector_load %arg6[%swap3A_779, %swap3A_780, %swap3A_781] {strides = array<i32>} : memref<2x16x1024xf32, #tpu.memory_space<vmem>>, vector<1x1x16xf32>,
        %swap3A_783 = vector.shape_cast %swap3A_782 : vector<1x1x16xf32> to vector<16xf32>
        %swap3A_784 = vector.shape_cast %add3A_777 : vector<16xf32> to vector<1x1x16xf32>
        tpu.vector_store %arg6[%swap3A_779, %swap3A_780, %swap3A_781], %swap3A_784 {strides = array<i32>} : memref<2x16x1024xf32, #tpu.memory_space<vmem>>, vector<1x1x16xf32>,
        %scan3A_785 = arith.constant 0 : i32
        scf.yield %scan3A_785 : i32
      }
      %scan3A_686 = arith.constant 64 : i32
      %scan3A_687 = arith.constant 0 : i32
      scf.yield %scan3A_687 : i32
    }
    %scan3A_501 = arith.constant 16 : i32
    %mul3A_502 = arith.constant 128 : i32
    %mul3A_503 = arith.muli %add3A, %mul3A_502 : i32
    %add3A_504 = arith.constant 80 : i32
    %add3A_505 = arith.addi %mul3A_503, %add3A_504 : i32
    %dma_start3A_506 = arith.constant 1 : i32
    %dma_start3A_507 = arith.constant 0 : i32
    %dma_start3A_508 = arith.constant 0 : i32
    %dma_start3A_509 = tpu.memref_slice %arg6[%dma_start3A_506, %dma_start3A_507, %dma_start3A_508] : memref<2x16x1024xf32, #tpu.memory_space<vmem>> -> memref<1x16x1024xf32, #tpu.memory_space<vmem>>
    %dma_start3A_510 = tpu.memref_squeeze %dma_start3A_509 : memref<1x16x1024xf32, #tpu.memory_space<vmem>> -> memref<16x1024xf32, #tpu.memory_space<vmem>>
    %dma_start3A_511 = arith.constant 0 : i32
    %dma_start3A_512 = tpu.memref_slice %arg4[%add3A_505, %dma_start3A_511] : memref<4096x1024xf32, #tpu.memory_space<hbm>> -> memref<16x1024xf32, #tpu.memory_space<hbm>>
    %dma_start3A_513 = arith.constant 0 : i32
    %dma_start3A_514 = tpu.memref_slice %arg4[%add3A_505, %dma_start3A_513] : memref<4096x1024xf32, #tpu.memory_space<hbm>> -> memref<16x1024xf32, #tpu.memory_space<hbm>>
    %dma_start3A_515 = arith.constant 0 : i32
    %dma_start3A_516 = arith.constant 0 : i32
    %dma_start3A_517 = tpu.memref_slice %arg6[%dma_start3A_506, %dma_start3A_515, %dma_start3A_516] : memref<2x16x1024xf32, #tpu.memory_space<vmem>> -> memref<1x16x1024xf32, #tpu.memory_space<vmem>>
    %dma_start3A_518 = tpu.memref_squeeze %dma_start3A_517 : memref<1x16x1024xf32, #tpu.memory_space<vmem>> -> memref<16x1024xf32, #tpu.memory_space<vmem>>
    tpu.enqueue_dma source(%dma_start3A_518 : memref<16x1024xf32, #tpu.memory_space<vmem>>) target(%dma_start3A_514 : memref<16x1024xf32, #tpu.memory_space<hbm>>) target_semaphore(%arg10 : memref<!tpu.dma_semaphore, #tpu.memory_space<semaphore_mem>>)
    %dma_wait3A_519 = arith.constant 12 : i32
    %dma_wait3A_520 = arith.constant 0 : i32
    %dma_wait3A_521 = arith.constant 0 : i32
    %dma_wait3A_522 = arith.constant 0 : i32
    %dma_wait3A_523 = tpu.memref_slice %arg6[%dma_wait3A_520, %dma_wait3A_521, %dma_wait3A_522] : memref<2x16x1024xf32, #tpu.memory_space<vmem>> -> memref<1x16x1024xf32, #tpu.memory_space<vmem>>
    %dma_wait3A_524 = tpu.memref_squeeze %dma_wait3A_523 : memref<1x16x1024xf32, #tpu.memory_space<vmem>> -> memref<16x1024xf32, #tpu.memory_space<vmem>>
    %dma_wait3A_525 = arith.constant 0 : i32
    %dma_wait3A_526 = tpu.memref_slice %arg5[%dma_wait3A_519, %dma_wait3A_525] : memref<16x16xi32, #tpu.memory_space<vmem>> -> memref<1x16xi32, #tpu.memory_space<vmem>>
    %dma_wait3A_527 = tpu.memref_squeeze %dma_wait3A_526 : memref<1x16xi32, #tpu.memory_space<vmem>> -> memref<16xi32, #tpu.memory_space<vmem>>
    %dma_wait3A_528 = arith.constant 0 : i32
    %dma_wait3A_529 = arith.constant 0 : i32
    %dma_wait3A_530 = tpu.memref_slice %arg2[%dma_wait3A_528, %dma_wait3A_529] : memref<12288x1024xf32, #tpu.memory_space<hbm>> -> memref<12288x1024xf32, #tpu.memory_space<hbm>>
    tpu.wait_indirect_dma semaphore(%arg8 : memref<!tpu.dma_semaphore, #tpu.memory_space<semaphore_mem>>) src(%dma_wait3A_530 : memref<12288x1024xf32, #tpu.memory_space<hbm>>) dst(%dma_wait3A_524 : memref<16x1024xf32, #tpu.memory_space<vmem>>)
    %dma_wait3A_531 = arith.constant 13 : i32
    %dma_wait3A_532 = arith.constant 0 : i32
    %dma_wait3A_533 = arith.constant 0 : i32
    %dma_wait3A_534 = arith.constant 0 : i32
    %dma_wait3A_535 = tpu.memref_slice %arg7[%dma_wait3A_532, %dma_wait3A_533, %dma_wait3A_534] : memref<2x16x1024xf32, #tpu.memory_space<vmem>> -> memref<1x16x1024xf32, #tpu.memory_space<vmem>>
    %dma_wait3A_536 = tpu.memref_squeeze %dma_wait3A_535 : memref<1x16x1024xf32, #tpu.memory_space<vmem>> -> memref<16x1024xf32, #tpu.memory_space<vmem>>
    %dma_wait3A_537 = arith.constant 0 : i32
    %dma_wait3A_538 = tpu.memref_slice %arg5[%dma_wait3A_531, %dma_wait3A_537] : memref<16x16xi32, #tpu.memory_space<vmem>> -> memref<1x16xi32, #tpu.memory_space<vmem>>
    %dma_wait3A_539 = tpu.memref_squeeze %dma_wait3A_538 : memref<1x16xi32, #tpu.memory_space<vmem>> -> memref<16xi32, #tpu.memory_space<vmem>>
    %dma_wait3A_540 = arith.constant 0 : i32
    %dma_wait3A_541 = arith.constant 0 : i32
    %dma_wait3A_542 = tpu.memref_slice %arg2[%dma_wait3A_540, %dma_wait3A_541] : memref<12288x1024xf32, #tpu.memory_space<hbm>> -> memref<12288x1024xf32, #tpu.memory_space<hbm>>
    tpu.wait_indirect_dma semaphore(%arg8 : memref<!tpu.dma_semaphore, #tpu.memory_space<semaphore_mem>>) src(%dma_wait3A_542 : memref<12288x1024xf32, #tpu.memory_space<hbm>>) dst(%dma_wait3A_536 : memref<16x1024xf32, #tpu.memory_space<vmem>>)
    %dma_wait3A_543 = arith.constant 1 : i32
    %dma_wait3A_544 = arith.constant 0 : i32
    %dma_wait3A_545 = arith.constant 0 : i32
    %dma_wait3A_546 = tpu.memref_slice %arg6[%dma_wait3A_543, %dma_wait3A_544, %dma_wait3A_545] : memref<2x16x1024xf32, #tpu.memory_space<vmem>> -> memref<1x16x1024xf32, #tpu.memory_space<vmem>>
    %dma_wait3A_547 = tpu.memref_squeeze %dma_wait3A_546 : memref<1x16x1024xf32, #tpu.memory_space<vmem>> -> memref<16x1024xf32, #tpu.memory_space<vmem>>
    %dma_wait3A_548 = arith.constant 0 : i32
    %dma_wait3A_549 = tpu.memref_slice %arg4[%add3A_505, %dma_wait3A_548] : memref<4096x1024xf32, #tpu.memory_space<hbm>> -> memref<16x1024xf32, #tpu.memory_space<hbm>>
    %dma_wait3A_550 = arith.constant 0 : i32
    %dma_wait3A_551 = tpu.memref_slice %arg4[%add3A_505, %dma_wait3A_550] : memref<4096x1024xf32, #tpu.memory_space<hbm>> -> memref<16x1024xf32, #tpu.memory_space<hbm>>
    %dma_wait3A_552 = arith.constant 0 : i32
    %dma_wait3A_553 = arith.constant 0 : i32
    %dma_wait3A_554 = tpu.memref_slice %arg6[%dma_wait3A_543, %dma_wait3A_552, %dma_wait3A_553] : memref<2x16x1024xf32, #tpu.memory_space<vmem>> -> memref<1x16x1024xf32, #tpu.memory_space<vmem>>
    %dma_wait3A_555 = tpu.memref_squeeze %dma_wait3A_554 : memref<1x16x1024xf32, #tpu.memory_space<vmem>> -> memref<16x1024xf32, #tpu.memory_space<vmem>>
    tpu.wait_dma2 semaphore(%arg10 : memref<!tpu.dma_semaphore, #tpu.memory_space<semaphore_mem>>) src(%dma_wait3A_555 : memref<16x1024xf32, #tpu.memory_space<vmem>>) dst(%dma_wait3A_551 : memref<16x1024xf32, #tpu.memory_space<hbm>>)
    %dma_start3A_556 = arith.constant 14 : i32
    %dma_start3A_557 = arith.constant 1 : i32
    %dma_start3A_558 = arith.constant 0 : i32
    %dma_start3A_559 = arith.constant 0 : i32
    %dma_start3A_560 = tpu.memref_slice %arg6[%dma_start3A_557, %dma_start3A_558, %dma_start3A_559] : memref<2x16x1024xf32, #tpu.memory_space<vmem>> -> memref<1x16x1024xf32, #tpu.memory_space<vmem>>
    %dma_start3A_561 = tpu.memref_squeeze %dma_start3A_560 : memref<1x16x1024xf32, #tpu.memory_space<vmem>> -> memref<16x1024xf32, #tpu.memory_space<vmem>>
    %dma_start3A_562 = arith.constant 0 : i32
    %dma_start3A_563 = tpu.memref_slice %arg5[%dma_start3A_556, %dma_start3A_562] : memref<16x16xi32, #tpu.memory_space<vmem>> -> memref<1x16xi32, #tpu.memory_space<vmem>>
    %dma_start3A_564 = tpu.memref_squeeze %dma_start3A_563 : memref<1x16xi32, #tpu.memory_space<vmem>> -> memref<16xi32, #tpu.memory_space<vmem>>
    %dma_start3A_565 = arith.constant 0 : i32
    %dma_start3A_566 = arith.constant 0 : i32
    %dma_start3A_567 = tpu.memref_slice %arg2[%dma_start3A_565, %dma_start3A_566] : memref<12288x1024xf32, #tpu.memory_space<hbm>> -> memref<12288x1024xf32, #tpu.memory_space<hbm>>
    tpu.enqueue_indirect_dma source(%dma_start3A_567 : memref<12288x1024xf32, #tpu.memory_space<hbm>>) target(%dma_start3A_561 : memref<16x1024xf32, #tpu.memory_space<vmem>>) offsets(%dma_start3A_564 : memref<16xi32, #tpu.memory_space<vmem>>) semaphore(%arg8 : memref<!tpu.dma_semaphore, #tpu.memory_space<semaphore_mem>>)
    %dma_start3A_568 = arith.constant 15 : i32
    %dma_start3A_569 = arith.constant 1 : i32
    %dma_start3A_570 = arith.constant 0 : i32
    %dma_start3A_571 = arith.constant 0 : i32
    %dma_start3A_572 = tpu.memref_slice %arg7[%dma_start3A_569, %dma_start3A_570, %dma_start3A_571] : memref<2x16x1024xf32, #tpu.memory_space<vmem>> -> memref<1x16x1024xf32, #tpu.memory_space<vmem>>
    %dma_start3A_573 = tpu.memref_squeeze %dma_start3A_572 : memref<1x16x1024xf32, #tpu.memory_space<vmem>> -> memref<16x1024xf32, #tpu.memory_space<vmem>>
    %dma_start3A_574 = arith.constant 0 : i32
    %dma_start3A_575 = tpu.memref_slice %arg5[%dma_start3A_568, %dma_start3A_574] : memref<16x16xi32, #tpu.memory_space<vmem>> -> memref<1x16xi32, #tpu.memory_space<vmem>>
    %dma_start3A_576 = tpu.memref_squeeze %dma_start3A_575 : memref<1x16xi32, #tpu.memory_space<vmem>> -> memref<16xi32, #tpu.memory_space<vmem>>
    %dma_start3A_577 = arith.constant 0 : i32
    %dma_start3A_578 = arith.constant 0 : i32
    %dma_start3A_579 = tpu.memref_slice %arg2[%dma_start3A_577, %dma_start3A_578] : memref<12288x1024xf32, #tpu.memory_space<hbm>> -> memref<12288x1024xf32, #tpu.memory_space<hbm>>
    tpu.enqueue_indirect_dma source(%dma_start3A_579 : memref<12288x1024xf32, #tpu.memory_space<hbm>>) target(%dma_start3A_573 : memref<16x1024xf32, #tpu.memory_space<vmem>>) offsets(%dma_start3A_576 : memref<16xi32, #tpu.memory_space<vmem>>) semaphore(%arg8 : memref<!tpu.dma_semaphore, #tpu.memory_space<semaphore_mem>>)
    %scan3A_580 = arith.constant 0 : i32
    %scan3A_581 = arith.constant 0 : i32
    %scan3A_582 = arith.constant 16 : i32
    %scan3A_583 = arith.addi %scan3A_581, %scan3A_582 : i32
    %scan3A_584 = arith.constant 1 : i32
    %scan3A_585 = scf.for %scan3A_678 = %scan3A_581 to %scan3A_583 step %scan3A_584 iter_args(%scan3A_679 = %scan3A_580) -> (i32)  : i32 {
      %scan3A_680 = arith.constant 0 : i32
      %scan3A_681 = arith.constant 0 : i32
      %scan3A_682 = arith.constant 64 : i32
      %scan3A_683 = arith.addi %scan3A_681, %scan3A_682 : i32
      %scan3A_684 = arith.constant 4 : i32
      %scan3A_685 = scf.for %scan3A_688 = %scan3A_681 to %scan3A_683 step %scan3A_684 iter_args(%scan3A_689 = %scan3A_680) -> (i32)  : i32 {
        %mul3A_690 = arith.constant 16 : i32
        %mul3A_691 = arith.muli %scan3A_688, %mul3A_690 : i32
        %get3A = arith.constant 0 : i32
        %get3A_692 = arith.index_cast %get3A : i32 to index
        %get3A_693 = arith.index_cast %scan3A_678 : i32 to index
        %get3A_694 = arith.index_cast %mul3A_691 : i32 to index
        %get3A_695 = tpu.vector_load %arg6[%get3A_692, %get3A_693, %get3A_694] {strides = array<i32>} : memref<2x16x1024xf32, #tpu.memory_space<vmem>>, vector<1x1x16xf32>,
        %get3A_696 = vector.shape_cast %get3A_695 : vector<1x1x16xf32> to vector<16xf32>
        %get3A_697 = arith.constant 0 : i32
        %get3A_698 = arith.index_cast %get3A_697 : i32 to index
        %get3A_699 = arith.index_cast %scan3A_678 : i32 to index
        %get3A_700 = arith.index_cast %mul3A_691 : i32 to index
        %get3A_701 = tpu.vector_load %arg7[%get3A_698, %get3A_699, %get3A_700] {strides = array<i32>} : memref<2x16x1024xf32, #tpu.memory_space<vmem>>, vector<1x1x16xf32>,
        %get3A_702 = vector.shape_cast %get3A_701 : vector<1x1x16xf32> to vector<16xf32>
        %add3A_703 = arith.addf %get3A_696, %get3A_702 : vector<16xf32>
        %swap3A = arith.constant 0 : i32
        %swap3A_704 = arith.index_cast %swap3A : i32 to index
        %swap3A_705 = arith.index_cast %scan3A_678 : i32 to index
        %swap3A_706 = arith.index_cast %mul3A_691 : i32 to index
        %swap3A_707 = tpu.vector_load %arg6[%swap3A_704, %swap3A_705, %swap3A_706] {strides = array<i32>} : memref<2x16x1024xf32, #tpu.memory_space<vmem>>, vector<1x1x16xf32>,
        %swap3A_708 = vector.shape_cast %swap3A_707 : vector<1x1x16xf32> to vector<16xf32>
        %swap3A_709 = vector.shape_cast %add3A_703 : vector<16xf32> to vector<1x1x16xf32>
        tpu.vector_store %arg6[%swap3A_704, %swap3A_705, %swap3A_706], %swap3A_709 {strides = array<i32>} : memref<2x16x1024xf32, #tpu.memory_space<vmem>>, vector<1x1x16xf32>,
        %scan3A_710 = arith.constant 0 : i32
        %scan3A_711 = arith.constant 1 : i32
        %scan3A_712 = arith.addi %scan3A_688, %scan3A_711 : i32
        %mul3A_713 = arith.constant 16 : i32
        %mul3A_714 = arith.muli %scan3A_712, %mul3A_713 : i32
        %get3A_715 = arith.constant 0 : i32
        %get3A_716 = arith.index_cast %get3A_715 : i32 to index
        %get3A_717 = arith.index_cast %scan3A_678 : i32 to index
        %get3A_718 = arith.index_cast %mul3A_714 : i32 to index
        %get3A_719 = tpu.vector_load %arg6[%get3A_716, %get3A_717, %get3A_718] {strides = array<i32>} : memref<2x16x1024xf32, #tpu.memory_space<vmem>>, vector<1x1x16xf32>,
        %get3A_720 = vector.shape_cast %get3A_719 : vector<1x1x16xf32> to vector<16xf32>
        %get3A_721 = arith.constant 0 : i32
        %get3A_722 = arith.index_cast %get3A_721 : i32 to index
        %get3A_723 = arith.index_cast %scan3A_678 : i32 to index
        %get3A_724 = arith.index_cast %mul3A_714 : i32 to index
        %get3A_725 = tpu.vector_load %arg7[%get3A_722, %get3A_723, %get3A_724] {strides = array<i32>} : memref<2x16x1024xf32, #tpu.memory_space<vmem>>, vector<1x1x16xf32>,
        %get3A_726 = vector.shape_cast %get3A_725 : vector<1x1x16xf32> to vector<16xf32>
        %add3A_727 = arith.addf %get3A_720, %get3A_726 : vector<16xf32>
        %swap3A_728 = arith.constant 0 : i32
        %swap3A_729 = arith.index_cast %swap3A_728 : i32 to index
        %swap3A_730 = arith.index_cast %scan3A_678 : i32 to index
        %swap3A_731 = arith.index_cast %mul3A_714 : i32 to index
        %swap3A_732 = tpu.vector_load %arg6[%swap3A_729, %swap3A_730, %swap3A_731] {strides = array<i32>} : memref<2x16x1024xf32, #tpu.memory_space<vmem>>, vector<1x1x16xf32>,
        %swap3A_733 = vector.shape_cast %swap3A_732 : vector<1x1x16xf32> to vector<16xf32>
        %swap3A_734 = vector.shape_cast %add3A_727 : vector<16xf32> to vector<1x1x16xf32>
        tpu.vector_store %arg6[%swap3A_729, %swap3A_730, %swap3A_731], %swap3A_734 {strides = array<i32>} : memref<2x16x1024xf32, #tpu.memory_space<vmem>>, vector<1x1x16xf32>,
        %scan3A_735 = arith.constant 0 : i32
        %scan3A_736 = arith.constant 2 : i32
        %scan3A_737 = arith.addi %scan3A_688, %scan3A_736 : i32
        %mul3A_738 = arith.constant 16 : i32
        %mul3A_739 = arith.muli %scan3A_737, %mul3A_738 : i32
        %get3A_740 = arith.constant 0 : i32
        %get3A_741 = arith.index_cast %get3A_740 : i32 to index
        %get3A_742 = arith.index_cast %scan3A_678 : i32 to index
        %get3A_743 = arith.index_cast %mul3A_739 : i32 to index
        %get3A_744 = tpu.vector_load %arg6[%get3A_741, %get3A_742, %get3A_743] {strides = array<i32>} : memref<2x16x1024xf32, #tpu.memory_space<vmem>>, vector<1x1x16xf32>,
        %get3A_745 = vector.shape_cast %get3A_744 : vector<1x1x16xf32> to vector<16xf32>
        %get3A_746 = arith.constant 0 : i32
        %get3A_747 = arith.index_cast %get3A_746 : i32 to index
        %get3A_748 = arith.index_cast %scan3A_678 : i32 to index
        %get3A_749 = arith.index_cast %mul3A_739 : i32 to index
        %get3A_750 = tpu.vector_load %arg7[%get3A_747, %get3A_748, %get3A_749] {strides = array<i32>} : memref<2x16x1024xf32, #tpu.memory_space<vmem>>, vector<1x1x16xf32>,
        %get3A_751 = vector.shape_cast %get3A_750 : vector<1x1x16xf32> to vector<16xf32>
        %add3A_752 = arith.addf %get3A_745, %get3A_751 : vector<16xf32>
        %swap3A_753 = arith.constant 0 : i32
        %swap3A_754 = arith.index_cast %swap3A_753 : i32 to index
        %swap3A_755 = arith.index_cast %scan3A_678 : i32 to index
        %swap3A_756 = arith.index_cast %mul3A_739 : i32 to index
        %swap3A_757 = tpu.vector_load %arg6[%swap3A_754, %swap3A_755, %swap3A_756] {strides = array<i32>} : memref<2x16x1024xf32, #tpu.memory_space<vmem>>, vector<1x1x16xf32>,
        %swap3A_758 = vector.shape_cast %swap3A_757 : vector<1x1x16xf32> to vector<16xf32>
        %swap3A_759 = vector.shape_cast %add3A_752 : vector<16xf32> to vector<1x1x16xf32>
        tpu.vector_store %arg6[%swap3A_754, %swap3A_755, %swap3A_756], %swap3A_759 {strides = array<i32>} : memref<2x16x1024xf32, #tpu.memory_space<vmem>>, vector<1x1x16xf32>,
        %scan3A_760 = arith.constant 0 : i32
        %scan3A_761 = arith.constant 3 : i32
        %scan3A_762 = arith.addi %scan3A_688, %scan3A_761 : i32
        %mul3A_763 = arith.constant 16 : i32
        %mul3A_764 = arith.muli %scan3A_762, %mul3A_763 : i32
        %get3A_765 = arith.constant 0 : i32
        %get3A_766 = arith.index_cast %get3A_765 : i32 to index
        %get3A_767 = arith.index_cast %scan3A_678 : i32 to index
        %get3A_768 = arith.index_cast %mul3A_764 : i32 to index
        %get3A_769 = tpu.vector_load %arg6[%get3A_766, %get3A_767, %get3A_768] {strides = array<i32>} : memref<2x16x1024xf32, #tpu.memory_space<vmem>>, vector<1x1x16xf32>,
        %get3A_770 = vector.shape_cast %get3A_769 : vector<1x1x16xf32> to vector<16xf32>
        %get3A_771 = arith.constant 0 : i32
        %get3A_772 = arith.index_cast %get3A_771 : i32 to index
        %get3A_773 = arith.index_cast %scan3A_678 : i32 to index
        %get3A_774 = arith.index_cast %mul3A_764 : i32 to index
        %get3A_775 = tpu.vector_load %arg7[%get3A_772, %get3A_773, %get3A_774] {strides = array<i32>} : memref<2x16x1024xf32, #tpu.memory_space<vmem>>, vector<1x1x16xf32>,
        %get3A_776 = vector.shape_cast %get3A_775 : vector<1x1x16xf32> to vector<16xf32>
        %add3A_777 = arith.addf %get3A_770, %get3A_776 : vector<16xf32>
        %swap3A_778 = arith.constant 0 : i32
        %swap3A_779 = arith.index_cast %swap3A_778 : i32 to index
        %swap3A_780 = arith.index_cast %scan3A_678 : i32 to index
        %swap3A_781 = arith.index_cast %mul3A_764 : i32 to index
        %swap3A_782 = tpu.vector_load %arg6[%swap3A_779, %swap3A_780, %swap3A_781] {strides = array<i32>} : memref<2x16x1024xf32, #tpu.memory_space<vmem>>, vector<1x1x16xf32>,
        %swap3A_783 = vector.shape_cast %swap3A_782 : vector<1x1x16xf32> to vector<16xf32>
        %swap3A_784 = vector.shape_cast %add3A_777 : vector<16xf32> to vector<1x1x16xf32>
        tpu.vector_store %arg6[%swap3A_779, %swap3A_780, %swap3A_781], %swap3A_784 {strides = array<i32>} : memref<2x16x1024xf32, #tpu.memory_space<vmem>>, vector<1x1x16xf32>,
        %scan3A_785 = arith.constant 0 : i32
        scf.yield %scan3A_785 : i32
      }
      %scan3A_686 = arith.constant 64 : i32
      %scan3A_687 = arith.constant 0 : i32
      scf.yield %scan3A_687 : i32
    }
    %scan3A_586 = arith.constant 16 : i32
    %mul3A_587 = arith.constant 128 : i32
    %mul3A_588 = arith.muli %add3A, %mul3A_587 : i32
    %add3A_589 = arith.constant 96 : i32
    %add3A_590 = arith.addi %mul3A_588, %add3A_589 : i32
    %dma_start3A_591 = arith.constant 0 : i32
    %dma_start3A_592 = arith.constant 0 : i32
    %dma_start3A_593 = arith.constant 0 : i32
    %dma_start3A_594 = tpu.memref_slice %arg6[%dma_start3A_591, %dma_start3A_592, %dma_start3A_593] : memref<2x16x1024xf32, #tpu.memory_space<vmem>> -> memref<1x16x1024xf32, #tpu.memory_space<vmem>>
    %dma_start3A_595 = tpu.memref_squeeze %dma_start3A_594 : memref<1x16x1024xf32, #tpu.memory_space<vmem>> -> memref<16x1024xf32, #tpu.memory_space<vmem>>
    %dma_start3A_596 = arith.constant 0 : i32
    %dma_start3A_597 = tpu.memref_slice %arg4[%add3A_590, %dma_start3A_596] : memref<4096x1024xf32, #tpu.memory_space<hbm>> -> memref<16x1024xf32, #tpu.memory_space<hbm>>
    %dma_start3A_598 = arith.constant 0 : i32
    %dma_start3A_599 = tpu.memref_slice %arg4[%add3A_590, %dma_start3A_598] : memref<4096x1024xf32, #tpu.memory_space<hbm>> -> memref<16x1024xf32, #tpu.memory_space<hbm>>
    %dma_start3A_600 = arith.constant 0 : i32
    %dma_start3A_601 = arith.constant 0 : i32
    %dma_start3A_602 = tpu.memref_slice %arg6[%dma_start3A_591, %dma_start3A_600, %dma_start3A_601] : memref<2x16x1024xf32, #tpu.memory_space<vmem>> -> memref<1x16x1024xf32, #tpu.memory_space<vmem>>
    %dma_start3A_603 = tpu.memref_squeeze %dma_start3A_602 : memref<1x16x1024xf32, #tpu.memory_space<vmem>> -> memref<16x1024xf32, #tpu.memory_space<vmem>>
    tpu.enqueue_dma source(%dma_start3A_603 : memref<16x1024xf32, #tpu.memory_space<vmem>>) target(%dma_start3A_599 : memref<16x1024xf32, #tpu.memory_space<hbm>>) target_semaphore(%arg9 : memref<!tpu.dma_semaphore, #tpu.memory_space<semaphore_mem>>)
    %dma_wait3A_604 = arith.constant 14 : i32
    %dma_wait3A_605 = arith.constant 1 : i32
    %dma_wait3A_606 = arith.constant 0 : i32
    %dma_wait3A_607 = arith.constant 0 : i32
    %dma_wait3A_608 = tpu.memref_slice %arg6[%dma_wait3A_605, %dma_wait3A_606, %dma_wait3A_607] : memref<2x16x1024xf32, #tpu.memory_space<vmem>> -> memref<1x16x1024xf32, #tpu.memory_space<vmem>>
    %dma_wait3A_609 = tpu.memref_squeeze %dma_wait3A_608 : memref<1x16x1024xf32, #tpu.memory_space<vmem>> -> memref<16x1024xf32, #tpu.memory_space<vmem>>
    %dma_wait3A_610 = arith.constant 0 : i32
    %dma_wait3A_611 = tpu.memref_slice %arg5[%dma_wait3A_604, %dma_wait3A_610] : memref<16x16xi32, #tpu.memory_space<vmem>> -> memref<1x16xi32, #tpu.memory_space<vmem>>
    %dma_wait3A_612 = tpu.memref_squeeze %dma_wait3A_611 : memref<1x16xi32, #tpu.memory_space<vmem>> -> memref<16xi32, #tpu.memory_space<vmem>>
    %dma_wait3A_613 = arith.constant 0 : i32
    %dma_wait3A_614 = arith.constant 0 : i32
    %dma_wait3A_615 = tpu.memref_slice %arg2[%dma_wait3A_613, %dma_wait3A_614] : memref<12288x1024xf32, #tpu.memory_space<hbm>> -> memref<12288x1024xf32, #tpu.memory_space<hbm>>
    tpu.wait_indirect_dma semaphore(%arg8 : memref<!tpu.dma_semaphore, #tpu.memory_space<semaphore_mem>>) src(%dma_wait3A_615 : memref<12288x1024xf32, #tpu.memory_space<hbm>>) dst(%dma_wait3A_609 : memref<16x1024xf32, #tpu.memory_space<vmem>>)
    %dma_wait3A_616 = arith.constant 15 : i32
    %dma_wait3A_617 = arith.constant 1 : i32
    %dma_wait3A_618 = arith.constant 0 : i32
    %dma_wait3A_619 = arith.constant 0 : i32
    %dma_wait3A_620 = tpu.memref_slice %arg7[%dma_wait3A_617, %dma_wait3A_618, %dma_wait3A_619] : memref<2x16x1024xf32, #tpu.memory_space<vmem>> -> memref<1x16x1024xf32, #tpu.memory_space<vmem>>
    %dma_wait3A_621 = tpu.memref_squeeze %dma_wait3A_620 : memref<1x16x1024xf32, #tpu.memory_space<vmem>> -> memref<16x1024xf32, #tpu.memory_space<vmem>>
    %dma_wait3A_622 = arith.constant 0 : i32
    %dma_wait3A_623 = tpu.memref_slice %arg5[%dma_wait3A_616, %dma_wait3A_622] : memref<16x16xi32, #tpu.memory_space<vmem>> -> memref<1x16xi32, #tpu.memory_space<vmem>>
    %dma_wait3A_624 = tpu.memref_squeeze %dma_wait3A_623 : memref<1x16xi32, #tpu.memory_space<vmem>> -> memref<16xi32, #tpu.memory_space<vmem>>
    %dma_wait3A_625 = arith.constant 0 : i32
    %dma_wait3A_626 = arith.constant 0 : i32
    %dma_wait3A_627 = tpu.memref_slice %arg2[%dma_wait3A_625, %dma_wait3A_626] : memref<12288x1024xf32, #tpu.memory_space<hbm>> -> memref<12288x1024xf32, #tpu.memory_space<hbm>>
    tpu.wait_indirect_dma semaphore(%arg8 : memref<!tpu.dma_semaphore, #tpu.memory_space<semaphore_mem>>) src(%dma_wait3A_627 : memref<12288x1024xf32, #tpu.memory_space<hbm>>) dst(%dma_wait3A_621 : memref<16x1024xf32, #tpu.memory_space<vmem>>)
    %scan3A_628 = arith.constant 0 : i32
    %scan3A_629 = arith.constant 0 : i32
    %scan3A_630 = arith.constant 16 : i32
    %scan3A_631 = arith.addi %scan3A_629, %scan3A_630 : i32
    %scan3A_632 = arith.constant 1 : i32
    %scan3A_633 = scf.for %scan3A_678 = %scan3A_629 to %scan3A_631 step %scan3A_632 iter_args(%scan3A_679 = %scan3A_628) -> (i32)  : i32 {
      %scan3A_680 = arith.constant 0 : i32
      %scan3A_681 = arith.constant 0 : i32
      %scan3A_682 = arith.constant 64 : i32
      %scan3A_683 = arith.addi %scan3A_681, %scan3A_682 : i32
      %scan3A_684 = arith.constant 4 : i32
      %scan3A_685 = scf.for %scan3A_688 = %scan3A_681 to %scan3A_683 step %scan3A_684 iter_args(%scan3A_689 = %scan3A_680) -> (i32)  : i32 {
        %mul3A_690 = arith.constant 16 : i32
        %mul3A_691 = arith.muli %scan3A_688, %mul3A_690 : i32
        %get3A = arith.constant 1 : i32
        %get3A_692 = arith.index_cast %get3A : i32 to index
        %get3A_693 = arith.index_cast %scan3A_678 : i32 to index
        %get3A_694 = arith.index_cast %mul3A_691 : i32 to index
        %get3A_695 = tpu.vector_load %arg6[%get3A_692, %get3A_693, %get3A_694] {strides = array<i32>} : memref<2x16x1024xf32, #tpu.memory_space<vmem>>, vector<1x1x16xf32>,
        %get3A_696 = vector.shape_cast %get3A_695 : vector<1x1x16xf32> to vector<16xf32>
        %get3A_697 = arith.constant 1 : i32
        %get3A_698 = arith.index_cast %get3A_697 : i32 to index
        %get3A_699 = arith.index_cast %scan3A_678 : i32 to index
        %get3A_700 = arith.index_cast %mul3A_691 : i32 to index
        %get3A_701 = tpu.vector_load %arg7[%get3A_698, %get3A_699, %get3A_700] {strides = array<i32>} : memref<2x16x1024xf32, #tpu.memory_space<vmem>>, vector<1x1x16xf32>,
        %get3A_702 = vector.shape_cast %get3A_701 : vector<1x1x16xf32> to vector<16xf32>
        %add3A_703 = arith.addf %get3A_696, %get3A_702 : vector<16xf32>
        %swap3A = arith.constant 1 : i32
        %swap3A_704 = arith.index_cast %swap3A : i32 to index
        %swap3A_705 = arith.index_cast %scan3A_678 : i32 to index
        %swap3A_706 = arith.index_cast %mul3A_691 : i32 to index
        %swap3A_707 = tpu.vector_load %arg6[%swap3A_704, %swap3A_705, %swap3A_706] {strides = array<i32>} : memref<2x16x1024xf32, #tpu.memory_space<vmem>>, vector<1x1x16xf32>,
        %swap3A_708 = vector.shape_cast %swap3A_707 : vector<1x1x16xf32> to vector<16xf32>
        %swap3A_709 = vector.shape_cast %add3A_703 : vector<16xf32> to vector<1x1x16xf32>
        tpu.vector_store %arg6[%swap3A_704, %swap3A_705, %swap3A_706], %swap3A_709 {strides = array<i32>} : memref<2x16x1024xf32, #tpu.memory_space<vmem>>, vector<1x1x16xf32>,
        %scan3A_710 = arith.constant 0 : i32
        %scan3A_711 = arith.constant 1 : i32
        %scan3A_712 = arith.addi %scan3A_688, %scan3A_711 : i32
        %mul3A_713 = arith.constant 16 : i32
        %mul3A_714 = arith.muli %scan3A_712, %mul3A_713 : i32
        %get3A_715 = arith.constant 1 : i32
        %get3A_716 = arith.index_cast %get3A_715 : i32 to index
        %get3A_717 = arith.index_cast %scan3A_678 : i32 to index
        %get3A_718 = arith.index_cast %mul3A_714 : i32 to index
        %get3A_719 = tpu.vector_load %arg6[%get3A_716, %get3A_717, %get3A_718] {strides = array<i32>} : memref<2x16x1024xf32, #tpu.memory_space<vmem>>, vector<1x1x16xf32>,
        %get3A_720 = vector.shape_cast %get3A_719 : vector<1x1x16xf32> to vector<16xf32>
        %get3A_721 = arith.constant 1 : i32
        %get3A_722 = arith.index_cast %get3A_721 : i32 to index
        %get3A_723 = arith.index_cast %scan3A_678 : i32 to index
        %get3A_724 = arith.index_cast %mul3A_714 : i32 to index
        %get3A_725 = tpu.vector_load %arg7[%get3A_722, %get3A_723, %get3A_724] {strides = array<i32>} : memref<2x16x1024xf32, #tpu.memory_space<vmem>>, vector<1x1x16xf32>,
        %get3A_726 = vector.shape_cast %get3A_725 : vector<1x1x16xf32> to vector<16xf32>
        %add3A_727 = arith.addf %get3A_720, %get3A_726 : vector<16xf32>
        %swap3A_728 = arith.constant 1 : i32
        %swap3A_729 = arith.index_cast %swap3A_728 : i32 to index
        %swap3A_730 = arith.index_cast %scan3A_678 : i32 to index
        %swap3A_731 = arith.index_cast %mul3A_714 : i32 to index
        %swap3A_732 = tpu.vector_load %arg6[%swap3A_729, %swap3A_730, %swap3A_731] {strides = array<i32>} : memref<2x16x1024xf32, #tpu.memory_space<vmem>>, vector<1x1x16xf32>,
        %swap3A_733 = vector.shape_cast %swap3A_732 : vector<1x1x16xf32> to vector<16xf32>
        %swap3A_734 = vector.shape_cast %add3A_727 : vector<16xf32> to vector<1x1x16xf32>
        tpu.vector_store %arg6[%swap3A_729, %swap3A_730, %swap3A_731], %swap3A_734 {strides = array<i32>} : memref<2x16x1024xf32, #tpu.memory_space<vmem>>, vector<1x1x16xf32>,
        %scan3A_735 = arith.constant 0 : i32
        %scan3A_736 = arith.constant 2 : i32
        %scan3A_737 = arith.addi %scan3A_688, %scan3A_736 : i32
        %mul3A_738 = arith.constant 16 : i32
        %mul3A_739 = arith.muli %scan3A_737, %mul3A_738 : i32
        %get3A_740 = arith.constant 1 : i32
        %get3A_741 = arith.index_cast %get3A_740 : i32 to index
        %get3A_742 = arith.index_cast %scan3A_678 : i32 to index
        %get3A_743 = arith.index_cast %mul3A_739 : i32 to index
        %get3A_744 = tpu.vector_load %arg6[%get3A_741, %get3A_742, %get3A_743] {strides = array<i32>} : memref<2x16x1024xf32, #tpu.memory_space<vmem>>, vector<1x1x16xf32>,
        %get3A_745 = vector.shape_cast %get3A_744 : vector<1x1x16xf32> to vector<16xf32>
        %get3A_746 = arith.constant 1 : i32
        %get3A_747 = arith.index_cast %get3A_746 : i32 to index
        %get3A_748 = arith.index_cast %scan3A_678 : i32 to index
        %get3A_749 = arith.index_cast %mul3A_739 : i32 to index
        %get3A_750 = tpu.vector_load %arg7[%get3A_747, %get3A_748, %get3A_749] {strides = array<i32>} : memref<2x16x1024xf32, #tpu.memory_space<vmem>>, vector<1x1x16xf32>,
        %get3A_751 = vector.shape_cast %get3A_750 : vector<1x1x16xf32> to vector<16xf32>
        %add3A_752 = arith.addf %get3A_745, %get3A_751 : vector<16xf32>
        %swap3A_753 = arith.constant 1 : i32
        %swap3A_754 = arith.index_cast %swap3A_753 : i32 to index
        %swap3A_755 = arith.index_cast %scan3A_678 : i32 to index
        %swap3A_756 = arith.index_cast %mul3A_739 : i32 to index
        %swap3A_757 = tpu.vector_load %arg6[%swap3A_754, %swap3A_755, %swap3A_756] {strides = array<i32>} : memref<2x16x1024xf32, #tpu.memory_space<vmem>>, vector<1x1x16xf32>,
        %swap3A_758 = vector.shape_cast %swap3A_757 : vector<1x1x16xf32> to vector<16xf32>
        %swap3A_759 = vector.shape_cast %add3A_752 : vector<16xf32> to vector<1x1x16xf32>
        tpu.vector_store %arg6[%swap3A_754, %swap3A_755, %swap3A_756], %swap3A_759 {strides = array<i32>} : memref<2x16x1024xf32, #tpu.memory_space<vmem>>, vector<1x1x16xf32>,
        %scan3A_760 = arith.constant 0 : i32
        %scan3A_761 = arith.constant 3 : i32
        %scan3A_762 = arith.addi %scan3A_688, %scan3A_761 : i32
        %mul3A_763 = arith.constant 16 : i32
        %mul3A_764 = arith.muli %scan3A_762, %mul3A_763 : i32
        %get3A_765 = arith.constant 1 : i32
        %get3A_766 = arith.index_cast %get3A_765 : i32 to index
        %get3A_767 = arith.index_cast %scan3A_678 : i32 to index
        %get3A_768 = arith.index_cast %mul3A_764 : i32 to index
        %get3A_769 = tpu.vector_load %arg6[%get3A_766, %get3A_767, %get3A_768] {strides = array<i32>} : memref<2x16x1024xf32, #tpu.memory_space<vmem>>, vector<1x1x16xf32>,
        %get3A_770 = vector.shape_cast %get3A_769 : vector<1x1x16xf32> to vector<16xf32>
        %get3A_771 = arith.constant 1 : i32
        %get3A_772 = arith.index_cast %get3A_771 : i32 to index
        %get3A_773 = arith.index_cast %scan3A_678 : i32 to index
        %get3A_774 = arith.index_cast %mul3A_764 : i32 to index
        %get3A_775 = tpu.vector_load %arg7[%get3A_772, %get3A_773, %get3A_774] {strides = array<i32>} : memref<2x16x1024xf32, #tpu.memory_space<vmem>>, vector<1x1x16xf32>,
        %get3A_776 = vector.shape_cast %get3A_775 : vector<1x1x16xf32> to vector<16xf32>
        %add3A_777 = arith.addf %get3A_770, %get3A_776 : vector<16xf32>
        %swap3A_778 = arith.constant 1 : i32
        %swap3A_779 = arith.index_cast %swap3A_778 : i32 to index
        %swap3A_780 = arith.index_cast %scan3A_678 : i32 to index
        %swap3A_781 = arith.index_cast %mul3A_764 : i32 to index
        %swap3A_782 = tpu.vector_load %arg6[%swap3A_779, %swap3A_780, %swap3A_781] {strides = array<i32>} : memref<2x16x1024xf32, #tpu.memory_space<vmem>>, vector<1x1x16xf32>,
        %swap3A_783 = vector.shape_cast %swap3A_782 : vector<1x1x16xf32> to vector<16xf32>
        %swap3A_784 = vector.shape_cast %add3A_777 : vector<16xf32> to vector<1x1x16xf32>
        tpu.vector_store %arg6[%swap3A_779, %swap3A_780, %swap3A_781], %swap3A_784 {strides = array<i32>} : memref<2x16x1024xf32, #tpu.memory_space<vmem>>, vector<1x1x16xf32>,
        %scan3A_785 = arith.constant 0 : i32
        scf.yield %scan3A_785 : i32
      }
      %scan3A_686 = arith.constant 64 : i32
      %scan3A_687 = arith.constant 0 : i32
      scf.yield %scan3A_687 : i32
    }
    %scan3A_634 = arith.constant 16 : i32
    %mul3A_635 = arith.constant 128 : i32
    %mul3A_636 = arith.muli %add3A, %mul3A_635 : i32
    %add3A_637 = arith.constant 112 : i32
    %add3A_638 = arith.addi %mul3A_636, %add3A_637 : i32
    %dma_start3A_639 = arith.constant 1 : i32
    %dma_start3A_640 = arith.constant 0 : i32
    %dma_start3A_641 = arith.constant 0 : i32
    %dma_start3A_642 = tpu.memref_slice %arg6[%dma_start3A_639, %dma_start3A_640, %dma_start3A_641] : memref<2x16x1024xf32, #tpu.memory_space<vmem>> -> memref<1x16x1024xf32, #tpu.memory_space<vmem>>
    %dma_start3A_643 = tpu.memref_squeeze %dma_start3A_642 : memref<1x16x1024xf32, #tpu.memory_space<vmem>> -> memref<16x1024xf32, #tpu.memory_space<vmem>>
    %dma_start3A_644 = arith.constant 0 : i32
    %dma_start3A_645 = tpu.memref_slice %arg4[%add3A_638, %dma_start3A_644] : memref<4096x1024xf32, #tpu.memory_space<hbm>> -> memref<16x1024xf32, #tpu.memory_space<hbm>>
    %dma_start3A_646 = arith.constant 0 : i32
    %dma_start3A_647 = tpu.memref_slice %arg4[%add3A_638, %dma_start3A_646] : memref<4096x1024xf32, #tpu.memory_space<hbm>> -> memref<16x1024xf32, #tpu.memory_space<hbm>>
    %dma_start3A_648 = arith.constant 0 : i32
    %dma_start3A_649 = arith.constant 0 : i32
    %dma_start3A_650 = tpu.memref_slice %arg6[%dma_start3A_639, %dma_start3A_648, %dma_start3A_649] : memref<2x16x1024xf32, #tpu.memory_space<vmem>> -> memref<1x16x1024xf32, #tpu.memory_space<vmem>>
    %dma_start3A_651 = tpu.memref_squeeze %dma_start3A_650 : memref<1x16x1024xf32, #tpu.memory_space<vmem>> -> memref<16x1024xf32, #tpu.memory_space<vmem>>
    tpu.enqueue_dma source(%dma_start3A_651 : memref<16x1024xf32, #tpu.memory_space<vmem>>) target(%dma_start3A_647 : memref<16x1024xf32, #tpu.memory_space<hbm>>) target_semaphore(%arg10 : memref<!tpu.dma_semaphore, #tpu.memory_space<semaphore_mem>>)
    %dma_wait3A_652 = arith.constant 0 : i32
    %dma_wait3A_653 = arith.constant 0 : i32
    %dma_wait3A_654 = arith.constant 0 : i32
    %dma_wait3A_655 = tpu.memref_slice %arg6[%dma_wait3A_652, %dma_wait3A_653, %dma_wait3A_654] : memref<2x16x1024xf32, #tpu.memory_space<vmem>> -> memref<1x16x1024xf32, #tpu.memory_space<vmem>>
    %dma_wait3A_656 = tpu.memref_squeeze %dma_wait3A_655 : memref<1x16x1024xf32, #tpu.memory_space<vmem>> -> memref<16x1024xf32, #tpu.memory_space<vmem>>
    %dma_wait3A_657 = arith.constant 0 : i32
    %dma_wait3A_658 = tpu.memref_slice %arg4[%add3A_590, %dma_wait3A_657] : memref<4096x1024xf32, #tpu.memory_space<hbm>> -> memref<16x1024xf32, #tpu.memory_space<hbm>>
    %dma_wait3A_659 = arith.constant 0 : i32
    %dma_wait3A_660 = tpu.memref_slice %arg4[%add3A_590, %dma_wait3A_659] : memref<4096x1024xf32, #tpu.memory_space<hbm>> -> memref<16x1024xf32, #tpu.memory_space<hbm>>
    %dma_wait3A_661 = arith.constant 0 : i32
    %dma_wait3A_662 = arith.constant 0 : i32
    %dma_wait3A_663 = tpu.memref_slice %arg6[%dma_wait3A_652, %dma_wait3A_661, %dma_wait3A_662] : memref<2x16x1024xf32, #tpu.memory_space<vmem>> -> memref<1x16x1024xf32, #tpu.memory_space<vmem>>
    %dma_wait3A_664 = tpu.memref_squeeze %dma_wait3A_663 : memref<1x16x1024xf32, #tpu.memory_space<vmem>> -> memref<16x1024xf32, #tpu.memory_space<vmem>>
    tpu.wait_dma2 semaphore(%arg9 : memref<!tpu.dma_semaphore, #tpu.memory_space<semaphore_mem>>) src(%dma_wait3A_664 : memref<16x1024xf32, #tpu.memory_space<vmem>>) dst(%dma_wait3A_660 : memref<16x1024xf32, #tpu.memory_space<hbm>>)
    %dma_wait3A_665 = arith.constant 1 : i32
    %dma_wait3A_666 = arith.constant 0 : i32
    %dma_wait3A_667 = arith.constant 0 : i32
    %dma_wait3A_668 = tpu.memref_slice %arg6[%dma_wait3A_665, %dma_wait3A_666, %dma_wait3A_667] : memref<2x16x1024xf32, #tpu.memory_space<vmem>> -> memref<1x16x1024xf32, #tpu.memory_space<vmem>>
    %dma_wait3A_669 = tpu.memref_squeeze %dma_wait3A_668 : memref<1x16x1024xf32, #tpu.memory_space<vmem>> -> memref<16x1024xf32, #tpu.memory_space<vmem>>
    %dma_wait3A_670 = arith.constant 0 : i32
    %dma_wait3A_671 = tpu.memref_slice %arg4[%add3A_638, %dma_wait3A_670] : memref<4096x1024xf32, #tpu.memory_space<hbm>> -> memref<16x1024xf32, #tpu.memory_space<hbm>>
    %dma_wait3A_672 = arith.constant 0 : i32
    %dma_wait3A_673 = tpu.memref_slice %arg4[%add3A_638, %dma_wait3A_672] : memref<4096x1024xf32, #tpu.memory_space<hbm>> -> memref<16x1024xf32, #tpu.memory_space<hbm>>
    %dma_wait3A_674 = arith.constant 0 : i32
    %dma_wait3A_675 = arith.constant 0 : i32
    %dma_wait3A_676 = tpu.memref_slice %arg6[%dma_wait3A_665, %dma_wait3A_674, %dma_wait3A_675] : memref<2x16x1024xf32, #tpu.memory_space<vmem>> -> memref<1x16x1024xf32, #tpu.memory_space<vmem>>
    %dma_wait3A_677 = tpu.memref_squeeze %dma_wait3A_676 : memref<1x16x1024xf32, #tpu.memory_space<vmem>> -> memref<16x1024xf32, #tpu.memory_space<vmem>>
    tpu.wait_dma2 semaphore(%arg10 : memref<!tpu.dma_semaphore, #tpu.memory_space<semaphore_mem>>) src(%dma_wait3A_677 : memref<16x1024xf32, #tpu.memory_space<vmem>>) dst(%dma_wait3A_673 : memref<16x1024xf32, #tpu.memory_space<hbm>>)
    return
  }
}

#map = affine_map<(d0, d1) -> (0, 0)>
#map1 = affine_map<(d0, d1) -> (0, 0, 0)>
module attributes {stable_mosaic.version = 14 : i64} {
  func.func @_sc_dispatch_body(%arg0: i32, %arg1: i32, %arg2: memref<4096x1024xf32, #tpu.memory_space<hbm>>, %arg3: memref<32x8x32xi32, #tpu.memory_space<hbm>>, %arg4: memref<4096x128xf32, #tpu.memory_space<hbm>>, %arg5: memref<4096x128xf32, #tpu.memory_space<hbm>>, %arg6: memref<12288x1024xf32, #tpu.memory_space<hbm>>, %arg7: memref<12288x128xf32, #tpu.memory_space<hbm>>, %arg8: memref<8x32xi32, #tpu.memory_space<vmem>>, %arg9: memref<2x32x1024xf32, #tpu.memory_space<vmem>>, %arg10: memref<2x32x128xf32, #tpu.memory_space<vmem>>, %arg11: memref<2x32x128xf32, #tpu.memory_space<vmem>>, %arg12: memref<!tpu.dma_semaphore, #tpu.memory_space<semaphore_mem>>, %arg13: memref<!tpu.dma_semaphore, #tpu.memory_space<semaphore_mem>>) attributes {dimension_semantics = [#tpu.dimension_semantics<core_parallel>, #tpu.dimension_semantics<subcore_parallel>], iteration_bounds = array<i64: 2, 16>, scalar_prefetch = 0 : i64, scratch_operands = 6 : i64, tpu.core_type = #tpu.core_type<sc_vector_subcore>, window_params = [{transform_indices = #map}, {transform_indices = #map1}, {transform_indices = #map}, {transform_indices = #map}, {transform_indices = #map}, {transform_indices = #map}]} {
    %mul3A = arith.constant 2 : i32
    %mul3A_0 = arith.muli %arg1, %mul3A : i32
    %add3A = arith.addi %mul3A_0, %arg0 : i32
    "tpu.region"() ({
      %run_scoped3A = tpu.sem_alloc : memref<!tpu.dma_semaphore, #tpu.memory_space<semaphore_mem>>
      %dma_start3A_711 = arith.constant 0 : i32
      %dma_start3A_712 = arith.constant 0 : i32
      %dma_start3A_713 = tpu.memref_slice %arg3[%add3A, %dma_start3A_711, %dma_start3A_712] : memref<32x8x32xi32, #tpu.memory_space<hbm>> -> memref<1x8x32xi32, #tpu.memory_space<hbm>>
      %dma_start3A_714 = tpu.memref_squeeze %dma_start3A_713 : memref<1x8x32xi32, #tpu.memory_space<hbm>> -> memref<8x32xi32, #tpu.memory_space<hbm>>
      %dma_start3A_715 = arith.constant 0 : i32
      %dma_start3A_716 = arith.constant 0 : i32
      %dma_start3A_717 = tpu.memref_slice %arg3[%add3A, %dma_start3A_715, %dma_start3A_716] : memref<32x8x32xi32, #tpu.memory_space<hbm>> -> memref<1x8x32xi32, #tpu.memory_space<hbm>>
      %dma_start3A_718 = tpu.memref_squeeze %dma_start3A_717 : memref<1x8x32xi32, #tpu.memory_space<hbm>> -> memref<8x32xi32, #tpu.memory_space<hbm>>
      tpu.enqueue_dma source(%dma_start3A_718 : memref<8x32xi32, #tpu.memory_space<hbm>>) target(%arg8 : memref<8x32xi32, #tpu.memory_space<vmem>>) target_semaphore(%run_scoped3A : memref<!tpu.dma_semaphore, #tpu.memory_space<semaphore_mem>>)
      %dma_wait3A_719 = arith.constant 0 : i32
      %dma_wait3A_720 = arith.constant 0 : i32
      %dma_wait3A_721 = tpu.memref_slice %arg3[%add3A, %dma_wait3A_719, %dma_wait3A_720] : memref<32x8x32xi32, #tpu.memory_space<hbm>> -> memref<1x8x32xi32, #tpu.memory_space<hbm>>
      %dma_wait3A_722 = tpu.memref_squeeze %dma_wait3A_721 : memref<1x8x32xi32, #tpu.memory_space<hbm>> -> memref<8x32xi32, #tpu.memory_space<hbm>>
      %dma_wait3A_723 = arith.constant 0 : i32
      %dma_wait3A_724 = arith.constant 0 : i32
      %dma_wait3A_725 = tpu.memref_slice %arg3[%add3A, %dma_wait3A_723, %dma_wait3A_724] : memref<32x8x32xi32, #tpu.memory_space<hbm>> -> memref<1x8x32xi32, #tpu.memory_space<hbm>>
      %dma_wait3A_726 = tpu.memref_squeeze %dma_wait3A_725 : memref<1x8x32xi32, #tpu.memory_space<hbm>> -> memref<8x32xi32, #tpu.memory_space<hbm>>
      tpu.wait_dma2 semaphore(%run_scoped3A : memref<!tpu.dma_semaphore, #tpu.memory_space<semaphore_mem>>) src(%dma_wait3A_726 : memref<8x32xi32, #tpu.memory_space<hbm>>) dst(%arg8 : memref<8x32xi32, #tpu.memory_space<vmem>>)
      tpu.yield
    }) : () -> ()
    %mul3A_1 = arith.constant 128 : i32
    %mul3A_2 = arith.muli %add3A, %mul3A_1 : i32
    %add3A_3 = arith.constant 0 : i32
    %add3A_4 = arith.addi %mul3A_2, %add3A_3 : i32
    %dma_start3A = arith.constant 0 : i32
    %dma_start3A_5 = arith.constant 0 : i32
    %dma_start3A_6 = arith.constant 0 : i32
    %dma_start3A_7 = tpu.memref_slice %arg9[%dma_start3A, %dma_start3A_5, %dma_start3A_6] : memref<2x32x1024xf32, #tpu.memory_space<vmem>> -> memref<1x32x1024xf32, #tpu.memory_space<vmem>>
    %dma_start3A_8 = tpu.memref_squeeze %dma_start3A_7 : memref<1x32x1024xf32, #tpu.memory_space<vmem>> -> memref<32x1024xf32, #tpu.memory_space<vmem>>
    %dma_start3A_9 = arith.constant 0 : i32
    %dma_start3A_10 = tpu.memref_slice %arg2[%add3A_4, %dma_start3A_9] : memref<4096x1024xf32, #tpu.memory_space<hbm>> -> memref<32x1024xf32, #tpu.memory_space<hbm>>
    %dma_start3A_11 = arith.constant 0 : i32
    %dma_start3A_12 = arith.constant 0 : i32
    %dma_start3A_13 = tpu.memref_slice %arg9[%dma_start3A, %dma_start3A_11, %dma_start3A_12] : memref<2x32x1024xf32, #tpu.memory_space<vmem>> -> memref<1x32x1024xf32, #tpu.memory_space<vmem>>
    %dma_start3A_14 = tpu.memref_squeeze %dma_start3A_13 : memref<1x32x1024xf32, #tpu.memory_space<vmem>> -> memref<32x1024xf32, #tpu.memory_space<vmem>>
    %dma_start3A_15 = arith.constant 0 : i32
    %dma_start3A_16 = tpu.memref_slice %arg2[%add3A_4, %dma_start3A_15] : memref<4096x1024xf32, #tpu.memory_space<hbm>> -> memref<32x1024xf32, #tpu.memory_space<hbm>>
    tpu.enqueue_dma source(%dma_start3A_16 : memref<32x1024xf32, #tpu.memory_space<hbm>>) target(%dma_start3A_14 : memref<32x1024xf32, #tpu.memory_space<vmem>>) target_semaphore(%arg12 : memref<!tpu.dma_semaphore, #tpu.memory_space<semaphore_mem>>)
    %dma_start3A_17 = arith.constant 0 : i32
    %dma_start3A_18 = arith.constant 0 : i32
    %dma_start3A_19 = arith.constant 0 : i32
    %dma_start3A_20 = tpu.memref_slice %arg10[%dma_start3A_17, %dma_start3A_18, %dma_start3A_19] : memref<2x32x128xf32, #tpu.memory_space<vmem>> -> memref<1x32x128xf32, #tpu.memory_space<vmem>>
    %dma_start3A_21 = tpu.memref_squeeze %dma_start3A_20 : memref<1x32x128xf32, #tpu.memory_space<vmem>> -> memref<32x128xf32, #tpu.memory_space<vmem>>
    %dma_start3A_22 = arith.constant 0 : i32
    %dma_start3A_23 = tpu.memref_slice %arg4[%add3A_4, %dma_start3A_22] : memref<4096x128xf32, #tpu.memory_space<hbm>> -> memref<32x128xf32, #tpu.memory_space<hbm>>
    %dma_start3A_24 = arith.constant 0 : i32
    %dma_start3A_25 = arith.constant 0 : i32
    %dma_start3A_26 = tpu.memref_slice %arg10[%dma_start3A_17, %dma_start3A_24, %dma_start3A_25] : memref<2x32x128xf32, #tpu.memory_space<vmem>> -> memref<1x32x128xf32, #tpu.memory_space<vmem>>
    %dma_start3A_27 = tpu.memref_squeeze %dma_start3A_26 : memref<1x32x128xf32, #tpu.memory_space<vmem>> -> memref<32x128xf32, #tpu.memory_space<vmem>>
    %dma_start3A_28 = arith.constant 0 : i32
    %dma_start3A_29 = tpu.memref_slice %arg4[%add3A_4, %dma_start3A_28] : memref<4096x128xf32, #tpu.memory_space<hbm>> -> memref<32x128xf32, #tpu.memory_space<hbm>>
    tpu.enqueue_dma source(%dma_start3A_29 : memref<32x128xf32, #tpu.memory_space<hbm>>) target(%dma_start3A_27 : memref<32x128xf32, #tpu.memory_space<vmem>>) target_semaphore(%arg12 : memref<!tpu.dma_semaphore, #tpu.memory_space<semaphore_mem>>)
    %dma_start3A_30 = arith.constant 0 : i32
    %dma_start3A_31 = arith.constant 0 : i32
    %dma_start3A_32 = arith.constant 0 : i32
    %dma_start3A_33 = tpu.memref_slice %arg11[%dma_start3A_30, %dma_start3A_31, %dma_start3A_32] : memref<2x32x128xf32, #tpu.memory_space<vmem>> -> memref<1x32x128xf32, #tpu.memory_space<vmem>>
    %dma_start3A_34 = tpu.memref_squeeze %dma_start3A_33 : memref<1x32x128xf32, #tpu.memory_space<vmem>> -> memref<32x128xf32, #tpu.memory_space<vmem>>
    %dma_start3A_35 = arith.constant 0 : i32
    %dma_start3A_36 = tpu.memref_slice %arg5[%add3A_4, %dma_start3A_35] : memref<4096x128xf32, #tpu.memory_space<hbm>> -> memref<32x128xf32, #tpu.memory_space<hbm>>
    %dma_start3A_37 = arith.constant 0 : i32
    %dma_start3A_38 = arith.constant 0 : i32
    %dma_start3A_39 = tpu.memref_slice %arg11[%dma_start3A_30, %dma_start3A_37, %dma_start3A_38] : memref<2x32x128xf32, #tpu.memory_space<vmem>> -> memref<1x32x128xf32, #tpu.memory_space<vmem>>
    %dma_start3A_40 = tpu.memref_squeeze %dma_start3A_39 : memref<1x32x128xf32, #tpu.memory_space<vmem>> -> memref<32x128xf32, #tpu.memory_space<vmem>>
    %dma_start3A_41 = arith.constant 0 : i32
    %dma_start3A_42 = tpu.memref_slice %arg5[%add3A_4, %dma_start3A_41] : memref<4096x128xf32, #tpu.memory_space<hbm>> -> memref<32x128xf32, #tpu.memory_space<hbm>>
    tpu.enqueue_dma source(%dma_start3A_42 : memref<32x128xf32, #tpu.memory_space<hbm>>) target(%dma_start3A_40 : memref<32x128xf32, #tpu.memory_space<vmem>>) target_semaphore(%arg12 : memref<!tpu.dma_semaphore, #tpu.memory_space<semaphore_mem>>)
    %dma_wait3A = arith.constant 0 : i32
    %dma_wait3A_43 = arith.constant 0 : i32
    %dma_wait3A_44 = arith.constant 0 : i32
    %dma_wait3A_45 = tpu.memref_slice %arg9[%dma_wait3A, %dma_wait3A_43, %dma_wait3A_44] : memref<2x32x1024xf32, #tpu.memory_space<vmem>> -> memref<1x32x1024xf32, #tpu.memory_space<vmem>>
    %dma_wait3A_46 = tpu.memref_squeeze %dma_wait3A_45 : memref<1x32x1024xf32, #tpu.memory_space<vmem>> -> memref<32x1024xf32, #tpu.memory_space<vmem>>
    %dma_wait3A_47 = arith.constant 0 : i32
    %dma_wait3A_48 = tpu.memref_slice %arg2[%add3A_4, %dma_wait3A_47] : memref<4096x1024xf32, #tpu.memory_space<hbm>> -> memref<32x1024xf32, #tpu.memory_space<hbm>>
    %dma_wait3A_49 = arith.constant 0 : i32
    %dma_wait3A_50 = arith.constant 0 : i32
    %dma_wait3A_51 = tpu.memref_slice %arg9[%dma_wait3A, %dma_wait3A_49, %dma_wait3A_50] : memref<2x32x1024xf32, #tpu.memory_space<vmem>> -> memref<1x32x1024xf32, #tpu.memory_space<vmem>>
    %dma_wait3A_52 = tpu.memref_squeeze %dma_wait3A_51 : memref<1x32x1024xf32, #tpu.memory_space<vmem>> -> memref<32x1024xf32, #tpu.memory_space<vmem>>
    %dma_wait3A_53 = arith.constant 0 : i32
    %dma_wait3A_54 = tpu.memref_slice %arg2[%add3A_4, %dma_wait3A_53] : memref<4096x1024xf32, #tpu.memory_space<hbm>> -> memref<32x1024xf32, #tpu.memory_space<hbm>>
    tpu.wait_dma2 semaphore(%arg12 : memref<!tpu.dma_semaphore, #tpu.memory_space<semaphore_mem>>) src(%dma_wait3A_54 : memref<32x1024xf32, #tpu.memory_space<hbm>>) dst(%dma_wait3A_52 : memref<32x1024xf32, #tpu.memory_space<vmem>>)
    %dma_wait3A_55 = arith.constant 0 : i32
    %dma_wait3A_56 = arith.constant 0 : i32
    %dma_wait3A_57 = arith.constant 0 : i32
    %dma_wait3A_58 = tpu.memref_slice %arg10[%dma_wait3A_55, %dma_wait3A_56, %dma_wait3A_57] : memref<2x32x128xf32, #tpu.memory_space<vmem>> -> memref<1x32x128xf32, #tpu.memory_space<vmem>>
    %dma_wait3A_59 = tpu.memref_squeeze %dma_wait3A_58 : memref<1x32x128xf32, #tpu.memory_space<vmem>> -> memref<32x128xf32, #tpu.memory_space<vmem>>
    %dma_wait3A_60 = arith.constant 0 : i32
    %dma_wait3A_61 = tpu.memref_slice %arg4[%add3A_4, %dma_wait3A_60] : memref<4096x128xf32, #tpu.memory_space<hbm>> -> memref<32x128xf32, #tpu.memory_space<hbm>>
    %dma_wait3A_62 = arith.constant 0 : i32
    %dma_wait3A_63 = arith.constant 0 : i32
    %dma_wait3A_64 = tpu.memref_slice %arg10[%dma_wait3A_55, %dma_wait3A_62, %dma_wait3A_63] : memref<2x32x128xf32, #tpu.memory_space<vmem>> -> memref<1x32x128xf32, #tpu.memory_space<vmem>>
    %dma_wait3A_65 = tpu.memref_squeeze %dma_wait3A_64 : memref<1x32x128xf32, #tpu.memory_space<vmem>> -> memref<32x128xf32, #tpu.memory_space<vmem>>
    %dma_wait3A_66 = arith.constant 0 : i32
    %dma_wait3A_67 = tpu.memref_slice %arg4[%add3A_4, %dma_wait3A_66] : memref<4096x128xf32, #tpu.memory_space<hbm>> -> memref<32x128xf32, #tpu.memory_space<hbm>>
    tpu.wait_dma2 semaphore(%arg12 : memref<!tpu.dma_semaphore, #tpu.memory_space<semaphore_mem>>) src(%dma_wait3A_67 : memref<32x128xf32, #tpu.memory_space<hbm>>) dst(%dma_wait3A_65 : memref<32x128xf32, #tpu.memory_space<vmem>>)
    %dma_wait3A_68 = arith.constant 0 : i32
    %dma_wait3A_69 = arith.constant 0 : i32
    %dma_wait3A_70 = arith.constant 0 : i32
    %dma_wait3A_71 = tpu.memref_slice %arg11[%dma_wait3A_68, %dma_wait3A_69, %dma_wait3A_70] : memref<2x32x128xf32, #tpu.memory_space<vmem>> -> memref<1x32x128xf32, #tpu.memory_space<vmem>>
    %dma_wait3A_72 = tpu.memref_squeeze %dma_wait3A_71 : memref<1x32x128xf32, #tpu.memory_space<vmem>> -> memref<32x128xf32, #tpu.memory_space<vmem>>
    %dma_wait3A_73 = arith.constant 0 : i32
    %dma_wait3A_74 = tpu.memref_slice %arg5[%add3A_4, %dma_wait3A_73] : memref<4096x128xf32, #tpu.memory_space<hbm>> -> memref<32x128xf32, #tpu.memory_space<hbm>>
    %dma_wait3A_75 = arith.constant 0 : i32
    %dma_wait3A_76 = arith.constant 0 : i32
    %dma_wait3A_77 = tpu.memref_slice %arg11[%dma_wait3A_68, %dma_wait3A_75, %dma_wait3A_76] : memref<2x32x128xf32, #tpu.memory_space<vmem>> -> memref<1x32x128xf32, #tpu.memory_space<vmem>>
    %dma_wait3A_78 = tpu.memref_squeeze %dma_wait3A_77 : memref<1x32x128xf32, #tpu.memory_space<vmem>> -> memref<32x128xf32, #tpu.memory_space<vmem>>
    %dma_wait3A_79 = arith.constant 0 : i32
    %dma_wait3A_80 = tpu.memref_slice %arg5[%add3A_4, %dma_wait3A_79] : memref<4096x128xf32, #tpu.memory_space<hbm>> -> memref<32x128xf32, #tpu.memory_space<hbm>>
    tpu.wait_dma2 semaphore(%arg12 : memref<!tpu.dma_semaphore, #tpu.memory_space<semaphore_mem>>) src(%dma_wait3A_80 : memref<32x128xf32, #tpu.memory_space<hbm>>) dst(%dma_wait3A_78 : memref<32x128xf32, #tpu.memory_space<vmem>>)
    %mul3A_81 = arith.constant 128 : i32
    %mul3A_82 = arith.muli %add3A, %mul3A_81 : i32
    %add3A_83 = arith.constant 32 : i32
    %add3A_84 = arith.addi %mul3A_82, %add3A_83 : i32
    %dma_start3A_85 = arith.constant 1 : i32
    %dma_start3A_86 = arith.constant 0 : i32
    %dma_start3A_87 = arith.constant 0 : i32
    %dma_start3A_88 = tpu.memref_slice %arg9[%dma_start3A_85, %dma_start3A_86, %dma_start3A_87] : memref<2x32x1024xf32, #tpu.memory_space<vmem>> -> memref<1x32x1024xf32, #tpu.memory_space<vmem>>
    %dma_start3A_89 = tpu.memref_squeeze %dma_start3A_88 : memref<1x32x1024xf32, #tpu.memory_space<vmem>> -> memref<32x1024xf32, #tpu.memory_space<vmem>>
    %dma_start3A_90 = arith.constant 0 : i32
    %dma_start3A_91 = tpu.memref_slice %arg2[%add3A_84, %dma_start3A_90] : memref<4096x1024xf32, #tpu.memory_space<hbm>> -> memref<32x1024xf32, #tpu.memory_space<hbm>>
    %dma_start3A_92 = arith.constant 0 : i32
    %dma_start3A_93 = arith.constant 0 : i32
    %dma_start3A_94 = tpu.memref_slice %arg9[%dma_start3A_85, %dma_start3A_92, %dma_start3A_93] : memref<2x32x1024xf32, #tpu.memory_space<vmem>> -> memref<1x32x1024xf32, #tpu.memory_space<vmem>>
    %dma_start3A_95 = tpu.memref_squeeze %dma_start3A_94 : memref<1x32x1024xf32, #tpu.memory_space<vmem>> -> memref<32x1024xf32, #tpu.memory_space<vmem>>
    %dma_start3A_96 = arith.constant 0 : i32
    %dma_start3A_97 = tpu.memref_slice %arg2[%add3A_84, %dma_start3A_96] : memref<4096x1024xf32, #tpu.memory_space<hbm>> -> memref<32x1024xf32, #tpu.memory_space<hbm>>
    tpu.enqueue_dma source(%dma_start3A_97 : memref<32x1024xf32, #tpu.memory_space<hbm>>) target(%dma_start3A_95 : memref<32x1024xf32, #tpu.memory_space<vmem>>) target_semaphore(%arg12 : memref<!tpu.dma_semaphore, #tpu.memory_space<semaphore_mem>>)
    %dma_start3A_98 = arith.constant 1 : i32
    %dma_start3A_99 = arith.constant 0 : i32
    %dma_start3A_100 = arith.constant 0 : i32
    %dma_start3A_101 = tpu.memref_slice %arg10[%dma_start3A_98, %dma_start3A_99, %dma_start3A_100] : memref<2x32x128xf32, #tpu.memory_space<vmem>> -> memref<1x32x128xf32, #tpu.memory_space<vmem>>
    %dma_start3A_102 = tpu.memref_squeeze %dma_start3A_101 : memref<1x32x128xf32, #tpu.memory_space<vmem>> -> memref<32x128xf32, #tpu.memory_space<vmem>>
    %dma_start3A_103 = arith.constant 0 : i32
    %dma_start3A_104 = tpu.memref_slice %arg4[%add3A_84, %dma_start3A_103] : memref<4096x128xf32, #tpu.memory_space<hbm>> -> memref<32x128xf32, #tpu.memory_space<hbm>>
    %dma_start3A_105 = arith.constant 0 : i32
    %dma_start3A_106 = arith.constant 0 : i32
    %dma_start3A_107 = tpu.memref_slice %arg10[%dma_start3A_98, %dma_start3A_105, %dma_start3A_106] : memref<2x32x128xf32, #tpu.memory_space<vmem>> -> memref<1x32x128xf32, #tpu.memory_space<vmem>>
    %dma_start3A_108 = tpu.memref_squeeze %dma_start3A_107 : memref<1x32x128xf32, #tpu.memory_space<vmem>> -> memref<32x128xf32, #tpu.memory_space<vmem>>
    %dma_start3A_109 = arith.constant 0 : i32
    %dma_start3A_110 = tpu.memref_slice %arg4[%add3A_84, %dma_start3A_109] : memref<4096x128xf32, #tpu.memory_space<hbm>> -> memref<32x128xf32, #tpu.memory_space<hbm>>
    tpu.enqueue_dma source(%dma_start3A_110 : memref<32x128xf32, #tpu.memory_space<hbm>>) target(%dma_start3A_108 : memref<32x128xf32, #tpu.memory_space<vmem>>) target_semaphore(%arg12 : memref<!tpu.dma_semaphore, #tpu.memory_space<semaphore_mem>>)
    %dma_start3A_111 = arith.constant 1 : i32
    %dma_start3A_112 = arith.constant 0 : i32
    %dma_start3A_113 = arith.constant 0 : i32
    %dma_start3A_114 = tpu.memref_slice %arg11[%dma_start3A_111, %dma_start3A_112, %dma_start3A_113] : memref<2x32x128xf32, #tpu.memory_space<vmem>> -> memref<1x32x128xf32, #tpu.memory_space<vmem>>
    %dma_start3A_115 = tpu.memref_squeeze %dma_start3A_114 : memref<1x32x128xf32, #tpu.memory_space<vmem>> -> memref<32x128xf32, #tpu.memory_space<vmem>>
    %dma_start3A_116 = arith.constant 0 : i32
    %dma_start3A_117 = tpu.memref_slice %arg5[%add3A_84, %dma_start3A_116] : memref<4096x128xf32, #tpu.memory_space<hbm>> -> memref<32x128xf32, #tpu.memory_space<hbm>>
    %dma_start3A_118 = arith.constant 0 : i32
    %dma_start3A_119 = arith.constant 0 : i32
    %dma_start3A_120 = tpu.memref_slice %arg11[%dma_start3A_111, %dma_start3A_118, %dma_start3A_119] : memref<2x32x128xf32, #tpu.memory_space<vmem>> -> memref<1x32x128xf32, #tpu.memory_space<vmem>>
    %dma_start3A_121 = tpu.memref_squeeze %dma_start3A_120 : memref<1x32x128xf32, #tpu.memory_space<vmem>> -> memref<32x128xf32, #tpu.memory_space<vmem>>
    %dma_start3A_122 = arith.constant 0 : i32
    %dma_start3A_123 = tpu.memref_slice %arg5[%add3A_84, %dma_start3A_122] : memref<4096x128xf32, #tpu.memory_space<hbm>> -> memref<32x128xf32, #tpu.memory_space<hbm>>
    tpu.enqueue_dma source(%dma_start3A_123 : memref<32x128xf32, #tpu.memory_space<hbm>>) target(%dma_start3A_121 : memref<32x128xf32, #tpu.memory_space<vmem>>) target_semaphore(%arg12 : memref<!tpu.dma_semaphore, #tpu.memory_space<semaphore_mem>>)
    %dma_start3A_124 = arith.constant 0 : i32
    %dma_start3A_125 = arith.constant 0 : i32
    %dma_start3A_126 = arith.constant 0 : i32
    %dma_start3A_127 = arith.constant 0 : i32
    %dma_start3A_128 = tpu.memref_slice %arg9[%dma_start3A_124, %dma_start3A_126, %dma_start3A_127] : memref<2x32x1024xf32, #tpu.memory_space<vmem>> -> memref<1x32x1024xf32, #tpu.memory_space<vmem>>
    %dma_start3A_129 = tpu.memref_squeeze %dma_start3A_128 : memref<1x32x1024xf32, #tpu.memory_space<vmem>> -> memref<32x1024xf32, #tpu.memory_space<vmem>>
    %dma_start3A_130 = arith.constant 0 : i32
    %dma_start3A_131 = tpu.memref_slice %arg8[%dma_start3A_125, %dma_start3A_130] : memref<8x32xi32, #tpu.memory_space<vmem>> -> memref<1x32xi32, #tpu.memory_space<vmem>>
    %dma_start3A_132 = tpu.memref_squeeze %dma_start3A_131 : memref<1x32xi32, #tpu.memory_space<vmem>> -> memref<32xi32, #tpu.memory_space<vmem>>
    %dma_start3A_133 = arith.constant 0 : i32
    %dma_start3A_134 = arith.constant 0 : i32
    %dma_start3A_135 = tpu.memref_slice %arg6[%dma_start3A_133, %dma_start3A_134] : memref<12288x1024xf32, #tpu.memory_space<hbm>> -> memref<12288x1024xf32, #tpu.memory_space<hbm>>
    tpu.enqueue_indirect_dma source(%dma_start3A_129 : memref<32x1024xf32, #tpu.memory_space<vmem>>) target(%dma_start3A_135 : memref<12288x1024xf32, #tpu.memory_space<hbm>>) offsets(%dma_start3A_132 : memref<32xi32, #tpu.memory_space<vmem>>) semaphore(%arg13 : memref<!tpu.dma_semaphore, #tpu.memory_space<semaphore_mem>>)
    %dma_start3A_136 = arith.constant 0 : i32
    %dma_start3A_137 = arith.constant 1 : i32
    %dma_start3A_138 = arith.constant 0 : i32
    %dma_start3A_139 = arith.constant 0 : i32
    %dma_start3A_140 = tpu.memref_slice %arg9[%dma_start3A_136, %dma_start3A_138, %dma_start3A_139] : memref<2x32x1024xf32, #tpu.memory_space<vmem>> -> memref<1x32x1024xf32, #tpu.memory_space<vmem>>
    %dma_start3A_141 = tpu.memref_squeeze %dma_start3A_140 : memref<1x32x1024xf32, #tpu.memory_space<vmem>> -> memref<32x1024xf32, #tpu.memory_space<vmem>>
    %dma_start3A_142 = arith.constant 0 : i32
    %dma_start3A_143 = tpu.memref_slice %arg8[%dma_start3A_137, %dma_start3A_142] : memref<8x32xi32, #tpu.memory_space<vmem>> -> memref<1x32xi32, #tpu.memory_space<vmem>>
    %dma_start3A_144 = tpu.memref_squeeze %dma_start3A_143 : memref<1x32xi32, #tpu.memory_space<vmem>> -> memref<32xi32, #tpu.memory_space<vmem>>
    %dma_start3A_145 = arith.constant 0 : i32
    %dma_start3A_146 = arith.constant 0 : i32
    %dma_start3A_147 = tpu.memref_slice %arg6[%dma_start3A_145, %dma_start3A_146] : memref<12288x1024xf32, #tpu.memory_space<hbm>> -> memref<12288x1024xf32, #tpu.memory_space<hbm>>
    tpu.enqueue_indirect_dma source(%dma_start3A_141 : memref<32x1024xf32, #tpu.memory_space<vmem>>) target(%dma_start3A_147 : memref<12288x1024xf32, #tpu.memory_space<hbm>>) offsets(%dma_start3A_144 : memref<32xi32, #tpu.memory_space<vmem>>) semaphore(%arg13 : memref<!tpu.dma_semaphore, #tpu.memory_space<semaphore_mem>>)
    %dma_start3A_148 = arith.constant 0 : i32
    %dma_start3A_149 = arith.constant 0 : i32
    %dma_start3A_150 = arith.constant 0 : i32
    %dma_start3A_151 = arith.constant 0 : i32
    %dma_start3A_152 = tpu.memref_slice %arg10[%dma_start3A_148, %dma_start3A_150, %dma_start3A_151] : memref<2x32x128xf32, #tpu.memory_space<vmem>> -> memref<1x32x128xf32, #tpu.memory_space<vmem>>
    %dma_start3A_153 = tpu.memref_squeeze %dma_start3A_152 : memref<1x32x128xf32, #tpu.memory_space<vmem>> -> memref<32x128xf32, #tpu.memory_space<vmem>>
    %dma_start3A_154 = arith.constant 0 : i32
    %dma_start3A_155 = tpu.memref_slice %arg8[%dma_start3A_149, %dma_start3A_154] : memref<8x32xi32, #tpu.memory_space<vmem>> -> memref<1x32xi32, #tpu.memory_space<vmem>>
    %dma_start3A_156 = tpu.memref_squeeze %dma_start3A_155 : memref<1x32xi32, #tpu.memory_space<vmem>> -> memref<32xi32, #tpu.memory_space<vmem>>
    %dma_start3A_157 = arith.constant 0 : i32
    %dma_start3A_158 = arith.constant 0 : i32
    %dma_start3A_159 = tpu.memref_slice %arg7[%dma_start3A_157, %dma_start3A_158] : memref<12288x128xf32, #tpu.memory_space<hbm>> -> memref<12288x128xf32, #tpu.memory_space<hbm>>
    tpu.enqueue_indirect_dma source(%dma_start3A_153 : memref<32x128xf32, #tpu.memory_space<vmem>>) target(%dma_start3A_159 : memref<12288x128xf32, #tpu.memory_space<hbm>>) offsets(%dma_start3A_156 : memref<32xi32, #tpu.memory_space<vmem>>) semaphore(%arg13 : memref<!tpu.dma_semaphore, #tpu.memory_space<semaphore_mem>>)
    %dma_start3A_160 = arith.constant 0 : i32
    %dma_start3A_161 = arith.constant 1 : i32
    %dma_start3A_162 = arith.constant 0 : i32
    %dma_start3A_163 = arith.constant 0 : i32
    %dma_start3A_164 = tpu.memref_slice %arg11[%dma_start3A_160, %dma_start3A_162, %dma_start3A_163] : memref<2x32x128xf32, #tpu.memory_space<vmem>> -> memref<1x32x128xf32, #tpu.memory_space<vmem>>
    %dma_start3A_165 = tpu.memref_squeeze %dma_start3A_164 : memref<1x32x128xf32, #tpu.memory_space<vmem>> -> memref<32x128xf32, #tpu.memory_space<vmem>>
    %dma_start3A_166 = arith.constant 0 : i32
    %dma_start3A_167 = tpu.memref_slice %arg8[%dma_start3A_161, %dma_start3A_166] : memref<8x32xi32, #tpu.memory_space<vmem>> -> memref<1x32xi32, #tpu.memory_space<vmem>>
    %dma_start3A_168 = tpu.memref_squeeze %dma_start3A_167 : memref<1x32xi32, #tpu.memory_space<vmem>> -> memref<32xi32, #tpu.memory_space<vmem>>
    %dma_start3A_169 = arith.constant 0 : i32
    %dma_start3A_170 = arith.constant 0 : i32
    %dma_start3A_171 = tpu.memref_slice %arg7[%dma_start3A_169, %dma_start3A_170] : memref<12288x128xf32, #tpu.memory_space<hbm>> -> memref<12288x128xf32, #tpu.memory_space<hbm>>
    tpu.enqueue_indirect_dma source(%dma_start3A_165 : memref<32x128xf32, #tpu.memory_space<vmem>>) target(%dma_start3A_171 : memref<12288x128xf32, #tpu.memory_space<hbm>>) offsets(%dma_start3A_168 : memref<32xi32, #tpu.memory_space<vmem>>) semaphore(%arg13 : memref<!tpu.dma_semaphore, #tpu.memory_space<semaphore_mem>>)
    %dma_wait3A_172 = arith.constant 1 : i32
    %dma_wait3A_173 = arith.constant 0 : i32
    %dma_wait3A_174 = arith.constant 0 : i32
    %dma_wait3A_175 = tpu.memref_slice %arg9[%dma_wait3A_172, %dma_wait3A_173, %dma_wait3A_174] : memref<2x32x1024xf32, #tpu.memory_space<vmem>> -> memref<1x32x1024xf32, #tpu.memory_space<vmem>>
    %dma_wait3A_176 = tpu.memref_squeeze %dma_wait3A_175 : memref<1x32x1024xf32, #tpu.memory_space<vmem>> -> memref<32x1024xf32, #tpu.memory_space<vmem>>
    %dma_wait3A_177 = arith.constant 0 : i32
    %dma_wait3A_178 = tpu.memref_slice %arg2[%add3A_84, %dma_wait3A_177] : memref<4096x1024xf32, #tpu.memory_space<hbm>> -> memref<32x1024xf32, #tpu.memory_space<hbm>>
    %dma_wait3A_179 = arith.constant 0 : i32
    %dma_wait3A_180 = arith.constant 0 : i32
    %dma_wait3A_181 = tpu.memref_slice %arg9[%dma_wait3A_172, %dma_wait3A_179, %dma_wait3A_180] : memref<2x32x1024xf32, #tpu.memory_space<vmem>> -> memref<1x32x1024xf32, #tpu.memory_space<vmem>>
    %dma_wait3A_182 = tpu.memref_squeeze %dma_wait3A_181 : memref<1x32x1024xf32, #tpu.memory_space<vmem>> -> memref<32x1024xf32, #tpu.memory_space<vmem>>
    %dma_wait3A_183 = arith.constant 0 : i32
    %dma_wait3A_184 = tpu.memref_slice %arg2[%add3A_84, %dma_wait3A_183] : memref<4096x1024xf32, #tpu.memory_space<hbm>> -> memref<32x1024xf32, #tpu.memory_space<hbm>>
    tpu.wait_dma2 semaphore(%arg12 : memref<!tpu.dma_semaphore, #tpu.memory_space<semaphore_mem>>) src(%dma_wait3A_184 : memref<32x1024xf32, #tpu.memory_space<hbm>>) dst(%dma_wait3A_182 : memref<32x1024xf32, #tpu.memory_space<vmem>>)
    %dma_wait3A_185 = arith.constant 1 : i32
    %dma_wait3A_186 = arith.constant 0 : i32
    %dma_wait3A_187 = arith.constant 0 : i32
    %dma_wait3A_188 = tpu.memref_slice %arg10[%dma_wait3A_185, %dma_wait3A_186, %dma_wait3A_187] : memref<2x32x128xf32, #tpu.memory_space<vmem>> -> memref<1x32x128xf32, #tpu.memory_space<vmem>>
    %dma_wait3A_189 = tpu.memref_squeeze %dma_wait3A_188 : memref<1x32x128xf32, #tpu.memory_space<vmem>> -> memref<32x128xf32, #tpu.memory_space<vmem>>
    %dma_wait3A_190 = arith.constant 0 : i32
    %dma_wait3A_191 = tpu.memref_slice %arg4[%add3A_84, %dma_wait3A_190] : memref<4096x128xf32, #tpu.memory_space<hbm>> -> memref<32x128xf32, #tpu.memory_space<hbm>>
    %dma_wait3A_192 = arith.constant 0 : i32
    %dma_wait3A_193 = arith.constant 0 : i32
    %dma_wait3A_194 = tpu.memref_slice %arg10[%dma_wait3A_185, %dma_wait3A_192, %dma_wait3A_193] : memref<2x32x128xf32, #tpu.memory_space<vmem>> -> memref<1x32x128xf32, #tpu.memory_space<vmem>>
    %dma_wait3A_195 = tpu.memref_squeeze %dma_wait3A_194 : memref<1x32x128xf32, #tpu.memory_space<vmem>> -> memref<32x128xf32, #tpu.memory_space<vmem>>
    %dma_wait3A_196 = arith.constant 0 : i32
    %dma_wait3A_197 = tpu.memref_slice %arg4[%add3A_84, %dma_wait3A_196] : memref<4096x128xf32, #tpu.memory_space<hbm>> -> memref<32x128xf32, #tpu.memory_space<hbm>>
    tpu.wait_dma2 semaphore(%arg12 : memref<!tpu.dma_semaphore, #tpu.memory_space<semaphore_mem>>) src(%dma_wait3A_197 : memref<32x128xf32, #tpu.memory_space<hbm>>) dst(%dma_wait3A_195 : memref<32x128xf32, #tpu.memory_space<vmem>>)
    %dma_wait3A_198 = arith.constant 1 : i32
    %dma_wait3A_199 = arith.constant 0 : i32
    %dma_wait3A_200 = arith.constant 0 : i32
    %dma_wait3A_201 = tpu.memref_slice %arg11[%dma_wait3A_198, %dma_wait3A_199, %dma_wait3A_200] : memref<2x32x128xf32, #tpu.memory_space<vmem>> -> memref<1x32x128xf32, #tpu.memory_space<vmem>>
    %dma_wait3A_202 = tpu.memref_squeeze %dma_wait3A_201 : memref<1x32x128xf32, #tpu.memory_space<vmem>> -> memref<32x128xf32, #tpu.memory_space<vmem>>
    %dma_wait3A_203 = arith.constant 0 : i32
    %dma_wait3A_204 = tpu.memref_slice %arg5[%add3A_84, %dma_wait3A_203] : memref<4096x128xf32, #tpu.memory_space<hbm>> -> memref<32x128xf32, #tpu.memory_space<hbm>>
    %dma_wait3A_205 = arith.constant 0 : i32
    %dma_wait3A_206 = arith.constant 0 : i32
    %dma_wait3A_207 = tpu.memref_slice %arg11[%dma_wait3A_198, %dma_wait3A_205, %dma_wait3A_206] : memref<2x32x128xf32, #tpu.memory_space<vmem>> -> memref<1x32x128xf32, #tpu.memory_space<vmem>>
    %dma_wait3A_208 = tpu.memref_squeeze %dma_wait3A_207 : memref<1x32x128xf32, #tpu.memory_space<vmem>> -> memref<32x128xf32, #tpu.memory_space<vmem>>
    %dma_wait3A_209 = arith.constant 0 : i32
    %dma_wait3A_210 = tpu.memref_slice %arg5[%add3A_84, %dma_wait3A_209] : memref<4096x128xf32, #tpu.memory_space<hbm>> -> memref<32x128xf32, #tpu.memory_space<hbm>>
    tpu.wait_dma2 semaphore(%arg12 : memref<!tpu.dma_semaphore, #tpu.memory_space<semaphore_mem>>) src(%dma_wait3A_210 : memref<32x128xf32, #tpu.memory_space<hbm>>) dst(%dma_wait3A_208 : memref<32x128xf32, #tpu.memory_space<vmem>>)
    %dma_wait3A_211 = arith.constant 0 : i32
    %dma_wait3A_212 = arith.constant 0 : i32
    %dma_wait3A_213 = arith.constant 0 : i32
    %dma_wait3A_214 = arith.constant 0 : i32
    %dma_wait3A_215 = tpu.memref_slice %arg9[%dma_wait3A_211, %dma_wait3A_213, %dma_wait3A_214] : memref<2x32x1024xf32, #tpu.memory_space<vmem>> -> memref<1x32x1024xf32, #tpu.memory_space<vmem>>
    %dma_wait3A_216 = tpu.memref_squeeze %dma_wait3A_215 : memref<1x32x1024xf32, #tpu.memory_space<vmem>> -> memref<32x1024xf32, #tpu.memory_space<vmem>>
    %dma_wait3A_217 = arith.constant 0 : i32
    %dma_wait3A_218 = tpu.memref_slice %arg8[%dma_wait3A_212, %dma_wait3A_217] : memref<8x32xi32, #tpu.memory_space<vmem>> -> memref<1x32xi32, #tpu.memory_space<vmem>>
    %dma_wait3A_219 = tpu.memref_squeeze %dma_wait3A_218 : memref<1x32xi32, #tpu.memory_space<vmem>> -> memref<32xi32, #tpu.memory_space<vmem>>
    %dma_wait3A_220 = arith.constant 0 : i32
    %dma_wait3A_221 = arith.constant 0 : i32
    %dma_wait3A_222 = tpu.memref_slice %arg6[%dma_wait3A_220, %dma_wait3A_221] : memref<12288x1024xf32, #tpu.memory_space<hbm>> -> memref<12288x1024xf32, #tpu.memory_space<hbm>>
    tpu.wait_indirect_dma semaphore(%arg13 : memref<!tpu.dma_semaphore, #tpu.memory_space<semaphore_mem>>) src(%dma_wait3A_216 : memref<32x1024xf32, #tpu.memory_space<vmem>>) dst(%dma_wait3A_222 : memref<12288x1024xf32, #tpu.memory_space<hbm>>)
    %dma_wait3A_223 = arith.constant 0 : i32
    %dma_wait3A_224 = arith.constant 1 : i32
    %dma_wait3A_225 = arith.constant 0 : i32
    %dma_wait3A_226 = arith.constant 0 : i32
    %dma_wait3A_227 = tpu.memref_slice %arg9[%dma_wait3A_223, %dma_wait3A_225, %dma_wait3A_226] : memref<2x32x1024xf32, #tpu.memory_space<vmem>> -> memref<1x32x1024xf32, #tpu.memory_space<vmem>>
    %dma_wait3A_228 = tpu.memref_squeeze %dma_wait3A_227 : memref<1x32x1024xf32, #tpu.memory_space<vmem>> -> memref<32x1024xf32, #tpu.memory_space<vmem>>
    %dma_wait3A_229 = arith.constant 0 : i32
    %dma_wait3A_230 = tpu.memref_slice %arg8[%dma_wait3A_224, %dma_wait3A_229] : memref<8x32xi32, #tpu.memory_space<vmem>> -> memref<1x32xi32, #tpu.memory_space<vmem>>
    %dma_wait3A_231 = tpu.memref_squeeze %dma_wait3A_230 : memref<1x32xi32, #tpu.memory_space<vmem>> -> memref<32xi32, #tpu.memory_space<vmem>>
    %dma_wait3A_232 = arith.constant 0 : i32
    %dma_wait3A_233 = arith.constant 0 : i32
    %dma_wait3A_234 = tpu.memref_slice %arg6[%dma_wait3A_232, %dma_wait3A_233] : memref<12288x1024xf32, #tpu.memory_space<hbm>> -> memref<12288x1024xf32, #tpu.memory_space<hbm>>
    tpu.wait_indirect_dma semaphore(%arg13 : memref<!tpu.dma_semaphore, #tpu.memory_space<semaphore_mem>>) src(%dma_wait3A_228 : memref<32x1024xf32, #tpu.memory_space<vmem>>) dst(%dma_wait3A_234 : memref<12288x1024xf32, #tpu.memory_space<hbm>>)
    %dma_wait3A_235 = arith.constant 0 : i32
    %dma_wait3A_236 = arith.constant 0 : i32
    %dma_wait3A_237 = arith.constant 0 : i32
    %dma_wait3A_238 = arith.constant 0 : i32
    %dma_wait3A_239 = tpu.memref_slice %arg10[%dma_wait3A_235, %dma_wait3A_237, %dma_wait3A_238] : memref<2x32x128xf32, #tpu.memory_space<vmem>> -> memref<1x32x128xf32, #tpu.memory_space<vmem>>
    %dma_wait3A_240 = tpu.memref_squeeze %dma_wait3A_239 : memref<1x32x128xf32, #tpu.memory_space<vmem>> -> memref<32x128xf32, #tpu.memory_space<vmem>>
    %dma_wait3A_241 = arith.constant 0 : i32
    %dma_wait3A_242 = tpu.memref_slice %arg8[%dma_wait3A_236, %dma_wait3A_241] : memref<8x32xi32, #tpu.memory_space<vmem>> -> memref<1x32xi32, #tpu.memory_space<vmem>>
    %dma_wait3A_243 = tpu.memref_squeeze %dma_wait3A_242 : memref<1x32xi32, #tpu.memory_space<vmem>> -> memref<32xi32, #tpu.memory_space<vmem>>
    %dma_wait3A_244 = arith.constant 0 : i32
    %dma_wait3A_245 = arith.constant 0 : i32
    %dma_wait3A_246 = tpu.memref_slice %arg7[%dma_wait3A_244, %dma_wait3A_245] : memref<12288x128xf32, #tpu.memory_space<hbm>> -> memref<12288x128xf32, #tpu.memory_space<hbm>>
    tpu.wait_indirect_dma semaphore(%arg13 : memref<!tpu.dma_semaphore, #tpu.memory_space<semaphore_mem>>) src(%dma_wait3A_240 : memref<32x128xf32, #tpu.memory_space<vmem>>) dst(%dma_wait3A_246 : memref<12288x128xf32, #tpu.memory_space<hbm>>)
    %dma_wait3A_247 = arith.constant 0 : i32
    %dma_wait3A_248 = arith.constant 1 : i32
    %dma_wait3A_249 = arith.constant 0 : i32
    %dma_wait3A_250 = arith.constant 0 : i32
    %dma_wait3A_251 = tpu.memref_slice %arg11[%dma_wait3A_247, %dma_wait3A_249, %dma_wait3A_250] : memref<2x32x128xf32, #tpu.memory_space<vmem>> -> memref<1x32x128xf32, #tpu.memory_space<vmem>>
    %dma_wait3A_252 = tpu.memref_squeeze %dma_wait3A_251 : memref<1x32x128xf32, #tpu.memory_space<vmem>> -> memref<32x128xf32, #tpu.memory_space<vmem>>
    %dma_wait3A_253 = arith.constant 0 : i32
    %dma_wait3A_254 = tpu.memref_slice %arg8[%dma_wait3A_248, %dma_wait3A_253] : memref<8x32xi32, #tpu.memory_space<vmem>> -> memref<1x32xi32, #tpu.memory_space<vmem>>
    %dma_wait3A_255 = tpu.memref_squeeze %dma_wait3A_254 : memref<1x32xi32, #tpu.memory_space<vmem>> -> memref<32xi32, #tpu.memory_space<vmem>>
    %dma_wait3A_256 = arith.constant 0 : i32
    %dma_wait3A_257 = arith.constant 0 : i32
    %dma_wait3A_258 = tpu.memref_slice %arg7[%dma_wait3A_256, %dma_wait3A_257] : memref<12288x128xf32, #tpu.memory_space<hbm>> -> memref<12288x128xf32, #tpu.memory_space<hbm>>
    tpu.wait_indirect_dma semaphore(%arg13 : memref<!tpu.dma_semaphore, #tpu.memory_space<semaphore_mem>>) src(%dma_wait3A_252 : memref<32x128xf32, #tpu.memory_space<vmem>>) dst(%dma_wait3A_258 : memref<12288x128xf32, #tpu.memory_space<hbm>>)
    %mul3A_259 = arith.constant 128 : i32
    %mul3A_260 = arith.muli %add3A, %mul3A_259 : i32
    %add3A_261 = arith.constant 64 : i32
    %add3A_262 = arith.addi %mul3A_260, %add3A_261 : i32
    %dma_start3A_263 = arith.constant 0 : i32
    %dma_start3A_264 = arith.constant 0 : i32
    %dma_start3A_265 = arith.constant 0 : i32
    %dma_start3A_266 = tpu.memref_slice %arg9[%dma_start3A_263, %dma_start3A_264, %dma_start3A_265] : memref<2x32x1024xf32, #tpu.memory_space<vmem>> -> memref<1x32x1024xf32, #tpu.memory_space<vmem>>
    %dma_start3A_267 = tpu.memref_squeeze %dma_start3A_266 : memref<1x32x1024xf32, #tpu.memory_space<vmem>> -> memref<32x1024xf32, #tpu.memory_space<vmem>>
    %dma_start3A_268 = arith.constant 0 : i32
    %dma_start3A_269 = tpu.memref_slice %arg2[%add3A_262, %dma_start3A_268] : memref<4096x1024xf32, #tpu.memory_space<hbm>> -> memref<32x1024xf32, #tpu.memory_space<hbm>>
    %dma_start3A_270 = arith.constant 0 : i32
    %dma_start3A_271 = arith.constant 0 : i32
    %dma_start3A_272 = tpu.memref_slice %arg9[%dma_start3A_263, %dma_start3A_270, %dma_start3A_271] : memref<2x32x1024xf32, #tpu.memory_space<vmem>> -> memref<1x32x1024xf32, #tpu.memory_space<vmem>>
    %dma_start3A_273 = tpu.memref_squeeze %dma_start3A_272 : memref<1x32x1024xf32, #tpu.memory_space<vmem>> -> memref<32x1024xf32, #tpu.memory_space<vmem>>
    %dma_start3A_274 = arith.constant 0 : i32
    %dma_start3A_275 = tpu.memref_slice %arg2[%add3A_262, %dma_start3A_274] : memref<4096x1024xf32, #tpu.memory_space<hbm>> -> memref<32x1024xf32, #tpu.memory_space<hbm>>
    tpu.enqueue_dma source(%dma_start3A_275 : memref<32x1024xf32, #tpu.memory_space<hbm>>) target(%dma_start3A_273 : memref<32x1024xf32, #tpu.memory_space<vmem>>) target_semaphore(%arg12 : memref<!tpu.dma_semaphore, #tpu.memory_space<semaphore_mem>>)
    %dma_start3A_276 = arith.constant 0 : i32
    %dma_start3A_277 = arith.constant 0 : i32
    %dma_start3A_278 = arith.constant 0 : i32
    %dma_start3A_279 = tpu.memref_slice %arg10[%dma_start3A_276, %dma_start3A_277, %dma_start3A_278] : memref<2x32x128xf32, #tpu.memory_space<vmem>> -> memref<1x32x128xf32, #tpu.memory_space<vmem>>
    %dma_start3A_280 = tpu.memref_squeeze %dma_start3A_279 : memref<1x32x128xf32, #tpu.memory_space<vmem>> -> memref<32x128xf32, #tpu.memory_space<vmem>>
    %dma_start3A_281 = arith.constant 0 : i32
    %dma_start3A_282 = tpu.memref_slice %arg4[%add3A_262, %dma_start3A_281] : memref<4096x128xf32, #tpu.memory_space<hbm>> -> memref<32x128xf32, #tpu.memory_space<hbm>>
    %dma_start3A_283 = arith.constant 0 : i32
    %dma_start3A_284 = arith.constant 0 : i32
    %dma_start3A_285 = tpu.memref_slice %arg10[%dma_start3A_276, %dma_start3A_283, %dma_start3A_284] : memref<2x32x128xf32, #tpu.memory_space<vmem>> -> memref<1x32x128xf32, #tpu.memory_space<vmem>>
    %dma_start3A_286 = tpu.memref_squeeze %dma_start3A_285 : memref<1x32x128xf32, #tpu.memory_space<vmem>> -> memref<32x128xf32, #tpu.memory_space<vmem>>
    %dma_start3A_287 = arith.constant 0 : i32
    %dma_start3A_288 = tpu.memref_slice %arg4[%add3A_262, %dma_start3A_287] : memref<4096x128xf32, #tpu.memory_space<hbm>> -> memref<32x128xf32, #tpu.memory_space<hbm>>
    tpu.enqueue_dma source(%dma_start3A_288 : memref<32x128xf32, #tpu.memory_space<hbm>>) target(%dma_start3A_286 : memref<32x128xf32, #tpu.memory_space<vmem>>) target_semaphore(%arg12 : memref<!tpu.dma_semaphore, #tpu.memory_space<semaphore_mem>>)
    %dma_start3A_289 = arith.constant 0 : i32
    %dma_start3A_290 = arith.constant 0 : i32
    %dma_start3A_291 = arith.constant 0 : i32
    %dma_start3A_292 = tpu.memref_slice %arg11[%dma_start3A_289, %dma_start3A_290, %dma_start3A_291] : memref<2x32x128xf32, #tpu.memory_space<vmem>> -> memref<1x32x128xf32, #tpu.memory_space<vmem>>
    %dma_start3A_293 = tpu.memref_squeeze %dma_start3A_292 : memref<1x32x128xf32, #tpu.memory_space<vmem>> -> memref<32x128xf32, #tpu.memory_space<vmem>>
    %dma_start3A_294 = arith.constant 0 : i32
    %dma_start3A_295 = tpu.memref_slice %arg5[%add3A_262, %dma_start3A_294] : memref<4096x128xf32, #tpu.memory_space<hbm>> -> memref<32x128xf32, #tpu.memory_space<hbm>>
    %dma_start3A_296 = arith.constant 0 : i32
    %dma_start3A_297 = arith.constant 0 : i32
    %dma_start3A_298 = tpu.memref_slice %arg11[%dma_start3A_289, %dma_start3A_296, %dma_start3A_297] : memref<2x32x128xf32, #tpu.memory_space<vmem>> -> memref<1x32x128xf32, #tpu.memory_space<vmem>>
    %dma_start3A_299 = tpu.memref_squeeze %dma_start3A_298 : memref<1x32x128xf32, #tpu.memory_space<vmem>> -> memref<32x128xf32, #tpu.memory_space<vmem>>
    %dma_start3A_300 = arith.constant 0 : i32
    %dma_start3A_301 = tpu.memref_slice %arg5[%add3A_262, %dma_start3A_300] : memref<4096x128xf32, #tpu.memory_space<hbm>> -> memref<32x128xf32, #tpu.memory_space<hbm>>
    tpu.enqueue_dma source(%dma_start3A_301 : memref<32x128xf32, #tpu.memory_space<hbm>>) target(%dma_start3A_299 : memref<32x128xf32, #tpu.memory_space<vmem>>) target_semaphore(%arg12 : memref<!tpu.dma_semaphore, #tpu.memory_space<semaphore_mem>>)
    %dma_start3A_302 = arith.constant 1 : i32
    %dma_start3A_303 = arith.constant 2 : i32
    %dma_start3A_304 = arith.constant 0 : i32
    %dma_start3A_305 = arith.constant 0 : i32
    %dma_start3A_306 = tpu.memref_slice %arg9[%dma_start3A_302, %dma_start3A_304, %dma_start3A_305] : memref<2x32x1024xf32, #tpu.memory_space<vmem>> -> memref<1x32x1024xf32, #tpu.memory_space<vmem>>
    %dma_start3A_307 = tpu.memref_squeeze %dma_start3A_306 : memref<1x32x1024xf32, #tpu.memory_space<vmem>> -> memref<32x1024xf32, #tpu.memory_space<vmem>>
    %dma_start3A_308 = arith.constant 0 : i32
    %dma_start3A_309 = tpu.memref_slice %arg8[%dma_start3A_303, %dma_start3A_308] : memref<8x32xi32, #tpu.memory_space<vmem>> -> memref<1x32xi32, #tpu.memory_space<vmem>>
    %dma_start3A_310 = tpu.memref_squeeze %dma_start3A_309 : memref<1x32xi32, #tpu.memory_space<vmem>> -> memref<32xi32, #tpu.memory_space<vmem>>
    %dma_start3A_311 = arith.constant 0 : i32
    %dma_start3A_312 = arith.constant 0 : i32
    %dma_start3A_313 = tpu.memref_slice %arg6[%dma_start3A_311, %dma_start3A_312] : memref<12288x1024xf32, #tpu.memory_space<hbm>> -> memref<12288x1024xf32, #tpu.memory_space<hbm>>
    tpu.enqueue_indirect_dma source(%dma_start3A_307 : memref<32x1024xf32, #tpu.memory_space<vmem>>) target(%dma_start3A_313 : memref<12288x1024xf32, #tpu.memory_space<hbm>>) offsets(%dma_start3A_310 : memref<32xi32, #tpu.memory_space<vmem>>) semaphore(%arg13 : memref<!tpu.dma_semaphore, #tpu.memory_space<semaphore_mem>>)
    %dma_start3A_314 = arith.constant 1 : i32
    %dma_start3A_315 = arith.constant 3 : i32
    %dma_start3A_316 = arith.constant 0 : i32
    %dma_start3A_317 = arith.constant 0 : i32
    %dma_start3A_318 = tpu.memref_slice %arg9[%dma_start3A_314, %dma_start3A_316, %dma_start3A_317] : memref<2x32x1024xf32, #tpu.memory_space<vmem>> -> memref<1x32x1024xf32, #tpu.memory_space<vmem>>
    %dma_start3A_319 = tpu.memref_squeeze %dma_start3A_318 : memref<1x32x1024xf32, #tpu.memory_space<vmem>> -> memref<32x1024xf32, #tpu.memory_space<vmem>>
    %dma_start3A_320 = arith.constant 0 : i32
    %dma_start3A_321 = tpu.memref_slice %arg8[%dma_start3A_315, %dma_start3A_320] : memref<8x32xi32, #tpu.memory_space<vmem>> -> memref<1x32xi32, #tpu.memory_space<vmem>>
    %dma_start3A_322 = tpu.memref_squeeze %dma_start3A_321 : memref<1x32xi32, #tpu.memory_space<vmem>> -> memref<32xi32, #tpu.memory_space<vmem>>
    %dma_start3A_323 = arith.constant 0 : i32
    %dma_start3A_324 = arith.constant 0 : i32
    %dma_start3A_325 = tpu.memref_slice %arg6[%dma_start3A_323, %dma_start3A_324] : memref<12288x1024xf32, #tpu.memory_space<hbm>> -> memref<12288x1024xf32, #tpu.memory_space<hbm>>
    tpu.enqueue_indirect_dma source(%dma_start3A_319 : memref<32x1024xf32, #tpu.memory_space<vmem>>) target(%dma_start3A_325 : memref<12288x1024xf32, #tpu.memory_space<hbm>>) offsets(%dma_start3A_322 : memref<32xi32, #tpu.memory_space<vmem>>) semaphore(%arg13 : memref<!tpu.dma_semaphore, #tpu.memory_space<semaphore_mem>>)
    %dma_start3A_326 = arith.constant 1 : i32
    %dma_start3A_327 = arith.constant 2 : i32
    %dma_start3A_328 = arith.constant 0 : i32
    %dma_start3A_329 = arith.constant 0 : i32
    %dma_start3A_330 = tpu.memref_slice %arg10[%dma_start3A_326, %dma_start3A_328, %dma_start3A_329] : memref<2x32x128xf32, #tpu.memory_space<vmem>> -> memref<1x32x128xf32, #tpu.memory_space<vmem>>
    %dma_start3A_331 = tpu.memref_squeeze %dma_start3A_330 : memref<1x32x128xf32, #tpu.memory_space<vmem>> -> memref<32x128xf32, #tpu.memory_space<vmem>>
    %dma_start3A_332 = arith.constant 0 : i32
    %dma_start3A_333 = tpu.memref_slice %arg8[%dma_start3A_327, %dma_start3A_332] : memref<8x32xi32, #tpu.memory_space<vmem>> -> memref<1x32xi32, #tpu.memory_space<vmem>>
    %dma_start3A_334 = tpu.memref_squeeze %dma_start3A_333 : memref<1x32xi32, #tpu.memory_space<vmem>> -> memref<32xi32, #tpu.memory_space<vmem>>
    %dma_start3A_335 = arith.constant 0 : i32
    %dma_start3A_336 = arith.constant 0 : i32
    %dma_start3A_337 = tpu.memref_slice %arg7[%dma_start3A_335, %dma_start3A_336] : memref<12288x128xf32, #tpu.memory_space<hbm>> -> memref<12288x128xf32, #tpu.memory_space<hbm>>
    tpu.enqueue_indirect_dma source(%dma_start3A_331 : memref<32x128xf32, #tpu.memory_space<vmem>>) target(%dma_start3A_337 : memref<12288x128xf32, #tpu.memory_space<hbm>>) offsets(%dma_start3A_334 : memref<32xi32, #tpu.memory_space<vmem>>) semaphore(%arg13 : memref<!tpu.dma_semaphore, #tpu.memory_space<semaphore_mem>>)
    %dma_start3A_338 = arith.constant 1 : i32
    %dma_start3A_339 = arith.constant 3 : i32
    %dma_start3A_340 = arith.constant 0 : i32
    %dma_start3A_341 = arith.constant 0 : i32
    %dma_start3A_342 = tpu.memref_slice %arg11[%dma_start3A_338, %dma_start3A_340, %dma_start3A_341] : memref<2x32x128xf32, #tpu.memory_space<vmem>> -> memref<1x32x128xf32, #tpu.memory_space<vmem>>
    %dma_start3A_343 = tpu.memref_squeeze %dma_start3A_342 : memref<1x32x128xf32, #tpu.memory_space<vmem>> -> memref<32x128xf32, #tpu.memory_space<vmem>>
    %dma_start3A_344 = arith.constant 0 : i32
    %dma_start3A_345 = tpu.memref_slice %arg8[%dma_start3A_339, %dma_start3A_344] : memref<8x32xi32, #tpu.memory_space<vmem>> -> memref<1x32xi32, #tpu.memory_space<vmem>>
    %dma_start3A_346 = tpu.memref_squeeze %dma_start3A_345 : memref<1x32xi32, #tpu.memory_space<vmem>> -> memref<32xi32, #tpu.memory_space<vmem>>
    %dma_start3A_347 = arith.constant 0 : i32
    %dma_start3A_348 = arith.constant 0 : i32
    %dma_start3A_349 = tpu.memref_slice %arg7[%dma_start3A_347, %dma_start3A_348] : memref<12288x128xf32, #tpu.memory_space<hbm>> -> memref<12288x128xf32, #tpu.memory_space<hbm>>
    tpu.enqueue_indirect_dma source(%dma_start3A_343 : memref<32x128xf32, #tpu.memory_space<vmem>>) target(%dma_start3A_349 : memref<12288x128xf32, #tpu.memory_space<hbm>>) offsets(%dma_start3A_346 : memref<32xi32, #tpu.memory_space<vmem>>) semaphore(%arg13 : memref<!tpu.dma_semaphore, #tpu.memory_space<semaphore_mem>>)
    %dma_wait3A_350 = arith.constant 0 : i32
    %dma_wait3A_351 = arith.constant 0 : i32
    %dma_wait3A_352 = arith.constant 0 : i32
    %dma_wait3A_353 = tpu.memref_slice %arg9[%dma_wait3A_350, %dma_wait3A_351, %dma_wait3A_352] : memref<2x32x1024xf32, #tpu.memory_space<vmem>> -> memref<1x32x1024xf32, #tpu.memory_space<vmem>>
    %dma_wait3A_354 = tpu.memref_squeeze %dma_wait3A_353 : memref<1x32x1024xf32, #tpu.memory_space<vmem>> -> memref<32x1024xf32, #tpu.memory_space<vmem>>
    %dma_wait3A_355 = arith.constant 0 : i32
    %dma_wait3A_356 = tpu.memref_slice %arg2[%add3A_262, %dma_wait3A_355] : memref<4096x1024xf32, #tpu.memory_space<hbm>> -> memref<32x1024xf32, #tpu.memory_space<hbm>>
    %dma_wait3A_357 = arith.constant 0 : i32
    %dma_wait3A_358 = arith.constant 0 : i32
    %dma_wait3A_359 = tpu.memref_slice %arg9[%dma_wait3A_350, %dma_wait3A_357, %dma_wait3A_358] : memref<2x32x1024xf32, #tpu.memory_space<vmem>> -> memref<1x32x1024xf32, #tpu.memory_space<vmem>>
    %dma_wait3A_360 = tpu.memref_squeeze %dma_wait3A_359 : memref<1x32x1024xf32, #tpu.memory_space<vmem>> -> memref<32x1024xf32, #tpu.memory_space<vmem>>
    %dma_wait3A_361 = arith.constant 0 : i32
    %dma_wait3A_362 = tpu.memref_slice %arg2[%add3A_262, %dma_wait3A_361] : memref<4096x1024xf32, #tpu.memory_space<hbm>> -> memref<32x1024xf32, #tpu.memory_space<hbm>>
    tpu.wait_dma2 semaphore(%arg12 : memref<!tpu.dma_semaphore, #tpu.memory_space<semaphore_mem>>) src(%dma_wait3A_362 : memref<32x1024xf32, #tpu.memory_space<hbm>>) dst(%dma_wait3A_360 : memref<32x1024xf32, #tpu.memory_space<vmem>>)
    %dma_wait3A_363 = arith.constant 0 : i32
    %dma_wait3A_364 = arith.constant 0 : i32
    %dma_wait3A_365 = arith.constant 0 : i32
    %dma_wait3A_366 = tpu.memref_slice %arg10[%dma_wait3A_363, %dma_wait3A_364, %dma_wait3A_365] : memref<2x32x128xf32, #tpu.memory_space<vmem>> -> memref<1x32x128xf32, #tpu.memory_space<vmem>>
    %dma_wait3A_367 = tpu.memref_squeeze %dma_wait3A_366 : memref<1x32x128xf32, #tpu.memory_space<vmem>> -> memref<32x128xf32, #tpu.memory_space<vmem>>
    %dma_wait3A_368 = arith.constant 0 : i32
    %dma_wait3A_369 = tpu.memref_slice %arg4[%add3A_262, %dma_wait3A_368] : memref<4096x128xf32, #tpu.memory_space<hbm>> -> memref<32x128xf32, #tpu.memory_space<hbm>>
    %dma_wait3A_370 = arith.constant 0 : i32
    %dma_wait3A_371 = arith.constant 0 : i32
    %dma_wait3A_372 = tpu.memref_slice %arg10[%dma_wait3A_363, %dma_wait3A_370, %dma_wait3A_371] : memref<2x32x128xf32, #tpu.memory_space<vmem>> -> memref<1x32x128xf32, #tpu.memory_space<vmem>>
    %dma_wait3A_373 = tpu.memref_squeeze %dma_wait3A_372 : memref<1x32x128xf32, #tpu.memory_space<vmem>> -> memref<32x128xf32, #tpu.memory_space<vmem>>
    %dma_wait3A_374 = arith.constant 0 : i32
    %dma_wait3A_375 = tpu.memref_slice %arg4[%add3A_262, %dma_wait3A_374] : memref<4096x128xf32, #tpu.memory_space<hbm>> -> memref<32x128xf32, #tpu.memory_space<hbm>>
    tpu.wait_dma2 semaphore(%arg12 : memref<!tpu.dma_semaphore, #tpu.memory_space<semaphore_mem>>) src(%dma_wait3A_375 : memref<32x128xf32, #tpu.memory_space<hbm>>) dst(%dma_wait3A_373 : memref<32x128xf32, #tpu.memory_space<vmem>>)
    %dma_wait3A_376 = arith.constant 0 : i32
    %dma_wait3A_377 = arith.constant 0 : i32
    %dma_wait3A_378 = arith.constant 0 : i32
    %dma_wait3A_379 = tpu.memref_slice %arg11[%dma_wait3A_376, %dma_wait3A_377, %dma_wait3A_378] : memref<2x32x128xf32, #tpu.memory_space<vmem>> -> memref<1x32x128xf32, #tpu.memory_space<vmem>>
    %dma_wait3A_380 = tpu.memref_squeeze %dma_wait3A_379 : memref<1x32x128xf32, #tpu.memory_space<vmem>> -> memref<32x128xf32, #tpu.memory_space<vmem>>
    %dma_wait3A_381 = arith.constant 0 : i32
    %dma_wait3A_382 = tpu.memref_slice %arg5[%add3A_262, %dma_wait3A_381] : memref<4096x128xf32, #tpu.memory_space<hbm>> -> memref<32x128xf32, #tpu.memory_space<hbm>>
    %dma_wait3A_383 = arith.constant 0 : i32
    %dma_wait3A_384 = arith.constant 0 : i32
    %dma_wait3A_385 = tpu.memref_slice %arg11[%dma_wait3A_376, %dma_wait3A_383, %dma_wait3A_384] : memref<2x32x128xf32, #tpu.memory_space<vmem>> -> memref<1x32x128xf32, #tpu.memory_space<vmem>>
    %dma_wait3A_386 = tpu.memref_squeeze %dma_wait3A_385 : memref<1x32x128xf32, #tpu.memory_space<vmem>> -> memref<32x128xf32, #tpu.memory_space<vmem>>
    %dma_wait3A_387 = arith.constant 0 : i32
    %dma_wait3A_388 = tpu.memref_slice %arg5[%add3A_262, %dma_wait3A_387] : memref<4096x128xf32, #tpu.memory_space<hbm>> -> memref<32x128xf32, #tpu.memory_space<hbm>>
    tpu.wait_dma2 semaphore(%arg12 : memref<!tpu.dma_semaphore, #tpu.memory_space<semaphore_mem>>) src(%dma_wait3A_388 : memref<32x128xf32, #tpu.memory_space<hbm>>) dst(%dma_wait3A_386 : memref<32x128xf32, #tpu.memory_space<vmem>>)
    %dma_wait3A_389 = arith.constant 1 : i32
    %dma_wait3A_390 = arith.constant 2 : i32
    %dma_wait3A_391 = arith.constant 0 : i32
    %dma_wait3A_392 = arith.constant 0 : i32
    %dma_wait3A_393 = tpu.memref_slice %arg9[%dma_wait3A_389, %dma_wait3A_391, %dma_wait3A_392] : memref<2x32x1024xf32, #tpu.memory_space<vmem>> -> memref<1x32x1024xf32, #tpu.memory_space<vmem>>
    %dma_wait3A_394 = tpu.memref_squeeze %dma_wait3A_393 : memref<1x32x1024xf32, #tpu.memory_space<vmem>> -> memref<32x1024xf32, #tpu.memory_space<vmem>>
    %dma_wait3A_395 = arith.constant 0 : i32
    %dma_wait3A_396 = tpu.memref_slice %arg8[%dma_wait3A_390, %dma_wait3A_395] : memref<8x32xi32, #tpu.memory_space<vmem>> -> memref<1x32xi32, #tpu.memory_space<vmem>>
    %dma_wait3A_397 = tpu.memref_squeeze %dma_wait3A_396 : memref<1x32xi32, #tpu.memory_space<vmem>> -> memref<32xi32, #tpu.memory_space<vmem>>
    %dma_wait3A_398 = arith.constant 0 : i32
    %dma_wait3A_399 = arith.constant 0 : i32
    %dma_wait3A_400 = tpu.memref_slice %arg6[%dma_wait3A_398, %dma_wait3A_399] : memref<12288x1024xf32, #tpu.memory_space<hbm>> -> memref<12288x1024xf32, #tpu.memory_space<hbm>>
    tpu.wait_indirect_dma semaphore(%arg13 : memref<!tpu.dma_semaphore, #tpu.memory_space<semaphore_mem>>) src(%dma_wait3A_394 : memref<32x1024xf32, #tpu.memory_space<vmem>>) dst(%dma_wait3A_400 : memref<12288x1024xf32, #tpu.memory_space<hbm>>)
    %dma_wait3A_401 = arith.constant 1 : i32
    %dma_wait3A_402 = arith.constant 3 : i32
    %dma_wait3A_403 = arith.constant 0 : i32
    %dma_wait3A_404 = arith.constant 0 : i32
    %dma_wait3A_405 = tpu.memref_slice %arg9[%dma_wait3A_401, %dma_wait3A_403, %dma_wait3A_404] : memref<2x32x1024xf32, #tpu.memory_space<vmem>> -> memref<1x32x1024xf32, #tpu.memory_space<vmem>>
    %dma_wait3A_406 = tpu.memref_squeeze %dma_wait3A_405 : memref<1x32x1024xf32, #tpu.memory_space<vmem>> -> memref<32x1024xf32, #tpu.memory_space<vmem>>
    %dma_wait3A_407 = arith.constant 0 : i32
    %dma_wait3A_408 = tpu.memref_slice %arg8[%dma_wait3A_402, %dma_wait3A_407] : memref<8x32xi32, #tpu.memory_space<vmem>> -> memref<1x32xi32, #tpu.memory_space<vmem>>
    %dma_wait3A_409 = tpu.memref_squeeze %dma_wait3A_408 : memref<1x32xi32, #tpu.memory_space<vmem>> -> memref<32xi32, #tpu.memory_space<vmem>>
    %dma_wait3A_410 = arith.constant 0 : i32
    %dma_wait3A_411 = arith.constant 0 : i32
    %dma_wait3A_412 = tpu.memref_slice %arg6[%dma_wait3A_410, %dma_wait3A_411] : memref<12288x1024xf32, #tpu.memory_space<hbm>> -> memref<12288x1024xf32, #tpu.memory_space<hbm>>
    tpu.wait_indirect_dma semaphore(%arg13 : memref<!tpu.dma_semaphore, #tpu.memory_space<semaphore_mem>>) src(%dma_wait3A_406 : memref<32x1024xf32, #tpu.memory_space<vmem>>) dst(%dma_wait3A_412 : memref<12288x1024xf32, #tpu.memory_space<hbm>>)
    %dma_wait3A_413 = arith.constant 1 : i32
    %dma_wait3A_414 = arith.constant 2 : i32
    %dma_wait3A_415 = arith.constant 0 : i32
    %dma_wait3A_416 = arith.constant 0 : i32
    %dma_wait3A_417 = tpu.memref_slice %arg10[%dma_wait3A_413, %dma_wait3A_415, %dma_wait3A_416] : memref<2x32x128xf32, #tpu.memory_space<vmem>> -> memref<1x32x128xf32, #tpu.memory_space<vmem>>
    %dma_wait3A_418 = tpu.memref_squeeze %dma_wait3A_417 : memref<1x32x128xf32, #tpu.memory_space<vmem>> -> memref<32x128xf32, #tpu.memory_space<vmem>>
    %dma_wait3A_419 = arith.constant 0 : i32
    %dma_wait3A_420 = tpu.memref_slice %arg8[%dma_wait3A_414, %dma_wait3A_419] : memref<8x32xi32, #tpu.memory_space<vmem>> -> memref<1x32xi32, #tpu.memory_space<vmem>>
    %dma_wait3A_421 = tpu.memref_squeeze %dma_wait3A_420 : memref<1x32xi32, #tpu.memory_space<vmem>> -> memref<32xi32, #tpu.memory_space<vmem>>
    %dma_wait3A_422 = arith.constant 0 : i32
    %dma_wait3A_423 = arith.constant 0 : i32
    %dma_wait3A_424 = tpu.memref_slice %arg7[%dma_wait3A_422, %dma_wait3A_423] : memref<12288x128xf32, #tpu.memory_space<hbm>> -> memref<12288x128xf32, #tpu.memory_space<hbm>>
    tpu.wait_indirect_dma semaphore(%arg13 : memref<!tpu.dma_semaphore, #tpu.memory_space<semaphore_mem>>) src(%dma_wait3A_418 : memref<32x128xf32, #tpu.memory_space<vmem>>) dst(%dma_wait3A_424 : memref<12288x128xf32, #tpu.memory_space<hbm>>)
    %dma_wait3A_425 = arith.constant 1 : i32
    %dma_wait3A_426 = arith.constant 3 : i32
    %dma_wait3A_427 = arith.constant 0 : i32
    %dma_wait3A_428 = arith.constant 0 : i32
    %dma_wait3A_429 = tpu.memref_slice %arg11[%dma_wait3A_425, %dma_wait3A_427, %dma_wait3A_428] : memref<2x32x128xf32, #tpu.memory_space<vmem>> -> memref<1x32x128xf32, #tpu.memory_space<vmem>>
    %dma_wait3A_430 = tpu.memref_squeeze %dma_wait3A_429 : memref<1x32x128xf32, #tpu.memory_space<vmem>> -> memref<32x128xf32, #tpu.memory_space<vmem>>
    %dma_wait3A_431 = arith.constant 0 : i32
    %dma_wait3A_432 = tpu.memref_slice %arg8[%dma_wait3A_426, %dma_wait3A_431] : memref<8x32xi32, #tpu.memory_space<vmem>> -> memref<1x32xi32, #tpu.memory_space<vmem>>
    %dma_wait3A_433 = tpu.memref_squeeze %dma_wait3A_432 : memref<1x32xi32, #tpu.memory_space<vmem>> -> memref<32xi32, #tpu.memory_space<vmem>>
    %dma_wait3A_434 = arith.constant 0 : i32
    %dma_wait3A_435 = arith.constant 0 : i32
    %dma_wait3A_436 = tpu.memref_slice %arg7[%dma_wait3A_434, %dma_wait3A_435] : memref<12288x128xf32, #tpu.memory_space<hbm>> -> memref<12288x128xf32, #tpu.memory_space<hbm>>
    tpu.wait_indirect_dma semaphore(%arg13 : memref<!tpu.dma_semaphore, #tpu.memory_space<semaphore_mem>>) src(%dma_wait3A_430 : memref<32x128xf32, #tpu.memory_space<vmem>>) dst(%dma_wait3A_436 : memref<12288x128xf32, #tpu.memory_space<hbm>>)
    %mul3A_437 = arith.constant 128 : i32
    %mul3A_438 = arith.muli %add3A, %mul3A_437 : i32
    %add3A_439 = arith.constant 96 : i32
    %add3A_440 = arith.addi %mul3A_438, %add3A_439 : i32
    %dma_start3A_441 = arith.constant 1 : i32
    %dma_start3A_442 = arith.constant 0 : i32
    %dma_start3A_443 = arith.constant 0 : i32
    %dma_start3A_444 = tpu.memref_slice %arg9[%dma_start3A_441, %dma_start3A_442, %dma_start3A_443] : memref<2x32x1024xf32, #tpu.memory_space<vmem>> -> memref<1x32x1024xf32, #tpu.memory_space<vmem>>
    %dma_start3A_445 = tpu.memref_squeeze %dma_start3A_444 : memref<1x32x1024xf32, #tpu.memory_space<vmem>> -> memref<32x1024xf32, #tpu.memory_space<vmem>>
    %dma_start3A_446 = arith.constant 0 : i32
    %dma_start3A_447 = tpu.memref_slice %arg2[%add3A_440, %dma_start3A_446] : memref<4096x1024xf32, #tpu.memory_space<hbm>> -> memref<32x1024xf32, #tpu.memory_space<hbm>>
    %dma_start3A_448 = arith.constant 0 : i32
    %dma_start3A_449 = arith.constant 0 : i32
    %dma_start3A_450 = tpu.memref_slice %arg9[%dma_start3A_441, %dma_start3A_448, %dma_start3A_449] : memref<2x32x1024xf32, #tpu.memory_space<vmem>> -> memref<1x32x1024xf32, #tpu.memory_space<vmem>>
    %dma_start3A_451 = tpu.memref_squeeze %dma_start3A_450 : memref<1x32x1024xf32, #tpu.memory_space<vmem>> -> memref<32x1024xf32, #tpu.memory_space<vmem>>
    %dma_start3A_452 = arith.constant 0 : i32
    %dma_start3A_453 = tpu.memref_slice %arg2[%add3A_440, %dma_start3A_452] : memref<4096x1024xf32, #tpu.memory_space<hbm>> -> memref<32x1024xf32, #tpu.memory_space<hbm>>
    tpu.enqueue_dma source(%dma_start3A_453 : memref<32x1024xf32, #tpu.memory_space<hbm>>) target(%dma_start3A_451 : memref<32x1024xf32, #tpu.memory_space<vmem>>) target_semaphore(%arg12 : memref<!tpu.dma_semaphore, #tpu.memory_space<semaphore_mem>>)
    %dma_start3A_454 = arith.constant 1 : i32
    %dma_start3A_455 = arith.constant 0 : i32
    %dma_start3A_456 = arith.constant 0 : i32
    %dma_start3A_457 = tpu.memref_slice %arg10[%dma_start3A_454, %dma_start3A_455, %dma_start3A_456] : memref<2x32x128xf32, #tpu.memory_space<vmem>> -> memref<1x32x128xf32, #tpu.memory_space<vmem>>
    %dma_start3A_458 = tpu.memref_squeeze %dma_start3A_457 : memref<1x32x128xf32, #tpu.memory_space<vmem>> -> memref<32x128xf32, #tpu.memory_space<vmem>>
    %dma_start3A_459 = arith.constant 0 : i32
    %dma_start3A_460 = tpu.memref_slice %arg4[%add3A_440, %dma_start3A_459] : memref<4096x128xf32, #tpu.memory_space<hbm>> -> memref<32x128xf32, #tpu.memory_space<hbm>>
    %dma_start3A_461 = arith.constant 0 : i32
    %dma_start3A_462 = arith.constant 0 : i32
    %dma_start3A_463 = tpu.memref_slice %arg10[%dma_start3A_454, %dma_start3A_461, %dma_start3A_462] : memref<2x32x128xf32, #tpu.memory_space<vmem>> -> memref<1x32x128xf32, #tpu.memory_space<vmem>>
    %dma_start3A_464 = tpu.memref_squeeze %dma_start3A_463 : memref<1x32x128xf32, #tpu.memory_space<vmem>> -> memref<32x128xf32, #tpu.memory_space<vmem>>
    %dma_start3A_465 = arith.constant 0 : i32
    %dma_start3A_466 = tpu.memref_slice %arg4[%add3A_440, %dma_start3A_465] : memref<4096x128xf32, #tpu.memory_space<hbm>> -> memref<32x128xf32, #tpu.memory_space<hbm>>
    tpu.enqueue_dma source(%dma_start3A_466 : memref<32x128xf32, #tpu.memory_space<hbm>>) target(%dma_start3A_464 : memref<32x128xf32, #tpu.memory_space<vmem>>) target_semaphore(%arg12 : memref<!tpu.dma_semaphore, #tpu.memory_space<semaphore_mem>>)
    %dma_start3A_467 = arith.constant 1 : i32
    %dma_start3A_468 = arith.constant 0 : i32
    %dma_start3A_469 = arith.constant 0 : i32
    %dma_start3A_470 = tpu.memref_slice %arg11[%dma_start3A_467, %dma_start3A_468, %dma_start3A_469] : memref<2x32x128xf32, #tpu.memory_space<vmem>> -> memref<1x32x128xf32, #tpu.memory_space<vmem>>
    %dma_start3A_471 = tpu.memref_squeeze %dma_start3A_470 : memref<1x32x128xf32, #tpu.memory_space<vmem>> -> memref<32x128xf32, #tpu.memory_space<vmem>>
    %dma_start3A_472 = arith.constant 0 : i32
    %dma_start3A_473 = tpu.memref_slice %arg5[%add3A_440, %dma_start3A_472] : memref<4096x128xf32, #tpu.memory_space<hbm>> -> memref<32x128xf32, #tpu.memory_space<hbm>>
    %dma_start3A_474 = arith.constant 0 : i32
    %dma_start3A_475 = arith.constant 0 : i32
    %dma_start3A_476 = tpu.memref_slice %arg11[%dma_start3A_467, %dma_start3A_474, %dma_start3A_475] : memref<2x32x128xf32, #tpu.memory_space<vmem>> -> memref<1x32x128xf32, #tpu.memory_space<vmem>>
    %dma_start3A_477 = tpu.memref_squeeze %dma_start3A_476 : memref<1x32x128xf32, #tpu.memory_space<vmem>> -> memref<32x128xf32, #tpu.memory_space<vmem>>
    %dma_start3A_478 = arith.constant 0 : i32
    %dma_start3A_479 = tpu.memref_slice %arg5[%add3A_440, %dma_start3A_478] : memref<4096x128xf32, #tpu.memory_space<hbm>> -> memref<32x128xf32, #tpu.memory_space<hbm>>
    tpu.enqueue_dma source(%dma_start3A_479 : memref<32x128xf32, #tpu.memory_space<hbm>>) target(%dma_start3A_477 : memref<32x128xf32, #tpu.memory_space<vmem>>) target_semaphore(%arg12 : memref<!tpu.dma_semaphore, #tpu.memory_space<semaphore_mem>>)
    %dma_start3A_480 = arith.constant 0 : i32
    %dma_start3A_481 = arith.constant 4 : i32
    %dma_start3A_482 = arith.constant 0 : i32
    %dma_start3A_483 = arith.constant 0 : i32
    %dma_start3A_484 = tpu.memref_slice %arg9[%dma_start3A_480, %dma_start3A_482, %dma_start3A_483] : memref<2x32x1024xf32, #tpu.memory_space<vmem>> -> memref<1x32x1024xf32, #tpu.memory_space<vmem>>
    %dma_start3A_485 = tpu.memref_squeeze %dma_start3A_484 : memref<1x32x1024xf32, #tpu.memory_space<vmem>> -> memref<32x1024xf32, #tpu.memory_space<vmem>>
    %dma_start3A_486 = arith.constant 0 : i32
    %dma_start3A_487 = tpu.memref_slice %arg8[%dma_start3A_481, %dma_start3A_486] : memref<8x32xi32, #tpu.memory_space<vmem>> -> memref<1x32xi32, #tpu.memory_space<vmem>>
    %dma_start3A_488 = tpu.memref_squeeze %dma_start3A_487 : memref<1x32xi32, #tpu.memory_space<vmem>> -> memref<32xi32, #tpu.memory_space<vmem>>
    %dma_start3A_489 = arith.constant 0 : i32
    %dma_start3A_490 = arith.constant 0 : i32
    %dma_start3A_491 = tpu.memref_slice %arg6[%dma_start3A_489, %dma_start3A_490] : memref<12288x1024xf32, #tpu.memory_space<hbm>> -> memref<12288x1024xf32, #tpu.memory_space<hbm>>
    tpu.enqueue_indirect_dma source(%dma_start3A_485 : memref<32x1024xf32, #tpu.memory_space<vmem>>) target(%dma_start3A_491 : memref<12288x1024xf32, #tpu.memory_space<hbm>>) offsets(%dma_start3A_488 : memref<32xi32, #tpu.memory_space<vmem>>) semaphore(%arg13 : memref<!tpu.dma_semaphore, #tpu.memory_space<semaphore_mem>>)
    %dma_start3A_492 = arith.constant 0 : i32
    %dma_start3A_493 = arith.constant 5 : i32
    %dma_start3A_494 = arith.constant 0 : i32
    %dma_start3A_495 = arith.constant 0 : i32
    %dma_start3A_496 = tpu.memref_slice %arg9[%dma_start3A_492, %dma_start3A_494, %dma_start3A_495] : memref<2x32x1024xf32, #tpu.memory_space<vmem>> -> memref<1x32x1024xf32, #tpu.memory_space<vmem>>
    %dma_start3A_497 = tpu.memref_squeeze %dma_start3A_496 : memref<1x32x1024xf32, #tpu.memory_space<vmem>> -> memref<32x1024xf32, #tpu.memory_space<vmem>>
    %dma_start3A_498 = arith.constant 0 : i32
    %dma_start3A_499 = tpu.memref_slice %arg8[%dma_start3A_493, %dma_start3A_498] : memref<8x32xi32, #tpu.memory_space<vmem>> -> memref<1x32xi32, #tpu.memory_space<vmem>>
    %dma_start3A_500 = tpu.memref_squeeze %dma_start3A_499 : memref<1x32xi32, #tpu.memory_space<vmem>> -> memref<32xi32, #tpu.memory_space<vmem>>
    %dma_start3A_501 = arith.constant 0 : i32
    %dma_start3A_502 = arith.constant 0 : i32
    %dma_start3A_503 = tpu.memref_slice %arg6[%dma_start3A_501, %dma_start3A_502] : memref<12288x1024xf32, #tpu.memory_space<hbm>> -> memref<12288x1024xf32, #tpu.memory_space<hbm>>
    tpu.enqueue_indirect_dma source(%dma_start3A_497 : memref<32x1024xf32, #tpu.memory_space<vmem>>) target(%dma_start3A_503 : memref<12288x1024xf32, #tpu.memory_space<hbm>>) offsets(%dma_start3A_500 : memref<32xi32, #tpu.memory_space<vmem>>) semaphore(%arg13 : memref<!tpu.dma_semaphore, #tpu.memory_space<semaphore_mem>>)
    %dma_start3A_504 = arith.constant 0 : i32
    %dma_start3A_505 = arith.constant 4 : i32
    %dma_start3A_506 = arith.constant 0 : i32
    %dma_start3A_507 = arith.constant 0 : i32
    %dma_start3A_508 = tpu.memref_slice %arg10[%dma_start3A_504, %dma_start3A_506, %dma_start3A_507] : memref<2x32x128xf32, #tpu.memory_space<vmem>> -> memref<1x32x128xf32, #tpu.memory_space<vmem>>
    %dma_start3A_509 = tpu.memref_squeeze %dma_start3A_508 : memref<1x32x128xf32, #tpu.memory_space<vmem>> -> memref<32x128xf32, #tpu.memory_space<vmem>>
    %dma_start3A_510 = arith.constant 0 : i32
    %dma_start3A_511 = tpu.memref_slice %arg8[%dma_start3A_505, %dma_start3A_510] : memref<8x32xi32, #tpu.memory_space<vmem>> -> memref<1x32xi32, #tpu.memory_space<vmem>>
    %dma_start3A_512 = tpu.memref_squeeze %dma_start3A_511 : memref<1x32xi32, #tpu.memory_space<vmem>> -> memref<32xi32, #tpu.memory_space<vmem>>
    %dma_start3A_513 = arith.constant 0 : i32
    %dma_start3A_514 = arith.constant 0 : i32
    %dma_start3A_515 = tpu.memref_slice %arg7[%dma_start3A_513, %dma_start3A_514] : memref<12288x128xf32, #tpu.memory_space<hbm>> -> memref<12288x128xf32, #tpu.memory_space<hbm>>
    tpu.enqueue_indirect_dma source(%dma_start3A_509 : memref<32x128xf32, #tpu.memory_space<vmem>>) target(%dma_start3A_515 : memref<12288x128xf32, #tpu.memory_space<hbm>>) offsets(%dma_start3A_512 : memref<32xi32, #tpu.memory_space<vmem>>) semaphore(%arg13 : memref<!tpu.dma_semaphore, #tpu.memory_space<semaphore_mem>>)
    %dma_start3A_516 = arith.constant 0 : i32
    %dma_start3A_517 = arith.constant 5 : i32
    %dma_start3A_518 = arith.constant 0 : i32
    %dma_start3A_519 = arith.constant 0 : i32
    %dma_start3A_520 = tpu.memref_slice %arg11[%dma_start3A_516, %dma_start3A_518, %dma_start3A_519] : memref<2x32x128xf32, #tpu.memory_space<vmem>> -> memref<1x32x128xf32, #tpu.memory_space<vmem>>
    %dma_start3A_521 = tpu.memref_squeeze %dma_start3A_520 : memref<1x32x128xf32, #tpu.memory_space<vmem>> -> memref<32x128xf32, #tpu.memory_space<vmem>>
    %dma_start3A_522 = arith.constant 0 : i32
    %dma_start3A_523 = tpu.memref_slice %arg8[%dma_start3A_517, %dma_start3A_522] : memref<8x32xi32, #tpu.memory_space<vmem>> -> memref<1x32xi32, #tpu.memory_space<vmem>>
    %dma_start3A_524 = tpu.memref_squeeze %dma_start3A_523 : memref<1x32xi32, #tpu.memory_space<vmem>> -> memref<32xi32, #tpu.memory_space<vmem>>
    %dma_start3A_525 = arith.constant 0 : i32
    %dma_start3A_526 = arith.constant 0 : i32
    %dma_start3A_527 = tpu.memref_slice %arg7[%dma_start3A_525, %dma_start3A_526] : memref<12288x128xf32, #tpu.memory_space<hbm>> -> memref<12288x128xf32, #tpu.memory_space<hbm>>
    tpu.enqueue_indirect_dma source(%dma_start3A_521 : memref<32x128xf32, #tpu.memory_space<vmem>>) target(%dma_start3A_527 : memref<12288x128xf32, #tpu.memory_space<hbm>>) offsets(%dma_start3A_524 : memref<32xi32, #tpu.memory_space<vmem>>) semaphore(%arg13 : memref<!tpu.dma_semaphore, #tpu.memory_space<semaphore_mem>>)
    %dma_wait3A_528 = arith.constant 1 : i32
    %dma_wait3A_529 = arith.constant 0 : i32
    %dma_wait3A_530 = arith.constant 0 : i32
    %dma_wait3A_531 = tpu.memref_slice %arg9[%dma_wait3A_528, %dma_wait3A_529, %dma_wait3A_530] : memref<2x32x1024xf32, #tpu.memory_space<vmem>> -> memref<1x32x1024xf32, #tpu.memory_space<vmem>>
    %dma_wait3A_532 = tpu.memref_squeeze %dma_wait3A_531 : memref<1x32x1024xf32, #tpu.memory_space<vmem>> -> memref<32x1024xf32, #tpu.memory_space<vmem>>
    %dma_wait3A_533 = arith.constant 0 : i32
    %dma_wait3A_534 = tpu.memref_slice %arg2[%add3A_440, %dma_wait3A_533] : memref<4096x1024xf32, #tpu.memory_space<hbm>> -> memref<32x1024xf32, #tpu.memory_space<hbm>>
    %dma_wait3A_535 = arith.constant 0 : i32
    %dma_wait3A_536 = arith.constant 0 : i32
    %dma_wait3A_537 = tpu.memref_slice %arg9[%dma_wait3A_528, %dma_wait3A_535, %dma_wait3A_536] : memref<2x32x1024xf32, #tpu.memory_space<vmem>> -> memref<1x32x1024xf32, #tpu.memory_space<vmem>>
    %dma_wait3A_538 = tpu.memref_squeeze %dma_wait3A_537 : memref<1x32x1024xf32, #tpu.memory_space<vmem>> -> memref<32x1024xf32, #tpu.memory_space<vmem>>
    %dma_wait3A_539 = arith.constant 0 : i32
    %dma_wait3A_540 = tpu.memref_slice %arg2[%add3A_440, %dma_wait3A_539] : memref<4096x1024xf32, #tpu.memory_space<hbm>> -> memref<32x1024xf32, #tpu.memory_space<hbm>>
    tpu.wait_dma2 semaphore(%arg12 : memref<!tpu.dma_semaphore, #tpu.memory_space<semaphore_mem>>) src(%dma_wait3A_540 : memref<32x1024xf32, #tpu.memory_space<hbm>>) dst(%dma_wait3A_538 : memref<32x1024xf32, #tpu.memory_space<vmem>>)
    %dma_wait3A_541 = arith.constant 1 : i32
    %dma_wait3A_542 = arith.constant 0 : i32
    %dma_wait3A_543 = arith.constant 0 : i32
    %dma_wait3A_544 = tpu.memref_slice %arg10[%dma_wait3A_541, %dma_wait3A_542, %dma_wait3A_543] : memref<2x32x128xf32, #tpu.memory_space<vmem>> -> memref<1x32x128xf32, #tpu.memory_space<vmem>>
    %dma_wait3A_545 = tpu.memref_squeeze %dma_wait3A_544 : memref<1x32x128xf32, #tpu.memory_space<vmem>> -> memref<32x128xf32, #tpu.memory_space<vmem>>
    %dma_wait3A_546 = arith.constant 0 : i32
    %dma_wait3A_547 = tpu.memref_slice %arg4[%add3A_440, %dma_wait3A_546] : memref<4096x128xf32, #tpu.memory_space<hbm>> -> memref<32x128xf32, #tpu.memory_space<hbm>>
    %dma_wait3A_548 = arith.constant 0 : i32
    %dma_wait3A_549 = arith.constant 0 : i32
    %dma_wait3A_550 = tpu.memref_slice %arg10[%dma_wait3A_541, %dma_wait3A_548, %dma_wait3A_549] : memref<2x32x128xf32, #tpu.memory_space<vmem>> -> memref<1x32x128xf32, #tpu.memory_space<vmem>>
    %dma_wait3A_551 = tpu.memref_squeeze %dma_wait3A_550 : memref<1x32x128xf32, #tpu.memory_space<vmem>> -> memref<32x128xf32, #tpu.memory_space<vmem>>
    %dma_wait3A_552 = arith.constant 0 : i32
    %dma_wait3A_553 = tpu.memref_slice %arg4[%add3A_440, %dma_wait3A_552] : memref<4096x128xf32, #tpu.memory_space<hbm>> -> memref<32x128xf32, #tpu.memory_space<hbm>>
    tpu.wait_dma2 semaphore(%arg12 : memref<!tpu.dma_semaphore, #tpu.memory_space<semaphore_mem>>) src(%dma_wait3A_553 : memref<32x128xf32, #tpu.memory_space<hbm>>) dst(%dma_wait3A_551 : memref<32x128xf32, #tpu.memory_space<vmem>>)
    %dma_wait3A_554 = arith.constant 1 : i32
    %dma_wait3A_555 = arith.constant 0 : i32
    %dma_wait3A_556 = arith.constant 0 : i32
    %dma_wait3A_557 = tpu.memref_slice %arg11[%dma_wait3A_554, %dma_wait3A_555, %dma_wait3A_556] : memref<2x32x128xf32, #tpu.memory_space<vmem>> -> memref<1x32x128xf32, #tpu.memory_space<vmem>>
    %dma_wait3A_558 = tpu.memref_squeeze %dma_wait3A_557 : memref<1x32x128xf32, #tpu.memory_space<vmem>> -> memref<32x128xf32, #tpu.memory_space<vmem>>
    %dma_wait3A_559 = arith.constant 0 : i32
    %dma_wait3A_560 = tpu.memref_slice %arg5[%add3A_440, %dma_wait3A_559] : memref<4096x128xf32, #tpu.memory_space<hbm>> -> memref<32x128xf32, #tpu.memory_space<hbm>>
    %dma_wait3A_561 = arith.constant 0 : i32
    %dma_wait3A_562 = arith.constant 0 : i32
    %dma_wait3A_563 = tpu.memref_slice %arg11[%dma_wait3A_554, %dma_wait3A_561, %dma_wait3A_562] : memref<2x32x128xf32, #tpu.memory_space<vmem>> -> memref<1x32x128xf32, #tpu.memory_space<vmem>>
    %dma_wait3A_564 = tpu.memref_squeeze %dma_wait3A_563 : memref<1x32x128xf32, #tpu.memory_space<vmem>> -> memref<32x128xf32, #tpu.memory_space<vmem>>
    %dma_wait3A_565 = arith.constant 0 : i32
    %dma_wait3A_566 = tpu.memref_slice %arg5[%add3A_440, %dma_wait3A_565] : memref<4096x128xf32, #tpu.memory_space<hbm>> -> memref<32x128xf32, #tpu.memory_space<hbm>>
    tpu.wait_dma2 semaphore(%arg12 : memref<!tpu.dma_semaphore, #tpu.memory_space<semaphore_mem>>) src(%dma_wait3A_566 : memref<32x128xf32, #tpu.memory_space<hbm>>) dst(%dma_wait3A_564 : memref<32x128xf32, #tpu.memory_space<vmem>>)
    %dma_start3A_567 = arith.constant 1 : i32
    %dma_start3A_568 = arith.constant 6 : i32
    %dma_start3A_569 = arith.constant 0 : i32
    %dma_start3A_570 = arith.constant 0 : i32
    %dma_start3A_571 = tpu.memref_slice %arg9[%dma_start3A_567, %dma_start3A_569, %dma_start3A_570] : memref<2x32x1024xf32, #tpu.memory_space<vmem>> -> memref<1x32x1024xf32, #tpu.memory_space<vmem>>
    %dma_start3A_572 = tpu.memref_squeeze %dma_start3A_571 : memref<1x32x1024xf32, #tpu.memory_space<vmem>> -> memref<32x1024xf32, #tpu.memory_space<vmem>>
    %dma_start3A_573 = arith.constant 0 : i32
    %dma_start3A_574 = tpu.memref_slice %arg8[%dma_start3A_568, %dma_start3A_573] : memref<8x32xi32, #tpu.memory_space<vmem>> -> memref<1x32xi32, #tpu.memory_space<vmem>>
    %dma_start3A_575 = tpu.memref_squeeze %dma_start3A_574 : memref<1x32xi32, #tpu.memory_space<vmem>> -> memref<32xi32, #tpu.memory_space<vmem>>
    %dma_start3A_576 = arith.constant 0 : i32
    %dma_start3A_577 = arith.constant 0 : i32
    %dma_start3A_578 = tpu.memref_slice %arg6[%dma_start3A_576, %dma_start3A_577] : memref<12288x1024xf32, #tpu.memory_space<hbm>> -> memref<12288x1024xf32, #tpu.memory_space<hbm>>
    tpu.enqueue_indirect_dma source(%dma_start3A_572 : memref<32x1024xf32, #tpu.memory_space<vmem>>) target(%dma_start3A_578 : memref<12288x1024xf32, #tpu.memory_space<hbm>>) offsets(%dma_start3A_575 : memref<32xi32, #tpu.memory_space<vmem>>) semaphore(%arg13 : memref<!tpu.dma_semaphore, #tpu.memory_space<semaphore_mem>>)
    %dma_start3A_579 = arith.constant 1 : i32
    %dma_start3A_580 = arith.constant 7 : i32
    %dma_start3A_581 = arith.constant 0 : i32
    %dma_start3A_582 = arith.constant 0 : i32
    %dma_start3A_583 = tpu.memref_slice %arg9[%dma_start3A_579, %dma_start3A_581, %dma_start3A_582] : memref<2x32x1024xf32, #tpu.memory_space<vmem>> -> memref<1x32x1024xf32, #tpu.memory_space<vmem>>
    %dma_start3A_584 = tpu.memref_squeeze %dma_start3A_583 : memref<1x32x1024xf32, #tpu.memory_space<vmem>> -> memref<32x1024xf32, #tpu.memory_space<vmem>>
    %dma_start3A_585 = arith.constant 0 : i32
    %dma_start3A_586 = tpu.memref_slice %arg8[%dma_start3A_580, %dma_start3A_585] : memref<8x32xi32, #tpu.memory_space<vmem>> -> memref<1x32xi32, #tpu.memory_space<vmem>>
    %dma_start3A_587 = tpu.memref_squeeze %dma_start3A_586 : memref<1x32xi32, #tpu.memory_space<vmem>> -> memref<32xi32, #tpu.memory_space<vmem>>
    %dma_start3A_588 = arith.constant 0 : i32
    %dma_start3A_589 = arith.constant 0 : i32
    %dma_start3A_590 = tpu.memref_slice %arg6[%dma_start3A_588, %dma_start3A_589] : memref<12288x1024xf32, #tpu.memory_space<hbm>> -> memref<12288x1024xf32, #tpu.memory_space<hbm>>
    tpu.enqueue_indirect_dma source(%dma_start3A_584 : memref<32x1024xf32, #tpu.memory_space<vmem>>) target(%dma_start3A_590 : memref<12288x1024xf32, #tpu.memory_space<hbm>>) offsets(%dma_start3A_587 : memref<32xi32, #tpu.memory_space<vmem>>) semaphore(%arg13 : memref<!tpu.dma_semaphore, #tpu.memory_space<semaphore_mem>>)
    %dma_start3A_591 = arith.constant 1 : i32
    %dma_start3A_592 = arith.constant 6 : i32
    %dma_start3A_593 = arith.constant 0 : i32
    %dma_start3A_594 = arith.constant 0 : i32
    %dma_start3A_595 = tpu.memref_slice %arg10[%dma_start3A_591, %dma_start3A_593, %dma_start3A_594] : memref<2x32x128xf32, #tpu.memory_space<vmem>> -> memref<1x32x128xf32, #tpu.memory_space<vmem>>
    %dma_start3A_596 = tpu.memref_squeeze %dma_start3A_595 : memref<1x32x128xf32, #tpu.memory_space<vmem>> -> memref<32x128xf32, #tpu.memory_space<vmem>>
    %dma_start3A_597 = arith.constant 0 : i32
    %dma_start3A_598 = tpu.memref_slice %arg8[%dma_start3A_592, %dma_start3A_597] : memref<8x32xi32, #tpu.memory_space<vmem>> -> memref<1x32xi32, #tpu.memory_space<vmem>>
    %dma_start3A_599 = tpu.memref_squeeze %dma_start3A_598 : memref<1x32xi32, #tpu.memory_space<vmem>> -> memref<32xi32, #tpu.memory_space<vmem>>
    %dma_start3A_600 = arith.constant 0 : i32
    %dma_start3A_601 = arith.constant 0 : i32
    %dma_start3A_602 = tpu.memref_slice %arg7[%dma_start3A_600, %dma_start3A_601] : memref<12288x128xf32, #tpu.memory_space<hbm>> -> memref<12288x128xf32, #tpu.memory_space<hbm>>
    tpu.enqueue_indirect_dma source(%dma_start3A_596 : memref<32x128xf32, #tpu.memory_space<vmem>>) target(%dma_start3A_602 : memref<12288x128xf32, #tpu.memory_space<hbm>>) offsets(%dma_start3A_599 : memref<32xi32, #tpu.memory_space<vmem>>) semaphore(%arg13 : memref<!tpu.dma_semaphore, #tpu.memory_space<semaphore_mem>>)
    %dma_start3A_603 = arith.constant 1 : i32
    %dma_start3A_604 = arith.constant 7 : i32
    %dma_start3A_605 = arith.constant 0 : i32
    %dma_start3A_606 = arith.constant 0 : i32
    %dma_start3A_607 = tpu.memref_slice %arg11[%dma_start3A_603, %dma_start3A_605, %dma_start3A_606] : memref<2x32x128xf32, #tpu.memory_space<vmem>> -> memref<1x32x128xf32, #tpu.memory_space<vmem>>
    %dma_start3A_608 = tpu.memref_squeeze %dma_start3A_607 : memref<1x32x128xf32, #tpu.memory_space<vmem>> -> memref<32x128xf32, #tpu.memory_space<vmem>>
    %dma_start3A_609 = arith.constant 0 : i32
    %dma_start3A_610 = tpu.memref_slice %arg8[%dma_start3A_604, %dma_start3A_609] : memref<8x32xi32, #tpu.memory_space<vmem>> -> memref<1x32xi32, #tpu.memory_space<vmem>>
    %dma_start3A_611 = tpu.memref_squeeze %dma_start3A_610 : memref<1x32xi32, #tpu.memory_space<vmem>> -> memref<32xi32, #tpu.memory_space<vmem>>
    %dma_start3A_612 = arith.constant 0 : i32
    %dma_start3A_613 = arith.constant 0 : i32
    %dma_start3A_614 = tpu.memref_slice %arg7[%dma_start3A_612, %dma_start3A_613] : memref<12288x128xf32, #tpu.memory_space<hbm>> -> memref<12288x128xf32, #tpu.memory_space<hbm>>
    tpu.enqueue_indirect_dma source(%dma_start3A_608 : memref<32x128xf32, #tpu.memory_space<vmem>>) target(%dma_start3A_614 : memref<12288x128xf32, #tpu.memory_space<hbm>>) offsets(%dma_start3A_611 : memref<32xi32, #tpu.memory_space<vmem>>) semaphore(%arg13 : memref<!tpu.dma_semaphore, #tpu.memory_space<semaphore_mem>>)
    %dma_wait3A_615 = arith.constant 0 : i32
    %dma_wait3A_616 = arith.constant 4 : i32
    %dma_wait3A_617 = arith.constant 0 : i32
    %dma_wait3A_618 = arith.constant 0 : i32
    %dma_wait3A_619 = tpu.memref_slice %arg9[%dma_wait3A_615, %dma_wait3A_617, %dma_wait3A_618] : memref<2x32x1024xf32, #tpu.memory_space<vmem>> -> memref<1x32x1024xf32, #tpu.memory_space<vmem>>
    %dma_wait3A_620 = tpu.memref_squeeze %dma_wait3A_619 : memref<1x32x1024xf32, #tpu.memory_space<vmem>> -> memref<32x1024xf32, #tpu.memory_space<vmem>>
    %dma_wait3A_621 = arith.constant 0 : i32
    %dma_wait3A_622 = tpu.memref_slice %arg8[%dma_wait3A_616, %dma_wait3A_621] : memref<8x32xi32, #tpu.memory_space<vmem>> -> memref<1x32xi32, #tpu.memory_space<vmem>>
    %dma_wait3A_623 = tpu.memref_squeeze %dma_wait3A_622 : memref<1x32xi32, #tpu.memory_space<vmem>> -> memref<32xi32, #tpu.memory_space<vmem>>
    %dma_wait3A_624 = arith.constant 0 : i32
    %dma_wait3A_625 = arith.constant 0 : i32
    %dma_wait3A_626 = tpu.memref_slice %arg6[%dma_wait3A_624, %dma_wait3A_625] : memref<12288x1024xf32, #tpu.memory_space<hbm>> -> memref<12288x1024xf32, #tpu.memory_space<hbm>>
    tpu.wait_indirect_dma semaphore(%arg13 : memref<!tpu.dma_semaphore, #tpu.memory_space<semaphore_mem>>) src(%dma_wait3A_620 : memref<32x1024xf32, #tpu.memory_space<vmem>>) dst(%dma_wait3A_626 : memref<12288x1024xf32, #tpu.memory_space<hbm>>)
    %dma_wait3A_627 = arith.constant 0 : i32
    %dma_wait3A_628 = arith.constant 5 : i32
    %dma_wait3A_629 = arith.constant 0 : i32
    %dma_wait3A_630 = arith.constant 0 : i32
    %dma_wait3A_631 = tpu.memref_slice %arg9[%dma_wait3A_627, %dma_wait3A_629, %dma_wait3A_630] : memref<2x32x1024xf32, #tpu.memory_space<vmem>> -> memref<1x32x1024xf32, #tpu.memory_space<vmem>>
    %dma_wait3A_632 = tpu.memref_squeeze %dma_wait3A_631 : memref<1x32x1024xf32, #tpu.memory_space<vmem>> -> memref<32x1024xf32, #tpu.memory_space<vmem>>
    %dma_wait3A_633 = arith.constant 0 : i32
    %dma_wait3A_634 = tpu.memref_slice %arg8[%dma_wait3A_628, %dma_wait3A_633] : memref<8x32xi32, #tpu.memory_space<vmem>> -> memref<1x32xi32, #tpu.memory_space<vmem>>
    %dma_wait3A_635 = tpu.memref_squeeze %dma_wait3A_634 : memref<1x32xi32, #tpu.memory_space<vmem>> -> memref<32xi32, #tpu.memory_space<vmem>>
    %dma_wait3A_636 = arith.constant 0 : i32
    %dma_wait3A_637 = arith.constant 0 : i32
    %dma_wait3A_638 = tpu.memref_slice %arg6[%dma_wait3A_636, %dma_wait3A_637] : memref<12288x1024xf32, #tpu.memory_space<hbm>> -> memref<12288x1024xf32, #tpu.memory_space<hbm>>
    tpu.wait_indirect_dma semaphore(%arg13 : memref<!tpu.dma_semaphore, #tpu.memory_space<semaphore_mem>>) src(%dma_wait3A_632 : memref<32x1024xf32, #tpu.memory_space<vmem>>) dst(%dma_wait3A_638 : memref<12288x1024xf32, #tpu.memory_space<hbm>>)
    %dma_wait3A_639 = arith.constant 0 : i32
    %dma_wait3A_640 = arith.constant 4 : i32
    %dma_wait3A_641 = arith.constant 0 : i32
    %dma_wait3A_642 = arith.constant 0 : i32
    %dma_wait3A_643 = tpu.memref_slice %arg10[%dma_wait3A_639, %dma_wait3A_641, %dma_wait3A_642] : memref<2x32x128xf32, #tpu.memory_space<vmem>> -> memref<1x32x128xf32, #tpu.memory_space<vmem>>
    %dma_wait3A_644 = tpu.memref_squeeze %dma_wait3A_643 : memref<1x32x128xf32, #tpu.memory_space<vmem>> -> memref<32x128xf32, #tpu.memory_space<vmem>>
    %dma_wait3A_645 = arith.constant 0 : i32
    %dma_wait3A_646 = tpu.memref_slice %arg8[%dma_wait3A_640, %dma_wait3A_645] : memref<8x32xi32, #tpu.memory_space<vmem>> -> memref<1x32xi32, #tpu.memory_space<vmem>>
    %dma_wait3A_647 = tpu.memref_squeeze %dma_wait3A_646 : memref<1x32xi32, #tpu.memory_space<vmem>> -> memref<32xi32, #tpu.memory_space<vmem>>
    %dma_wait3A_648 = arith.constant 0 : i32
    %dma_wait3A_649 = arith.constant 0 : i32
    %dma_wait3A_650 = tpu.memref_slice %arg7[%dma_wait3A_648, %dma_wait3A_649] : memref<12288x128xf32, #tpu.memory_space<hbm>> -> memref<12288x128xf32, #tpu.memory_space<hbm>>
    tpu.wait_indirect_dma semaphore(%arg13 : memref<!tpu.dma_semaphore, #tpu.memory_space<semaphore_mem>>) src(%dma_wait3A_644 : memref<32x128xf32, #tpu.memory_space<vmem>>) dst(%dma_wait3A_650 : memref<12288x128xf32, #tpu.memory_space<hbm>>)
    %dma_wait3A_651 = arith.constant 0 : i32
    %dma_wait3A_652 = arith.constant 5 : i32
    %dma_wait3A_653 = arith.constant 0 : i32
    %dma_wait3A_654 = arith.constant 0 : i32
    %dma_wait3A_655 = tpu.memref_slice %arg11[%dma_wait3A_651, %dma_wait3A_653, %dma_wait3A_654] : memref<2x32x128xf32, #tpu.memory_space<vmem>> -> memref<1x32x128xf32, #tpu.memory_space<vmem>>
    %dma_wait3A_656 = tpu.memref_squeeze %dma_wait3A_655 : memref<1x32x128xf32, #tpu.memory_space<vmem>> -> memref<32x128xf32, #tpu.memory_space<vmem>>
    %dma_wait3A_657 = arith.constant 0 : i32
    %dma_wait3A_658 = tpu.memref_slice %arg8[%dma_wait3A_652, %dma_wait3A_657] : memref<8x32xi32, #tpu.memory_space<vmem>> -> memref<1x32xi32, #tpu.memory_space<vmem>>
    %dma_wait3A_659 = tpu.memref_squeeze %dma_wait3A_658 : memref<1x32xi32, #tpu.memory_space<vmem>> -> memref<32xi32, #tpu.memory_space<vmem>>
    %dma_wait3A_660 = arith.constant 0 : i32
    %dma_wait3A_661 = arith.constant 0 : i32
    %dma_wait3A_662 = tpu.memref_slice %arg7[%dma_wait3A_660, %dma_wait3A_661] : memref<12288x128xf32, #tpu.memory_space<hbm>> -> memref<12288x128xf32, #tpu.memory_space<hbm>>
    tpu.wait_indirect_dma semaphore(%arg13 : memref<!tpu.dma_semaphore, #tpu.memory_space<semaphore_mem>>) src(%dma_wait3A_656 : memref<32x128xf32, #tpu.memory_space<vmem>>) dst(%dma_wait3A_662 : memref<12288x128xf32, #tpu.memory_space<hbm>>)
    %dma_wait3A_663 = arith.constant 1 : i32
    %dma_wait3A_664 = arith.constant 6 : i32
    %dma_wait3A_665 = arith.constant 0 : i32
    %dma_wait3A_666 = arith.constant 0 : i32
    %dma_wait3A_667 = tpu.memref_slice %arg9[%dma_wait3A_663, %dma_wait3A_665, %dma_wait3A_666] : memref<2x32x1024xf32, #tpu.memory_space<vmem>> -> memref<1x32x1024xf32, #tpu.memory_space<vmem>>
    %dma_wait3A_668 = tpu.memref_squeeze %dma_wait3A_667 : memref<1x32x1024xf32, #tpu.memory_space<vmem>> -> memref<32x1024xf32, #tpu.memory_space<vmem>>
    %dma_wait3A_669 = arith.constant 0 : i32
    %dma_wait3A_670 = tpu.memref_slice %arg8[%dma_wait3A_664, %dma_wait3A_669] : memref<8x32xi32, #tpu.memory_space<vmem>> -> memref<1x32xi32, #tpu.memory_space<vmem>>
    %dma_wait3A_671 = tpu.memref_squeeze %dma_wait3A_670 : memref<1x32xi32, #tpu.memory_space<vmem>> -> memref<32xi32, #tpu.memory_space<vmem>>
    %dma_wait3A_672 = arith.constant 0 : i32
    %dma_wait3A_673 = arith.constant 0 : i32
    %dma_wait3A_674 = tpu.memref_slice %arg6[%dma_wait3A_672, %dma_wait3A_673] : memref<12288x1024xf32, #tpu.memory_space<hbm>> -> memref<12288x1024xf32, #tpu.memory_space<hbm>>
    tpu.wait_indirect_dma semaphore(%arg13 : memref<!tpu.dma_semaphore, #tpu.memory_space<semaphore_mem>>) src(%dma_wait3A_668 : memref<32x1024xf32, #tpu.memory_space<vmem>>) dst(%dma_wait3A_674 : memref<12288x1024xf32, #tpu.memory_space<hbm>>)
    %dma_wait3A_675 = arith.constant 1 : i32
    %dma_wait3A_676 = arith.constant 7 : i32
    %dma_wait3A_677 = arith.constant 0 : i32
    %dma_wait3A_678 = arith.constant 0 : i32
    %dma_wait3A_679 = tpu.memref_slice %arg9[%dma_wait3A_675, %dma_wait3A_677, %dma_wait3A_678] : memref<2x32x1024xf32, #tpu.memory_space<vmem>> -> memref<1x32x1024xf32, #tpu.memory_space<vmem>>
    %dma_wait3A_680 = tpu.memref_squeeze %dma_wait3A_679 : memref<1x32x1024xf32, #tpu.memory_space<vmem>> -> memref<32x1024xf32, #tpu.memory_space<vmem>>
    %dma_wait3A_681 = arith.constant 0 : i32
    %dma_wait3A_682 = tpu.memref_slice %arg8[%dma_wait3A_676, %dma_wait3A_681] : memref<8x32xi32, #tpu.memory_space<vmem>> -> memref<1x32xi32, #tpu.memory_space<vmem>>
    %dma_wait3A_683 = tpu.memref_squeeze %dma_wait3A_682 : memref<1x32xi32, #tpu.memory_space<vmem>> -> memref<32xi32, #tpu.memory_space<vmem>>
    %dma_wait3A_684 = arith.constant 0 : i32
    %dma_wait3A_685 = arith.constant 0 : i32
    %dma_wait3A_686 = tpu.memref_slice %arg6[%dma_wait3A_684, %dma_wait3A_685] : memref<12288x1024xf32, #tpu.memory_space<hbm>> -> memref<12288x1024xf32, #tpu.memory_space<hbm>>
    tpu.wait_indirect_dma semaphore(%arg13 : memref<!tpu.dma_semaphore, #tpu.memory_space<semaphore_mem>>) src(%dma_wait3A_680 : memref<32x1024xf32, #tpu.memory_space<vmem>>) dst(%dma_wait3A_686 : memref<12288x1024xf32, #tpu.memory_space<hbm>>)
    %dma_wait3A_687 = arith.constant 1 : i32
    %dma_wait3A_688 = arith.constant 6 : i32
    %dma_wait3A_689 = arith.constant 0 : i32
    %dma_wait3A_690 = arith.constant 0 : i32
    %dma_wait3A_691 = tpu.memref_slice %arg10[%dma_wait3A_687, %dma_wait3A_689, %dma_wait3A_690] : memref<2x32x128xf32, #tpu.memory_space<vmem>> -> memref<1x32x128xf32, #tpu.memory_space<vmem>>
    %dma_wait3A_692 = tpu.memref_squeeze %dma_wait3A_691 : memref<1x32x128xf32, #tpu.memory_space<vmem>> -> memref<32x128xf32, #tpu.memory_space<vmem>>
    %dma_wait3A_693 = arith.constant 0 : i32
    %dma_wait3A_694 = tpu.memref_slice %arg8[%dma_wait3A_688, %dma_wait3A_693] : memref<8x32xi32, #tpu.memory_space<vmem>> -> memref<1x32xi32, #tpu.memory_space<vmem>>
    %dma_wait3A_695 = tpu.memref_squeeze %dma_wait3A_694 : memref<1x32xi32, #tpu.memory_space<vmem>> -> memref<32xi32, #tpu.memory_space<vmem>>
    %dma_wait3A_696 = arith.constant 0 : i32
    %dma_wait3A_697 = arith.constant 0 : i32
    %dma_wait3A_698 = tpu.memref_slice %arg7[%dma_wait3A_696, %dma_wait3A_697] : memref<12288x128xf32, #tpu.memory_space<hbm>> -> memref<12288x128xf32, #tpu.memory_space<hbm>>
    tpu.wait_indirect_dma semaphore(%arg13 : memref<!tpu.dma_semaphore, #tpu.memory_space<semaphore_mem>>) src(%dma_wait3A_692 : memref<32x128xf32, #tpu.memory_space<vmem>>) dst(%dma_wait3A_698 : memref<12288x128xf32, #tpu.memory_space<hbm>>)
    %dma_wait3A_699 = arith.constant 1 : i32
    %dma_wait3A_700 = arith.constant 7 : i32
    %dma_wait3A_701 = arith.constant 0 : i32
    %dma_wait3A_702 = arith.constant 0 : i32
    %dma_wait3A_703 = tpu.memref_slice %arg11[%dma_wait3A_699, %dma_wait3A_701, %dma_wait3A_702] : memref<2x32x128xf32, #tpu.memory_space<vmem>> -> memref<1x32x128xf32, #tpu.memory_space<vmem>>
    %dma_wait3A_704 = tpu.memref_squeeze %dma_wait3A_703 : memref<1x32x128xf32, #tpu.memory_space<vmem>> -> memref<32x128xf32, #tpu.memory_space<vmem>>
    %dma_wait3A_705 = arith.constant 0 : i32
    %dma_wait3A_706 = tpu.memref_slice %arg8[%dma_wait3A_700, %dma_wait3A_705] : memref<8x32xi32, #tpu.memory_space<vmem>> -> memref<1x32xi32, #tpu.memory_space<vmem>>
    %dma_wait3A_707 = tpu.memref_squeeze %dma_wait3A_706 : memref<1x32xi32, #tpu.memory_space<vmem>> -> memref<32xi32, #tpu.memory_space<vmem>>
    %dma_wait3A_708 = arith.constant 0 : i32
    %dma_wait3A_709 = arith.constant 0 : i32
    %dma_wait3A_710 = tpu.memref_slice %arg7[%dma_wait3A_708, %dma_wait3A_709] : memref<12288x128xf32, #tpu.memory_space<hbm>> -> memref<12288x128xf32, #tpu.memory_space<hbm>>
    tpu.wait_indirect_dma semaphore(%arg13 : memref<!tpu.dma_semaphore, #tpu.memory_space<semaphore_mem>>) src(%dma_wait3A_704 : memref<32x128xf32, #tpu.memory_space<vmem>>) dst(%dma_wait3A_710 : memref<12288x128xf32, #tpu.memory_space<hbm>>)
    return
  }
}

module attributes {stable_mosaic.version = 14 : i64} {
  func.func @_router_plan_body(%arg0: memref<4096x1024xf32, #tpu.memory_space<vmem>>, %arg1: memref<1024x16xf32, #tpu.memory_space<vmem>>, %arg2: memref<4096x1xi32, #tpu.memory_space<vmem>>, %arg3: memref<4096x1xi32, #tpu.memory_space<vmem>>, %arg4: memref<4096x128xf32, #tpu.memory_space<vmem>>, %arg5: memref<4096x128xf32, #tpu.memory_space<vmem>>, %arg6: memref<256x1xi32, #tpu.memory_space<vmem>>, %arg7: memref<1x1xf32, #tpu.memory_space<vmem>>) attributes {dimension_semantics = [], scalar_prefetch = 0 : i64, scratch_operands = 0 : i64, tpu.core_type = #tpu.core_type<tc>} {
    %get3A = arith.constant 0 : index
    %get3A_0 = arith.constant 0 : index
    %get3A_1 = vector.load %arg0[%get3A, %get3A_0] : memref<4096x1024xf32, #tpu.memory_space<vmem>>, vector<4096x1024xf32>
    %get3A_2 = arith.constant 0 : index
    %get3A_3 = arith.constant 0 : index
    %get3A_4 = vector.load %arg1[%get3A_2, %get3A_3] : memref<1024x16xf32, #tpu.memory_space<vmem>>, vector<1024x16xf32>
    %dot_general3A = arith.constant dense<0.000000e+00> : vector<4096x16xf32>
    %dot_general3A_5 = tpu.matmul %get3A_1, %get3A_4, %dot_general3A {dimension_numbers = #tpu.dot_dimension_numbers<[1], [0], [0], [1], [0, 0, 1, 1], [], []>, transpose_lhs_hint = false} : vector<4096x1024xf32>, vector<1024x16xf32>, vector<4096x16xf32> -> vector<4096x16xf32>
    %reduce_max3A = arith.constant dense<0xFF800000> : vector<4096xf32>
    %reduce_max3A_6 = vector.multi_reduction <maximumf>, %dot_general3A_5, %reduce_max3A [1] : vector<4096x16xf32> to vector<4096xf32>
    %broadcast_in_dim3A = vector.shape_cast %reduce_max3A_6 : vector<4096xf32> to vector<4096x1xf32>
    %sub3A = vector.broadcast %broadcast_in_dim3A : vector<4096x1xf32> to vector<4096x16xf32>
    %sub3A_7 = arith.subf %dot_general3A_5, %sub3A : vector<4096x16xf32>
    %exp3A = math.exp %sub3A_7 : vector<4096x16xf32>
    %reduce_sum3A = arith.constant dense<0.000000e+00> : vector<4096xf32>
    %reduce_sum3A_8 = vector.multi_reduction <add>, %exp3A, %reduce_sum3A [1] : vector<4096x16xf32> to vector<4096xf32>
    %broadcast_in_dim3A_9 = vector.shape_cast %reduce_sum3A_8 : vector<4096xf32> to vector<4096x1xf32>
    %div3A = vector.broadcast %broadcast_in_dim3A_9 : vector<4096x1xf32> to vector<4096x16xf32>
    %div3A_10 = arith.divf %exp3A, %div3A : vector<4096x16xf32>
    %iota3A = tpu.iota {dimensions = array<i32: 1>} : vector<4096x16xi32>
    %reduce_max3A_11 = arith.constant dense<0xFF800000> : vector<4096xf32>
    %reduce_max3A_12 = vector.multi_reduction <maximumf>, %div3A_10, %reduce_max3A_11 [1] : vector<4096x16xf32> to vector<4096xf32>
    %broadcast_in_dim3A_13 = vector.shape_cast %reduce_max3A_12 : vector<4096xf32> to vector<4096x1xf32>
    %eq3A = vector.broadcast %broadcast_in_dim3A_13 : vector<4096x1xf32> to vector<4096x16xf32>
    %eq3A_14 = arith.cmpf oeq, %div3A_10, %eq3A : vector<4096x16xf32>
    %jit3A = arith.constant 16 : i32
    %broadcast_in_dim3A_15 = vector.broadcast %jit3A : i32 to vector<4096x16xi32>
    %select_n3A = arith.select %eq3A_14, %iota3A, %broadcast_in_dim3A_15 : vector<4096x16xi1>, vector<4096x16xi32>
    %reduce_min3A = arith.constant dense<2147483647> : vector<4096xi32>
    %reduce_min3A_16 = vector.multi_reduction <minsi>, %select_n3A, %reduce_min3A [1] : vector<4096x16xi32> to vector<4096xi32>
    %broadcast_in_dim3A_17 = vector.shape_cast %reduce_min3A_16 : vector<4096xi32> to vector<4096x1xi32>
    %eq3A_18 = vector.broadcast %broadcast_in_dim3A_17 : vector<4096x1xi32> to vector<4096x16xi32>
    %eq3A_19 = arith.cmpi eq, %iota3A, %eq3A_18 : vector<4096x16xi32>
    %jit3A_20 = arith.constant 0xFF800000 : f32
    %broadcast_in_dim3A_21 = vector.broadcast %jit3A_20 : f32 to vector<4096x16xf32>
    %select_n3A_22 = arith.select %eq3A_19, %broadcast_in_dim3A_21, %div3A_10 : vector<4096x16xi1>, vector<4096x16xf32>
    %reduce_max3A_23 = arith.constant dense<0xFF800000> : vector<4096xf32>
    %reduce_max3A_24 = vector.multi_reduction <maximumf>, %select_n3A_22, %reduce_max3A_23 [1] : vector<4096x16xf32> to vector<4096xf32>
    %broadcast_in_dim3A_25 = vector.shape_cast %reduce_max3A_24 : vector<4096xf32> to vector<4096x1xf32>
    %eq3A_26 = vector.broadcast %broadcast_in_dim3A_25 : vector<4096x1xf32> to vector<4096x16xf32>
    %eq3A_27 = arith.cmpf oeq, %select_n3A_22, %eq3A_26 : vector<4096x16xf32>
    %jit3A_28 = arith.constant 16 : i32
    %broadcast_in_dim3A_29 = vector.broadcast %jit3A_28 : i32 to vector<4096x16xi32>
    %select_n3A_30 = arith.select %eq3A_27, %iota3A, %broadcast_in_dim3A_29 : vector<4096x16xi1>, vector<4096x16xi32>
    %reduce_min3A_31 = arith.constant dense<2147483647> : vector<4096xi32>
    %reduce_min3A_32 = vector.multi_reduction <minsi>, %select_n3A_30, %reduce_min3A_31 [1] : vector<4096x16xi32> to vector<4096xi32>
    %broadcast_in_dim3A_33 = vector.shape_cast %reduce_min3A_32 : vector<4096xi32> to vector<4096x1xi32>
    %eq3A_34 = vector.broadcast %broadcast_in_dim3A_33 : vector<4096x1xi32> to vector<4096x16xi32>
    %eq3A_35 = arith.cmpi eq, %iota3A, %eq3A_34 : vector<4096x16xi32>
    %add3A = arith.addf %broadcast_in_dim3A_13, %broadcast_in_dim3A_25 : vector<4096x1xf32>
    %div3A_36 = arith.divf %broadcast_in_dim3A_13, %add3A : vector<4096x1xf32>
    %div3A_37 = arith.divf %broadcast_in_dim3A_25, %add3A : vector<4096x1xf32>
    %broadcast_in_dim3A_38 = vector.shape_cast %div3A_36 : vector<4096x1xf32> to vector<4096x1xf32>
    %broadcast_in_dim3A_39 = vector.broadcast %broadcast_in_dim3A_38 : vector<4096x1xf32> to vector<4096x128xf32>
    %swap3A = arith.constant 0 : index
    %swap3A_40 = arith.constant 0 : index
    %swap3A_41 = vector.load %arg4[%swap3A, %swap3A_40] : memref<4096x128xf32, #tpu.memory_space<vmem>>, vector<4096x128xf32>
    tpu.vector_store %arg4[%swap3A, %swap3A_40], %broadcast_in_dim3A_39 {strides = array<i32>} : memref<4096x128xf32, #tpu.memory_space<vmem>>, vector<4096x128xf32>,
    %broadcast_in_dim3A_42 = vector.shape_cast %div3A_37 : vector<4096x1xf32> to vector<4096x1xf32>
    %broadcast_in_dim3A_43 = vector.broadcast %broadcast_in_dim3A_42 : vector<4096x1xf32> to vector<4096x128xf32>
    %swap3A_44 = arith.constant 0 : index
    %swap3A_45 = arith.constant 0 : index
    %swap3A_46 = vector.load %arg5[%swap3A_44, %swap3A_45] : memref<4096x128xf32, #tpu.memory_space<vmem>>, vector<4096x128xf32>
    tpu.vector_store %arg5[%swap3A_44, %swap3A_45], %broadcast_in_dim3A_43 {strides = array<i32>} : memref<4096x128xf32, #tpu.memory_space<vmem>>, vector<4096x128xf32>,
    %convert_element_type3A = arith.extui %eq3A_19 : vector<4096x16xi1> to vector<4096x16xi32>
    %convert_element_type3A_47 = arith.sitofp %convert_element_type3A : vector<4096x16xi32> to vector<4096x16xf32>
    %convert_element_type3A_48 = arith.extui %eq3A_35 : vector<4096x16xi1> to vector<4096x16xi32>
    %convert_element_type3A_49 = arith.sitofp %convert_element_type3A_48 : vector<4096x16xi32> to vector<4096x16xf32>
    %add3A_50 = arith.addf %convert_element_type3A_47, %convert_element_type3A_49 : vector<4096x16xf32>
    %reduce_sum3A_51 = arith.constant dense<0.000000e+00> : vector<16xf32>
    %reduce_sum3A_52 = vector.multi_reduction <add>, %add3A_50, %reduce_sum3A_51 [0] : vector<4096x16xf32> to vector<16xf32>
    %reduce_sum3A_53 = arith.constant dense<0.000000e+00> : vector<16xf32>
    %reduce_sum3A_54 = vector.multi_reduction <add>, %div3A_10, %reduce_sum3A_53 [0] : vector<4096x16xf32> to vector<16xf32>
    %div3A_55 = arith.constant 4.096000e+03 : f32
    %div3A_56 = vector.broadcast %div3A_55 : f32 to vector<16xf32>
    %div3A_57 = arith.divf %reduce_sum3A_54, %div3A_56 : vector<16xf32>
    %mul3A = arith.mulf %div3A_57, %reduce_sum3A_52 : vector<16xf32>
    %reduce_sum3A_58 = vector.shape_cast %mul3A : vector<16xf32> to vector<1x16xf32>
    %reduce_sum3A_59 = arith.constant dense<0.000000e+00> : vector<1xf32>
    %reduce_sum3A_60 = vector.multi_reduction <add>, %reduce_sum3A_58, %reduce_sum3A_59 [1] : vector<1x16xf32> to vector<1xf32>
    %reduce_sum3A_61 = vector.shape_cast %reduce_sum3A_60 : vector<1xf32> to vector<1x1xf32>
    %reduce_sum3A_62 = vector.extract %reduce_sum3A_61[0, 0] : f32 from vector<1x1xf32>
    %mul3A_63 = arith.constant 1.600000e+01 : f32
    %mul3A_64 = arith.mulf %mul3A_63, %reduce_sum3A_62 : f32
    %div3A_65 = arith.constant 8.192000e+03 : f32
    %div3A_66 = arith.divf %mul3A_64, %div3A_65 : f32
    %reshape3A = vector.broadcast %div3A_66 : f32 to vector<1x1xf32>
    %swap3A_67 = arith.constant 0 : index
    %swap3A_68 = arith.constant 0 : index
    %swap3A_69 = vector.load %arg7[%swap3A_67, %swap3A_68] : memref<1x1xf32, #tpu.memory_space<vmem>>, vector<1x1xf32>
    tpu.vector_store %arg7[%swap3A_67, %swap3A_68], %reshape3A {strides = array<i32>} : memref<1x1xf32, #tpu.memory_space<vmem>>, vector<1x1xf32>,
    %iota3A_70 = tpu.iota {dimensions = array<i32: 0>} : vector<512x512xi32>
    %iota3A_71 = tpu.iota {dimensions = array<i32: 1>} : vector<512x512xi32>
    %gt3A = arith.cmpi sgt, %iota3A_70, %iota3A_71 : vector<512x512xi32>
    %convert_element_type3A_72 = arith.extui %gt3A : vector<512x512xi1> to vector<512x512xi32>
    %convert_element_type3A_73 = arith.sitofp %convert_element_type3A_72 : vector<512x512xi32> to vector<512x512xf32>
    %slice3A = vector.extract_strided_slice %add3A_50 {offsets = [0, 0], sizes = [512, 16], strides = [1, 1]} : vector<4096x16xf32> to vector<512x16xf32>
    %dot_general3A_74 = arith.constant dense<0.000000e+00> : vector<512x16xf32>
    %dot_general3A_75 = tpu.matmul %convert_element_type3A_73, %slice3A, %dot_general3A_74 {dimension_numbers = #tpu.dot_dimension_numbers<[1], [0], [0], [1], [0, 0, 1, 1], [], []>, transpose_lhs_hint = false} : vector<512x512xf32>, vector<512x16xf32>, vector<512x16xf32> -> vector<512x16xf32>
    %reduce_sum3A_76 = arith.constant dense<0.000000e+00> : vector<16xf32>
    %reduce_sum3A_77 = vector.multi_reduction <add>, %slice3A, %reduce_sum3A_76 [0] : vector<512x16xf32> to vector<16xf32>
    %broadcast_in_dim3A_78 = vector.shape_cast %reduce_sum3A_77 : vector<16xf32> to vector<1x16xf32>
    %slice3A_79 = vector.extract_strided_slice %add3A_50 {offsets = [512, 0], sizes = [512, 16], strides = [1, 1]} : vector<4096x16xf32> to vector<512x16xf32>
    %dot_general3A_80 = arith.constant dense<0.000000e+00> : vector<512x16xf32>
    %dot_general3A_81 = tpu.matmul %convert_element_type3A_73, %slice3A_79, %dot_general3A_80 {dimension_numbers = #tpu.dot_dimension_numbers<[1], [0], [0], [1], [0, 0, 1, 1], [], []>, transpose_lhs_hint = false} : vector<512x512xf32>, vector<512x16xf32>, vector<512x16xf32> -> vector<512x16xf32>
    %reduce_sum3A_82 = arith.constant dense<0.000000e+00> : vector<16xf32>
    %reduce_sum3A_83 = vector.multi_reduction <add>, %slice3A_79, %reduce_sum3A_82 [0] : vector<512x16xf32> to vector<16xf32>
    %broadcast_in_dim3A_84 = vector.shape_cast %reduce_sum3A_83 : vector<16xf32> to vector<1x16xf32>
    %slice3A_85 = vector.extract_strided_slice %add3A_50 {offsets = [1024, 0], sizes = [512, 16], strides = [1, 1]} : vector<4096x16xf32> to vector<512x16xf32>
    %dot_general3A_86 = arith.constant dense<0.000000e+00> : vector<512x16xf32>
    %dot_general3A_87 = tpu.matmul %convert_element_type3A_73, %slice3A_85, %dot_general3A_86 {dimension_numbers = #tpu.dot_dimension_numbers<[1], [0], [0], [1], [0, 0, 1, 1], [], []>, transpose_lhs_hint = false} : vector<512x512xf32>, vector<512x16xf32>, vector<512x16xf32> -> vector<512x16xf32>
    %reduce_sum3A_88 = arith.constant dense<0.000000e+00> : vector<16xf32>
    %reduce_sum3A_89 = vector.multi_reduction <add>, %slice3A_85, %reduce_sum3A_88 [0] : vector<512x16xf32> to vector<16xf32>
    %broadcast_in_dim3A_90 = vector.shape_cast %reduce_sum3A_89 : vector<16xf32> to vector<1x16xf32>
    %slice3A_91 = vector.extract_strided_slice %add3A_50 {offsets = [1536, 0], sizes = [512, 16], strides = [1, 1]} : vector<4096x16xf32> to vector<512x16xf32>
    %dot_general3A_92 = arith.constant dense<0.000000e+00> : vector<512x16xf32>
    %dot_general3A_93 = tpu.matmul %convert_element_type3A_73, %slice3A_91, %dot_general3A_92 {dimension_numbers = #tpu.dot_dimension_numbers<[1], [0], [0], [1], [0, 0, 1, 1], [], []>, transpose_lhs_hint = false} : vector<512x512xf32>, vector<512x16xf32>, vector<512x16xf32> -> vector<512x16xf32>
    %reduce_sum3A_94 = arith.constant dense<0.000000e+00> : vector<16xf32>
    %reduce_sum3A_95 = vector.multi_reduction <add>, %slice3A_91, %reduce_sum3A_94 [0] : vector<512x16xf32> to vector<16xf32>
    %broadcast_in_dim3A_96 = vector.shape_cast %reduce_sum3A_95 : vector<16xf32> to vector<1x16xf32>
    %slice3A_97 = vector.extract_strided_slice %add3A_50 {offsets = [2048, 0], sizes = [512, 16], strides = [1, 1]} : vector<4096x16xf32> to vector<512x16xf32>
    %dot_general3A_98 = arith.constant dense<0.000000e+00> : vector<512x16xf32>
    %dot_general3A_99 = tpu.matmul %convert_element_type3A_73, %slice3A_97, %dot_general3A_98 {dimension_numbers = #tpu.dot_dimension_numbers<[1], [0], [0], [1], [0, 0, 1, 1], [], []>, transpose_lhs_hint = false} : vector<512x512xf32>, vector<512x16xf32>, vector<512x16xf32> -> vector<512x16xf32>
    %reduce_sum3A_100 = arith.constant dense<0.000000e+00> : vector<16xf32>
    %reduce_sum3A_101 = vector.multi_reduction <add>, %slice3A_97, %reduce_sum3A_100 [0] : vector<512x16xf32> to vector<16xf32>
    %broadcast_in_dim3A_102 = vector.shape_cast %reduce_sum3A_101 : vector<16xf32> to vector<1x16xf32>
    %slice3A_103 = vector.extract_strided_slice %add3A_50 {offsets = [2560, 0], sizes = [512, 16], strides = [1, 1]} : vector<4096x16xf32> to vector<512x16xf32>
    %dot_general3A_104 = arith.constant dense<0.000000e+00> : vector<512x16xf32>
    %dot_general3A_105 = tpu.matmul %convert_element_type3A_73, %slice3A_103, %dot_general3A_104 {dimension_numbers = #tpu.dot_dimension_numbers<[1], [0], [0], [1], [0, 0, 1, 1], [], []>, transpose_lhs_hint = false} : vector<512x512xf32>, vector<512x16xf32>, vector<512x16xf32> -> vector<512x16xf32>
    %reduce_sum3A_106 = arith.constant dense<0.000000e+00> : vector<16xf32>
    %reduce_sum3A_107 = vector.multi_reduction <add>, %slice3A_103, %reduce_sum3A_106 [0] : vector<512x16xf32> to vector<16xf32>
    %broadcast_in_dim3A_108 = vector.shape_cast %reduce_sum3A_107 : vector<16xf32> to vector<1x16xf32>
    %slice3A_109 = vector.extract_strided_slice %add3A_50 {offsets = [3072, 0], sizes = [512, 16], strides = [1, 1]} : vector<4096x16xf32> to vector<512x16xf32>
    %dot_general3A_110 = arith.constant dense<0.000000e+00> : vector<512x16xf32>
    %dot_general3A_111 = tpu.matmul %convert_element_type3A_73, %slice3A_109, %dot_general3A_110 {dimension_numbers = #tpu.dot_dimension_numbers<[1], [0], [0], [1], [0, 0, 1, 1], [], []>, transpose_lhs_hint = false} : vector<512x512xf32>, vector<512x16xf32>, vector<512x16xf32> -> vector<512x16xf32>
    %reduce_sum3A_112 = arith.constant dense<0.000000e+00> : vector<16xf32>
    %reduce_sum3A_113 = vector.multi_reduction <add>, %slice3A_109, %reduce_sum3A_112 [0] : vector<512x16xf32> to vector<16xf32>
    %broadcast_in_dim3A_114 = vector.shape_cast %reduce_sum3A_113 : vector<16xf32> to vector<1x16xf32>
    %slice3A_115 = vector.extract_strided_slice %add3A_50 {offsets = [3584, 0], sizes = [512, 16], strides = [1, 1]} : vector<4096x16xf32> to vector<512x16xf32>
    %dot_general3A_116 = arith.constant dense<0.000000e+00> : vector<512x16xf32>
    %dot_general3A_117 = tpu.matmul %convert_element_type3A_73, %slice3A_115, %dot_general3A_116 {dimension_numbers = #tpu.dot_dimension_numbers<[1], [0], [0], [1], [0, 0, 1, 1], [], []>, transpose_lhs_hint = false} : vector<512x512xf32>, vector<512x16xf32>, vector<512x16xf32> -> vector<512x16xf32>
    %reduce_sum3A_118 = arith.constant dense<0.000000e+00> : vector<16xf32>
    %reduce_sum3A_119 = vector.multi_reduction <add>, %slice3A_115, %reduce_sum3A_118 [0] : vector<512x16xf32> to vector<16xf32>
    %broadcast_in_dim3A_120 = vector.shape_cast %reduce_sum3A_119 : vector<16xf32> to vector<1x16xf32>
    %concatenate3A = tpu.concatenate %broadcast_in_dim3A_78, %broadcast_in_dim3A_84, %broadcast_in_dim3A_90, %broadcast_in_dim3A_96, %broadcast_in_dim3A_102, %broadcast_in_dim3A_108, %broadcast_in_dim3A_114, %broadcast_in_dim3A_120 in 0 : vector<1x16xf32>, vector<1x16xf32>, vector<1x16xf32>, vector<1x16xf32>, vector<1x16xf32>, vector<1x16xf32>, vector<1x16xf32>, vector<1x16xf32> -> vector<8x16xf32>
    %iota3A_121 = tpu.iota {dimensions = array<i32: 0>} : vector<8x8xi32>
    %iota3A_122 = tpu.iota {dimensions = array<i32: 1>} : vector<8x8xi32>
    %gt3A_123 = arith.cmpi sgt, %iota3A_121, %iota3A_122 : vector<8x8xi32>
    %convert_element_type3A_124 = arith.extui %gt3A_123 : vector<8x8xi1> to vector<8x8xi32>
    %convert_element_type3A_125 = arith.sitofp %convert_element_type3A_124 : vector<8x8xi32> to vector<8x8xf32>
    %dot_general3A_126 = arith.constant dense<0.000000e+00> : vector<8x16xf32>
    %dot_general3A_127 = tpu.matmul %convert_element_type3A_125, %concatenate3A, %dot_general3A_126 {dimension_numbers = #tpu.dot_dimension_numbers<[1], [0], [0], [1], [0, 0, 1, 1], [], []>, transpose_lhs_hint = false} : vector<8x8xf32>, vector<8x16xf32>, vector<8x16xf32> -> vector<8x16xf32>
    %slice3A_128 = vector.extract_strided_slice %dot_general3A_127 {offsets = [0, 0], sizes = [1, 16], strides = [1, 1]} : vector<8x16xf32> to vector<1x16xf32>
    %add3A_129 = vector.broadcast %slice3A_128 : vector<1x16xf32> to vector<512x16xf32>
    %add3A_130 = arith.addf %dot_general3A_75, %add3A_129 : vector<512x16xf32>
    %slice3A_131 = vector.extract_strided_slice %dot_general3A_127 {offsets = [1, 0], sizes = [1, 16], strides = [1, 1]} : vector<8x16xf32> to vector<1x16xf32>
    %add3A_132 = vector.broadcast %slice3A_131 : vector<1x16xf32> to vector<512x16xf32>
    %add3A_133 = arith.addf %dot_general3A_81, %add3A_132 : vector<512x16xf32>
    %slice3A_134 = vector.extract_strided_slice %dot_general3A_127 {offsets = [2, 0], sizes = [1, 16], strides = [1, 1]} : vector<8x16xf32> to vector<1x16xf32>
    %add3A_135 = vector.broadcast %slice3A_134 : vector<1x16xf32> to vector<512x16xf32>
    %add3A_136 = arith.addf %dot_general3A_87, %add3A_135 : vector<512x16xf32>
    %slice3A_137 = vector.extract_strided_slice %dot_general3A_127 {offsets = [3, 0], sizes = [1, 16], strides = [1, 1]} : vector<8x16xf32> to vector<1x16xf32>
    %add3A_138 = vector.broadcast %slice3A_137 : vector<1x16xf32> to vector<512x16xf32>
    %add3A_139 = arith.addf %dot_general3A_93, %add3A_138 : vector<512x16xf32>
    %slice3A_140 = vector.extract_strided_slice %dot_general3A_127 {offsets = [4, 0], sizes = [1, 16], strides = [1, 1]} : vector<8x16xf32> to vector<1x16xf32>
    %add3A_141 = vector.broadcast %slice3A_140 : vector<1x16xf32> to vector<512x16xf32>
    %add3A_142 = arith.addf %dot_general3A_99, %add3A_141 : vector<512x16xf32>
    %slice3A_143 = vector.extract_strided_slice %dot_general3A_127 {offsets = [5, 0], sizes = [1, 16], strides = [1, 1]} : vector<8x16xf32> to vector<1x16xf32>
    %add3A_144 = vector.broadcast %slice3A_143 : vector<1x16xf32> to vector<512x16xf32>
    %add3A_145 = arith.addf %dot_general3A_105, %add3A_144 : vector<512x16xf32>
    %slice3A_146 = vector.extract_strided_slice %dot_general3A_127 {offsets = [6, 0], sizes = [1, 16], strides = [1, 1]} : vector<8x16xf32> to vector<1x16xf32>
    %add3A_147 = vector.broadcast %slice3A_146 : vector<1x16xf32> to vector<512x16xf32>
    %add3A_148 = arith.addf %dot_general3A_111, %add3A_147 : vector<512x16xf32>
    %slice3A_149 = vector.extract_strided_slice %dot_general3A_127 {offsets = [7, 0], sizes = [1, 16], strides = [1, 1]} : vector<8x16xf32> to vector<1x16xf32>
    %add3A_150 = vector.broadcast %slice3A_149 : vector<1x16xf32> to vector<512x16xf32>
    %add3A_151 = arith.addf %dot_general3A_117, %add3A_150 : vector<512x16xf32>
    %concatenate3A_152 = tpu.concatenate %add3A_130, %add3A_133, %add3A_136, %add3A_139, %add3A_142, %add3A_145, %add3A_148, %add3A_151 in 0 : vector<512x16xf32>, vector<512x16xf32>, vector<512x16xf32>, vector<512x16xf32>, vector<512x16xf32>, vector<512x16xf32>, vector<512x16xf32>, vector<512x16xf32> -> vector<4096x16xf32>
    %div3A_153 = arith.constant 2.560000e+02 : f32
    %div3A_154 = vector.broadcast %div3A_153 : f32 to vector<16xf32>
    %div3A_155 = arith.divf %reduce_sum3A_52, %div3A_154 : vector<16xf32>
    %ceil3A = math.ceil %div3A_155 : vector<16xf32>
    %mul3A_156 = arith.constant 2.560000e+02 : f32
    %mul3A_157 = vector.broadcast %mul3A_156 : f32 to vector<16xf32>
    %mul3A_158 = arith.mulf %ceil3A, %mul3A_157 : vector<16xf32>
    %iota3A_159 = tpu.iota {dimensions = array<i32: 0>} : vector<16x16xi32>
    %iota3A_160 = tpu.iota {dimensions = array<i32: 1>} : vector<16x16xi32>
    %lt3A = arith.cmpi slt, %iota3A_159, %iota3A_160 : vector<16x16xi32>
    %convert_element_type3A_161 = arith.extui %lt3A : vector<16x16xi1> to vector<16x16xi32>
    %convert_element_type3A_162 = arith.sitofp %convert_element_type3A_161 : vector<16x16xi32> to vector<16x16xf32>
    %broadcast_in_dim3A_163 = vector.shape_cast %mul3A_158 : vector<16xf32> to vector<1x16xf32>
    %dot_general3A_164 = arith.constant dense<0.000000e+00> : vector<1x16xf32>
    %dot_general3A_165 = tpu.matmul %broadcast_in_dim3A_163, %convert_element_type3A_162, %dot_general3A_164 {dimension_numbers = #tpu.dot_dimension_numbers<[1], [0], [0], [1], [0, 0, 1, 1], [], []>, transpose_lhs_hint = false} : vector<1x16xf32>, vector<16x16xf32>, vector<1x16xf32> -> vector<1x16xf32>
    %add3A_166 = vector.broadcast %dot_general3A_165 : vector<1x16xf32> to vector<4096x16xf32>
    %add3A_167 = arith.addf %add3A_166, %concatenate3A_152 : vector<4096x16xf32>
    %mul3A_168 = arith.mulf %convert_element_type3A_47, %add3A_167 : vector<4096x16xf32>
    %reduce_sum3A_169 = arith.constant dense<0.000000e+00> : vector<4096xf32>
    %reduce_sum3A_170 = vector.multi_reduction <add>, %mul3A_168, %reduce_sum3A_169 [1] : vector<4096x16xf32> to vector<4096xf32>
    %broadcast_in_dim3A_171 = vector.shape_cast %reduce_sum3A_170 : vector<4096xf32> to vector<4096x1xf32>
    %convert_element_type3A_172 = arith.fptosi %broadcast_in_dim3A_171 : vector<4096x1xf32> to vector<4096x1xi32>
    %swap3A_173 = arith.constant 0 : index
    %swap3A_174 = arith.constant 0 : index
    %swap3A_175 = vector.load %arg2[%swap3A_173, %swap3A_174] : memref<4096x1xi32, #tpu.memory_space<vmem>>, vector<4096x1xi32>
    tpu.vector_store %arg2[%swap3A_173, %swap3A_174], %convert_element_type3A_172 {strides = array<i32>} : memref<4096x1xi32, #tpu.memory_space<vmem>>, vector<4096x1xi32>,
    %mul3A_176 = arith.mulf %convert_element_type3A_49, %add3A_167 : vector<4096x16xf32>
    %reduce_sum3A_177 = arith.constant dense<0.000000e+00> : vector<4096xf32>
    %reduce_sum3A_178 = vector.multi_reduction <add>, %mul3A_176, %reduce_sum3A_177 [1] : vector<4096x16xf32> to vector<4096xf32>
    %broadcast_in_dim3A_179 = vector.shape_cast %reduce_sum3A_178 : vector<4096xf32> to vector<4096x1xf32>
    %convert_element_type3A_180 = arith.fptosi %broadcast_in_dim3A_179 : vector<4096x1xf32> to vector<4096x1xi32>
    %swap3A_181 = arith.constant 0 : index
    %swap3A_182 = arith.constant 0 : index
    %swap3A_183 = vector.load %arg3[%swap3A_181, %swap3A_182] : memref<4096x1xi32, #tpu.memory_space<vmem>>, vector<4096x1xi32>
    tpu.vector_store %arg3[%swap3A_181, %swap3A_182], %convert_element_type3A_180 {strides = array<i32>} : memref<4096x1xi32, #tpu.memory_space<vmem>>, vector<4096x1xi32>,
    %broadcast_in_dim3A_184 = vector.shape_cast %mul3A_158 : vector<16xf32> to vector<1x16xf32>
    %add3A_185 = arith.addf %dot_general3A_165, %broadcast_in_dim3A_184 : vector<1x16xf32>
    %div3A_186 = arith.constant 2.560000e+02 : f32
    %div3A_187 = vector.broadcast %div3A_186 : f32 to vector<1x16xf32>
    %div3A_188 = arith.divf %add3A_185, %div3A_187 : vector<1x16xf32>
    %iota3A_189 = tpu.iota {dimensions = array<i32: 0>} : vector<256x16xi32>
    %convert_element_type3A_190 = arith.sitofp %iota3A_189 : vector<256x16xi32> to vector<256x16xf32>
    %ge3A = vector.broadcast %div3A_188 : vector<1x16xf32> to vector<256x16xf32>
    %ge3A_191 = arith.cmpf oge, %convert_element_type3A_190, %ge3A : vector<256x16xf32>
    %convert_element_type3A_192 = arith.extui %ge3A_191 : vector<256x16xi1> to vector<256x16xi32>
    %reduce_sum3A_193 = arith.constant dense<0> : vector<256xi32>
    %reduce_sum3A_194 = vector.multi_reduction <add>, %convert_element_type3A_192, %reduce_sum3A_193 [1] : vector<256x16xi32> to vector<256xi32>
    %broadcast_in_dim3A_195 = vector.shape_cast %reduce_sum3A_194 : vector<256xi32> to vector<256x1xi32>
    %min3A = arith.constant 15 : i32
    %min3A_196 = vector.broadcast %min3A : i32 to vector<256x1xi32>
    %min3A_197 = arith.minsi %broadcast_in_dim3A_195, %min3A_196 : vector<256x1xi32>
    %swap3A_198 = arith.constant 0 : index
    %swap3A_199 = arith.constant 0 : index
    %swap3A_200 = vector.load %arg6[%swap3A_198, %swap3A_199] : memref<256x1xi32, #tpu.memory_space<vmem>>, vector<256x1xi32>
    tpu.vector_store %arg6[%swap3A_198, %swap3A_199], %min3A_197 {strides = array<i32>} : memref<256x1xi32, #tpu.memory_space<vmem>>, vector<256x1xi32>,
    return
  }
}

module attributes {stable_mosaic.version = 14 : i64} {
  func.func @_grouped_matmul_body(%arg0: i32, %arg1: memref<48xi32, #tpu.memory_space<smem>>, %arg2: memref<256x1024xf32, #tpu.memory_space<vmem>>, %arg3: memref<256x128xf32, #tpu.memory_space<vmem>>, %arg4: memref<1x1024x1024xf32, #tpu.memory_space<vmem>>, %arg5: memref<1x1x1024xf32, #tpu.memory_space<vmem>>, %arg6: memref<256x1024xf32, #tpu.memory_space<vmem>>) attributes {dimension_semantics = [#tpu.dimension_semantics<arbitrary>], iteration_bounds = array<i64: 48>, scalar_prefetch = 1 : i64, scratch_operands = 0 : i64, tpu.core_type = #tpu.core_type<tc>, window_params = [{transform_indices = @transform_0, window_bounds = array<i64: 256, 1024>}, {transform_indices = @transform_1, window_bounds = array<i64: 256, 128>}, {transform_indices = @transform_2, window_bounds = array<i64: 1, 1024, 1024>}, {transform_indices = @transform_3, window_bounds = array<i64: 1, 1, 1024>}, {transform_indices = @transform_4, window_bounds = array<i64: 256, 1024>}]} {
    %get3A = arith.constant 0 : index
    %get3A_0 = arith.constant 0 : index
    %get3A_1 = vector.load %arg3[%get3A, %get3A_0] : memref<256x128xf32, #tpu.memory_space<vmem>>, vector<256x1xf32>
    %get3A_2 = arith.constant 0 : index
    %get3A_3 = arith.constant 0 : index
    %get3A_4 = vector.load %arg2[%get3A_2, %get3A_3] : memref<256x1024xf32, #tpu.memory_space<vmem>>, vector<256x1024xf32>
    %mul3A = vector.broadcast %get3A_1 : vector<256x1xf32> to vector<256x1024xf32>
    %mul3A_5 = arith.mulf %get3A_4, %mul3A : vector<256x1024xf32>
    %get3A_6 = arith.constant 0 : index
    %get3A_7 = arith.constant 0 : index
    %get3A_8 = arith.constant 0 : index
    %get3A_9 = vector.load %arg4[%get3A_6, %get3A_7, %get3A_8] : memref<1x1024x1024xf32, #tpu.memory_space<vmem>>, vector<1x1024x1024xf32>
    %get3A_10 = vector.shape_cast %get3A_9 : vector<1x1024x1024xf32> to vector<1024x1024xf32>
    %dot_general3A = arith.constant dense<0.000000e+00> : vector<256x1024xf32>
    %dot_general3A_11 = tpu.matmul %mul3A_5, %get3A_10, %dot_general3A {dimension_numbers = #tpu.dot_dimension_numbers<[1], [0], [0], [1], [0, 0, 1, 1], [], []>, transpose_lhs_hint = false} : vector<256x1024xf32>, vector<1024x1024xf32>, vector<256x1024xf32> -> vector<256x1024xf32>
    %get3A_12 = arith.constant 0 : index
    %get3A_13 = arith.constant 0 : index
    %get3A_14 = arith.constant 0 : index
    %get3A_15 = vector.load %arg5[%get3A_12, %get3A_13, %get3A_14] : memref<1x1x1024xf32, #tpu.memory_space<vmem>>, vector<1x1x1024xf32>
    %get3A_16 = vector.shape_cast %get3A_15 : vector<1x1x1024xf32> to vector<1x1024xf32>
    %mul3A_17 = vector.broadcast %get3A_1 : vector<256x1xf32> to vector<256x1024xf32>
    %mul3A_18 = vector.broadcast %get3A_16 : vector<1x1024xf32> to vector<256x1024xf32>
    %mul3A_19 = arith.mulf %mul3A_17, %mul3A_18 : vector<256x1024xf32>
    %add3A = arith.addf %dot_general3A_11, %mul3A_19 : vector<256x1024xf32>
    %swap3A = arith.constant 0 : index
    %swap3A_20 = arith.constant 0 : index
    %swap3A_21 = vector.load %arg6[%swap3A, %swap3A_20] : memref<256x1024xf32, #tpu.memory_space<vmem>>, vector<256x1024xf32>
    tpu.vector_store %arg6[%swap3A, %swap3A_20], %add3A {strides = array<i32>} : memref<256x1024xf32, #tpu.memory_space<vmem>>, vector<256x1024xf32>,
    return
  }
  func.func @transform_0(%arg0: i32, %arg1: memref<48xi32, #tpu.memory_space<smem>>) -> (i32, i32) {
    %c0_i32 = arith.constant 0 : i32
    %c0_i32_0 = arith.constant 0 : i32
    return %arg0, %c0_i32 : i32, i32
  }
  func.func @transform_1(%arg0: i32, %arg1: memref<48xi32, #tpu.memory_space<smem>>) -> (i32, i32) {
    %c0_i32 = arith.constant 0 : i32
    %c0_i32_0 = arith.constant 0 : i32
    return %arg0, %c0_i32 : i32, i32
  }
  func.func @transform_2(%arg0: i32, %arg1: memref<48xi32, #tpu.memory_space<smem>>) -> (i32, i32, i32) {
    %get3A = arith.index_cast %arg0 : i32 to index
    %get3A_0 = memref.load %arg1[%get3A] : memref<48xi32, #tpu.memory_space<smem>>
    %c0_i32 = arith.constant 0 : i32
    %c0_i32_1 = arith.constant 0 : i32
    %c0_i32_2 = arith.constant 0 : i32
    return %get3A_0, %c0_i32, %c0_i32_1 : i32, i32, i32
  }
  func.func @transform_3(%arg0: i32, %arg1: memref<48xi32, #tpu.memory_space<smem>>) -> (i32, i32, i32) {
    %get3A = arith.index_cast %arg0 : i32 to index
    %get3A_0 = memref.load %arg1[%get3A] : memref<48xi32, #tpu.memory_space<smem>>
    %c0_i32 = arith.constant 0 : i32
    %c0_i32_1 = arith.constant 0 : i32
    %c0_i32_2 = arith.constant 0 : i32
    return %get3A_0, %c0_i32, %c0_i32_1 : i32, i32, i32
  }
  func.func @transform_4(%arg0: i32, %arg1: memref<48xi32, #tpu.memory_space<smem>>) -> (i32, i32) {
    %c0_i32 = arith.constant 0 : i32
    %c0_i32_0 = arith.constant 0 : i32
    return %arg0, %c0_i32 : i32, i32
  }
}

</mosaic_0001>

<sc_bundles>
// kernel: kernel.6.cloned.1.call-start
scs
__scs_entry_jumppad:
0x0: {  	(pc) =	sbr.rel $0x88, $3  }
0x1: {  	(tag) =	ssettag $0x0;
	lr =	simm.s32 $0x1  }
0x2: {  	[smem:$0x3F9D] =	sst lr;
	_ =	strace $0xD0000000  }
0x3: {  	_ = 	snop  }
0x4: {  	_ = 	snop  }
0x5: {  	_ = 	snop  }
0x6: {  	_ = 	snop  }
0x7: {  	_ = 	snop  }
__scs_overlays_trampoline_lowered:
0x8: {  	[smem:$0x3FAC] =	sst s0  }
0x9: {  	[smem:$0x3FAD] =	sst s1  }
0xa: {  	[smem:$0x3FAE] =	sst s2  }
0xb: {  	[smem:$0x3FAF] =	sst s3  }
0xc: {  	[smem:$0x3FB0] =	sst s4  }
0xd: {  	[smem:$0x3FB1] =	sst s5  }
0xe: {  	[smem:$0x3FB2] =	sst s6  }
0xf: {  	[smem:$0x3FB3] =	sst s7  }
0x10: {  	[smem:$0x3FB4] =	sst s8  }
0x11: {  	[smem:$0x3FB5] =	sst s9;
	s0 =	simm.s32 @!p0 $0x0  }
0x12: {  	s1 =	sld [smem:$0x3F9B];
	s0 =	simm.s32 @p0 $0x1  }
0x13: {  	[smem:$0x3FB6] =	sst s0;
	s0 =	simm.s32 @!p1 $0x0  }
0x14: {  	s2 =	sld [smem:$0x3F9A];
	s0 =	simm.s32 @p1 $0x1  }
0x15: {  	[smem:$0x3FB7] =	sst s0;
	s0 =	simm.s32 @!p2 $0x0  }
0x16: {  	s3 =	sld [smem:$0x3FDB];
	s0 =	simm.s32 @p2 $0x1  }
0x17: {  	s4 =	simm.s32 $0x1BF5;
	[smem:$0x3FB9] =	sst s0  }
0x18: {  	s0 =	sld [smem:$0x3F9C];
	_ =	swait.ge [sflag:s4], $0x0  }
0x19: {  	s7 =	sld [smem:$0x3F9D]  }
0x1a: {  	s8 =	sadd.s32 $0xFFFFE003, lr  }
0x1b: {  	s9 =	sadd.s32 $0xFFFFFEF7, lr;
	s5 =	simm.s32 $0xFFFFFFFF;
	p2 =	slt.u32 s8, $0xFFFFF086  }
0x1c: {  	p1 =	slt.u32 s9, $0xF7A;
	s5 =	simm.s32 @!p2 $0x0  }
0x1d: {  	s5 =	simm.s32 @p1 $0x1;
	p0 =	seq.s32 s7, s2  }
0x1e: {  	s7 =	smul.u32 @!p0 $0xF7A, s2;
	p2 =	seq.s32 @!p0 s5, $0x0  }
0x1f: {  	s9 =	smul.u32 $0xF7A, s1;
	s8 =	simm.s32 @!p0 $0x1BF5;
	p2 =	por !p2, p0  }
0x20: {  	[sflag:s8] =	ssyncset.s32 @!p0 $0xFFFFF086;
	s6 =	sadd.s32 @!p0 s3, s7;
	s7 =	simm.s32 @!p0 $0x108  }
0x21: {  	s3 =	sadd.s32 s3, s9;
	s6 =	sadd.s32 @!p0 $0x88, s6;
	s7 =	simm.s32 @p2 $0x1082  }
0x22: {  	[simem:s7], [sflag:s8] =	dma.local @!p0 [hbm:s6], $0xF7A  }
0x23: {  	s9 =	sor.u32 $0xD0000000, s2;
	s6 =	simm.s32 $0x108;
	_ =	swait.ge @!p0 [sflag:s8], $0x0  }
0x24: {  	s3 =	sadd.s32 $0x88, s3;
	s6 =	simm.s32 @!p1 $0x1082;
	[sflag:s4] =	ssyncset.s32 $0xFFFFF086  }
0x25: {  	[simem:s6], [sflag:s4] =	dma.local [hbm:s3], $0xF7A  }
0x26: {  	[smem:$0x3F9D] =	sst s1;
	(tag) =	ssettag s2;
	_ =	strace s9  }
0x27: {  	s1 =	sld [smem:$0x3FAD]  }
0x28: {  	s2 =	sld [smem:$0x3FAE]  }
0x29: {  	s4 =	sld [smem:$0x3FB0]  }
0x2a: {  	p0 =	seq.s32 s5, $0x0;
	s5 =	sld [smem:$0x3FB1]  }
0x2b: {  	s6 =	sld [smem:$0x3FB2]  }
0x2c: {  	s7 =	sld [smem:$0x3FB3]  }
0x2d: {  	s3 =	simm.s32 $0x108;
	s8 =	sld [smem:$0x3FB4]  }
0x2e: {  	s3 =	simm.s32 @!p0 $0x1082;
	s9 =	sld [smem:$0x3FB5]  }
0x2f: {  	lr =	sadd.s32 s0, s3;
	s0 =	sld [smem:$0x3FAC]  }
0x30: {  	s3 =	sld [smem:$0x3FAF]  }
0x31: {  	[smem:$0x3FB8] =	sst s10  }
0x32: {  	s10 =	sld [smem:$0x3FB6];
	_ =	sdelay $0x3  }
0x33: {  	p0 =	seq.s32 s10, $0x1;
	s10 =	sld [smem:$0x3FB8];
	_ =	sdelay $0x3  }
0x34: {  	[smem:$0x3FB8] =	sst s10  }
0x35: {  	s10 =	sld [smem:$0x3FB7];
	_ =	sdelay $0x3  }
0x36: {  	p1 =	seq.s32 s10, $0x1;
	s10 =	sld [smem:$0x3FB8];
	_ =	sdelay $0x3  }
0x37: {  	[smem:$0x3FB8] =	sst s10  }
0x38: {  	s10 =	sld [smem:$0x3FB9]  }
0x39: {  	_ = 	snop;
	(pc) =	sbr.ind lr, $3  }
0x3a: {  	_ = 	snop  }
0x3b: {  	_ = 	snop  }
0x3c: {  	p2 =	seq.s32 s10, $0x1;
	s10 =	sld [smem:$0x3FB8]  }
0x3d: {  	_ =	shalt  }
0x3e: {  	_ =	shalt  }
0x3f: {  	_ =	shalt  }
0x40: {  	_ =	shalt  }
0x41: {  	_ =	shalt  }
0x42: {  	_ =	shalt  }
0x43: {  	_ =	shalt  }
0x44: {  	_ =	shalt  }
0x45: {  	_ =	shalt  }
0x46: {  	_ =	shalt  }
0x47: {  	_ =	shalt  }
0x48: {  	_ =	shalt  }
0x49: {  	_ =	shalt  }
0x4a: {  	_ =	shalt  }
0x4b: {  	_ =	shalt  }
0x4c: {  	_ =	shalt  }
0x4d: {  	_ =	shalt  }
0x4e: {  	_ =	shalt  }
0x4f: {  	_ =	shalt  }
0x50: {  	_ =	shalt  }
0x51: {  	_ =	shalt  }
0x52: {  	_ =	shalt  }
0x53: {  	_ =	shalt  }
0x54: {  	_ =	shalt  }
0x55: {  	_ =	shalt  }
0x56: {  	_ =	shalt  }
0x57: {  	_ =	shalt  }
0x58: {  	_ =	shalt  }
0x59: {  	_ =	shalt  }
0x5a: {  	_ =	shalt  }
0x5b: {  	_ =	shalt  }
0x5c: {  	_ =	shalt  }
0x5d: {  	_ =	shalt  }
0x5e: {  	_ =	shalt  }
0x5f: {  	_ =	shalt  }
0x60: {  	_ =	shalt  }
0x61: {  	_ =	shalt  }
0x62: {  	_ =	shalt  }
0x63: {  	_ =	shalt  }
0x64: {  	_ =	shalt  }
0x65: {  	_ =	shalt  }
0x66: {  	_ =	shalt  }
0x67: {  	_ =	shalt  }
0x68: {  	_ =	shalt  }
0x69: {  	_ =	shalt  }
0x6a: {  	_ =	shalt  }
0x6b: {  	_ =	shalt  }
0x6c: {  	_ =	shalt  }
0x6d: {  	_ =	shalt  }
0x6e: {  	_ =	shalt  }
0x6f: {  	_ =	shalt  }
0x70: {  	_ =	shalt  }
0x71: {  	_ =	shalt  }
0x72: {  	_ =	shalt  }
0x73: {  	_ =	shalt  }
0x74: {  	_ =	shalt  }
0x75: {  	_ =	shalt  }
0x76: {  	_ =	shalt  }
0x77: {  	_ =	shalt  }
0x78: {  	_ =	shalt  }
0x79: {  	_ =	shalt  }
0x7a: {  	_ =	shalt  }
0x7b: {  	_ =	shalt  }
0x7c: {  	_ =	shalt  }
0x7d: {  	_ =	shalt  }
0x7e: {  	_ =	shalt  }
0x7f: {  	_ =	shalt  }
0x80: {  	_ =	shalt  }
0x81: {  	_ =	shalt  }
0x82: {  	_ =	shalt  }
0x83: {  	_ =	shalt  }
0x84: {  	_ =	shalt  }
0x85: {  	_ =	shalt  }
0x86: {  	_ =	shalt  }
0x87: {  	_ =	shalt  }
.Lfunc_end0:
.L_simem_size_0:
called_computation_lowered:
.L_overlay_start_0:
0x88: {  	s2 =	sld [smem:$0x3FD9]  }
0x89: {  	s3 =	sld [smem:$0x3FFE];
	_ =	sdelay $0x1  }
0x8a: {  	s1 =	srdreg.scid  }
0x8b: {  	s0 =	sand.u32 $0x1, s1  }
0x8c: {  	s14 =	sshll.u32 s0, $0xA;
	s2 =	sadd.s32 s3, s2  }
0x8d: {  	s2 =	sadd.s32 s2, s14  }
0x8e: {  	[smem:$0x3FC4] =	sst s2  }
0x8f: {  	_ = 	snop  }
0x90: {  	s2 =	sld [smem:$0x3FD0];
	_ =	sdelay $0x2  }
0x91: {  	s4 =	simm.s32 $0xA;
	s5 =	simm.s32 $0x10;
	s15 =	sld [smem:$0x3FC9]  }
0x92: {  	[smem:s5], [sflag:s4] =	dma.local [hbm:s2], $0x1  }
0x93: {  	_ =	swait.eq [sflag:s4], $0x1  }
0x94: {  	[sflag:s4] =	ssyncset.done $0x0  }
0x95: {  	[sflag:s4] =	ssyncadd.s32 $0xFFFFFFFF  }
0x96: {  	s16 =	sld [smem:$0x10];
	(tm) =	ssettm $0x1  }
0x97: {  	s17 =	sld [smem:$0x3FFB];
	_ =	sdelay $0x3  }
0x98: {  	_ =	strace s17  }
0x99: {  	s4 =	sld [smem:$0x3FFC];
	_ =	sdelay $0x3  }
0x9a: {  	_ =	strace s4  }
0x9b: {  	s4 =	sld [smem:$0x3FFD];
	_ =	sdelay $0x3  }
0x9c: {  	_ =	strace s4  }
0x9d: {  	_ =	strace $0x8FFFFFFF  }
0x9e: {  	s18 =	sld [smem:$0x3FDB];
	_ =	sdelay $0x1  }
0x9f: {  	s19 =	simm.s32 $_scs_section_size  }
0xa0: {  	s6 =	simm.s32 $_size__tile_overlayer_lowered;
	s7 =	simm.s32 $_tile_overlayer_lowered  }
0xa1: {  	s22 =	simm.s32 $0x1BFF;
	s21 =	sshll.u32 s7, $0x1;
	s4 =	sadd.s32 s19, s18  }
0xa2: {  	s8 =	simm.s32 $0x0;
	s20 =	sshll.u32 s6, $0x1;
	s6 =	sadd.s32 s21, s4  }
0xa3: {  	[timem:s8], [sflag:s22] =	dma.local [hbm:s6], s20  }
0xa4: {  	_ =	swait.ge [sflag:s22], s20  }
0xa5: {  	s5 =	ssub.s32 $0x0, s20;
	[sflag:s22] =	ssyncset.done $0x0  }
0xa6: {  	[sflag:s22] =	ssyncadd.s32 s5;
	_ =	sdelay $0x1  }
0xa7: {  	s23 =	simm.s32 $0x1B8B  }
0xa8: {  	_ =	swait.ge [sflag:s23], $0x1  }
0xa9: {  	[sflag:s23] =	ssyncset.done $0x0  }
0xaa: {  	s25 =	simm.s32 $0x1B8E;
	s24 =	sld [smem:$0x3FFE];
	[sflag:s23] =	ssyncadd.s32 $0xFFFFFFFF  }
0xab: {  	s26 =	simm.s32 $execute0_lowered;
	[smem:$0x3FD2] =	sst s25  }
0xac: {  	s6 =	sshll.u32 s26, $0x1;
	_ =	strace $0x80000046;
	[dreg:$0x1] =	wrdreg $0xFFFFFFFF  }
0xad: {  	s28 =	simm.s32 $_size_execute0_lowered;
	s4 =	sadd.s32 s4, s6;
	[dreg:$0x0] =	wrdreg $0x0  }
0xae: {  	s6 =	sshll.u32 s28, $0x1;
	[dreg:$0x2] =	wrdreg s4  }
0xaf: {  	[dreg:$0x3] =	wrdreg s6  }
0xb0: {  	[dreg:$0x4] =	wrdreg $0xC0  }
0xb1: {  	_ =	task [dreg:s8], $0x5FFFF  }
0xb2: {  	[dreg:$0x1] =	wrdreg $0xFFFFFFFF  }
0xb3: {  	[dreg:$0x0] =	wrdreg $0x60  }
0xb4: {  	[dreg:$0x2] =	wrdreg s15  }
0xb5: {  	[dreg:$0x3] =	wrdreg s24  }
0xb6: {  	[dreg:$0x4] =	wrdreg s16  }
0xb7: {  	[dreg:$0x5] =	wrdreg $0x9  }
0xb8: {  	_ =	task.clear_ibuf [dreg:s8], $0x6FFFF;
	_ =	strace $0x90000046  }
0xb9: {  	s29 =	simm.s32 $0x9;
	_ =	strace $0x80000048  }
0xba: {  	_ =	swait.ge [sflag:s29], $0x1  }
0xbb: {  	[sflag:s29] =	ssyncadd.s32 $0xFFFFFFFF  }
0xbc: {  	_ =	strace $0x90000048  }
0xbd: {  	_ =	sfence  }
0xbe: {  	s30 =	sld [smem:$0x0];
	_ =	sdelay $0x2  }
0xbf: {  	s31 =	sshll.u32 s1, $0xD;
	s1 =	sshrl.u32 s1, $0x2  }
0xc0: {  	s3 =	sand.u32 $0x4000, s31;
	s1 =	sadd.s32 s1, s30  }
0xc1: {  	s0 =	sor.u32 s3, s0;
	s1 =	sshll.u32 s1, $0x11  }
0xc2: {  	s0 =	sor.u32 s1, s0  }
0xc3: {  	s0 =	sadd.s32 $0x8F2B, s0  }
0xc4: {  	[sflag:s0] =	ssyncadd.remote.s32 $0x1  }
0xc5: {  	_ =	sfence.sel $0xFFFF  }
0xc6: {  	[dreg:$0x0] =	wrdreg $0xFFFFFFFF;
	(pc) =	sbr.abs _section_cstart, $3  }
0xc7: {  	[dreg:$0x1] =	wrdreg $0xFFFFFFFF  }
0xc8: {  	_ =	task.clear_ibuf [dreg:s8], $0x2FFFF;
	_ =	strace $0x9FFFFFFF  }
0xc9: {  	(tm) =	ssettm $0x7FFFFFFF  }
tec
execute0_lowered:
.L_overlay_start_1:
0x0: {  	(tag) =	ssettag $0x1  }
0x1: {  	s0 =	rddreg [dreg:$0x0]  }
0x2: {  	s1 =	rddreg [dreg:$0x1]  }
0x3: {  	s3 =	srdreg.scid;
	s5 =	stileid.u32;
	s23 =	simm.s32 $0x80  }
0x4: {  	s31 =	simm.s32 $0x6400;
	s4 =	sand.u32 $0x1, s3;
	s5 =	sshll.u32 s5, $0x1  }
0x5: {  	s3 =	simm.s32 $0x0;
	s7 =	sadd.s32 $0x600, s1;
	s8 =	sadd.s32 $0x10600, s1  }
0x6: {  	s5 =	sor.u32 s4, s5;
	[smem:$0x7FF] =	sst s3;
	s9 =	ssub.s32 $0x2, s4  }
0x7: {  	s4 =	sadd.s32 $0x21600, s1;
	s6 =	sshll.u32 s5, $0x7;
	s25 =	sshll.u32 s5, $0xB  }
0x8: {  	_ =	strace $0x80000047;
	[dreg:$0x11] =	wrdreg s23;
	s26 =	sadd.s32 s7, s25  }
0x9: {  	s10 =	sshrl.u32 s9, $0x1;
	s28 =	sadd.s32 s8, s25;
	[dreg:$0x6] =	wrdreg s26  }
0xa: {  	s6 =	sadd.s32 s6, s1;
	s25 =	simm.s32 $0x180;
	[dreg:$0x7] =	wrdreg s28  }
0xb: {  	s24 =	sshll.u32 s5, $0xE;
	s6 =	sadd.s32 $0x20600, s6;
	[dreg:$0x13] =	wrdreg s25  }
0xc: {  	s5 =	sshll.u32 s5, $0x4;
	s26 =	simm.s32 $0x200;
	[dreg:$0x4] =	wrdreg s6  }
0xd: {  	s2 =	sor.u32 $0x4, s5;
	s28 =	simm.s32 $0x280;
	[dreg:$0x14] =	wrdreg s26  }
0xe: {  	s29 =	sshll.u32 s2, $0xA;
	s6 =	sadd.s32 s0, s24;
	[dreg:$0x15] =	wrdreg s28  }
0xf: {  	s2 =	sshll.u32 s2, $0x7;
	s30 =	sadd.s32 s0, s29;
	[dreg:$0x5] =	wrdreg s6  }
0x10: {  	s12 =	sor.u32 $0x8, s5;
	s11 =	sadd.s32 s7, s2;
	[dreg:$0x8] =	wrdreg s30  }
0x11: {  	s14 =	sshll.u32 s12, $0xA;
	s13 =	sadd.s32 s8, s2;
	[dreg:$0x9] =	wrdreg s11  }
0x12: {  	s16 =	sshll.u32 s12, $0x7;
	s15 =	sadd.s32 s0, s14;
	[dreg:$0xa] =	wrdreg s13  }
0x13: {  	s5 =	sor.u32 $0xC, s5;
	s17 =	sadd.s32 s7, s16;
	[dreg:$0xb] =	wrdreg s15  }
0x14: {  	s19 =	sshll.u32 s5, $0xA;
	s18 =	sadd.s32 s8, s16;
	[dreg:$0xc] =	wrdreg s17  }
0x15: {  	s20 =	sshll.u32 s5, $0x7;
	s0 =	sadd.s32 s0, s19;
	[dreg:$0xd] =	wrdreg s18  }
0x16: {  	s9 =	ssub.s32 s9, s10;
	s21 =	sadd.s32 s7, s20;
	[dreg:$0xe] =	wrdreg s0  }
0x17: {  	s5 =	sadd.s32 $0x21700, s1;
	s22 =	sadd.s32 s8, s20;
	[dreg:$0xf] =	wrdreg s21  }
0x18: {  	s7 =	sadd.s32 $0x21900, s1;
	s24 =	simm.s32 $0x100;
	[dreg:$0x10] =	wrdreg s22  }
0x19: {  	v2 =	vlaneseq.u32;
	s29 =	simm.s32 $0x300;
	s6 =	sadd.s32 $0x21800, s1;
	[dreg:$0x12] =	wrdreg s24  }
0x1a: {  	vm0 =	vmmov $0xffff;
	v1 =	vshrl.u32 v2, $0x3;
	s1 =	smax.u32 s9, $0x1;
	[dreg:$0x16] =	wrdreg s29;
	s30 =	simm.s32 $0x380  }
0x1b: {  	v0 =	vand.u32 $0x7, v2;
	v2 =	vor.u32 $0x8, v2;
	v1 =	vmul.u32 $0x8, v1;
	s13 =	simm.s32 $0x1;
	s9 =	simm.s32 $0x2;
	[dreg:$0x17] =	wrdreg s30  }
.LBB2_1:
0x1c: {  	[dreg:$0x18] =	wrdreg s1  }
0x1d: {  	s29 =	rddreg [dreg:$0x4];
	s30 =	simm.s32 $0x3  }
0x1e: {  	[tilespmem:s3], [sflag:$0x3] =	stream.linear.gather [hbm4b:s29+s3], $0x400, $0x38;
	[tilespmem:$0x14400] =	vst v63  }
0x1f: {  	_ =	swait.ge [sflag:s30], $0x400  }
0x20: {  	[sflag:s30] =	ssyncset.done $0x0  }
0x21: {  	s14 =	simm.s32 $0x400;
	s22 =	rddreg [dreg:$0x5];
	[sflag:s30] =	ssyncadd.s32 $0xFFFFFC00  }
0x22: {  	[tilespmem:s14], [sflag:$0x1] =	stream.linear.gather [hbm4b:s22+s3], $0x8000, $0x38;
	[tilespmem:$0x14400] =	vst v63  }
0x23: {  	s0 =	simm.s32 $0x10400;
	s23 =	rddreg [dreg:$0x6]  }
0x24: {  	[tilespmem:s0], [sflag:$0x1] =	stream.linear.gather [hbm4b:s23+s3], $0x1000, $0x38;
	[tilespmem:$0x14400] =	vst v63  }
0x25: {  	s25 =	simm.s32 $0x12400;
	s24 =	rddreg [dreg:$0x7]  }
0x26: {  	[tilespmem:s25], [sflag:$0x1] =	stream.linear.gather [hbm4b:s24+s3], $0x1000, $0x38;
	[tilespmem:$0x14400] =	vst v63  }
0x27: {  	_ =	swait.ge [sflag:s13], $0x8000  }
0x28: {  	[sflag:s13] =	ssyncset.done $0x0  }
0x29: {  	[sflag:s13] =	ssyncadd.s32 $0xFFFF8000  }
0x2a: {  	_ =	swait.ge [sflag:s13], $0x1000  }
0x2b: {  	[sflag:s13] =	ssyncset.done $0x0  }
0x2c: {  	[sflag:s13] =	ssyncadd.s32 $0xFFFFF000  }
0x2d: {  	_ =	swait.ge [sflag:s13], $0x1000  }
0x2e: {  	[sflag:s13] =	ssyncset.done $0x0  }
0x2f: {  	s1 =	simm.s32 $0x8400;
	s26 =	rddreg [dreg:$0x8];
	[sflag:s13] =	ssyncadd.s32 $0xFFFFF000  }
0x30: {  	[tilespmem:s1], [sflag:$0x1] =	stream.linear.gather [hbm4b:s26+s3], $0x8000, $0x38;
	[tilespmem:$0x14400] =	vst v63  }
0x31: {  	s8 =	simm.s32 $0x11400;
	s28 =	rddreg [dreg:$0x9]  }
0x32: {  	[tilespmem:s8], [sflag:$0x1] =	stream.linear.gather [hbm4b:s28+s3], $0x1000, $0x38;
	[tilespmem:$0x14400] =	vst v63  }
0x33: {  	s10 =	simm.s32 $0x13400;
	s2 =	rddreg [dreg:$0xa]  }
0x34: {  	[tilespmem:s10], [sflag:$0x1] =	stream.linear.gather [hbm4b:s2+s3], $0x1000, $0x38;
	[tilespmem:$0x14400] =	vst v63  }
0x35: {  	v3 =	vld [tilespmem:$0x0];
	_ =	sdelay $0x4  }
0x36: {  	v4 =	vshll.u32 v3, $0x3  }
0x37: {  	v3 =	vand.u32 $0x7, v3;
	v4 =	vand.u32 $0xFFFFFFC0, v4  }
0x38: {  	v3 =	vor.u32 v3, v4  }
0x39: {  	v4 =	vperm.xlane v3, v0;
	_ =	sdelay $0x1  }
0x3a: {  	v4 =	vadd.s32 v1, v4;
	_ =	sdelay $0x4  }
0x3b: {  	[hbm4b:s4+s3] =	stream.indirect_vreg.scatter [tilespmem:s14], [sflag:$0x2], $0x80, v4, vm0, $0xb8;
	[tilespmem:$0x14400] =	vst v63  }
0x3c: {  	s11 =	simm.s32 $0xC00;
	v3 =	vperm.xlane v3, v2  }
0x3d: {  	[hbm4b:s5+s3] =	stream.indirect_vreg.scatter [tilespmem:s11], [sflag:$0x2], $0x80, v4, vm0, $0xb8;
	[tilespmem:$0x14400] =	vst v63  }
0x3e: {  	s12 =	simm.s32 $0x1400;
	v3 =	vadd.s32 v1, v3  }
0x3f: {  	[hbm4b:s6+s3] =	stream.indirect_vreg.scatter [tilespmem:s12], [sflag:$0x2], $0x80, v4, vm0, $0xb8;
	[tilespmem:$0x14400] =	vst v63  }
0x40: {  	s15 =	simm.s32 $0x1C00  }
0x41: {  	[hbm4b:s7+s3] =	stream.indirect_vreg.scatter [tilespmem:s15], [sflag:$0x2], $0x80, v4, vm0, $0xb8;
	[tilespmem:$0x14400] =	vst v63  }
0x42: {  	s16 =	simm.s32 $0x2400  }
0x43: {  	[hbm4b:s4+s3] =	stream.indirect_vreg.scatter [tilespmem:s16], [sflag:$0x2], $0x80, v3, vm0, $0xb8;
	[tilespmem:$0x14400] =	vst v63  }
0x44: {  	s17 =	simm.s32 $0x2C00  }
0x45: {  	[hbm4b:s5+s3] =	stream.indirect_vreg.scatter [tilespmem:s17], [sflag:$0x2], $0x80, v3, vm0, $0xb8;
	[tilespmem:$0x14400] =	vst v63  }
0x46: {  	s18 =	simm.s32 $0x3400  }
0x47: {  	[hbm4b:s6+s3] =	stream.indirect_vreg.scatter [tilespmem:s18], [sflag:$0x2], $0x80, v3, vm0, $0xb8;
	[tilespmem:$0x14400] =	vst v63  }
0x48: {  	s20 =	simm.s32 $0x3C00  }
0x49: {  	[hbm4b:s7+s3] =	stream.indirect_vreg.scatter [tilespmem:s20], [sflag:$0x2], $0x80, v3, vm0, $0xb8;
	[tilespmem:$0x14400] =	vst v63  }
0x4a: {  	v3 =	vld [tilespmem:$0x10];
	_ =	sdelay $0x4  }
0x4b: {  	v49 =	vshll.u32 v3, $0x3  }
0x4c: {  	v3 =	vand.u32 $0x7, v3;
	v4 =	vand.u32 $0xFFFFFFC0, v49  }
0x4d: {  	v3 =	vor.u32 v3, v4  }
0x4e: {  	v4 =	vperm.xlane v3, v0;
	_ =	sdelay $0x1  }
0x4f: {  	v4 =	vadd.s32 v1, v4;
	_ =	sdelay $0x3  }
0x50: {  	s21 =	simm.s32 $0x4400  }
0x51: {  	[hbm4b:s4+s3] =	stream.indirect_vreg.scatter [tilespmem:s21], [sflag:$0x2], $0x80, v4, vm0, $0xb8;
	[tilespmem:$0x14400] =	vst v63  }
0x52: {  	s22 =	simm.s32 $0x4C00;
	v3 =	vperm.xlane v3, v2  }
0x53: {  	[hbm4b:s5+s3] =	stream.indirect_vreg.scatter [tilespmem:s22], [sflag:$0x2], $0x80, v4, vm0, $0xb8;
	[tilespmem:$0x14400] =	vst v63  }
0x54: {  	s23 =	simm.s32 $0x5400;
	v3 =	vadd.s32 v1, v3  }
0x55: {  	[hbm4b:s6+s3] =	stream.indirect_vreg.scatter [tilespmem:s23], [sflag:$0x2], $0x80, v4, vm0, $0xb8;
	[tilespmem:$0x14400] =	vst v63  }
0x56: {  	s24 =	simm.s32 $0x5C00  }
0x57: {  	[hbm4b:s7+s3] =	stream.indirect_vreg.scatter [tilespmem:s24], [sflag:$0x2], $0x80, v4, vm0, $0xb8;
	[tilespmem:$0x14400] =	vst v63  }
0x58: {  	s25 =	simm.s32 $0x6400  }
0x59: {  	[hbm4b:s4+s3] =	stream.indirect_vreg.scatter [tilespmem:s25], [sflag:$0x2], $0x80, v3, vm0, $0xb8;
	[tilespmem:$0x14400] =	vst v63  }
0x5a: {  	s26 =	simm.s32 $0x6C00  }
0x5b: {  	[hbm4b:s5+s3] =	stream.indirect_vreg.scatter [tilespmem:s26], [sflag:$0x2], $0x80, v3, vm0, $0xb8;
	[tilespmem:$0x14400] =	vst v63  }
0x5c: {  	s28 =	simm.s32 $0x7400  }
0x5d: {  	[hbm4b:s6+s3] =	stream.indirect_vreg.scatter [tilespmem:s28], [sflag:$0x2], $0x80, v3, vm0, $0xb8;
	[tilespmem:$0x14400] =	vst v63  }
0x5e: {  	s29 =	simm.s32 $0x7C00  }
0x5f: {  	[hbm4b:s7+s3] =	stream.indirect_vreg.scatter [tilespmem:s29], [sflag:$0x2], $0x80, v3, vm0, $0xb8;
	[tilespmem:$0x14400] =	vst v63  }
0x60: {  	v3 =	vld [tilespmem:$0x80];
	_ =	sdelay $0x4  }
0x61: {  	v50 =	vshll.u32 v3, $0x3  }
0x62: {  	v3 =	vand.u32 $0x7, v3;
	v4 =	vand.u32 $0xFFFFFFC0, v50  }
0x63: {  	v3 =	vor.u32 v3, v4  }
0x64: {  	v4 =	vperm.xlane v3, v0;
	_ =	sdelay $0x1  }
0x65: {  	v4 =	vadd.s32 v1, v4;
	_ =	sdelay $0x4  }
0x66: {  	[hbm4b:s4+s3] =	stream.indirect_vreg.scatter [tilespmem:s14], [sflag:$0x2], $0x80, v4, vm0, $0xb8;
	[tilespmem:$0x14400] =	vst v63  }
0x67: {  	s19 =	simm.s32 $0xC00;
	v3 =	vperm.xlane v3, v2  }
0x68: {  	[hbm4b:s5+s3] =	stream.indirect_vreg.scatter [tilespmem:s19], [sflag:$0x2], $0x80, v4, vm0, $0xb8;
	[tilespmem:$0x14400] =	vst v63  }
0x69: {  	s1 =	simm.s32 $0x1400;
	v3 =	vadd.s32 v1, v3  }
0x6a: {  	[hbm4b:s6+s3] =	stream.indirect_vreg.scatter [tilespmem:s1], [sflag:$0x2], $0x80, v4, vm0, $0xb8;
	[tilespmem:$0x14400] =	vst v63  }
0x6b: {  	s2 =	simm.s32 $0x1C00  }
0x6c: {  	[hbm4b:s7+s3] =	stream.indirect_vreg.scatter [tilespmem:s2], [sflag:$0x2], $0x80, v4, vm0, $0xb8;
	[tilespmem:$0x14400] =	vst v63  }
0x6d: {  	s8 =	simm.s32 $0x2400  }
0x6e: {  	[hbm4b:s4+s3] =	stream.indirect_vreg.scatter [tilespmem:s8], [sflag:$0x2], $0x80, v3, vm0, $0xb8;
	[tilespmem:$0x14400] =	vst v63  }
0x6f: {  	s10 =	simm.s32 $0x2C00  }
0x70: {  	[hbm4b:s5+s3] =	stream.indirect_vreg.scatter [tilespmem:s10], [sflag:$0x2], $0x80, v3, vm0, $0xb8;
	[tilespmem:$0x14400] =	vst v63  }
0x71: {  	s11 =	simm.s32 $0x3400  }
0x72: {  	[hbm4b:s6+s3] =	stream.indirect_vreg.scatter [tilespmem:s11], [sflag:$0x2], $0x80, v3, vm0, $0xb8;
	[tilespmem:$0x14400] =	vst v63  }
0x73: {  	s20 =	simm.s32 $0x3C00  }
0x74: {  	[hbm4b:s7+s3] =	stream.indirect_vreg.scatter [tilespmem:s20], [sflag:$0x2], $0x80, v3, vm0, $0xb8;
	[tilespmem:$0x14400] =	vst v63  }
0x75: {  	v3 =	vld [tilespmem:$0x90];
	_ =	sdelay $0x4  }
0x76: {  	v51 =	vshll.u32 v3, $0x3  }
0x77: {  	v3 =	vand.u32 $0x7, v3;
	v4 =	vand.u32 $0xFFFFFFC0, v51  }
0x78: {  	v3 =	vor.u32 v3, v4  }
0x79: {  	v4 =	vperm.xlane v3, v0;
	_ =	sdelay $0x1  }
0x7a: {  	v4 =	vadd.s32 v1, v4;
	_ =	sdelay $0x3  }
0x7b: {  	s21 =	simm.s32 $0x4400  }
0x7c: {  	[hbm4b:s4+s3] =	stream.indirect_vreg.scatter [tilespmem:s21], [sflag:$0x2], $0x80, v4, vm0, $0xb8;
	[tilespmem:$0x14400] =	vst v63  }
0x7d: {  	s22 =	simm.s32 $0x4C00;
	v3 =	vperm.xlane v3, v2  }
0x7e: {  	[hbm4b:s5+s3] =	stream.indirect_vreg.scatter [tilespmem:s22], [sflag:$0x2], $0x80, v4, vm0, $0xb8;
	[tilespmem:$0x14400] =	vst v63  }
0x7f: {  	s12 =	simm.s32 $0x5400;
	v3 =	vadd.s32 v1, v3  }
0x80: {  	[hbm4b:s6+s3] =	stream.indirect_vreg.scatter [tilespmem:s12], [sflag:$0x2], $0x80, v4, vm0, $0xb8;
	[tilespmem:$0x14400] =	vst v63  }
0x81: {  	s15 =	simm.s32 $0x5C00  }
0x82: {  	[hbm4b:s7+s3] =	stream.indirect_vreg.scatter [tilespmem:s15], [sflag:$0x2], $0x80, v4, vm0, $0xb8;
	[tilespmem:$0x14400] =	vst v63  }
0x83: {  	s16 =	simm.s32 $0x6400  }
0x84: {  	[hbm4b:s4+s3] =	stream.indirect_vreg.scatter [tilespmem:s16], [sflag:$0x2], $0x80, v3, vm0, $0xb8;
	[tilespmem:$0x14400] =	vst v63  }
0x85: {  	s17 =	simm.s32 $0x6C00  }
0x86: {  	[hbm4b:s5+s3] =	stream.indirect_vreg.scatter [tilespmem:s17], [sflag:$0x2], $0x80, v3, vm0, $0xb8;
	[tilespmem:$0x14400] =	vst v63  }
0x87: {  	s18 =	simm.s32 $0x7400  }
0x88: {  	[hbm4b:s6+s3] =	stream.indirect_vreg.scatter [tilespmem:s18], [sflag:$0x2], $0x80, v3, vm0, $0xb8;
	[tilespmem:$0x14400] =	vst v63  }
0x89: {  	s30 =	simm.s32 $0x7C00  }
0x8a: {  	[hbm4b:s7+s3] =	stream.indirect_vreg.scatter [tilespmem:s30], [sflag:$0x2], $0x80, v3, vm0, $0xb8;
	[tilespmem:$0x14400] =	vst v63  }
0x8b: {  	s22 =	simm.s32 $0x10400;
	s15 =	rddreg [dreg:$0x2];
	s16 =	simm.s32 $0x20  }
0x8c: {  	[hbm4b:s15+s16] =	stream.indirect.scatter [tilespmem:s22], [sflag:$0x2], $0x80, s3, s16, $0xb8;
	[tilespmem:$0x14400] =	vst v63  }
0x8d: {  	s23 =	simm.s32 $0x12400;
	s21 =	rddreg [dreg:$0x11]  }
0x8e: {  	[hbm4b:s15+s16] =	stream.indirect.scatter [tilespmem:s23], [sflag:$0x2], $0x80, s21, s16, $0xb8;
	[tilespmem:$0x14400] =	vst v63  }
0x8f: {  	_ =	swait.ge [sflag:s13], $0x8000  }
0x90: {  	[sflag:s13] =	ssyncset.done $0x0  }
0x91: {  	[sflag:s13] =	ssyncadd.s32 $0xFFFF8000  }
0x92: {  	_ =	swait.ge [sflag:s13], $0x1000  }
0x93: {  	[sflag:s13] =	ssyncset.done $0x0  }
0x94: {  	[sflag:s13] =	ssyncadd.s32 $0xFFFFF000  }
0x95: {  	_ =	swait.ge [sflag:s13], $0x1000  }
0x96: {  	[sflag:s13] =	ssyncset.done $0x0  }
0x97: {  	[sflag:s13] =	ssyncadd.s32 $0xFFFFF000  }
0x98: {  	_ =	swait.ge [sflag:s9], $0x8000  }
0x99: {  	[sflag:s9] =	ssyncset.done $0x0  }
0x9a: {  	[sflag:s9] =	ssyncadd.s32 $0xFFFF8000  }
0x9b: {  	_ =	swait.ge [sflag:s9], $0x8000  }
0x9c: {  	[sflag:s9] =	ssyncset.done $0x0  }
0x9d: {  	[sflag:s9] =	ssyncadd.s32 $0xFFFF8000  }
0x9e: {  	_ =	swait.ge [sflag:s9], $0x1000  }
0x9f: {  	[sflag:s9] =	ssyncset.done $0x0  }
0xa0: {  	[sflag:s9] =	ssyncadd.s32 $0xFFFFF000  }
0xa1: {  	_ =	swait.ge [sflag:s9], $0x1000  }
0xa2: {  	[sflag:s9] =	ssyncset.done $0x0  }
0xa3: {  	s24 =	rddreg [dreg:$0xb];
	[sflag:s9] =	ssyncadd.s32 $0xFFFFF000  }
0xa4: {  	[tilespmem:s14], [sflag:$0x1] =	stream.linear.gather [hbm4b:s24+s3], $0x8000, $0x38;
	[tilespmem:$0x14400] =	vst v63  }
0xa5: {  	s25 =	rddreg [dreg:$0xc]  }
0xa6: {  	[tilespmem:s22], [sflag:$0x1] =	stream.linear.gather [hbm4b:s25+s3], $0x1000, $0x38;
	[tilespmem:$0x14400] =	vst v63  }
0xa7: {  	s26 =	rddreg [dreg:$0xd]  }
0xa8: {  	[tilespmem:s23], [sflag:$0x1] =	stream.linear.gather [hbm4b:s26+s3], $0x1000, $0x38;
	[tilespmem:$0x14400] =	vst v63  }
0xa9: {  	v3 =	vld [tilespmem:$0x100];
	_ =	sdelay $0x4  }
0xaa: {  	v52 =	vshll.u32 v3, $0x3  }
0xab: {  	v3 =	vand.u32 $0x7, v3;
	v4 =	vand.u32 $0xFFFFFFC0, v52  }
0xac: {  	v3 =	vor.u32 v3, v4  }
0xad: {  	v4 =	vperm.xlane v3, v0;
	_ =	sdelay $0x1  }
0xae: {  	v4 =	vadd.s32 v1, v4;
	_ =	sdelay $0x3  }
0xaf: {  	s28 =	simm.s32 $0x8400  }
0xb0: {  	[hbm4b:s4+s3] =	stream.indirect_vreg.scatter [tilespmem:s28], [sflag:$0x2], $0x80, v4, vm0, $0xb8;
	[tilespmem:$0x14400] =	vst v63  }
0xb1: {  	s18 =	simm.s32 $0x8C00;
	v3 =	vperm.xlane v3, v2  }
0xb2: {  	[hbm4b:s5+s3] =	stream.indirect_vreg.scatter [tilespmem:s18], [sflag:$0x2], $0x80, v4, vm0, $0xb8;
	[tilespmem:$0x14400] =	vst v63  }
0xb3: {  	s19 =	simm.s32 $0x9400;
	v3 =	vadd.s32 v1, v3  }
0xb4: {  	[hbm4b:s6+s3] =	stream.indirect_vreg.scatter [tilespmem:s19], [sflag:$0x2], $0x80, v4, vm0, $0xb8;
	[tilespmem:$0x14400] =	vst v63  }
0xb5: {  	s20 =	simm.s32 $0x9C00  }
0xb6: {  	[hbm4b:s7+s3] =	stream.indirect_vreg.scatter [tilespmem:s20], [sflag:$0x2], $0x80, v4, vm0, $0xb8;
	[tilespmem:$0x14400] =	vst v63  }
0xb7: {  	s21 =	simm.s32 $0xA400  }
0xb8: {  	[hbm4b:s4+s3] =	stream.indirect_vreg.scatter [tilespmem:s21], [sflag:$0x2], $0x80, v3, vm0, $0xb8;
	[tilespmem:$0x14400] =	vst v63  }
0xb9: {  	s22 =	simm.s32 $0xAC00  }
0xba: {  	[hbm4b:s5+s3] =	stream.indirect_vreg.scatter [tilespmem:s22], [sflag:$0x2], $0x80, v3, vm0, $0xb8;
	[tilespmem:$0x14400] =	vst v63  }
0xbb: {  	s24 =	simm.s32 $0xB400  }
0xbc: {  	[hbm4b:s6+s3] =	stream.indirect_vreg.scatter [tilespmem:s24], [sflag:$0x2], $0x80, v3, vm0, $0xb8;
	[tilespmem:$0x14400] =	vst v63  }
0xbd: {  	s25 =	simm.s32 $0xBC00  }
0xbe: {  	[hbm4b:s7+s3] =	stream.indirect_vreg.scatter [tilespmem:s25], [sflag:$0x2], $0x80, v3, vm0, $0xb8;
	[tilespmem:$0x14400] =	vst v63  }
0xbf: {  	v3 =	vld [tilespmem:$0x110];
	_ =	sdelay $0x4  }
0xc0: {  	v53 =	vshll.u32 v3, $0x3  }
0xc1: {  	v3 =	vand.u32 $0x7, v3;
	v4 =	vand.u32 $0xFFFFFFC0, v53  }
0xc2: {  	v3 =	vor.u32 v3, v4  }
0xc3: {  	v4 =	vperm.xlane v3, v0;
	_ =	sdelay $0x1  }
0xc4: {  	v4 =	vadd.s32 v1, v4;
	_ =	sdelay $0x3  }
0xc5: {  	s17 =	simm.s32 $0xC400  }
0xc6: {  	[hbm4b:s4+s3] =	stream.indirect_vreg.scatter [tilespmem:s17], [sflag:$0x2], $0x80, v4, vm0, $0xb8;
	[tilespmem:$0x14400] =	vst v63  }
0xc7: {  	s18 =	simm.s32 $0xCC00;
	v3 =	vperm.xlane v3, v2  }
0xc8: {  	[hbm4b:s5+s3] =	stream.indirect_vreg.scatter [tilespmem:s18], [sflag:$0x2], $0x80, v4, vm0, $0xb8;
	[tilespmem:$0x14400] =	vst v63  }
0xc9: {  	s19 =	simm.s32 $0xD400;
	v3 =	vadd.s32 v1, v3  }
0xca: {  	[hbm4b:s6+s3] =	stream.indirect_vreg.scatter [tilespmem:s19], [sflag:$0x2], $0x80, v4, vm0, $0xb8;
	[tilespmem:$0x14400] =	vst v63  }
0xcb: {  	s20 =	simm.s32 $0xDC00  }
0xcc: {  	[hbm4b:s7+s3] =	stream.indirect_vreg.scatter [tilespmem:s20], [sflag:$0x2], $0x80, v4, vm0, $0xb8;
	[tilespmem:$0x14400] =	vst v63  }
0xcd: {  	s21 =	simm.s32 $0xE400  }
0xce: {  	[hbm4b:s4+s3] =	stream.indirect_vreg.scatter [tilespmem:s21], [sflag:$0x2], $0x80, v3, vm0, $0xb8;
	[tilespmem:$0x14400] =	vst v63  }
0xcf: {  	s22 =	simm.s32 $0xEC00  }
0xd0: {  	[hbm4b:s5+s3] =	stream.indirect_vreg.scatter [tilespmem:s22], [sflag:$0x2], $0x80, v3, vm0, $0xb8;
	[tilespmem:$0x14400] =	vst v63  }
0xd1: {  	s24 =	simm.s32 $0xF400  }
0xd2: {  	[hbm4b:s6+s3] =	stream.indirect_vreg.scatter [tilespmem:s24], [sflag:$0x2], $0x80, v3, vm0, $0xb8;
	[tilespmem:$0x14400] =	vst v63  }
0xd3: {  	s25 =	simm.s32 $0xFC00  }
0xd4: {  	[hbm4b:s7+s3] =	stream.indirect_vreg.scatter [tilespmem:s25], [sflag:$0x2], $0x80, v3, vm0, $0xb8;
	[tilespmem:$0x14400] =	vst v63  }
0xd5: {  	v3 =	vld [tilespmem:$0x180];
	_ =	sdelay $0x4  }
0xd6: {  	v54 =	vshll.u32 v3, $0x3  }
0xd7: {  	v3 =	vand.u32 $0x7, v3;
	v4 =	vand.u32 $0xFFFFFFC0, v54  }
0xd8: {  	v3 =	vor.u32 v3, v4  }
0xd9: {  	v4 =	vperm.xlane v3, v0;
	_ =	sdelay $0x1  }
0xda: {  	v4 =	vadd.s32 v1, v4;
	_ =	sdelay $0x4  }
0xdb: {  	[hbm4b:s4+s3] =	stream.indirect_vreg.scatter [tilespmem:s28], [sflag:$0x2], $0x80, v4, vm0, $0xb8;
	[tilespmem:$0x14400] =	vst v63  }
0xdc: {  	s1 =	simm.s32 $0x8C00;
	v3 =	vperm.xlane v3, v2  }
0xdd: {  	[hbm4b:s5+s3] =	stream.indirect_vreg.scatter [tilespmem:s1], [sflag:$0x2], $0x80, v4, vm0, $0xb8;
	[tilespmem:$0x14400] =	vst v63  }
0xde: {  	s2 =	simm.s32 $0x9400;
	v3 =	vadd.s32 v1, v3  }
0xdf: {  	[hbm4b:s6+s3] =	stream.indirect_vreg.scatter [tilespmem:s2], [sflag:$0x2], $0x80, v4, vm0, $0xb8;
	[tilespmem:$0x14400] =	vst v63  }
0xe0: {  	s23 =	simm.s32 $0x9C00  }
0xe1: {  	[hbm4b:s7+s3] =	stream.indirect_vreg.scatter [tilespmem:s23], [sflag:$0x2], $0x80, v4, vm0, $0xb8;
	[tilespmem:$0x14400] =	vst v63  }
0xe2: {  	s10 =	simm.s32 $0xA400  }
0xe3: {  	[hbm4b:s4+s3] =	stream.indirect_vreg.scatter [tilespmem:s10], [sflag:$0x2], $0x80, v3, vm0, $0xb8;
	[tilespmem:$0x14400] =	vst v63  }
0xe4: {  	s0 =	simm.s32 $0xAC00  }
0xe5: {  	[hbm4b:s5+s3] =	stream.indirect_vreg.scatter [tilespmem:s0], [sflag:$0x2], $0x80, v3, vm0, $0xb8;
	[tilespmem:$0x14400] =	vst v63  }
0xe6: {  	s11 =	simm.s32 $0xB400  }
0xe7: {  	[hbm4b:s6+s3] =	stream.indirect_vreg.scatter [tilespmem:s11], [sflag:$0x2], $0x80, v3, vm0, $0xb8;
	[tilespmem:$0x14400] =	vst v63  }
0xe8: {  	s26 =	simm.s32 $0xBC00  }
0xe9: {  	[hbm4b:s7+s3] =	stream.indirect_vreg.scatter [tilespmem:s26], [sflag:$0x2], $0x80, v3, vm0, $0xb8;
	[tilespmem:$0x14400] =	vst v63  }
0xea: {  	v3 =	vld [tilespmem:$0x190];
	_ =	sdelay $0x4  }
0xeb: {  	v55 =	vshll.u32 v3, $0x3  }
0xec: {  	v3 =	vand.u32 $0x7, v3;
	v4 =	vand.u32 $0xFFFFFFC0, v55  }
0xed: {  	v3 =	vor.u32 v3, v4  }
0xee: {  	v4 =	vperm.xlane v3, v0;
	_ =	sdelay $0x1  }
0xef: {  	v4 =	vadd.s32 v1, v4;
	_ =	sdelay $0x4  }
0xf0: {  	[hbm4b:s4+s3] =	stream.indirect_vreg.scatter [tilespmem:s17], [sflag:$0x2], $0x80, v4, vm0, $0xb8;
	[tilespmem:$0x14400] =	vst v63  }
0xf1: {  	v3 =	vperm.xlane v3, v2  }
0xf2: {  	[hbm4b:s5+s3] =	stream.indirect_vreg.scatter [tilespmem:s18], [sflag:$0x2], $0x80, v4, vm0, $0xb8;
	[tilespmem:$0x14400] =	vst v63  }
0xf3: {  	v3 =	vadd.s32 v1, v3  }
0xf4: {  	[hbm4b:s6+s3] =	stream.indirect_vreg.scatter [tilespmem:s19], [sflag:$0x2], $0x80, v4, vm0, $0xb8;
	[tilespmem:$0x14400] =	vst v63  }
0xf5: {  	_ = 	snop  }
0xf6: {  	[hbm4b:s7+s3] =	stream.indirect_vreg.scatter [tilespmem:s20], [sflag:$0x2], $0x80, v4, vm0, $0xb8;
	[tilespmem:$0x14400] =	vst v63  }
0xf7: {  	_ = 	snop  }
0xf8: {  	[hbm4b:s4+s3] =	stream.indirect_vreg.scatter [tilespmem:s21], [sflag:$0x2], $0x80, v3, vm0, $0xb8;
	[tilespmem:$0x14400] =	vst v63  }
0xf9: {  	_ = 	snop  }
0xfa: {  	[hbm4b:s5+s3] =	stream.indirect_vreg.scatter [tilespmem:s22], [sflag:$0x2], $0x80, v3, vm0, $0xb8;
	[tilespmem:$0x14400] =	vst v63  }
0xfb: {  	s29 =	simm.s32 $0xF400  }
0xfc: {  	[hbm4b:s6+s3] =	stream.indirect_vreg.scatter [tilespmem:s29], [sflag:$0x2], $0x80, v3, vm0, $0xb8;
	[tilespmem:$0x14400] =	vst v63  }
0xfd: {  	s30 =	simm.s32 $0xFC00  }
0xfe: {  	[hbm4b:s7+s3] =	stream.indirect_vreg.scatter [tilespmem:s30], [sflag:$0x2], $0x80, v3, vm0, $0xb8;
	[tilespmem:$0x14400] =	vst v63  }
0xff: {  	s10 =	rddreg [dreg:$0x12];
	s26 =	simm.s32 $0x11400  }
0x100: {  	[hbm4b:s15+s16] =	stream.indirect.scatter [tilespmem:s26], [sflag:$0x2], $0x80, s10, s16, $0xb8;
	[tilespmem:$0x14400] =	vst v63  }
0x101: {  	s12 =	simm.s32 $0x13400;
	s11 =	rddreg [dreg:$0x13]  }
0x102: {  	[hbm4b:s15+s16] =	stream.indirect.scatter [tilespmem:s12], [sflag:$0x2], $0x80, s11, s16, $0xb8;
	[tilespmem:$0x14400] =	vst v63  }
0x103: {  	_ =	swait.ge [sflag:s13], $0x8000  }
0x104: {  	[sflag:s13] =	ssyncset.done $0x0  }
0x105: {  	[sflag:s13] =	ssyncadd.s32 $0xFFFF8000  }
0x106: {  	_ =	swait.ge [sflag:s13], $0x1000  }
0x107: {  	[sflag:s13] =	ssyncset.done $0x0  }
0x108: {  	[sflag:s13] =	ssyncadd.s32 $0xFFFFF000  }
0x109: {  	_ =	swait.ge [sflag:s13], $0x1000  }
0x10a: {  	[sflag:s13] =	ssyncset.done $0x0  }
0x10b: {  	[sflag:s13] =	ssyncadd.s32 $0xFFFFF000  }
0x10c: {  	_ =	swait.ge [sflag:s9], $0x8000  }
0x10d: {  	[sflag:s9] =	ssyncset.done $0x0  }
0x10e: {  	[sflag:s9] =	ssyncadd.s32 $0xFFFF8000  }
0x10f: {  	_ =	swait.ge [sflag:s9], $0x8000  }
0x110: {  	[sflag:s9] =	ssyncset.done $0x0  }
0x111: {  	[sflag:s9] =	ssyncadd.s32 $0xFFFF8000  }
0x112: {  	_ =	swait.ge [sflag:s9], $0x1000  }
0x113: {  	[sflag:s9] =	ssyncset.done $0x0  }
0x114: {  	[sflag:s9] =	ssyncadd.s32 $0xFFFFF000  }
0x115: {  	_ =	swait.ge [sflag:s9], $0x1000  }
0x116: {  	[sflag:s9] =	ssyncset.done $0x0  }
0x117: {  	s28 =	simm.s32 $0x8400;
	s23 =	rddreg [dreg:$0xe];
	[sflag:s9] =	ssyncadd.s32 $0xFFFFF000  }
0x118: {  	[tilespmem:s28], [sflag:$0x1] =	stream.linear.gather [hbm4b:s23+s3], $0x8000, $0x38;
	[tilespmem:$0x14400] =	vst v63  }
0x119: {  	s24 =	rddreg [dreg:$0xf]  }
0x11a: {  	[tilespmem:s26], [sflag:$0x1] =	stream.linear.gather [hbm4b:s24+s3], $0x1000, $0x38;
	[tilespmem:$0x14400] =	vst v63  }
0x11b: {  	s25 =	rddreg [dreg:$0x10]  }
0x11c: {  	[tilespmem:s12], [sflag:$0x1] =	stream.linear.gather [hbm4b:s25+s3], $0x1000, $0x38;
	[tilespmem:$0x14400] =	vst v63  }
0x11d: {  	v3 =	vld [tilespmem:$0x200];
	_ =	sdelay $0x4  }
0x11e: {  	v56 =	vshll.u32 v3, $0x3  }
0x11f: {  	v3 =	vand.u32 $0x7, v3;
	v4 =	vand.u32 $0xFFFFFFC0, v56  }
0x120: {  	v3 =	vor.u32 v3, v4  }
0x121: {  	v4 =	vperm.xlane v3, v0;
	_ =	sdelay $0x1  }
0x122: {  	v4 =	vadd.s32 v1, v4;
	_ =	sdelay $0x4  }
0x123: {  	[hbm4b:s4+s3] =	stream.indirect_vreg.scatter [tilespmem:s14], [sflag:$0x2], $0x80, v4, vm0, $0xb8;
	[tilespmem:$0x14400] =	vst v63  }
0x124: {  	s2 =	simm.s32 $0xC00;
	v3 =	vperm.xlane v3, v2  }
0x125: {  	[hbm4b:s5+s3] =	stream.indirect_vreg.scatter [tilespmem:s2], [sflag:$0x2], $0x80, v4, vm0, $0xb8;
	[tilespmem:$0x14400] =	vst v63  }
0x126: {  	s26 =	simm.s32 $0x1400;
	v3 =	vadd.s32 v1, v3  }
0x127: {  	[hbm4b:s6+s3] =	stream.indirect_vreg.scatter [tilespmem:s26], [sflag:$0x2], $0x80, v4, vm0, $0xb8;
	[tilespmem:$0x14400] =	vst v63  }
0x128: {  	s29 =	simm.s32 $0x1C00  }
0x129: {  	[hbm4b:s7+s3] =	stream.indirect_vreg.scatter [tilespmem:s29], [sflag:$0x2], $0x80, v4, vm0, $0xb8;
	[tilespmem:$0x14400] =	vst v63  }
0x12a: {  	s30 =	simm.s32 $0x2400  }
0x12b: {  	[hbm4b:s4+s3] =	stream.indirect_vreg.scatter [tilespmem:s30], [sflag:$0x2], $0x80, v3, vm0, $0xb8;
	[tilespmem:$0x14400] =	vst v63  }
0x12c: {  	s28 =	simm.s32 $0x2C00  }
0x12d: {  	[hbm4b:s5+s3] =	stream.indirect_vreg.scatter [tilespmem:s28], [sflag:$0x2], $0x80, v3, vm0, $0xb8;
	[tilespmem:$0x14400] =	vst v63  }
0x12e: {  	s25 =	simm.s32 $0x3400  }
0x12f: {  	[hbm4b:s6+s3] =	stream.indirect_vreg.scatter [tilespmem:s25], [sflag:$0x2], $0x80, v3, vm0, $0xb8;
	[tilespmem:$0x14400] =	vst v63  }
0x130: {  	s8 =	simm.s32 $0x3C00  }
0x131: {  	[hbm4b:s7+s3] =	stream.indirect_vreg.scatter [tilespmem:s8], [sflag:$0x2], $0x80, v3, vm0, $0xb8;
	[tilespmem:$0x14400] =	vst v63  }
0x132: {  	v3 =	vld [tilespmem:$0x210];
	_ =	sdelay $0x4  }
0x133: {  	v57 =	vshll.u32 v3, $0x3  }
0x134: {  	v3 =	vand.u32 $0x7, v3;
	v4 =	vand.u32 $0xFFFFFFC0, v57  }
0x135: {  	v3 =	vor.u32 v3, v4  }
0x136: {  	v4 =	vperm.xlane v3, v0;
	_ =	sdelay $0x1  }
0x137: {  	v4 =	vadd.s32 v1, v4;
	_ =	sdelay $0x3  }
0x138: {  	s10 =	simm.s32 $0x4400  }
0x139: {  	[hbm4b:s4+s3] =	stream.indirect_vreg.scatter [tilespmem:s10], [sflag:$0x2], $0x80, v4, vm0, $0xb8;
	[tilespmem:$0x14400] =	vst v63  }
0x13a: {  	s11 =	simm.s32 $0x4C00;
	v3 =	vperm.xlane v3, v2  }
0x13b: {  	[hbm4b:s5+s3] =	stream.indirect_vreg.scatter [tilespmem:s11], [sflag:$0x2], $0x80, v4, vm0, $0xb8;
	[tilespmem:$0x14400] =	vst v63  }
0x13c: {  	s24 =	simm.s32 $0x5400;
	v3 =	vadd.s32 v1, v3  }
0x13d: {  	[hbm4b:s6+s3] =	stream.indirect_vreg.scatter [tilespmem:s24], [sflag:$0x2], $0x80, v4, vm0, $0xb8;
	[tilespmem:$0x14400] =	vst v63  }
0x13e: {  	s23 =	simm.s32 $0x5C00  }
0x13f: {  	[hbm4b:s7+s3] =	stream.indirect_vreg.scatter [tilespmem:s23], [sflag:$0x2], $0x80, v4, vm0, $0xb8;
	[tilespmem:$0x14400] =	vst v63  }
0x140: {  	_ = 	snop  }
0x141: {  	[hbm4b:s4+s3] =	stream.indirect_vreg.scatter [tilespmem:s31], [sflag:$0x2], $0x80, v3, vm0, $0xb8;
	[tilespmem:$0x14400] =	vst v63  }
0x142: {  	s0 =	simm.s32 $0x6C00  }
0x143: {  	[hbm4b:s5+s3] =	stream.indirect_vreg.scatter [tilespmem:s0], [sflag:$0x2], $0x80, v3, vm0, $0xb8;
	[tilespmem:$0x14400] =	vst v63  }
0x144: {  	s1 =	simm.s32 $0x7400  }
0x145: {  	[hbm4b:s6+s3] =	stream.indirect_vreg.scatter [tilespmem:s1], [sflag:$0x2], $0x80, v3, vm0, $0xb8;
	[tilespmem:$0x14400] =	vst v63  }
0x146: {  	s12 =	simm.s32 $0x7C00  }
0x147: {  	[hbm4b:s7+s3] =	stream.indirect_vreg.scatter [tilespmem:s12], [sflag:$0x2], $0x80, v3, vm0, $0xb8;
	[tilespmem:$0x14400] =	vst v63  }
0x148: {  	v3 =	vld [tilespmem:$0x280];
	_ =	sdelay $0x4  }
0x149: {  	v58 =	vshll.u32 v3, $0x3  }
0x14a: {  	v3 =	vand.u32 $0x7, v3;
	v4 =	vand.u32 $0xFFFFFFC0, v58  }
0x14b: {  	v3 =	vor.u32 v3, v4  }
0x14c: {  	v4 =	vperm.xlane v3, v0;
	_ =	sdelay $0x1  }
0x14d: {  	v4 =	vadd.s32 v1, v4;
	_ =	sdelay $0x4  }
0x14e: {  	[hbm4b:s4+s3] =	stream.indirect_vreg.scatter [tilespmem:s14], [sflag:$0x2], $0x80, v4, vm0, $0xb8;
	[tilespmem:$0x14400] =	vst v63  }
0x14f: {  	v3 =	vperm.xlane v3, v2  }
0x150: {  	[hbm4b:s5+s3] =	stream.indirect_vreg.scatter [tilespmem:s2], [sflag:$0x2], $0x80, v4, vm0, $0xb8;
	[tilespmem:$0x14400] =	vst v63  }
0x151: {  	v3 =	vadd.s32 v1, v3  }
0x152: {  	[hbm4b:s6+s3] =	stream.indirect_vreg.scatter [tilespmem:s26], [sflag:$0x2], $0x80, v4, vm0, $0xb8;
	[tilespmem:$0x14400] =	vst v63  }
0x153: {  	_ = 	snop  }
0x154: {  	[hbm4b:s7+s3] =	stream.indirect_vreg.scatter [tilespmem:s29], [sflag:$0x2], $0x80, v4, vm0, $0xb8;
	[tilespmem:$0x14400] =	vst v63  }
0x155: {  	_ = 	snop  }
0x156: {  	[hbm4b:s4+s3] =	stream.indirect_vreg.scatter [tilespmem:s30], [sflag:$0x2], $0x80, v3, vm0, $0xb8;
	[tilespmem:$0x14400] =	vst v63  }
0x157: {  	_ = 	snop  }
0x158: {  	[hbm4b:s5+s3] =	stream.indirect_vreg.scatter [tilespmem:s28], [sflag:$0x2], $0x80, v3, vm0, $0xb8;
	[tilespmem:$0x14400] =	vst v63  }
0x159: {  	_ = 	snop  }
0x15a: {  	[hbm4b:s6+s3] =	stream.indirect_vreg.scatter [tilespmem:s25], [sflag:$0x2], $0x80, v3, vm0, $0xb8;
	[tilespmem:$0x14400] =	vst v63  }
0x15b: {  	_ = 	snop  }
0x15c: {  	[hbm4b:s7+s3] =	stream.indirect_vreg.scatter [tilespmem:s8], [sflag:$0x2], $0x80, v3, vm0, $0xb8;
	[tilespmem:$0x14400] =	vst v63  }
0x15d: {  	v3 =	vld [tilespmem:$0x290];
	_ =	sdelay $0x4  }
0x15e: {  	v59 =	vshll.u32 v3, $0x3  }
0x15f: {  	v3 =	vand.u32 $0x7, v3;
	v4 =	vand.u32 $0xFFFFFFC0, v59  }
0x160: {  	v3 =	vor.u32 v3, v4  }
0x161: {  	v4 =	vperm.xlane v3, v0;
	_ =	sdelay $0x1  }
0x162: {  	v4 =	vadd.s32 v1, v4;
	_ =	sdelay $0x4  }
0x163: {  	[hbm4b:s4+s3] =	stream.indirect_vreg.scatter [tilespmem:s10], [sflag:$0x2], $0x80, v4, vm0, $0xb8;
	[tilespmem:$0x14400] =	vst v63  }
0x164: {  	v3 =	vperm.xlane v3, v2  }
0x165: {  	[hbm4b:s5+s3] =	stream.indirect_vreg.scatter [tilespmem:s11], [sflag:$0x2], $0x80, v4, vm0, $0xb8;
	[tilespmem:$0x14400] =	vst v63  }
0x166: {  	v3 =	vadd.s32 v1, v3  }
0x167: {  	[hbm4b:s6+s3] =	stream.indirect_vreg.scatter [tilespmem:s24], [sflag:$0x2], $0x80, v4, vm0, $0xb8;
	[tilespmem:$0x14400] =	vst v63  }
0x168: {  	_ = 	snop  }
0x169: {  	[hbm4b:s7+s3] =	stream.indirect_vreg.scatter [tilespmem:s23], [sflag:$0x2], $0x80, v4, vm0, $0xb8;
	[tilespmem:$0x14400] =	vst v63  }
0x16a: {  	_ = 	snop  }
0x16b: {  	[hbm4b:s4+s3] =	stream.indirect_vreg.scatter [tilespmem:s31], [sflag:$0x2], $0x80, v3, vm0, $0xb8;
	[tilespmem:$0x14400] =	vst v63  }
0x16c: {  	_ = 	snop  }
0x16d: {  	[hbm4b:s5+s3] =	stream.indirect_vreg.scatter [tilespmem:s0], [sflag:$0x2], $0x80, v3, vm0, $0xb8;
	[tilespmem:$0x14400] =	vst v63  }
0x16e: {  	_ = 	snop  }
0x16f: {  	[hbm4b:s6+s3] =	stream.indirect_vreg.scatter [tilespmem:s1], [sflag:$0x2], $0x80, v3, vm0, $0xb8;
	[tilespmem:$0x14400] =	vst v63  }
0x170: {  	_ = 	snop  }
0x171: {  	[hbm4b:s7+s3] =	stream.indirect_vreg.scatter [tilespmem:s12], [sflag:$0x2], $0x80, v3, vm0, $0xb8;
	[tilespmem:$0x14400] =	vst v63  }
0x172: {  	s26 =	rddreg [dreg:$0x14];
	s1 =	simm.s32 $0x10400  }
0x173: {  	[hbm4b:s15+s16] =	stream.indirect.scatter [tilespmem:s1], [sflag:$0x2], $0x80, s26, s16, $0xb8;
	[tilespmem:$0x14400] =	vst v63  }
0x174: {  	s2 =	simm.s32 $0x12400;
	s28 =	rddreg [dreg:$0x15]  }
0x175: {  	[hbm4b:s15+s16] =	stream.indirect.scatter [tilespmem:s2], [sflag:$0x2], $0x80, s28, s16, $0xb8;
	[tilespmem:$0x14400] =	vst v63  }
0x176: {  	_ =	swait.ge [sflag:s13], $0x8000  }
0x177: {  	[sflag:s13] =	ssyncset.done $0x0  }
0x178: {  	[sflag:s13] =	ssyncadd.s32 $0xFFFF8000  }
0x179: {  	_ =	swait.ge [sflag:s13], $0x1000  }
0x17a: {  	[sflag:s13] =	ssyncset.done $0x0  }
0x17b: {  	[sflag:s13] =	ssyncadd.s32 $0xFFFFF000  }
0x17c: {  	_ =	swait.ge [sflag:s13], $0x1000  }
0x17d: {  	[sflag:s13] =	ssyncset.done $0x0  }
0x17e: {  	[sflag:s13] =	ssyncadd.s32 $0xFFFFF000  }
0x17f: {  	v3 =	vld [tilespmem:$0x300];
	_ =	sdelay $0x4  }
0x180: {  	v60 =	vshll.u32 v3, $0x3  }
0x181: {  	v3 =	vand.u32 $0x7, v3;
	v4 =	vand.u32 $0xFFFFFFC0, v60  }
0x182: {  	v3 =	vor.u32 v3, v4  }
0x183: {  	v4 =	vperm.xlane v3, v0;
	_ =	sdelay $0x1  }
0x184: {  	v4 =	vadd.s32 v1, v4;
	_ =	sdelay $0x3  }
0x185: {  	s8 =	simm.s32 $0x8400  }
0x186: {  	[hbm4b:s4+s3] =	stream.indirect_vreg.scatter [tilespmem:s8], [sflag:$0x2], $0x80, v4, vm0, $0xb8;
	[tilespmem:$0x14400] =	vst v63  }
0x187: {  	s10 =	simm.s32 $0x8C00;
	v3 =	vperm.xlane v3, v2  }
0x188: {  	[hbm4b:s5+s3] =	stream.indirect_vreg.scatter [tilespmem:s10], [sflag:$0x2], $0x80, v4, vm0, $0xb8;
	[tilespmem:$0x14400] =	vst v63  }
0x189: {  	s11 =	simm.s32 $0x9400;
	v3 =	vadd.s32 v1, v3  }
0x18a: {  	[hbm4b:s6+s3] =	stream.indirect_vreg.scatter [tilespmem:s11], [sflag:$0x2], $0x80, v4, vm0, $0xb8;
	[tilespmem:$0x14400] =	vst v63  }
0x18b: {  	s12 =	simm.s32 $0x9C00  }
0x18c: {  	[hbm4b:s7+s3] =	stream.indirect_vreg.scatter [tilespmem:s12], [sflag:$0x2], $0x80, v4, vm0, $0xb8;
	[tilespmem:$0x14400] =	vst v63  }
0x18d: {  	s14 =	simm.s32 $0xA400  }
0x18e: {  	[hbm4b:s4+s3] =	stream.indirect_vreg.scatter [tilespmem:s14], [sflag:$0x2], $0x80, v3, vm0, $0xb8;
	[tilespmem:$0x14400] =	vst v63  }
0x18f: {  	s25 =	simm.s32 $0xAC00  }
0x190: {  	[hbm4b:s5+s3] =	stream.indirect_vreg.scatter [tilespmem:s25], [sflag:$0x2], $0x80, v3, vm0, $0xb8;
	[tilespmem:$0x14400] =	vst v63  }
0x191: {  	s26 =	simm.s32 $0xB400  }
0x192: {  	[hbm4b:s6+s3] =	stream.indirect_vreg.scatter [tilespmem:s26], [sflag:$0x2], $0x80, v3, vm0, $0xb8;
	[tilespmem:$0x14400] =	vst v63  }
0x193: {  	s28 =	simm.s32 $0xBC00  }
0x194: {  	[hbm4b:s7+s3] =	stream.indirect_vreg.scatter [tilespmem:s28], [sflag:$0x2], $0x80, v3, vm0, $0xb8;
	[tilespmem:$0x14400] =	vst v63  }
0x195: {  	v3 =	vld [tilespmem:$0x310];
	_ =	sdelay $0x4  }
0x196: {  	v61 =	vshll.u32 v3, $0x3  }
0x197: {  	v3 =	vand.u32 $0x7, v3;
	v4 =	vand.u32 $0xFFFFFFC0, v61  }
0x198: {  	v3 =	vor.u32 v3, v4  }
0x199: {  	v4 =	vperm.xlane v3, v0;
	_ =	sdelay $0x1  }
0x19a: {  	v4 =	vadd.s32 v1, v4;
	_ =	sdelay $0x4  }
0x19b: {  	[hbm4b:s4+s3] =	stream.indirect_vreg.scatter [tilespmem:s17], [sflag:$0x2], $0x80, v4, vm0, $0xb8;
	[tilespmem:$0x14400] =	vst v63  }
0x19c: {  	v3 =	vperm.xlane v3, v2  }
0x19d: {  	[hbm4b:s5+s3] =	stream.indirect_vreg.scatter [tilespmem:s18], [sflag:$0x2], $0x80, v4, vm0, $0xb8;
	[tilespmem:$0x14400] =	vst v63  }
0x19e: {  	v3 =	vadd.s32 v1, v3  }
0x19f: {  	[hbm4b:s6+s3] =	stream.indirect_vreg.scatter [tilespmem:s19], [sflag:$0x2], $0x80, v4, vm0, $0xb8;
	[tilespmem:$0x14400] =	vst v63  }
0x1a0: {  	_ = 	snop  }
0x1a1: {  	[hbm4b:s7+s3] =	stream.indirect_vreg.scatter [tilespmem:s20], [sflag:$0x2], $0x80, v4, vm0, $0xb8;
	[tilespmem:$0x14400] =	vst v63  }
0x1a2: {  	_ = 	snop  }
0x1a3: {  	[hbm4b:s4+s3] =	stream.indirect_vreg.scatter [tilespmem:s21], [sflag:$0x2], $0x80, v3, vm0, $0xb8;
	[tilespmem:$0x14400] =	vst v63  }
0x1a4: {  	_ = 	snop  }
0x1a5: {  	[hbm4b:s5+s3] =	stream.indirect_vreg.scatter [tilespmem:s22], [sflag:$0x2], $0x80, v3, vm0, $0xb8;
	[tilespmem:$0x14400] =	vst v63  }
0x1a6: {  	s29 =	simm.s32 $0xF400  }
0x1a7: {  	[hbm4b:s6+s3] =	stream.indirect_vreg.scatter [tilespmem:s29], [sflag:$0x2], $0x80, v3, vm0, $0xb8;
	[tilespmem:$0x14400] =	vst v63  }
0x1a8: {  	s30 =	simm.s32 $0xFC00  }
0x1a9: {  	[hbm4b:s7+s3] =	stream.indirect_vreg.scatter [tilespmem:s30], [sflag:$0x2], $0x80, v3, vm0, $0xb8;
	[tilespmem:$0x14400] =	vst v63  }
0x1aa: {  	v3 =	vld [tilespmem:$0x380];
	_ =	sdelay $0x4  }
0x1ab: {  	v62 =	vshll.u32 v3, $0x3  }
0x1ac: {  	v3 =	vand.u32 $0x7, v3;
	v4 =	vand.u32 $0xFFFFFFC0, v62  }
0x1ad: {  	v3 =	vor.u32 v3, v4  }
0x1ae: {  	v4 =	vperm.xlane v3, v0;
	_ =	sdelay $0x1  }
0x1af: {  	v4 =	vadd.s32 v1, v4;
	_ =	sdelay $0x4  }
0x1b0: {  	[hbm4b:s4+s3] =	stream.indirect_vreg.scatter [tilespmem:s8], [sflag:$0x2], $0x80, v4, vm0, $0xb8;
	[tilespmem:$0x14400] =	vst v63  }
0x1b1: {  	v3 =	vperm.xlane v3, v2  }
0x1b2: {  	[hbm4b:s5+s3] =	stream.indirect_vreg.scatter [tilespmem:s10], [sflag:$0x2], $0x80, v4, vm0, $0xb8;
	[tilespmem:$0x14400] =	vst v63  }
0x1b3: {  	v3 =	vadd.s32 v1, v3  }
0x1b4: {  	[hbm4b:s6+s3] =	stream.indirect_vreg.scatter [tilespmem:s11], [sflag:$0x2], $0x80, v4, vm0, $0xb8;
	[tilespmem:$0x14400] =	vst v63  }
0x1b5: {  	_ = 	snop  }
0x1b6: {  	[hbm4b:s7+s3] =	stream.indirect_vreg.scatter [tilespmem:s12], [sflag:$0x2], $0x80, v4, vm0, $0xb8;
	[tilespmem:$0x14400] =	vst v63  }
0x1b7: {  	_ = 	snop  }
0x1b8: {  	[hbm4b:s4+s3] =	stream.indirect_vreg.scatter [tilespmem:s14], [sflag:$0x2], $0x80, v3, vm0, $0xb8;
	[tilespmem:$0x14400] =	vst v63  }
0x1b9: {  	_ = 	snop  }
0x1ba: {  	[hbm4b:s5+s3] =	stream.indirect_vreg.scatter [tilespmem:s25], [sflag:$0x2], $0x80, v3, vm0, $0xb8;
	[tilespmem:$0x14400] =	vst v63  }
0x1bb: {  	_ = 	snop  }
0x1bc: {  	[hbm4b:s6+s3] =	stream.indirect_vreg.scatter [tilespmem:s26], [sflag:$0x2], $0x80, v3, vm0, $0xb8;
	[tilespmem:$0x14400] =	vst v63  }
0x1bd: {  	_ = 	snop  }
0x1be: {  	[hbm4b:s7+s3] =	stream.indirect_vreg.scatter [tilespmem:s28], [sflag:$0x2], $0x80, v3, vm0, $0xb8;
	[tilespmem:$0x14400] =	vst v63  }
0x1bf: {  	v3 =	vld [tilespmem:$0x390];
	_ =	sdelay $0x4  }
0x1c0: {  	v63 =	vshll.u32 v3, $0x3  }
0x1c1: {  	v3 =	vand.u32 $0x7, v3;
	v4 =	vand.u32 $0xFFFFFFC0, v63  }
0x1c2: {  	v3 =	vor.u32 v3, v4  }
0x1c3: {  	v4 =	vperm.xlane v3, v0;
	_ =	sdelay $0x1  }
0x1c4: {  	v4 =	vadd.s32 v1, v4;
	_ =	sdelay $0x4  }
0x1c5: {  	[hbm4b:s4+s3] =	stream.indirect_vreg.scatter [tilespmem:s17], [sflag:$0x2], $0x80, v4, vm0, $0xb8;
	[tilespmem:$0x14400] =	vst v63  }
0x1c6: {  	v3 =	vperm.xlane v3, v2  }
0x1c7: {  	[hbm4b:s5+s3] =	stream.indirect_vreg.scatter [tilespmem:s18], [sflag:$0x2], $0x80, v4, vm0, $0xb8;
	[tilespmem:$0x14400] =	vst v63  }
0x1c8: {  	v3 =	vadd.s32 v1, v3  }
0x1c9: {  	[hbm4b:s6+s3] =	stream.indirect_vreg.scatter [tilespmem:s19], [sflag:$0x2], $0x80, v4, vm0, $0xb8;
	[tilespmem:$0x14400] =	vst v63  }
0x1ca: {  	_ = 	snop  }
0x1cb: {  	[hbm4b:s7+s3] =	stream.indirect_vreg.scatter [tilespmem:s20], [sflag:$0x2], $0x80, v4, vm0, $0xb8;
	[tilespmem:$0x14400] =	vst v63  }
0x1cc: {  	_ = 	snop  }
0x1cd: {  	[hbm4b:s4+s3] =	stream.indirect_vreg.scatter [tilespmem:s21], [sflag:$0x2], $0x80, v3, vm0, $0xb8;
	[tilespmem:$0x14400] =	vst v63  }
0x1ce: {  	_ = 	snop  }
0x1cf: {  	[hbm4b:s5+s3] =	stream.indirect_vreg.scatter [tilespmem:s22], [sflag:$0x2], $0x80, v3, vm0, $0xb8;
	[tilespmem:$0x14400] =	vst v63  }
0x1d0: {  	_ = 	snop  }
0x1d1: {  	[hbm4b:s6+s3] =	stream.indirect_vreg.scatter [tilespmem:s29], [sflag:$0x2], $0x80, v3, vm0, $0xb8;
	[tilespmem:$0x14400] =	vst v63  }
0x1d2: {  	_ = 	snop  }
0x1d3: {  	[hbm4b:s7+s3] =	stream.indirect_vreg.scatter [tilespmem:s30], [sflag:$0x2], $0x80, v3, vm0, $0xb8;
	[tilespmem:$0x14400] =	vst v63  }
0x1d4: {  	s25 =	rddreg [dreg:$0x16];
	s28 =	simm.s32 $0x11400  }
0x1d5: {  	[hbm4b:s15+s16] =	stream.indirect.scatter [tilespmem:s28], [sflag:$0x2], $0x80, s25, s16, $0xb8;
	[tilespmem:$0x14400] =	vst v63  }
0x1d6: {  	s26 =	rddreg [dreg:$0x17];
	s29 =	simm.s32 $0x13400  }
0x1d7: {  	[hbm4b:s15+s16] =	stream.indirect.scatter [tilespmem:s29], [sflag:$0x2], $0x80, s26, s16, $0xb8;
	[tilespmem:$0x14400] =	vst v63  }
0x1d8: {  	s30 =	rddreg [dreg:$0x18];
	_ =	swait.ge [sflag:s9], $0x8000  }
0x1d9: {  	[sflag:s9] =	ssyncset.done $0x0  }
0x1da: {  	[sflag:s9] =	ssyncadd.s32 $0xFFFF8000  }
0x1db: {  	_ =	swait.ge [sflag:s9], $0x8000  }
0x1dc: {  	[sflag:s9] =	ssyncset.done $0x0  }
0x1dd: {  	[sflag:s9] =	ssyncadd.s32 $0xFFFF8000  }
0x1de: {  	_ =	swait.ge [sflag:s9], $0x1000  }
0x1df: {  	[sflag:s9] =	ssyncset.done $0x0  }
0x1e0: {  	[sflag:s9] =	ssyncadd.s32 $0xFFFFF000  }
0x1e1: {  	_ =	swait.ge [sflag:s9], $0x1000  }
0x1e2: {  	[sflag:s9] =	ssyncset.done $0x0  }
0x1e3: {  	[sflag:s9] =	ssyncadd.s32 $0xFFFFF000  }
0x1e4: {  	_ =	swait.ge [sflag:s9], $0x8000  }
0x1e5: {  	[sflag:s9] =	ssyncset.done $0x0  }
0x1e6: {  	[sflag:s9] =	ssyncadd.s32 $0xFFFF8000  }
0x1e7: {  	_ =	swait.ge [sflag:s9], $0x8000  }
0x1e8: {  	[sflag:s9] =	ssyncset.done $0x0  }
0x1e9: {  	[sflag:s9] =	ssyncadd.s32 $0xFFFF8000  }
0x1ea: {  	p0 =	sne.s32 s30, $0x1;
	_ =	swait.ge [sflag:s9], $0x1000  }
.Ltmp0:
0x1eb: {  	[sflag:s9] =	ssyncset.done $0x0;
	(pc) =	sbr.rel @p0 .LBB2_1-.Ltmp0, $4  }
0x1ec: {  	[sflag:s9] =	ssyncadd.s32 $0xFFFFF000  }
0x1ed: {  	_ =	swait.ge [sflag:s9], $0x1000  }
0x1ee: {  	[sflag:s9] =	ssyncset.done $0x0  }
0x1ef: {  	s1 =	sadd.s32 $0xFFFFFFFF, s30;
	[sflag:s9] =	ssyncadd.s32 $0xFFFFF000  }
0x1f0: {  	_ =	sfence.sel $0x180000  }
0x1f1: {  	[bflag:$0x0] =	sbarrier.arrive $0xFFFF  }
0x1f2: {  	_ =	strace $0x90000047  }
0x1f3: {  	s0 =	stileid.u32;
	[bflag:$0x2] =	sbarrier.arrive $0xFFFF  }
0x1f4: {  	p0 =	sne.s32 s0, $0x0;
	s0 =	rddreg [dreg:$0x3]  }
0x1f5: {  	s0 =	sadd.s32 @!p0 $0x100000, s0  }
0x1f6: {  	[sflag:s0] =	ssyncadd.tile.s32 @!p0 $0x1;
	_ =	shalt  }
.Lfunc_end2:
_tile_overlayer_lowered:
.L_overlay_start_2:
0x1f7: {  	(tag) =	ssettag $0x2  }
0x1f8: {  	s0 =	rddreg [dreg:$0x0];
	s2 =	stileid.u32  }
0x1f9: {  	s1 =	rddreg [dreg:$0x1];
	p0 =	sne.s32 s2, $0x0  }
0x1fa: {  	s3 =	rddreg [dreg:$0x2];
	[bflag:$0x3] =	sbarrier.arrive $0xFFFF;
	s2 =	simm.s32 @!p0 $0x1C03  }
0x1fb: {  	[timem:s3], [sflag:s2] =	dma.local @!p0 [hbm:s0], s1  }
0x1fc: {  	s0 =	simm.s32 @!p0 $0x3  }
0x1fd: {  	_ =	swait.ge @!p0 [sflag:s0], s1  }
0x1fe: {  	s1 =	ssub.s32 @!p0 $0x0, s1;
	[sflag:s0] =	ssyncset.done @!p0 $0x0  }
0x1ff: {  	[sflag:s0] =	ssyncadd.s32 @!p0 s1  }
0x200: {  	[bflag:$0x3] =	sbarrier.arrive $0xFFFF  }
0x201: {  	_ =	shalt  }

// kernel: kernel.9.cloned.1.call-start
scs
__scs_entry_jumppad:
0x0: {  	(pc) =	sbr.rel $0x88, $3  }
0x1: {  	(tag) =	ssettag $0x0;
	lr =	simm.s32 $0x1  }
0x2: {  	[smem:$0x3F9D] =	sst lr;
	_ =	strace $0xD0000000  }
0x3: {  	_ = 	snop  }
0x4: {  	_ = 	snop  }
0x5: {  	_ = 	snop  }
0x6: {  	_ = 	snop  }
0x7: {  	_ = 	snop  }
__scs_overlays_trampoline_lowered:
0x8: {  	[smem:$0x3FAC] =	sst s0  }
0x9: {  	[smem:$0x3FAD] =	sst s1  }
0xa: {  	[smem:$0x3FAE] =	sst s2  }
0xb: {  	[smem:$0x3FAF] =	sst s3  }
0xc: {  	[smem:$0x3FB0] =	sst s4  }
0xd: {  	[smem:$0x3FB1] =	sst s5  }
0xe: {  	[smem:$0x3FB2] =	sst s6  }
0xf: {  	[smem:$0x3FB3] =	sst s7  }
0x10: {  	[smem:$0x3FB4] =	sst s8  }
0x11: {  	[smem:$0x3FB5] =	sst s9;
	s0 =	simm.s32 @!p0 $0x0  }
0x12: {  	s1 =	sld [smem:$0x3F9B];
	s0 =	simm.s32 @p0 $0x1  }
0x13: {  	[smem:$0x3FB6] =	sst s0;
	s0 =	simm.s32 @!p1 $0x0  }
0x14: {  	s2 =	sld [smem:$0x3F9A];
	s0 =	simm.s32 @p1 $0x1  }
0x15: {  	[smem:$0x3FB7] =	sst s0;
	s0 =	simm.s32 @!p2 $0x0  }
0x16: {  	s3 =	sld [smem:$0x3FDB];
	s0 =	simm.s32 @p2 $0x1  }
0x17: {  	s4 =	simm.s32 $0x1BF5;
	[smem:$0x3FB9] =	sst s0  }
0x18: {  	s0 =	sld [smem:$0x3F9C];
	_ =	swait.ge [sflag:s4], $0x0  }
0x19: {  	s7 =	sld [smem:$0x3F9D]  }
0x1a: {  	s8 =	sadd.s32 $0xFFFFE003, lr  }
0x1b: {  	s9 =	sadd.s32 $0xFFFFFEF7, lr;
	s5 =	simm.s32 $0xFFFFFFFF;
	p2 =	slt.u32 s8, $0xFFFFF086  }
0x1c: {  	p1 =	slt.u32 s9, $0xF7A;
	s5 =	simm.s32 @!p2 $0x0  }
0x1d: {  	s5 =	simm.s32 @p1 $0x1;
	p0 =	seq.s32 s7, s2  }
0x1e: {  	s7 =	smul.u32 @!p0 $0xF7A, s2;
	p2 =	seq.s32 @!p0 s5, $0x0  }
0x1f: {  	s9 =	smul.u32 $0xF7A, s1;
	s8 =	simm.s32 @!p0 $0x1BF5;
	p2 =	por !p2, p0  }
0x20: {  	[sflag:s8] =	ssyncset.s32 @!p0 $0xFFFFF086;
	s6 =	sadd.s32 @!p0 s3, s7;
	s7 =	simm.s32 @!p0 $0x108  }
0x21: {  	s3 =	sadd.s32 s3, s9;
	s6 =	sadd.s32 @!p0 $0x88, s6;
	s7 =	simm.s32 @p2 $0x1082  }
0x22: {  	[simem:s7], [sflag:s8] =	dma.local @!p0 [hbm:s6], $0xF7A  }
0x23: {  	s9 =	sor.u32 $0xD0000000, s2;
	s6 =	simm.s32 $0x108;
	_ =	swait.ge @!p0 [sflag:s8], $0x0  }
0x24: {  	s3 =	sadd.s32 $0x88, s3;
	s6 =	simm.s32 @!p1 $0x1082;
	[sflag:s4] =	ssyncset.s32 $0xFFFFF086  }
0x25: {  	[simem:s6], [sflag:s4] =	dma.local [hbm:s3], $0xF7A  }
0x26: {  	[smem:$0x3F9D] =	sst s1;
	(tag) =	ssettag s2;
	_ =	strace s9  }
0x27: {  	s1 =	sld [smem:$0x3FAD]  }
0x28: {  	s2 =	sld [smem:$0x3FAE]  }
0x29: {  	s4 =	sld [smem:$0x3FB0]  }
0x2a: {  	p0 =	seq.s32 s5, $0x0;
	s5 =	sld [smem:$0x3FB1]  }
0x2b: {  	s6 =	sld [smem:$0x3FB2]  }
0x2c: {  	s7 =	sld [smem:$0x3FB3]  }
0x2d: {  	s3 =	simm.s32 $0x108;
	s8 =	sld [smem:$0x3FB4]  }
0x2e: {  	s3 =	simm.s32 @!p0 $0x1082;
	s9 =	sld [smem:$0x3FB5]  }
0x2f: {  	lr =	sadd.s32 s0, s3;
	s0 =	sld [smem:$0x3FAC]  }
0x30: {  	s3 =	sld [smem:$0x3FAF]  }
0x31: {  	[smem:$0x3FB8] =	sst s10  }
0x32: {  	s10 =	sld [smem:$0x3FB6];
	_ =	sdelay $0x3  }
0x33: {  	p0 =	seq.s32 s10, $0x1;
	s10 =	sld [smem:$0x3FB8];
	_ =	sdelay $0x3  }
0x34: {  	[smem:$0x3FB8] =	sst s10  }
0x35: {  	s10 =	sld [smem:$0x3FB7];
	_ =	sdelay $0x3  }
0x36: {  	p1 =	seq.s32 s10, $0x1;
	s10 =	sld [smem:$0x3FB8];
	_ =	sdelay $0x3  }
0x37: {  	[smem:$0x3FB8] =	sst s10  }
0x38: {  	s10 =	sld [smem:$0x3FB9]  }
0x39: {  	_ = 	snop;
	(pc) =	sbr.ind lr, $3  }
0x3a: {  	_ = 	snop  }
0x3b: {  	_ = 	snop  }
0x3c: {  	p2 =	seq.s32 s10, $0x1;
	s10 =	sld [smem:$0x3FB8]  }
0x3d: {  	_ =	shalt  }
0x3e: {  	_ =	shalt  }
0x3f: {  	_ =	shalt  }
0x40: {  	_ =	shalt  }
0x41: {  	_ =	shalt  }
0x42: {  	_ =	shalt  }
0x43: {  	_ =	shalt  }
0x44: {  	_ =	shalt  }
0x45: {  	_ =	shalt  }
0x46: {  	_ =	shalt  }
0x47: {  	_ =	shalt  }
0x48: {  	_ =	shalt  }
0x49: {  	_ =	shalt  }
0x4a: {  	_ =	shalt  }
0x4b: {  	_ =	shalt  }
0x4c: {  	_ =	shalt  }
0x4d: {  	_ =	shalt  }
0x4e: {  	_ =	shalt  }
0x4f: {  	_ =	shalt  }
0x50: {  	_ =	shalt  }
0x51: {  	_ =	shalt  }
0x52: {  	_ =	shalt  }
0x53: {  	_ =	shalt  }
0x54: {  	_ =	shalt  }
0x55: {  	_ =	shalt  }
0x56: {  	_ =	shalt  }
0x57: {  	_ =	shalt  }
0x58: {  	_ =	shalt  }
0x59: {  	_ =	shalt  }
0x5a: {  	_ =	shalt  }
0x5b: {  	_ =	shalt  }
0x5c: {  	_ =	shalt  }
0x5d: {  	_ =	shalt  }
0x5e: {  	_ =	shalt  }
0x5f: {  	_ =	shalt  }
0x60: {  	_ =	shalt  }
0x61: {  	_ =	shalt  }
0x62: {  	_ =	shalt  }
0x63: {  	_ =	shalt  }
0x64: {  	_ =	shalt  }
0x65: {  	_ =	shalt  }
0x66: {  	_ =	shalt  }
0x67: {  	_ =	shalt  }
0x68: {  	_ =	shalt  }
0x69: {  	_ =	shalt  }
0x6a: {  	_ =	shalt  }
0x6b: {  	_ =	shalt  }
0x6c: {  	_ =	shalt  }
0x6d: {  	_ =	shalt  }
0x6e: {  	_ =	shalt  }
0x6f: {  	_ =	shalt  }
0x70: {  	_ =	shalt  }
0x71: {  	_ =	shalt  }
0x72: {  	_ =	shalt  }
0x73: {  	_ =	shalt  }
0x74: {  	_ =	shalt  }
0x75: {  	_ =	shalt  }
0x76: {  	_ =	shalt  }
0x77: {  	_ =	shalt  }
0x78: {  	_ =	shalt  }
0x79: {  	_ =	shalt  }
0x7a: {  	_ =	shalt  }
0x7b: {  	_ =	shalt  }
0x7c: {  	_ =	shalt  }
0x7d: {  	_ =	shalt  }
0x7e: {  	_ =	shalt  }
0x7f: {  	_ =	shalt  }
0x80: {  	_ =	shalt  }
0x81: {  	_ =	shalt  }
0x82: {  	_ =	shalt  }
0x83: {  	_ =	shalt  }
0x84: {  	_ =	shalt  }
0x85: {  	_ =	shalt  }
0x86: {  	_ =	shalt  }
0x87: {  	_ =	shalt  }
.Lfunc_end0:
.L_simem_size_0:
called_computation.1_lowered:
.L_overlay_start_0:
0x88: {  	s2 =	sld [smem:$0x3FD9]  }
0x89: {  	s3 =	sld [smem:$0x3FFE];
	_ =	sdelay $0x1  }
0x8a: {  	s1 =	srdreg.scid  }
0x8b: {  	s0 =	sand.u32 $0x1, s1  }
0x8c: {  	s14 =	sshll.u32 s0, $0xA;
	s2 =	sadd.s32 s3, s2  }
0x8d: {  	s2 =	sadd.s32 s2, s14  }
0x8e: {  	[smem:$0x3FC4] =	sst s2  }
0x8f: {  	_ = 	snop  }
0x90: {  	s2 =	sld [smem:$0x3FD0];
	_ =	sdelay $0x2  }
0x91: {  	s15 =	simm.s32 $0xA;
	s4 =	simm.s32 $0x10  }
0x92: {  	[smem:s4], [sflag:s15] =	dma.local [hbm:s2], $0x1  }
0x93: {  	_ =	swait.eq [sflag:s15], $0x1  }
0x94: {  	[sflag:s15] =	ssyncset.done $0x0  }
0x95: {  	[sflag:s15] =	ssyncadd.s32 $0xFFFFFFFF  }
0x96: {  	s16 =	sld [smem:$0x10];
	(tm) =	ssettm $0x1  }
0x97: {  	s17 =	sld [smem:$0x3FFB];
	_ =	sdelay $0x3  }
0x98: {  	_ =	strace s17  }
0x99: {  	s3 =	sld [smem:$0x3FFC];
	_ =	sdelay $0x3  }
0x9a: {  	_ =	strace s3  }
0x9b: {  	s3 =	sld [smem:$0x3FFD];
	_ =	sdelay $0x3  }
0x9c: {  	_ =	strace s3  }
0x9d: {  	_ =	strace $0x8FFFFFFF  }
0x9e: {  	s18 =	sld [smem:$0x3FDB];
	_ =	sdelay $0x1  }
0x9f: {  	s19 =	simm.s32 $_scs_section_size  }
0xa0: {  	s5 =	simm.s32 $_size__tile_overlayer_lowered;
	s6 =	simm.s32 $_tile_overlayer_lowered  }
0xa1: {  	s22 =	simm.s32 $0x1BFF;
	s21 =	sshll.u32 s6, $0x1;
	s3 =	sadd.s32 s19, s18  }
0xa2: {  	s7 =	simm.s32 $0x0;
	s20 =	sshll.u32 s5, $0x1;
	s5 =	sadd.s32 s21, s3  }
0xa3: {  	[timem:s7], [sflag:s22] =	dma.local [hbm:s5], s20  }
0xa4: {  	_ =	swait.ge [sflag:s22], s20  }
0xa5: {  	s4 =	ssub.s32 $0x0, s20;
	[sflag:s22] =	ssyncset.done $0x0  }
0xa6: {  	[sflag:s22] =	ssyncadd.s32 s4;
	_ =	sdelay $0x1  }
0xa7: {  	s23 =	simm.s32 $0x1B8B  }
0xa8: {  	_ =	swait.ge [sflag:s23], $0x1  }
0xa9: {  	[sflag:s23] =	ssyncset.done $0x0  }
0xaa: {  	s25 =	simm.s32 $0x1B8E;
	s24 =	sld [smem:$0x3FFE];
	[sflag:s23] =	ssyncadd.s32 $0xFFFFFFFF  }
0xab: {  	s26 =	simm.s32 $execute0_lowered;
	[smem:$0x3FD2] =	sst s25  }
0xac: {  	s5 =	sshll.u32 s26, $0x1;
	_ =	strace $0x80000049;
	[dreg:$0x1] =	wrdreg $0xFFFFFFFF  }
0xad: {  	s28 =	simm.s32 $_size_execute0_lowered;
	s3 =	sadd.s32 s3, s5;
	[dreg:$0x0] =	wrdreg $0x0  }
0xae: {  	s5 =	sshll.u32 s28, $0x1;
	[dreg:$0x2] =	wrdreg s3  }
0xaf: {  	[dreg:$0x3] =	wrdreg s5  }
0xb0: {  	[dreg:$0x4] =	wrdreg $0xC0  }
0xb1: {  	_ =	task [dreg:s7], $0x5FFFF  }
0xb2: {  	[dreg:$0x1] =	wrdreg $0xFFFFFFFF  }
0xb3: {  	[dreg:$0x0] =	wrdreg $0x60  }
0xb4: {  	[dreg:$0x2] =	wrdreg s24  }
0xb5: {  	[dreg:$0x3] =	wrdreg s16  }
0xb6: {  	[dreg:$0x4] =	wrdreg $0x9  }
0xb7: {  	_ =	task.clear_ibuf [dreg:s7], $0x5FFFF;
	_ =	strace $0x90000049  }
0xb8: {  	s29 =	simm.s32 $0x9;
	_ =	strace $0x8000004B  }
0xb9: {  	_ =	swait.ge [sflag:s29], $0x1  }
0xba: {  	[sflag:s29] =	ssyncadd.s32 $0xFFFFFFFF  }
0xbb: {  	_ =	strace $0x9000004B  }
0xbc: {  	_ =	sfence  }
0xbd: {  	s30 =	sld [smem:$0x0];
	_ =	sdelay $0x2  }
0xbe: {  	s31 =	sshll.u32 s1, $0xD;
	s1 =	sshrl.u32 s1, $0x2  }
0xbf: {  	s3 =	sand.u32 $0x4000, s31;
	s1 =	sadd.s32 s1, s30  }
0xc0: {  	s0 =	sor.u32 s3, s0;
	s1 =	sshll.u32 s1, $0x11  }
0xc1: {  	s0 =	sor.u32 s1, s0  }
0xc2: {  	s0 =	sadd.s32 $0x8F2B, s0  }
0xc3: {  	[sflag:s0] =	ssyncadd.remote.s32 $0x1  }
0xc4: {  	_ =	sfence.sel $0xFFFF  }
0xc5: {  	[dreg:$0x0] =	wrdreg $0xFFFFFFFF;
	(pc) =	sbr.abs _section_cstart, $3  }
0xc6: {  	[dreg:$0x1] =	wrdreg $0xFFFFFFFF  }
0xc7: {  	_ =	task.clear_ibuf [dreg:s7], $0x2FFFF;
	_ =	strace $0x9FFFFFFF  }
0xc8: {  	(tm) =	ssettm $0x7FFFFFFF  }
0xc9: {  	_ =	shalt  }
tec
execute0_lowered:
.L_overlay_start_1:
0x0: {  	(tag) =	ssettag $0x1  }
0x1: {  	s0 =	rddreg [dreg:$0x0];
	s1 =	srdreg.scid  }
0x2: {  	s2 =	stileid.u32;
	s4 =	rddreg [dreg:$0x1];
	s18 =	simm.s32 $0x800  }
0x3: {  	s9 =	simm.s32 $0x1;
	s10 =	simm.s32 $0x4800;
	s16 =	simm.s32 $0x7800  }
0x4: {  	s17 =	simm.s32 $0xC800;
	s19 =	simm.s32 $0xD000;
	s20 =	simm.s32 $0xD800  }
0x5: {  	s21 =	simm.s32 $0xE000;
	s1 =	sand.u32 $0x1, s1;
	s3 =	sshll.u32 s2, $0x1  }
0x6: {  	s28 =	simm.s32 $0x3;
	s29 =	simm.s32 $0x0;
	s6 =	sor.u32 s1, s3  }
0x7: {  	s2 =	simm.s32 $0x0;
	s3 =	sshll.u32 s6, $0x8;
	s8 =	sshll.u32 s6, $0xE  }
0x8: {  	[smem:$0x7FF] =	sst s2;
	s5 =	sadd.s32 s3, s0;
	s22 =	sadd.s32 s4, s8  }
0x9: {  	_ =	strace $0x8000004A;
	s5 =	sadd.s32 $0x1A1600, s5;
	[dreg:$0x4] =	wrdreg s22  }
0xa: {  	s1 =	ssub.s32 $0x2, s1;
	s4 =	sadd.s32 $0x800, s22;
	[dreg:$0x3] =	wrdreg s5  }
0xb: {  	s7 =	sshrl.u32 s1, $0x1;
	s23 =	sadd.s32 $0x1000, s22;
	[dreg:$0x5] =	wrdreg s4  }
0xc: {  	s6 =	sadd.s32 $0x1A3800, s0;
	s24 =	sadd.s32 $0x1800, s22;
	[dreg:$0x6] =	wrdreg s23  }
0xd: {  	s3 =	sadd.s32 $0x1A3600, s0;
	s25 =	sadd.s32 $0x2000, s22;
	[dreg:$0x7] =	wrdreg s24  }
0xe: {  	s1 =	ssub.s32 s1, s7;
	s26 =	sadd.s32 $0x2800, s22;
	[dreg:$0x8] =	wrdreg s25  }
0xf: {  	s7 =	sadd.s32 $0x1A3900, s0;
	s30 =	sadd.s32 $0x3000, s22;
	[dreg:$0x9] =	wrdreg s26  }
0x10: {  	s8 =	simm.s32 $0x8000;
	s31 =	smax.u32 s1, $0x1;
	[dreg:$0xa] =	wrdreg s30  }
0x11: {  	v2 =	vlaneseq.u32;
	s5 =	sadd.s32 $0x1A3700, s0;
	s0 =	sadd.s32 $0x3800, s22;
	[dreg:$0xc] =	wrdreg s31  }
0x12: {  	vm0 =	vmmov $0xffff;
	v1 =	vshrl.u32 v2, $0x3;
	s22 =	simm.s32 $0xE800;
	s23 =	simm.s32 $0xF000;
	s24 =	simm.s32 $0xF800  }
0x13: {  	v0 =	vand.u32 $0x7, v2;
	v2 =	vor.u32 $0x8, v2;
	v1 =	vmul.u32 $0x8, v1;
	s25 =	simm.s32 $0x10000;
	s26 =	simm.s32 $0x2;
	[dreg:$0xb] =	wrdreg s0  }
.LBB2_1:
0x14: {  	s0 =	rddreg [dreg:$0x3];
	s12 =	simm.s32 $0x4  }
0x15: {  	[tilespmem:s2], [sflag:$0x4] =	stream.linear.gather [hbm4b:s0+s2], $0x800, $0x38;
	[tilespmem:$0x10800] =	vst v63  }
0x16: {  	_ =	swait.ge [sflag:s12], $0x800  }
0x17: {  	[sflag:s12] =	ssyncset.done $0x0  }
0x18: {  	[sflag:s12] =	ssyncadd.s32 $0xFFFFF800  }
0x19: {  	v3 =	vld [tilespmem:$0x0];
	_ =	sdelay $0x4  }
0x1a: {  	v4 =	vshll.u32 v3, $0x3  }
0x1b: {  	v3 =	vand.u32 $0x7, v3;
	v4 =	vand.u32 $0xFFFFFFC0, v4  }
0x1c: {  	v3 =	vor.u32 v3, v4  }
0x1d: {  	v4 =	vperm.xlane v3, v0;
	_ =	sdelay $0x1  }
0x1e: {  	v4 =	vadd.s32 v1, v4;
	_ =	sdelay $0x4  }
0x1f: {  	[tilespmem:s18], [sflag:$0x1] =	stream.indirect_vreg.gather [hbm4b:s3+s2], $0x80, v4, vm0, $0xb8;
	[tilespmem:$0x10800] =	vst v63  }
0x20: {  	s13 =	simm.s32 $0x1000;
	v3 =	vperm.xlane v3, v2  }
0x21: {  	[tilespmem:s13], [sflag:$0x1] =	stream.indirect_vreg.gather [hbm4b:s5+s2], $0x80, v4, vm0, $0xb8;
	[tilespmem:$0x10800] =	vst v63  }
0x22: {  	s14 =	simm.s32 $0x1800;
	v3 =	vadd.s32 v1, v3  }
0x23: {  	[tilespmem:s14], [sflag:$0x1] =	stream.indirect_vreg.gather [hbm4b:s6+s2], $0x80, v4, vm0, $0xb8;
	[tilespmem:$0x10800] =	vst v63  }
0x24: {  	s15 =	simm.s32 $0x2000  }
0x25: {  	[tilespmem:s15], [sflag:$0x1] =	stream.indirect_vreg.gather [hbm4b:s7+s2], $0x80, v4, vm0, $0xb8;
	[tilespmem:$0x10800] =	vst v63  }
0x26: {  	s31 =	simm.s32 $0x2800  }
0x27: {  	[tilespmem:s31], [sflag:$0x1] =	stream.indirect_vreg.gather [hbm4b:s3+s2], $0x80, v3, vm0, $0xb8;
	[tilespmem:$0x10800] =	vst v63  }
0x28: {  	s1 =	simm.s32 $0x3000  }
0x29: {  	[tilespmem:s1], [sflag:$0x1] =	stream.indirect_vreg.gather [hbm4b:s5+s2], $0x80, v3, vm0, $0xb8;
	[tilespmem:$0x10800] =	vst v63  }
0x2a: {  	s4 =	simm.s32 $0x3800  }
0x2b: {  	[tilespmem:s4], [sflag:$0x1] =	stream.indirect_vreg.gather [hbm4b:s6+s2], $0x80, v3, vm0, $0xb8;
	[tilespmem:$0x10800] =	vst v63  }
0x2c: {  	s11 =	simm.s32 $0x4000  }
0x2d: {  	[tilespmem:s11], [sflag:$0x1] =	stream.indirect_vreg.gather [hbm4b:s7+s2], $0x80, v3, vm0, $0xb8;
	[tilespmem:$0x10800] =	vst v63  }
0x2e: {  	v3 =	vld [tilespmem:$0x80];
	_ =	sdelay $0x4  }
0x2f: {  	v61 =	vshll.u32 v3, $0x3  }
0x30: {  	v3 =	vand.u32 $0x7, v3;
	v4 =	vand.u32 $0xFFFFFFC0, v61  }
0x31: {  	v3 =	vor.u32 v3, v4  }
0x32: {  	v4 =	vperm.xlane v3, v0;
	_ =	sdelay $0x1  }
0x33: {  	v4 =	vadd.s32 v1, v4;
	_ =	sdelay $0x3  }
0x34: {  	s12 =	simm.s32 $0x8800  }
0x35: {  	[tilespmem:s12], [sflag:$0x1] =	stream.indirect_vreg.gather [hbm4b:s3+s2], $0x80, v4, vm0, $0xb8;
	[tilespmem:$0x10800] =	vst v63  }
0x36: {  	s13 =	simm.s32 $0x9000;
	v3 =	vperm.xlane v3, v2  }
0x37: {  	[tilespmem:s13], [sflag:$0x1] =	stream.indirect_vreg.gather [hbm4b:s5+s2], $0x80, v4, vm0, $0xb8;
	[tilespmem:$0x10800] =	vst v63  }
0x38: {  	s14 =	simm.s32 $0x9800;
	v3 =	vadd.s32 v1, v3  }
0x39: {  	[tilespmem:s14], [sflag:$0x1] =	stream.indirect_vreg.gather [hbm4b:s6+s2], $0x80, v4, vm0, $0xb8;
	[tilespmem:$0x10800] =	vst v63  }
0x3a: {  	s15 =	simm.s32 $0xA000  }
0x3b: {  	[tilespmem:s15], [sflag:$0x1] =	stream.indirect_vreg.gather [hbm4b:s7+s2], $0x80, v4, vm0, $0xb8;
	[tilespmem:$0x10800] =	vst v63  }
0x3c: {  	s31 =	simm.s32 $0xA800  }
0x3d: {  	[tilespmem:s31], [sflag:$0x1] =	stream.indirect_vreg.gather [hbm4b:s3+s2], $0x80, v3, vm0, $0xb8;
	[tilespmem:$0x10800] =	vst v63  }
0x3e: {  	s1 =	simm.s32 $0xB000  }
0x3f: {  	[tilespmem:s1], [sflag:$0x1] =	stream.indirect_vreg.gather [hbm4b:s5+s2], $0x80, v3, vm0, $0xb8;
	[tilespmem:$0x10800] =	vst v63  }
0x40: {  	s4 =	simm.s32 $0xB800  }
0x41: {  	[tilespmem:s4], [sflag:$0x1] =	stream.indirect_vreg.gather [hbm4b:s6+s2], $0x80, v3, vm0, $0xb8;
	[tilespmem:$0x10800] =	vst v63  }
0x42: {  	s11 =	simm.s32 $0xC000  }
0x43: {  	[tilespmem:s11], [sflag:$0x1] =	stream.indirect_vreg.gather [hbm4b:s7+s2], $0x80, v3, vm0, $0xb8;
	[tilespmem:$0x10800] =	vst v63  }
0x44: {  	_ =	swait.ge [sflag:s9], $0x4000  }
0x45: {  	[sflag:s9] =	ssyncset.done $0x0  }
0x46: {  	[sflag:s9] =	ssyncadd.s32 $0xFFFFC000  }
0x47: {  	_ =	swait.ge [sflag:s9], $0x4000  }
0x48: {  	[sflag:s9] =	ssyncset.done $0x0  }
0x49: {  	[sflag:s9] =	ssyncadd.s32 $0xFFFFC000  }
0x4a: {  	v3 =	vld [tilespmem:$0x100];
	_ =	sdelay $0x4  }
0x4b: {  	v62 =	vshll.u32 v3, $0x3  }
0x4c: {  	v3 =	vand.u32 $0x7, v3;
	v4 =	vand.u32 $0xFFFFFFC0, v62  }
0x4d: {  	v3 =	vor.u32 v3, v4  }
0x4e: {  	v4 =	vperm.xlane v3, v0;
	_ =	sdelay $0x1  }
0x4f: {  	v4 =	vadd.s32 v1, v4;
	_ =	sdelay $0x4  }
0x50: {  	[tilespmem:s10], [sflag:$0x1] =	stream.indirect_vreg.gather [hbm4b:s3+s2], $0x80, v4, vm0, $0xb8;
	[tilespmem:$0x10800] =	vst v63  }
0x51: {  	s12 =	simm.s32 $0x5000;
	v3 =	vperm.xlane v3, v2  }
0x52: {  	[tilespmem:s12], [sflag:$0x1] =	stream.indirect_vreg.gather [hbm4b:s5+s2], $0x80, v4, vm0, $0xb8;
	[tilespmem:$0x10800] =	vst v63  }
0x53: {  	s13 =	simm.s32 $0x5800;
	v3 =	vadd.s32 v1, v3  }
0x54: {  	[tilespmem:s13], [sflag:$0x1] =	stream.indirect_vreg.gather [hbm4b:s6+s2], $0x80, v4, vm0, $0xb8;
	[tilespmem:$0x10800] =	vst v63  }
0x55: {  	s14 =	simm.s32 $0x6000  }
0x56: {  	[tilespmem:s14], [sflag:$0x1] =	stream.indirect_vreg.gather [hbm4b:s7+s2], $0x80, v4, vm0, $0xb8;
	[tilespmem:$0x10800] =	vst v63  }
0x57: {  	s15 =	simm.s32 $0x6800  }
0x58: {  	[tilespmem:s15], [sflag:$0x1] =	stream.indirect_vreg.gather [hbm4b:s3+s2], $0x80, v3, vm0, $0xb8;
	[tilespmem:$0x10800] =	vst v63  }
0x59: {  	s31 =	simm.s32 $0x7000  }
0x5a: {  	[tilespmem:s31], [sflag:$0x1] =	stream.indirect_vreg.gather [hbm4b:s5+s2], $0x80, v3, vm0, $0xb8;
	[tilespmem:$0x10800] =	vst v63  }
0x5b: {  	_ = 	snop  }
0x5c: {  	[tilespmem:s16], [sflag:$0x1] =	stream.indirect_vreg.gather [hbm4b:s6+s2], $0x80, v3, vm0, $0xb8;
	[tilespmem:$0x10800] =	vst v63  }
0x5d: {  	_ = 	snop  }
0x5e: {  	[tilespmem:s8], [sflag:$0x1] =	stream.indirect_vreg.gather [hbm4b:s7+s2], $0x80, v3, vm0, $0xb8;
	[tilespmem:$0x10800] =	vst v63  }
0x5f: {  	v3 =	vld [tilespmem:$0x180];
	_ =	sdelay $0x4  }
0x60: {  	v63 =	vshll.u32 v3, $0x3  }
0x61: {  	v3 =	vand.u32 $0x7, v3;
	v4 =	vand.u32 $0xFFFFFFC0, v63  }
0x62: {  	v3 =	vor.u32 v3, v4  }
0x63: {  	v4 =	vperm.xlane v3, v0;
	_ =	sdelay $0x1  }
0x64: {  	v4 =	vadd.s32 v1, v4;
	_ =	sdelay $0x4  }
0x65: {  	[tilespmem:s17], [sflag:$0x1] =	stream.indirect_vreg.gather [hbm4b:s3+s2], $0x80, v4, vm0, $0xb8;
	[tilespmem:$0x10800] =	vst v63  }
0x66: {  	v3 =	vperm.xlane v3, v2  }
0x67: {  	[tilespmem:s19], [sflag:$0x1] =	stream.indirect_vreg.gather [hbm4b:s5+s2], $0x80, v4, vm0, $0xb8;
	[tilespmem:$0x10800] =	vst v63  }
0x68: {  	v3 =	vadd.s32 v1, v3  }
0x69: {  	[tilespmem:s20], [sflag:$0x1] =	stream.indirect_vreg.gather [hbm4b:s6+s2], $0x80, v4, vm0, $0xb8;
	[tilespmem:$0x10800] =	vst v63  }
0x6a: {  	_ = 	snop  }
0x6b: {  	[tilespmem:s21], [sflag:$0x1] =	stream.indirect_vreg.gather [hbm4b:s7+s2], $0x80, v4, vm0, $0xb8;
	[tilespmem:$0x10800] =	vst v63  }
0x6c: {  	_ = 	snop  }
0x6d: {  	[tilespmem:s22], [sflag:$0x1] =	stream.indirect_vreg.gather [hbm4b:s3+s2], $0x80, v3, vm0, $0xb8;
	[tilespmem:$0x10800] =	vst v63  }
0x6e: {  	_ = 	snop  }
0x6f: {  	[tilespmem:s23], [sflag:$0x1] =	stream.indirect_vreg.gather [hbm4b:s5+s2], $0x80, v3, vm0, $0xb8;
	[tilespmem:$0x10800] =	vst v63  }
0x70: {  	_ = 	snop  }
0x71: {  	[tilespmem:s24], [sflag:$0x1] =	stream.indirect_vreg.gather [hbm4b:s6+s2], $0x80, v3, vm0, $0xb8;
	[tilespmem:$0x10800] =	vst v63  }
0x72: {  	s30 =	simm.s32 $0x0  }
0x73: {  	[tilespmem:s25], [sflag:$0x1] =	stream.indirect_vreg.gather [hbm4b:s7+s2], $0x80, v3, vm0, $0xb8;
	[tilespmem:$0x10800] =	vst v63  }
.LBB2_2:
0x74: {  	s0 =	sshll.u32 s30, $0xA;
	s1 =	sshll.u32 s30, $0x7  }
0x75: {  	s4 =	simm.s32 $0x0;
	s0 =	sand.u32 $0x2000, s0;
	s1 =	sand.u32 $0x380, s1  }
0x76: {  	s13 =	sand.u32 $0x40, s4;
	s31 =	sor.u32 s0, s1  }
0x77: {  	s14 =	sand.u32 $0x1C00, s4;
	s0 =	sor.u32 s13, s31  }
0x78: {  	s0 =	sor.u32 s14, s0  }
0x79: {  	v8 =	vld [tilespmem:s0+$0x8830]  }
0x7a: {  	v10 =	vld [tilespmem:s0+$0x8820]  }
0x7b: {  	v7 =	vld [tilespmem:s0+$0x8800]  }
0x7c: {  	v3 =	vld [tilespmem:s0+$0x8810]  }
0x7d: {  	s15 =	simm.s32 $0x40;
	v5 =	vld [tilespmem:s0+$0x810]  }
0x7e: {  	s4 =	simm.s32 $0x200;
	s1 =	sand.u32 $0x40, s15;
	v9 =	vld [tilespmem:s0+$0x800]  }
0x7f: {  	s11 =	sand.u32 $0x1C00, s4;
	s1 =	sor.u32 s1, s31;
	v11 =	vld [tilespmem:s0+$0x830]  }
0x80: {  	s1 =	sor.u32 s11, s1;
	v12 =	vld [tilespmem:s0+$0x820]  }
0x81: {  	v6 =	vld [tilespmem:s1+$0x8830]  }
0x82: {  	v4 =	vld [tilespmem:s1+$0x8820];
	v13 =	vadd.f32 v3, v5  }
0x83: {  	v3 =	vld [tilespmem:s1+$0x8800];
	v14 =	vadd.f32 v7, v9  }
0x84: {  	v5 =	vld [tilespmem:s1+$0x8810];
	v9 =	vadd.f32 v8, v11;
	[tilespmem:s0+$0x810] =	vst v13  }
0x85: {  	s12 =	simm.s32 $0x80;
	s11 =	simm.s32 $0x4;
	v8 =	vadd.f32 v10, v12;
	v7 =	vld [tilespmem:s1+$0x810];
	[tilespmem:s0+$0x800] =	vst v14  }
.LBB2_3:
0x86: {  	s13 =	sand.u32 $0x40, s12;
	s11 =	sadd.s32 $0x4, s11;
	v10 =	vld [tilespmem:s1+$0x800];
	s4 =	sadd.s32 $0x200, s4;
	[tilespmem:s0+$0x830] =	vst v9;
	v9 =	vmov v6  }
0x87: {  	s14 =	sand.u32 $0x1C00, s4;
	s13 =	sor.u32 s13, s31;
	p0 =	slt.u32 s11, $0x3C;
	v11 =	vld [tilespmem:s1+$0x830];
	[tilespmem:s0+$0x820] =	vst v8;
	v8 =	vmov v4  }
0x88: {  	s0 =	smov.u32 s1;
	v12 =	vld [tilespmem:s1+$0x820];
	s1 =	sor.u32 s14, s13  }
.Ltmp0:
0x89: {  	v6 =	vld [tilespmem:s1+$0x8830];
	(pc) =	sbr.rel @p0 .LBB2_3-.Ltmp0, $4  }
0x8a: {  	v4 =	vld [tilespmem:s1+$0x8820];
	v7 =	vadd.f32 v5, v7  }
0x8b: {  	v10 =	vadd.f32 v3, v10;
	v3 =	vld [tilespmem:s1+$0x8800]  }
0x8c: {  	v5 =	vld [tilespmem:s1+$0x8810];
	[tilespmem:s0+$0x810] =	vst v7;
	v9 =	vadd.f32 v9, v11  }
0x8d: {  	s12 =	sadd.s32 $0x40, s12;
	v7 =	vld [tilespmem:s1+$0x810];
	[tilespmem:s0+$0x800] =	vst v10;
	v8 =	vadd.f32 v8, v12  }
0x8e: {  	v10 =	vld [tilespmem:s1+$0x800];
	[tilespmem:s0+$0x830] =	vst v9  }
0x8f: {  	v9 =	vld [tilespmem:s1+$0x830];
	[tilespmem:s0+$0x820] =	vst v8  }
0x90: {  	v8 =	vld [tilespmem:s1+$0x820]  }
0x91: {  	s30 =	sadd.s32 $0x1, s30  }
0x92: {  	p0 =	sne.s32 s30, $0x10;
	v5 =	vadd.f32 v5, v7  }
.Ltmp1:
0x93: {  	v3 =	vadd.f32 v3, v10;
	(pc) =	sbr.rel @p0 .LBB2_2-.Ltmp1, $4  }
0x94: {  	[tilespmem:s1+$0x810] =	vst v5;
	v63 =	vadd.f32 v6, v9  }
0x95: {  	[tilespmem:s1+$0x800] =	vst v3;
	v3 =	vadd.f32 v4, v8  }
0x96: {  	[tilespmem:s1+$0x830] =	vst v63  }
0x97: {  	[tilespmem:s1+$0x820] =	vst v3  }
0x98: {  	s30 =	simm.s32 $0x0;
	s0 =	rddreg [dreg:$0x4]  }
0x99: {  	[hbm4b:s0+s30] =	stream.linear.scatter [tilespmem:s18], [sflag:$0x2], $0x4000, $0x38;
	[tilespmem:$0x10800] =	vst v63  }
0x9a: {  	_ =	swait.ge [sflag:s9], $0x4000  }
0x9b: {  	[sflag:s9] =	ssyncset.done $0x0  }
0x9c: {  	[sflag:s9] =	ssyncadd.s32 $0xFFFFC000  }
0x9d: {  	_ =	swait.ge [sflag:s9], $0x4000  }
0x9e: {  	[sflag:s9] =	ssyncset.done $0x0  }
0x9f: {  	[sflag:s9] =	ssyncadd.s32 $0xFFFFC000  }
0xa0: {  	_ =	swait.ge [sflag:s26], $0x4000  }
0xa1: {  	[sflag:s26] =	ssyncset.done $0x0  }
0xa2: {  	[sflag:s26] =	ssyncadd.s32 $0xFFFFC000  }
0xa3: {  	v3 =	vld [tilespmem:$0x200];
	_ =	sdelay $0x4  }
0xa4: {  	v4 =	vshll.u32 v3, $0x3  }
0xa5: {  	v3 =	vand.u32 $0x7, v3;
	v4 =	vand.u32 $0xFFFFFFC0, v4  }
0xa6: {  	v3 =	vor.u32 v3, v4  }
0xa7: {  	v4 =	vperm.xlane v3, v0;
	_ =	sdelay $0x1  }
0xa8: {  	v4 =	vadd.s32 v1, v4;
	_ =	sdelay $0x4  }
0xa9: {  	[tilespmem:s18], [sflag:$0x1] =	stream.indirect_vreg.gather [hbm4b:s3+s30], $0x80, v4, vm0, $0xb8;
	[tilespmem:$0x10800] =	vst v63  }
0xaa: {  	s15 =	simm.s32 $0x1000;
	v3 =	vperm.xlane v3, v2  }
0xab: {  	[tilespmem:s15], [sflag:$0x1] =	stream.indirect_vreg.gather [hbm4b:s5+s30], $0x80, v4, vm0, $0xb8;
	[tilespmem:$0x10800] =	vst v63  }
0xac: {  	s1 =	simm.s32 $0x1800;
	v3 =	vadd.s32 v1, v3  }
0xad: {  	[tilespmem:s1], [sflag:$0x1] =	stream.indirect_vreg.gather [hbm4b:s6+s30], $0x80, v4, vm0, $0xb8;
	[tilespmem:$0x10800] =	vst v63  }
0xae: {  	s4 =	simm.s32 $0x2000  }
0xaf: {  	[tilespmem:s4], [sflag:$0x1] =	stream.indirect_vreg.gather [hbm4b:s7+s30], $0x80, v4, vm0, $0xb8;
	[tilespmem:$0x10800] =	vst v63  }
0xb0: {  	s11 =	simm.s32 $0x2800  }
0xb1: {  	[tilespmem:s11], [sflag:$0x1] =	stream.indirect_vreg.gather [hbm4b:s3+s30], $0x80, v3, vm0, $0xb8;
	[tilespmem:$0x10800] =	vst v63  }
0xb2: {  	s12 =	simm.s32 $0x3000  }
0xb3: {  	[tilespmem:s12], [sflag:$0x1] =	stream.indirect_vreg.gather [hbm4b:s5+s30], $0x80, v3, vm0, $0xb8;
	[tilespmem:$0x10800] =	vst v63  }
0xb4: {  	s13 =	simm.s32 $0x3800  }
0xb5: {  	[tilespmem:s13], [sflag:$0x1] =	stream.indirect_vreg.gather [hbm4b:s6+s30], $0x80, v3, vm0, $0xb8;
	[tilespmem:$0x10800] =	vst v63  }
0xb6: {  	s14 =	simm.s32 $0x4000  }
0xb7: {  	[tilespmem:s14], [sflag:$0x1] =	stream.indirect_vreg.gather [hbm4b:s7+s30], $0x80, v3, vm0, $0xb8;
	[tilespmem:$0x10800] =	vst v63  }
0xb8: {  	v3 =	vld [tilespmem:$0x280];
	_ =	sdelay $0x4  }
0xb9: {  	v63 =	vshll.u32 v3, $0x3  }
0xba: {  	v3 =	vand.u32 $0x7, v3;
	v4 =	vand.u32 $0xFFFFFFC0, v63  }
0xbb: {  	v3 =	vor.u32 v3, v4  }
0xbc: {  	v4 =	vperm.xlane v3, v0;
	_ =	sdelay $0x1  }
0xbd: {  	v4 =	vadd.s32 v1, v4;
	_ =	sdelay $0x3  }
0xbe: {  	s15 =	simm.s32 $0x8800  }
0xbf: {  	[tilespmem:s15], [sflag:$0x1] =	stream.indirect_vreg.gather [hbm4b:s3+s30], $0x80, v4, vm0, $0xb8;
	[tilespmem:$0x10800] =	vst v63  }
0xc0: {  	s1 =	simm.s32 $0x9000;
	v3 =	vperm.xlane v3, v2  }
0xc1: {  	[tilespmem:s1], [sflag:$0x1] =	stream.indirect_vreg.gather [hbm4b:s5+s30], $0x80, v4, vm0, $0xb8;
	[tilespmem:$0x10800] =	vst v63  }
0xc2: {  	s4 =	simm.s32 $0x9800;
	v3 =	vadd.s32 v1, v3  }
0xc3: {  	[tilespmem:s4], [sflag:$0x1] =	stream.indirect_vreg.gather [hbm4b:s6+s30], $0x80, v4, vm0, $0xb8;
	[tilespmem:$0x10800] =	vst v63  }
0xc4: {  	s11 =	simm.s32 $0xA000  }
0xc5: {  	[tilespmem:s11], [sflag:$0x1] =	stream.indirect_vreg.gather [hbm4b:s7+s30], $0x80, v4, vm0, $0xb8;
	[tilespmem:$0x10800] =	vst v63  }
0xc6: {  	s12 =	simm.s32 $0xA800  }
0xc7: {  	[tilespmem:s12], [sflag:$0x1] =	stream.indirect_vreg.gather [hbm4b:s3+s30], $0x80, v3, vm0, $0xb8;
	[tilespmem:$0x10800] =	vst v63  }
0xc8: {  	s13 =	simm.s32 $0xB000  }
0xc9: {  	[tilespmem:s13], [sflag:$0x1] =	stream.indirect_vreg.gather [hbm4b:s5+s30], $0x80, v3, vm0, $0xb8;
	[tilespmem:$0x10800] =	vst v63  }
0xca: {  	s14 =	simm.s32 $0xB800  }
0xcb: {  	[tilespmem:s14], [sflag:$0x1] =	stream.indirect_vreg.gather [hbm4b:s6+s30], $0x80, v3, vm0, $0xb8;
	[tilespmem:$0x10800] =	vst v63  }
0xcc: {  	s31 =	simm.s32 $0x0;
	s15 =	simm.s32 $0xC000  }
0xcd: {  	[tilespmem:s15], [sflag:$0x1] =	stream.indirect_vreg.gather [hbm4b:s7+s30], $0x80, v3, vm0, $0xb8;
	[tilespmem:$0x10800] =	vst v63  }
.LBB2_6:
0xce: {  	s0 =	sshll.u32 s31, $0xA;
	s1 =	sshll.u32 s31, $0x7  }
0xcf: {  	s0 =	sand.u32 $0x2000, s0;
	s1 =	sand.u32 $0x380, s1  }
0xd0: {  	s14 =	sand.u32 $0x40, s30;
	s1 =	sor.u32 s1, s0  }
0xd1: {  	s4 =	sand.u32 $0x1C00, s30;
	s0 =	sor.u32 s14, s1  }
0xd2: {  	s4 =	sor.u32 s4, s0  }
0xd3: {  	v8 =	vld [tilespmem:s4+$0xC830]  }
0xd4: {  	v10 =	vld [tilespmem:s4+$0xC820]  }
0xd5: {  	v7 =	vld [tilespmem:s4+$0xC800]  }
0xd6: {  	v3 =	vld [tilespmem:s4+$0xC810]  }
0xd7: {  	s15 =	simm.s32 $0x40;
	v5 =	vld [tilespmem:s4+$0x4810]  }
0xd8: {  	s11 =	simm.s32 $0x200;
	s0 =	sand.u32 $0x40, s15;
	v9 =	vld [tilespmem:s4+$0x4800]  }
0xd9: {  	s12 =	sand.u32 $0x1C00, s11;
	s0 =	sor.u32 s0, s1;
	v11 =	vld [tilespmem:s4+$0x4830]  }
0xda: {  	v12 =	vld [tilespmem:s4+$0x4820];
	s0 =	sor.u32 s12, s0  }
0xdb: {  	v6 =	vld [tilespmem:s0+$0xC830]  }
0xdc: {  	v4 =	vld [tilespmem:s0+$0xC820];
	v13 =	vadd.f32 v3, v5  }
0xdd: {  	v3 =	vld [tilespmem:s0+$0xC800];
	v14 =	vadd.f32 v7, v9  }
0xde: {  	v5 =	vld [tilespmem:s0+$0xC810];
	v9 =	vadd.f32 v8, v11;
	[tilespmem:s4+$0x4810] =	vst v13  }
0xdf: {  	s13 =	simm.s32 $0x80;
	s12 =	simm.s32 $0x4;
	v8 =	vadd.f32 v10, v12;
	v7 =	vld [tilespmem:s0+$0x4810];
	[tilespmem:s4+$0x4800] =	vst v14  }
.LBB2_7:
0xe0: {  	s14 =	sand.u32 $0x40, s13;
	s12 =	sadd.s32 $0x4, s12;
	v10 =	vld [tilespmem:s0+$0x4800];
	s11 =	sadd.s32 $0x200, s11;
	[tilespmem:s4+$0x4830] =	vst v9;
	v9 =	vmov v6  }
0xe1: {  	s15 =	sand.u32 $0x1C00, s11;
	s14 =	sor.u32 s14, s1;
	p0 =	slt.u32 s12, $0x3C;
	v11 =	vld [tilespmem:s0+$0x4830];
	[tilespmem:s4+$0x4820] =	vst v8;
	v8 =	vmov v4  }
0xe2: {  	s4 =	smov.u32 s0;
	v12 =	vld [tilespmem:s0+$0x4820];
	s0 =	sor.u32 s15, s14  }
.Ltmp2:
0xe3: {  	v6 =	vld [tilespmem:s0+$0xC830];
	(pc) =	sbr.rel @p0 .LBB2_7-.Ltmp2, $4  }
0xe4: {  	v4 =	vld [tilespmem:s0+$0xC820];
	v7 =	vadd.f32 v5, v7  }
0xe5: {  	v10 =	vadd.f32 v3, v10;
	v3 =	vld [tilespmem:s0+$0xC800]  }
0xe6: {  	v5 =	vld [tilespmem:s0+$0xC810];
	[tilespmem:s4+$0x4810] =	vst v7;
	v9 =	vadd.f32 v9, v11  }
0xe7: {  	s13 =	sadd.s32 $0x40, s13;
	v7 =	vld [tilespmem:s0+$0x4810];
	[tilespmem:s4+$0x4800] =	vst v10;
	v8 =	vadd.f32 v8, v12  }
0xe8: {  	v10 =	vld [tilespmem:s0+$0x4800];
	[tilespmem:s4+$0x4830] =	vst v9  }
0xe9: {  	v9 =	vld [tilespmem:s0+$0x4830];
	[tilespmem:s4+$0x4820] =	vst v8  }
0xea: {  	v8 =	vld [tilespmem:s0+$0x4820]  }
0xeb: {  	s31 =	sadd.s32 $0x1, s31  }
0xec: {  	p0 =	sne.s32 s31, $0x10;
	v5 =	vadd.f32 v5, v7  }
.Ltmp3:
0xed: {  	v3 =	vadd.f32 v3, v10;
	(pc) =	sbr.rel @p0 .LBB2_6-.Ltmp3, $4  }
0xee: {  	[tilespmem:s0+$0x4810] =	vst v5;
	v63 =	vadd.f32 v6, v9  }
0xef: {  	[tilespmem:s0+$0x4800] =	vst v3;
	v3 =	vadd.f32 v4, v8  }
0xf0: {  	[tilespmem:s0+$0x4830] =	vst v63  }
0xf1: {  	[tilespmem:s0+$0x4820] =	vst v3  }
0xf2: {  	s30 =	simm.s32 $0x0;
	s0 =	rddreg [dreg:$0x5]  }
0xf3: {  	[hbm4b:s0+s30] =	stream.linear.scatter [tilespmem:s10], [sflag:$0x3], $0x4000, $0x38;
	[tilespmem:$0x10800] =	vst v63  }
0xf4: {  	_ =	swait.ge [sflag:s9], $0x4000  }
0xf5: {  	[sflag:s9] =	ssyncset.done $0x0  }
0xf6: {  	[sflag:s9] =	ssyncadd.s32 $0xFFFFC000  }
0xf7: {  	_ =	swait.ge [sflag:s9], $0x4000  }
0xf8: {  	[sflag:s9] =	ssyncset.done $0x0  }
0xf9: {  	[sflag:s9] =	ssyncadd.s32 $0xFFFFC000  }
0xfa: {  	_ =	swait.ge [sflag:s28], $0x4000  }
0xfb: {  	[sflag:s28] =	ssyncset.done $0x0  }
0xfc: {  	[sflag:s28] =	ssyncadd.s32 $0xFFFFC000  }
0xfd: {  	v3 =	vld [tilespmem:$0x300];
	_ =	sdelay $0x4  }
0xfe: {  	v4 =	vshll.u32 v3, $0x3  }
0xff: {  	v3 =	vand.u32 $0x7, v3;
	v4 =	vand.u32 $0xFFFFFFC0, v4  }
0x100: {  	v3 =	vor.u32 v3, v4  }
0x101: {  	v4 =	vperm.xlane v3, v0;
	_ =	sdelay $0x1  }
0x102: {  	v4 =	vadd.s32 v1, v4;
	_ =	sdelay $0x4  }
0x103: {  	[tilespmem:s10], [sflag:$0x1] =	stream.indirect_vreg.gather [hbm4b:s3+s30], $0x80, v4, vm0, $0xb8;
	[tilespmem:$0x10800] =	vst v63  }
0x104: {  	s11 =	simm.s32 $0x5000;
	v3 =	vperm.xlane v3, v2  }
0x105: {  	[tilespmem:s11], [sflag:$0x1] =	stream.indirect_vreg.gather [hbm4b:s5+s30], $0x80, v4, vm0, $0xb8;
	[tilespmem:$0x10800] =	vst v63  }
0x106: {  	s12 =	simm.s32 $0x5800;
	v3 =	vadd.s32 v1, v3  }
0x107: {  	[tilespmem:s12], [sflag:$0x1] =	stream.indirect_vreg.gather [hbm4b:s6+s30], $0x80, v4, vm0, $0xb8;
	[tilespmem:$0x10800] =	vst v63  }
0x108: {  	s13 =	simm.s32 $0x6000  }
0x109: {  	[tilespmem:s13], [sflag:$0x1] =	stream.indirect_vreg.gather [hbm4b:s7+s30], $0x80, v4, vm0, $0xb8;
	[tilespmem:$0x10800] =	vst v63  }
0x10a: {  	s14 =	simm.s32 $0x6800  }
0x10b: {  	[tilespmem:s14], [sflag:$0x1] =	stream.indirect_vreg.gather [hbm4b:s3+s30], $0x80, v3, vm0, $0xb8;
	[tilespmem:$0x10800] =	vst v63  }
0x10c: {  	s15 =	simm.s32 $0x7000  }
0x10d: {  	[tilespmem:s15], [sflag:$0x1] =	stream.indirect_vreg.gather [hbm4b:s5+s30], $0x80, v3, vm0, $0xb8;
	[tilespmem:$0x10800] =	vst v63  }
0x10e: {  	_ = 	snop  }
0x10f: {  	[tilespmem:s16], [sflag:$0x1] =	stream.indirect_vreg.gather [hbm4b:s6+s30], $0x80, v3, vm0, $0xb8;
	[tilespmem:$0x10800] =	vst v63  }
0x110: {  	_ = 	snop  }
0x111: {  	[tilespmem:s8], [sflag:$0x1] =	stream.indirect_vreg.gather [hbm4b:s7+s30], $0x80, v3, vm0, $0xb8;
	[tilespmem:$0x10800] =	vst v63  }
0x112: {  	v3 =	vld [tilespmem:$0x380];
	_ =	sdelay $0x4  }
0x113: {  	v63 =	vshll.u32 v3, $0x3  }
0x114: {  	v3 =	vand.u32 $0x7, v3;
	v4 =	vand.u32 $0xFFFFFFC0, v63  }
0x115: {  	v3 =	vor.u32 v3, v4  }
0x116: {  	v4 =	vperm.xlane v3, v0;
	_ =	sdelay $0x1  }
0x117: {  	v4 =	vadd.s32 v1, v4;
	_ =	sdelay $0x4  }
0x118: {  	[tilespmem:s17], [sflag:$0x1] =	stream.indirect_vreg.gather [hbm4b:s3+s30], $0x80, v4, vm0, $0xb8;
	[tilespmem:$0x10800] =	vst v63  }
0x119: {  	v3 =	vperm.xlane v3, v2  }
0x11a: {  	[tilespmem:s19], [sflag:$0x1] =	stream.indirect_vreg.gather [hbm4b:s5+s30], $0x80, v4, vm0, $0xb8;
	[tilespmem:$0x10800] =	vst v63  }
0x11b: {  	v3 =	vadd.s32 v1, v3  }
0x11c: {  	[tilespmem:s20], [sflag:$0x1] =	stream.indirect_vreg.gather [hbm4b:s6+s30], $0x80, v4, vm0, $0xb8;
	[tilespmem:$0x10800] =	vst v63  }
0x11d: {  	_ = 	snop  }
0x11e: {  	[tilespmem:s21], [sflag:$0x1] =	stream.indirect_vreg.gather [hbm4b:s7+s30], $0x80, v4, vm0, $0xb8;
	[tilespmem:$0x10800] =	vst v63  }
0x11f: {  	_ = 	snop  }
0x120: {  	[tilespmem:s22], [sflag:$0x1] =	stream.indirect_vreg.gather [hbm4b:s3+s30], $0x80, v3, vm0, $0xb8;
	[tilespmem:$0x10800] =	vst v63  }
0x121: {  	_ = 	snop  }
0x122: {  	[tilespmem:s23], [sflag:$0x1] =	stream.indirect_vreg.gather [hbm4b:s5+s30], $0x80, v3, vm0, $0xb8;
	[tilespmem:$0x10800] =	vst v63  }
0x123: {  	_ = 	snop  }
0x124: {  	[tilespmem:s24], [sflag:$0x1] =	stream.indirect_vreg.gather [hbm4b:s6+s30], $0x80, v3, vm0, $0xb8;
	[tilespmem:$0x10800] =	vst v63  }
0x125: {  	s31 =	simm.s32 $0x0  }
0x126: {  	[tilespmem:s25], [sflag:$0x1] =	stream.indirect_vreg.gather [hbm4b:s7+s30], $0x80, v3, vm0, $0xb8;
	[tilespmem:$0x10800] =	vst v63  }
.LBB2_10:
0x127: {  	s0 =	sshll.u32 s31, $0xA;
	s1 =	sshll.u32 s31, $0x7  }
0x128: {  	s0 =	sand.u32 $0x2000, s0;
	s1 =	sand.u32 $0x380, s1  }
0x129: {  	s14 =	sand.u32 $0x40, s30;
	s1 =	sor.u32 s0, s1  }
0x12a: {  	s4 =	sand.u32 $0x1C00, s30;
	s0 =	sor.u32 s14, s1  }
0x12b: {  	s4 =	sor.u32 s4, s0  }
0x12c: {  	v8 =	vld [tilespmem:s4+$0x8830]  }
0x12d: {  	v10 =	vld [tilespmem:s4+$0x8820]  }
0x12e: {  	v7 =	vld [tilespmem:s4+$0x8800]  }
0x12f: {  	v3 =	vld [tilespmem:s4+$0x8810]  }
0x130: {  	s15 =	simm.s32 $0x40;
	v5 =	vld [tilespmem:s4+$0x810]  }
0x131: {  	s11 =	simm.s32 $0x200;
	s0 =	sand.u32 $0x40, s15;
	v9 =	vld [tilespmem:s4+$0x800]  }
0x132: {  	s12 =	sand.u32 $0x1C00, s11;
	s0 =	sor.u32 s0, s1;
	v11 =	vld [tilespmem:s4+$0x830]  }
0x133: {  	v12 =	vld [tilespmem:s4+$0x820];
	s0 =	sor.u32 s12, s0  }
0x134: {  	v6 =	vld [tilespmem:s0+$0x8830]  }
0x135: {  	v4 =	vld [tilespmem:s0+$0x8820];
	v13 =	vadd.f32 v3, v5  }
0x136: {  	v3 =	vld [tilespmem:s0+$0x8800];
	v14 =	vadd.f32 v7, v9  }
0x137: {  	v5 =	vld [tilespmem:s0+$0x8810];
	v9 =	vadd.f32 v8, v11;
	[tilespmem:s4+$0x810] =	vst v13  }
0x138: {  	s13 =	simm.s32 $0x80;
	s12 =	simm.s32 $0x4;
	v8 =	vadd.f32 v10, v12;
	v7 =	vld [tilespmem:s0+$0x810];
	[tilespmem:s4+$0x800] =	vst v14  }
.LBB2_11:
0x139: {  	s14 =	sand.u32 $0x40, s13;
	s12 =	sadd.s32 $0x4, s12;
	v10 =	vld [tilespmem:s0+$0x800];
	s11 =	sadd.s32 $0x200, s11;
	[tilespmem:s4+$0x830] =	vst v9;
	v9 =	vmov v6  }
0x13a: {  	s15 =	sand.u32 $0x1C00, s11;
	s14 =	sor.u32 s14, s1;
	p0 =	slt.u32 s12, $0x3C;
	v11 =	vld [tilespmem:s0+$0x830];
	[tilespmem:s4+$0x820] =	vst v8;
	v8 =	vmov v4  }
0x13b: {  	s4 =	smov.u32 s0;
	v12 =	vld [tilespmem:s0+$0x820];
	s0 =	sor.u32 s15, s14  }
.Ltmp4:
0x13c: {  	v6 =	vld [tilespmem:s0+$0x8830];
	(pc) =	sbr.rel @p0 .LBB2_11-.Ltmp4, $4  }
0x13d: {  	v4 =	vld [tilespmem:s0+$0x8820];
	v7 =	vadd.f32 v5, v7  }
0x13e: {  	v10 =	vadd.f32 v3, v10;
	v3 =	vld [tilespmem:s0+$0x8800]  }
0x13f: {  	v5 =	vld [tilespmem:s0+$0x8810];
	[tilespmem:s4+$0x810] =	vst v7;
	v9 =	vadd.f32 v9, v11  }
0x140: {  	s13 =	sadd.s32 $0x40, s13;
	v7 =	vld [tilespmem:s0+$0x810];
	[tilespmem:s4+$0x800] =	vst v10;
	v8 =	vadd.f32 v8, v12  }
0x141: {  	v10 =	vld [tilespmem:s0+$0x800];
	[tilespmem:s4+$0x830] =	vst v9  }
0x142: {  	v9 =	vld [tilespmem:s0+$0x830];
	[tilespmem:s4+$0x820] =	vst v8  }
0x143: {  	v8 =	vld [tilespmem:s0+$0x820]  }
0x144: {  	s31 =	sadd.s32 $0x1, s31  }
0x145: {  	p0 =	sne.s32 s31, $0x10;
	v5 =	vadd.f32 v5, v7  }
.Ltmp5:
0x146: {  	v3 =	vadd.f32 v3, v10;
	(pc) =	sbr.rel @p0 .LBB2_10-.Ltmp5, $4  }
0x147: {  	[tilespmem:s0+$0x810] =	vst v5;
	v63 =	vadd.f32 v6, v9  }
0x148: {  	[tilespmem:s0+$0x800] =	vst v3;
	v3 =	vadd.f32 v4, v8  }
0x149: {  	[tilespmem:s0+$0x830] =	vst v63  }
0x14a: {  	[tilespmem:s0+$0x820] =	vst v3  }
0x14b: {  	s30 =	simm.s32 $0x0;
	s0 =	rddreg [dreg:$0x6]  }
0x14c: {  	[hbm4b:s0+s30] =	stream.linear.scatter [tilespmem:s18], [sflag:$0x2], $0x4000, $0x38;
	[tilespmem:$0x10800] =	vst v63  }
0x14d: {  	_ =	swait.ge [sflag:s9], $0x4000  }
0x14e: {  	[sflag:s9] =	ssyncset.done $0x0  }
0x14f: {  	[sflag:s9] =	ssyncadd.s32 $0xFFFFC000  }
0x150: {  	_ =	swait.ge [sflag:s9], $0x4000  }
0x151: {  	[sflag:s9] =	ssyncset.done $0x0  }
0x152: {  	[sflag:s9] =	ssyncadd.s32 $0xFFFFC000  }
0x153: {  	_ =	swait.ge [sflag:s26], $0x4000  }
0x154: {  	[sflag:s26] =	ssyncset.done $0x0  }
0x155: {  	[sflag:s26] =	ssyncadd.s32 $0xFFFFC000  }
0x156: {  	v3 =	vld [tilespmem:$0x400];
	_ =	sdelay $0x4  }
0x157: {  	v4 =	vshll.u32 v3, $0x3  }
0x158: {  	v3 =	vand.u32 $0x7, v3;
	v4 =	vand.u32 $0xFFFFFFC0, v4  }
0x159: {  	v3 =	vor.u32 v3, v4  }
0x15a: {  	v4 =	vperm.xlane v3, v0;
	_ =	sdelay $0x1  }
0x15b: {  	v4 =	vadd.s32 v1, v4;
	_ =	sdelay $0x4  }
0x15c: {  	[tilespmem:s18], [sflag:$0x1] =	stream.indirect_vreg.gather [hbm4b:s3+s30], $0x80, v4, vm0, $0xb8;
	[tilespmem:$0x10800] =	vst v63  }
0x15d: {  	s15 =	simm.s32 $0x1000;
	v3 =	vperm.xlane v3, v2  }
0x15e: {  	[tilespmem:s15], [sflag:$0x1] =	stream.indirect_vreg.gather [hbm4b:s5+s30], $0x80, v4, vm0, $0xb8;
	[tilespmem:$0x10800] =	vst v63  }
0x15f: {  	s1 =	simm.s32 $0x1800;
	v3 =	vadd.s32 v1, v3  }
0x160: {  	[tilespmem:s1], [sflag:$0x1] =	stream.indirect_vreg.gather [hbm4b:s6+s30], $0x80, v4, vm0, $0xb8;
	[tilespmem:$0x10800] =	vst v63  }
0x161: {  	s4 =	simm.s32 $0x2000  }
0x162: {  	[tilespmem:s4], [sflag:$0x1] =	stream.indirect_vreg.gather [hbm4b:s7+s30], $0x80, v4, vm0, $0xb8;
	[tilespmem:$0x10800] =	vst v63  }
0x163: {  	s11 =	simm.s32 $0x2800  }
0x164: {  	[tilespmem:s11], [sflag:$0x1] =	stream.indirect_vreg.gather [hbm4b:s3+s30], $0x80, v3, vm0, $0xb8;
	[tilespmem:$0x10800] =	vst v63  }
0x165: {  	s12 =	simm.s32 $0x3000  }
0x166: {  	[tilespmem:s12], [sflag:$0x1] =	stream.indirect_vreg.gather [hbm4b:s5+s30], $0x80, v3, vm0, $0xb8;
	[tilespmem:$0x10800] =	vst v63  }
0x167: {  	s13 =	simm.s32 $0x3800  }
0x168: {  	[tilespmem:s13], [sflag:$0x1] =	stream.indirect_vreg.gather [hbm4b:s6+s30], $0x80, v3, vm0, $0xb8;
	[tilespmem:$0x10800] =	vst v63  }
0x169: {  	s14 =	simm.s32 $0x4000  }
0x16a: {  	[tilespmem:s14], [sflag:$0x1] =	stream.indirect_vreg.gather [hbm4b:s7+s30], $0x80, v3, vm0, $0xb8;
	[tilespmem:$0x10800] =	vst v63  }
0x16b: {  	v3 =	vld [tilespmem:$0x480];
	_ =	sdelay $0x4  }
0x16c: {  	v63 =	vshll.u32 v3, $0x3  }
0x16d: {  	v3 =	vand.u32 $0x7, v3;
	v4 =	vand.u32 $0xFFFFFFC0, v63  }
0x16e: {  	v3 =	vor.u32 v3, v4  }
0x16f: {  	v4 =	vperm.xlane v3, v0;
	_ =	sdelay $0x1  }
0x170: {  	v4 =	vadd.s32 v1, v4;
	_ =	sdelay $0x3  }
0x171: {  	s15 =	simm.s32 $0x8800  }
0x172: {  	[tilespmem:s15], [sflag:$0x1] =	stream.indirect_vreg.gather [hbm4b:s3+s30], $0x80, v4, vm0, $0xb8;
	[tilespmem:$0x10800] =	vst v63  }
0x173: {  	s1 =	simm.s32 $0x9000;
	v3 =	vperm.xlane v3, v2  }
0x174: {  	[tilespmem:s1], [sflag:$0x1] =	stream.indirect_vreg.gather [hbm4b:s5+s30], $0x80, v4, vm0, $0xb8;
	[tilespmem:$0x10800] =	vst v63  }
0x175: {  	s4 =	simm.s32 $0x9800;
	v3 =	vadd.s32 v1, v3  }
0x176: {  	[tilespmem:s4], [sflag:$0x1] =	stream.indirect_vreg.gather [hbm4b:s6+s30], $0x80, v4, vm0, $0xb8;
	[tilespmem:$0x10800] =	vst v63  }
0x177: {  	s11 =	simm.s32 $0xA000  }
0x178: {  	[tilespmem:s11], [sflag:$0x1] =	stream.indirect_vreg.gather [hbm4b:s7+s30], $0x80, v4, vm0, $0xb8;
	[tilespmem:$0x10800] =	vst v63  }
0x179: {  	s12 =	simm.s32 $0xA800  }
0x17a: {  	[tilespmem:s12], [sflag:$0x1] =	stream.indirect_vreg.gather [hbm4b:s3+s30], $0x80, v3, vm0, $0xb8;
	[tilespmem:$0x10800] =	vst v63  }
0x17b: {  	s13 =	simm.s32 $0xB000  }
0x17c: {  	[tilespmem:s13], [sflag:$0x1] =	stream.indirect_vreg.gather [hbm4b:s5+s30], $0x80, v3, vm0, $0xb8;
	[tilespmem:$0x10800] =	vst v63  }
0x17d: {  	s14 =	simm.s32 $0xB800  }
0x17e: {  	[tilespmem:s14], [sflag:$0x1] =	stream.indirect_vreg.gather [hbm4b:s6+s30], $0x80, v3, vm0, $0xb8;
	[tilespmem:$0x10800] =	vst v63  }
0x17f: {  	s31 =	simm.s32 $0x0;
	s15 =	simm.s32 $0xC000  }
0x180: {  	[tilespmem:s15], [sflag:$0x1] =	stream.indirect_vreg.gather [hbm4b:s7+s30], $0x80, v3, vm0, $0xb8;
	[tilespmem:$0x10800] =	vst v63  }
.LBB2_14:
0x181: {  	s0 =	sshll.u32 s31, $0xA;
	s1 =	sshll.u32 s31, $0x7  }
0x182: {  	s0 =	sand.u32 $0x2000, s0;
	s1 =	sand.u32 $0x380, s1  }
0x183: {  	s14 =	sand.u32 $0x40, s30;
	s1 =	sor.u32 s1, s0  }
0x184: {  	s4 =	sand.u32 $0x1C00, s30;
	s0 =	sor.u32 s14, s1  }
0x185: {  	s4 =	sor.u32 s4, s0  }
0x186: {  	v8 =	vld [tilespmem:s4+$0xC830]  }
0x187: {  	v10 =	vld [tilespmem:s4+$0xC820]  }
0x188: {  	v7 =	vld [tilespmem:s4+$0xC800]  }
0x189: {  	v3 =	vld [tilespmem:s4+$0xC810]  }
0x18a: {  	s15 =	simm.s32 $0x40;
	v5 =	vld [tilespmem:s4+$0x4810]  }
0x18b: {  	s11 =	simm.s32 $0x200;
	s0 =	sand.u32 $0x40, s15;
	v9 =	vld [tilespmem:s4+$0x4800]  }
0x18c: {  	s12 =	sand.u32 $0x1C00, s11;
	s0 =	sor.u32 s0, s1;
	v11 =	vld [tilespmem:s4+$0x4830]  }
0x18d: {  	v12 =	vld [tilespmem:s4+$0x4820];
	s0 =	sor.u32 s12, s0  }
0x18e: {  	v6 =	vld [tilespmem:s0+$0xC830]  }
0x18f: {  	v4 =	vld [tilespmem:s0+$0xC820];
	v13 =	vadd.f32 v3, v5  }
0x190: {  	v3 =	vld [tilespmem:s0+$0xC800];
	v14 =	vadd.f32 v7, v9  }
0x191: {  	v5 =	vld [tilespmem:s0+$0xC810];
	v9 =	vadd.f32 v8, v11;
	[tilespmem:s4+$0x4810] =	vst v13  }
0x192: {  	s13 =	simm.s32 $0x80;
	s12 =	simm.s32 $0x4;
	v8 =	vadd.f32 v10, v12;
	v7 =	vld [tilespmem:s0+$0x4810];
	[tilespmem:s4+$0x4800] =	vst v14  }
.LBB2_15:
0x193: {  	s14 =	sand.u32 $0x40, s13;
	s12 =	sadd.s32 $0x4, s12;
	v10 =	vld [tilespmem:s0+$0x4800];
	s11 =	sadd.s32 $0x200, s11;
	[tilespmem:s4+$0x4830] =	vst v9;
	v9 =	vmov v6  }
0x194: {  	s15 =	sand.u32 $0x1C00, s11;
	s14 =	sor.u32 s14, s1;
	p0 =	slt.u32 s12, $0x3C;
	v11 =	vld [tilespmem:s0+$0x4830];
	[tilespmem:s4+$0x4820] =	vst v8;
	v8 =	vmov v4  }
0x195: {  	s4 =	smov.u32 s0;
	v12 =	vld [tilespmem:s0+$0x4820];
	s0 =	sor.u32 s15, s14  }
.Ltmp6:
0x196: {  	v6 =	vld [tilespmem:s0+$0xC830];
	(pc) =	sbr.rel @p0 .LBB2_15-.Ltmp6, $4  }
0x197: {  	v4 =	vld [tilespmem:s0+$0xC820];
	v7 =	vadd.f32 v5, v7  }
0x198: {  	v10 =	vadd.f32 v3, v10;
	v3 =	vld [tilespmem:s0+$0xC800]  }
0x199: {  	v5 =	vld [tilespmem:s0+$0xC810];
	[tilespmem:s4+$0x4810] =	vst v7;
	v9 =	vadd.f32 v9, v11  }
0x19a: {  	s13 =	sadd.s32 $0x40, s13;
	v7 =	vld [tilespmem:s0+$0x4810];
	[tilespmem:s4+$0x4800] =	vst v10;
	v8 =	vadd.f32 v8, v12  }
0x19b: {  	v10 =	vld [tilespmem:s0+$0x4800];
	[tilespmem:s4+$0x4830] =	vst v9  }
0x19c: {  	v9 =	vld [tilespmem:s0+$0x4830];
	[tilespmem:s4+$0x4820] =	vst v8  }
0x19d: {  	v8 =	vld [tilespmem:s0+$0x4820]  }
0x19e: {  	s31 =	sadd.s32 $0x1, s31  }
0x19f: {  	p0 =	sne.s32 s31, $0x10;
	v5 =	vadd.f32 v5, v7  }
.Ltmp7:
0x1a0: {  	v3 =	vadd.f32 v3, v10;
	(pc) =	sbr.rel @p0 .LBB2_14-.Ltmp7, $4  }
0x1a1: {  	[tilespmem:s0+$0x4810] =	vst v5;
	v63 =	vadd.f32 v6, v9  }
0x1a2: {  	[tilespmem:s0+$0x4800] =	vst v3;
	v3 =	vadd.f32 v4, v8  }
0x1a3: {  	[tilespmem:s0+$0x4830] =	vst v63  }
0x1a4: {  	[tilespmem:s0+$0x4820] =	vst v3  }
0x1a5: {  	s30 =	simm.s32 $0x0;
	s0 =	rddreg [dreg:$0x7]  }
0x1a6: {  	[hbm4b:s0+s30] =	stream.linear.scatter [tilespmem:s10], [sflag:$0x3], $0x4000, $0x38;
	[tilespmem:$0x10800] =	vst v63  }
0x1a7: {  	_ =	swait.ge [sflag:s9], $0x4000  }
0x1a8: {  	[sflag:s9] =	ssyncset.done $0x0  }
0x1a9: {  	[sflag:s9] =	ssyncadd.s32 $0xFFFFC000  }
0x1aa: {  	_ =	swait.ge [sflag:s9], $0x4000  }
0x1ab: {  	[sflag:s9] =	ssyncset.done $0x0  }
0x1ac: {  	[sflag:s9] =	ssyncadd.s32 $0xFFFFC000  }
0x1ad: {  	_ =	swait.ge [sflag:s28], $0x4000  }
0x1ae: {  	[sflag:s28] =	ssyncset.done $0x0  }
0x1af: {  	[sflag:s28] =	ssyncadd.s32 $0xFFFFC000  }
0x1b0: {  	v3 =	vld [tilespmem:$0x500];
	_ =	sdelay $0x4  }
0x1b1: {  	v4 =	vshll.u32 v3, $0x3  }
0x1b2: {  	v3 =	vand.u32 $0x7, v3;
	v4 =	vand.u32 $0xFFFFFFC0, v4  }
0x1b3: {  	v3 =	vor.u32 v3, v4  }
0x1b4: {  	v4 =	vperm.xlane v3, v0;
	_ =	sdelay $0x1  }
0x1b5: {  	v4 =	vadd.s32 v1, v4;
	_ =	sdelay $0x4  }
0x1b6: {  	[tilespmem:s10], [sflag:$0x1] =	stream.indirect_vreg.gather [hbm4b:s3+s30], $0x80, v4, vm0, $0xb8;
	[tilespmem:$0x10800] =	vst v63  }
0x1b7: {  	s11 =	simm.s32 $0x5000;
	v3 =	vperm.xlane v3, v2  }
0x1b8: {  	[tilespmem:s11], [sflag:$0x1] =	stream.indirect_vreg.gather [hbm4b:s5+s30], $0x80, v4, vm0, $0xb8;
	[tilespmem:$0x10800] =	vst v63  }
0x1b9: {  	s12 =	simm.s32 $0x5800;
	v3 =	vadd.s32 v1, v3  }
0x1ba: {  	[tilespmem:s12], [sflag:$0x1] =	stream.indirect_vreg.gather [hbm4b:s6+s30], $0x80, v4, vm0, $0xb8;
	[tilespmem:$0x10800] =	vst v63  }
0x1bb: {  	s13 =	simm.s32 $0x6000  }
0x1bc: {  	[tilespmem:s13], [sflag:$0x1] =	stream.indirect_vreg.gather [hbm4b:s7+s30], $0x80, v4, vm0, $0xb8;
	[tilespmem:$0x10800] =	vst v63  }
0x1bd: {  	s14 =	simm.s32 $0x6800  }
0x1be: {  	[tilespmem:s14], [sflag:$0x1] =	stream.indirect_vreg.gather [hbm4b:s3+s30], $0x80, v3, vm0, $0xb8;
	[tilespmem:$0x10800] =	vst v63  }
0x1bf: {  	s15 =	simm.s32 $0x7000  }
0x1c0: {  	[tilespmem:s15], [sflag:$0x1] =	stream.indirect_vreg.gather [hbm4b:s5+s30], $0x80, v3, vm0, $0xb8;
	[tilespmem:$0x10800] =	vst v63  }
0x1c1: {  	_ = 	snop  }
0x1c2: {  	[tilespmem:s16], [sflag:$0x1] =	stream.indirect_vreg.gather [hbm4b:s6+s30], $0x80, v3, vm0, $0xb8;
	[tilespmem:$0x10800] =	vst v63  }
0x1c3: {  	_ = 	snop  }
0x1c4: {  	[tilespmem:s8], [sflag:$0x1] =	stream.indirect_vreg.gather [hbm4b:s7+s30], $0x80, v3, vm0, $0xb8;
	[tilespmem:$0x10800] =	vst v63  }
0x1c5: {  	v3 =	vld [tilespmem:$0x580];
	_ =	sdelay $0x4  }
0x1c6: {  	v63 =	vshll.u32 v3, $0x3  }
0x1c7: {  	v3 =	vand.u32 $0x7, v3;
	v4 =	vand.u32 $0xFFFFFFC0, v63  }
0x1c8: {  	v3 =	vor.u32 v3, v4  }
0x1c9: {  	v4 =	vperm.xlane v3, v0;
	_ =	sdelay $0x1  }
0x1ca: {  	v4 =	vadd.s32 v1, v4;
	_ =	sdelay $0x4  }
0x1cb: {  	[tilespmem:s17], [sflag:$0x1] =	stream.indirect_vreg.gather [hbm4b:s3+s30], $0x80, v4, vm0, $0xb8;
	[tilespmem:$0x10800] =	vst v63  }
0x1cc: {  	v3 =	vperm.xlane v3, v2  }
0x1cd: {  	[tilespmem:s19], [sflag:$0x1] =	stream.indirect_vreg.gather [hbm4b:s5+s30], $0x80, v4, vm0, $0xb8;
	[tilespmem:$0x10800] =	vst v63  }
0x1ce: {  	v3 =	vadd.s32 v1, v3  }
0x1cf: {  	[tilespmem:s20], [sflag:$0x1] =	stream.indirect_vreg.gather [hbm4b:s6+s30], $0x80, v4, vm0, $0xb8;
	[tilespmem:$0x10800] =	vst v63  }
0x1d0: {  	_ = 	snop  }
0x1d1: {  	[tilespmem:s21], [sflag:$0x1] =	stream.indirect_vreg.gather [hbm4b:s7+s30], $0x80, v4, vm0, $0xb8;
	[tilespmem:$0x10800] =	vst v63  }
0x1d2: {  	_ = 	snop  }
0x1d3: {  	[tilespmem:s22], [sflag:$0x1] =	stream.indirect_vreg.gather [hbm4b:s3+s30], $0x80, v3, vm0, $0xb8;
	[tilespmem:$0x10800] =	vst v63  }
0x1d4: {  	_ = 	snop  }
0x1d5: {  	[tilespmem:s23], [sflag:$0x1] =	stream.indirect_vreg.gather [hbm4b:s5+s30], $0x80, v3, vm0, $0xb8;
	[tilespmem:$0x10800] =	vst v63  }
0x1d6: {  	_ = 	snop  }
0x1d7: {  	[tilespmem:s24], [sflag:$0x1] =	stream.indirect_vreg.gather [hbm4b:s6+s30], $0x80, v3, vm0, $0xb8;
	[tilespmem:$0x10800] =	vst v63  }
0x1d8: {  	s31 =	simm.s32 $0x0  }
0x1d9: {  	[tilespmem:s25], [sflag:$0x1] =	stream.indirect_vreg.gather [hbm4b:s7+s30], $0x80, v3, vm0, $0xb8;
	[tilespmem:$0x10800] =	vst v63  }
.LBB2_18:
0x1da: {  	s0 =	sshll.u32 s31, $0xA;
	s1 =	sshll.u32 s31, $0x7  }
0x1db: {  	s0 =	sand.u32 $0x2000, s0;
	s1 =	sand.u32 $0x380, s1  }
0x1dc: {  	s14 =	sand.u32 $0x40, s30;
	s1 =	sor.u32 s0, s1  }
0x1dd: {  	s4 =	sand.u32 $0x1C00, s30;
	s0 =	sor.u32 s14, s1  }
0x1de: {  	s4 =	sor.u32 s4, s0  }
0x1df: {  	v8 =	vld [tilespmem:s4+$0x8830]  }
0x1e0: {  	v10 =	vld [tilespmem:s4+$0x8820]  }
0x1e1: {  	v7 =	vld [tilespmem:s4+$0x8800]  }
0x1e2: {  	v3 =	vld [tilespmem:s4+$0x8810]  }
0x1e3: {  	s15 =	simm.s32 $0x40;
	v5 =	vld [tilespmem:s4+$0x810]  }
0x1e4: {  	s11 =	simm.s32 $0x200;
	s0 =	sand.u32 $0x40, s15;
	v9 =	vld [tilespmem:s4+$0x800]  }
0x1e5: {  	s12 =	sand.u32 $0x1C00, s11;
	s0 =	sor.u32 s0, s1;
	v11 =	vld [tilespmem:s4+$0x830]  }
0x1e6: {  	v12 =	vld [tilespmem:s4+$0x820];
	s0 =	sor.u32 s12, s0  }
0x1e7: {  	v6 =	vld [tilespmem:s0+$0x8830]  }
0x1e8: {  	v4 =	vld [tilespmem:s0+$0x8820];
	v13 =	vadd.f32 v3, v5  }
0x1e9: {  	v3 =	vld [tilespmem:s0+$0x8800];
	v14 =	vadd.f32 v7, v9  }
0x1ea: {  	v5 =	vld [tilespmem:s0+$0x8810];
	v9 =	vadd.f32 v8, v11;
	[tilespmem:s4+$0x810] =	vst v13  }
0x1eb: {  	s13 =	simm.s32 $0x80;
	s12 =	simm.s32 $0x4;
	v8 =	vadd.f32 v10, v12;
	v7 =	vld [tilespmem:s0+$0x810];
	[tilespmem:s4+$0x800] =	vst v14  }
.LBB2_19:
0x1ec: {  	s14 =	sand.u32 $0x40, s13;
	s12 =	sadd.s32 $0x4, s12;
	v10 =	vld [tilespmem:s0+$0x800];
	s11 =	sadd.s32 $0x200, s11;
	[tilespmem:s4+$0x830] =	vst v9;
	v9 =	vmov v6  }
0x1ed: {  	s15 =	sand.u32 $0x1C00, s11;
	s14 =	sor.u32 s14, s1;
	p0 =	slt.u32 s12, $0x3C;
	v11 =	vld [tilespmem:s0+$0x830];
	[tilespmem:s4+$0x820] =	vst v8;
	v8 =	vmov v4  }
0x1ee: {  	s4 =	smov.u32 s0;
	v12 =	vld [tilespmem:s0+$0x820];
	s0 =	sor.u32 s15, s14  }
.Ltmp8:
0x1ef: {  	v6 =	vld [tilespmem:s0+$0x8830];
	(pc) =	sbr.rel @p0 .LBB2_19-.Ltmp8, $4  }
0x1f0: {  	v4 =	vld [tilespmem:s0+$0x8820];
	v7 =	vadd.f32 v5, v7  }
0x1f1: {  	v10 =	vadd.f32 v3, v10;
	v3 =	vld [tilespmem:s0+$0x8800]  }
0x1f2: {  	v5 =	vld [tilespmem:s0+$0x8810];
	[tilespmem:s4+$0x810] =	vst v7;
	v9 =	vadd.f32 v9, v11  }
0x1f3: {  	s13 =	sadd.s32 $0x40, s13;
	v7 =	vld [tilespmem:s0+$0x810];
	[tilespmem:s4+$0x800] =	vst v10;
	v8 =	vadd.f32 v8, v12  }
0x1f4: {  	v10 =	vld [tilespmem:s0+$0x800];
	[tilespmem:s4+$0x830] =	vst v9  }
0x1f5: {  	v9 =	vld [tilespmem:s0+$0x830];
	[tilespmem:s4+$0x820] =	vst v8  }
0x1f6: {  	v8 =	vld [tilespmem:s0+$0x820]  }
0x1f7: {  	s31 =	sadd.s32 $0x1, s31  }
0x1f8: {  	p0 =	sne.s32 s31, $0x10;
	v5 =	vadd.f32 v5, v7  }
.Ltmp9:
0x1f9: {  	v3 =	vadd.f32 v3, v10;
	(pc) =	sbr.rel @p0 .LBB2_18-.Ltmp9, $4  }
0x1fa: {  	[tilespmem:s0+$0x810] =	vst v5;
	v63 =	vadd.f32 v6, v9  }
0x1fb: {  	[tilespmem:s0+$0x800] =	vst v3;
	v3 =	vadd.f32 v4, v8  }
0x1fc: {  	[tilespmem:s0+$0x830] =	vst v63  }
0x1fd: {  	[tilespmem:s0+$0x820] =	vst v3  }
0x1fe: {  	s30 =	simm.s32 $0x0;
	s0 =	rddreg [dreg:$0x8]  }
0x1ff: {  	[hbm4b:s0+s30] =	stream.linear.scatter [tilespmem:s18], [sflag:$0x2], $0x4000, $0x38;
	[tilespmem:$0x10800] =	vst v63  }
0x200: {  	_ =	swait.ge [sflag:s9], $0x4000  }
0x201: {  	[sflag:s9] =	ssyncset.done $0x0  }
0x202: {  	[sflag:s9] =	ssyncadd.s32 $0xFFFFC000  }
0x203: {  	_ =	swait.ge [sflag:s9], $0x4000  }
0x204: {  	[sflag:s9] =	ssyncset.done $0x0  }
0x205: {  	[sflag:s9] =	ssyncadd.s32 $0xFFFFC000  }
0x206: {  	_ =	swait.ge [sflag:s26], $0x4000  }
0x207: {  	[sflag:s26] =	ssyncset.done $0x0  }
0x208: {  	[sflag:s26] =	ssyncadd.s32 $0xFFFFC000  }
0x209: {  	v3 =	vld [tilespmem:$0x600];
	_ =	sdelay $0x4  }
0x20a: {  	v4 =	vshll.u32 v3, $0x3  }
0x20b: {  	v3 =	vand.u32 $0x7, v3;
	v4 =	vand.u32 $0xFFFFFFC0, v4  }
0x20c: {  	v3 =	vor.u32 v3, v4  }
0x20d: {  	v4 =	vperm.xlane v3, v0;
	_ =	sdelay $0x1  }
0x20e: {  	v4 =	vadd.s32 v1, v4;
	_ =	sdelay $0x4  }
0x20f: {  	[tilespmem:s18], [sflag:$0x1] =	stream.indirect_vreg.gather [hbm4b:s3+s30], $0x80, v4, vm0, $0xb8;
	[tilespmem:$0x10800] =	vst v63  }
0x210: {  	s15 =	simm.s32 $0x1000;
	v3 =	vperm.xlane v3, v2  }
0x211: {  	[tilespmem:s15], [sflag:$0x1] =	stream.indirect_vreg.gather [hbm4b:s5+s30], $0x80, v4, vm0, $0xb8;
	[tilespmem:$0x10800] =	vst v63  }
0x212: {  	s1 =	simm.s32 $0x1800;
	v3 =	vadd.s32 v1, v3  }
0x213: {  	[tilespmem:s1], [sflag:$0x1] =	stream.indirect_vreg.gather [hbm4b:s6+s30], $0x80, v4, vm0, $0xb8;
	[tilespmem:$0x10800] =	vst v63  }
0x214: {  	s4 =	simm.s32 $0x2000  }
0x215: {  	[tilespmem:s4], [sflag:$0x1] =	stream.indirect_vreg.gather [hbm4b:s7+s30], $0x80, v4, vm0, $0xb8;
	[tilespmem:$0x10800] =	vst v63  }
0x216: {  	s11 =	simm.s32 $0x2800  }
0x217: {  	[tilespmem:s11], [sflag:$0x1] =	stream.indirect_vreg.gather [hbm4b:s3+s30], $0x80, v3, vm0, $0xb8;
	[tilespmem:$0x10800] =	vst v63  }
0x218: {  	s12 =	simm.s32 $0x3000  }
0x219: {  	[tilespmem:s12], [sflag:$0x1] =	stream.indirect_vreg.gather [hbm4b:s5+s30], $0x80, v3, vm0, $0xb8;
	[tilespmem:$0x10800] =	vst v63  }
0x21a: {  	s13 =	simm.s32 $0x3800  }
0x21b: {  	[tilespmem:s13], [sflag:$0x1] =	stream.indirect_vreg.gather [hbm4b:s6+s30], $0x80, v3, vm0, $0xb8;
	[tilespmem:$0x10800] =	vst v63  }
0x21c: {  	s14 =	simm.s32 $0x4000  }
0x21d: {  	[tilespmem:s14], [sflag:$0x1] =	stream.indirect_vreg.gather [hbm4b:s7+s30], $0x80, v3, vm0, $0xb8;
	[tilespmem:$0x10800] =	vst v63  }
0x21e: {  	v3 =	vld [tilespmem:$0x680];
	_ =	sdelay $0x4  }
0x21f: {  	v63 =	vshll.u32 v3, $0x3  }
0x220: {  	v3 =	vand.u32 $0x7, v3;
	v4 =	vand.u32 $0xFFFFFFC0, v63  }
0x221: {  	v3 =	vor.u32 v3, v4  }
0x222: {  	v4 =	vperm.xlane v3, v0;
	_ =	sdelay $0x1  }
0x223: {  	v4 =	vadd.s32 v1, v4;
	_ =	sdelay $0x3  }
0x224: {  	s15 =	simm.s32 $0x8800  }
0x225: {  	[tilespmem:s15], [sflag:$0x1] =	stream.indirect_vreg.gather [hbm4b:s3+s30], $0x80, v4, vm0, $0xb8;
	[tilespmem:$0x10800] =	vst v63  }
0x226: {  	s1 =	simm.s32 $0x9000;
	v3 =	vperm.xlane v3, v2  }
0x227: {  	[tilespmem:s1], [sflag:$0x1] =	stream.indirect_vreg.gather [hbm4b:s5+s30], $0x80, v4, vm0, $0xb8;
	[tilespmem:$0x10800] =	vst v63  }
0x228: {  	s4 =	simm.s32 $0x9800;
	v3 =	vadd.s32 v1, v3  }
0x229: {  	[tilespmem:s4], [sflag:$0x1] =	stream.indirect_vreg.gather [hbm4b:s6+s30], $0x80, v4, vm0, $0xb8;
	[tilespmem:$0x10800] =	vst v63  }
0x22a: {  	s11 =	simm.s32 $0xA000  }
0x22b: {  	[tilespmem:s11], [sflag:$0x1] =	stream.indirect_vreg.gather [hbm4b:s7+s30], $0x80, v4, vm0, $0xb8;
	[tilespmem:$0x10800] =	vst v63  }
0x22c: {  	s12 =	simm.s32 $0xA800  }
0x22d: {  	[tilespmem:s12], [sflag:$0x1] =	stream.indirect_vreg.gather [hbm4b:s3+s30], $0x80, v3, vm0, $0xb8;
	[tilespmem:$0x10800] =	vst v63  }
0x22e: {  	s13 =	simm.s32 $0xB000  }
0x22f: {  	[tilespmem:s13], [sflag:$0x1] =	stream.indirect_vreg.gather [hbm4b:s5+s30], $0x80, v3, vm0, $0xb8;
	[tilespmem:$0x10800] =	vst v63  }
0x230: {  	s14 =	simm.s32 $0xB800  }
0x231: {  	[tilespmem:s14], [sflag:$0x1] =	stream.indirect_vreg.gather [hbm4b:s6+s30], $0x80, v3, vm0, $0xb8;
	[tilespmem:$0x10800] =	vst v63  }
0x232: {  	s31 =	simm.s32 $0x0;
	s15 =	simm.s32 $0xC000  }
0x233: {  	[tilespmem:s15], [sflag:$0x1] =	stream.indirect_vreg.gather [hbm4b:s7+s30], $0x80, v3, vm0, $0xb8;
	[tilespmem:$0x10800] =	vst v63  }
.LBB2_22:
0x234: {  	s0 =	sshll.u32 s31, $0xA;
	s1 =	sshll.u32 s31, $0x7  }
0x235: {  	s0 =	sand.u32 $0x2000, s0;
	s1 =	sand.u32 $0x380, s1  }
0x236: {  	s14 =	sand.u32 $0x40, s30;
	s1 =	sor.u32 s1, s0  }
0x237: {  	s4 =	sand.u32 $0x1C00, s30;
	s0 =	sor.u32 s14, s1  }
0x238: {  	s4 =	sor.u32 s4, s0  }
0x239: {  	v8 =	vld [tilespmem:s4+$0xC830]  }
0x23a: {  	v10 =	vld [tilespmem:s4+$0xC820]  }
0x23b: {  	v7 =	vld [tilespmem:s4+$0xC800]  }
0x23c: {  	v3 =	vld [tilespmem:s4+$0xC810]  }
0x23d: {  	s15 =	simm.s32 $0x40;
	v5 =	vld [tilespmem:s4+$0x4810]  }
0x23e: {  	s11 =	simm.s32 $0x200;
	s0 =	sand.u32 $0x40, s15;
	v9 =	vld [tilespmem:s4+$0x4800]  }
0x23f: {  	s12 =	sand.u32 $0x1C00, s11;
	s0 =	sor.u32 s0, s1;
	v11 =	vld [tilespmem:s4+$0x4830]  }
0x240: {  	v12 =	vld [tilespmem:s4+$0x4820];
	s0 =	sor.u32 s12, s0  }
0x241: {  	v6 =	vld [tilespmem:s0+$0xC830]  }
0x242: {  	v4 =	vld [tilespmem:s0+$0xC820];
	v13 =	vadd.f32 v3, v5  }
0x243: {  	v3 =	vld [tilespmem:s0+$0xC800];
	v14 =	vadd.f32 v7, v9  }
0x244: {  	v5 =	vld [tilespmem:s0+$0xC810];
	v9 =	vadd.f32 v8, v11;
	[tilespmem:s4+$0x4810] =	vst v13  }
0x245: {  	s13 =	simm.s32 $0x80;
	s12 =	simm.s32 $0x4;
	v8 =	vadd.f32 v10, v12;
	v7 =	vld [tilespmem:s0+$0x4810];
	[tilespmem:s4+$0x4800] =	vst v14  }
.LBB2_23:
0x246: {  	s14 =	sand.u32 $0x40, s13;
	s12 =	sadd.s32 $0x4, s12;
	v10 =	vld [tilespmem:s0+$0x4800];
	s11 =	sadd.s32 $0x200, s11;
	[tilespmem:s4+$0x4830] =	vst v9;
	v9 =	vmov v6  }
0x247: {  	s15 =	sand.u32 $0x1C00, s11;
	s14 =	sor.u32 s14, s1;
	p0 =	slt.u32 s12, $0x3C;
	v11 =	vld [tilespmem:s0+$0x4830];
	[tilespmem:s4+$0x4820] =	vst v8;
	v8 =	vmov v4  }
0x248: {  	s4 =	smov.u32 s0;
	v12 =	vld [tilespmem:s0+$0x4820];
	s0 =	sor.u32 s15, s14  }
.Ltmp10:
0x249: {  	v6 =	vld [tilespmem:s0+$0xC830];
	(pc) =	sbr.rel @p0 .LBB2_23-.Ltmp10, $4  }
0x24a: {  	v4 =	vld [tilespmem:s0+$0xC820];
	v7 =	vadd.f32 v5, v7  }
0x24b: {  	v10 =	vadd.f32 v3, v10;
	v3 =	vld [tilespmem:s0+$0xC800]  }
0x24c: {  	v5 =	vld [tilespmem:s0+$0xC810];
	[tilespmem:s4+$0x4810] =	vst v7;
	v9 =	vadd.f32 v9, v11  }
0x24d: {  	s13 =	sadd.s32 $0x40, s13;
	v7 =	vld [tilespmem:s0+$0x4810];
	[tilespmem:s4+$0x4800] =	vst v10;
	v8 =	vadd.f32 v8, v12  }
0x24e: {  	v10 =	vld [tilespmem:s0+$0x4800];
	[tilespmem:s4+$0x4830] =	vst v9  }
0x24f: {  	v9 =	vld [tilespmem:s0+$0x4830];
	[tilespmem:s4+$0x4820] =	vst v8  }
0x250: {  	v8 =	vld [tilespmem:s0+$0x4820]  }
0x251: {  	s31 =	sadd.s32 $0x1, s31  }
0x252: {  	p0 =	sne.s32 s31, $0x10;
	v5 =	vadd.f32 v5, v7  }
.Ltmp11:
0x253: {  	v3 =	vadd.f32 v3, v10;
	(pc) =	sbr.rel @p0 .LBB2_22-.Ltmp11, $4  }
0x254: {  	[tilespmem:s0+$0x4810] =	vst v5;
	v63 =	vadd.f32 v6, v9  }
0x255: {  	[tilespmem:s0+$0x4800] =	vst v3;
	v3 =	vadd.f32 v4, v8  }
0x256: {  	[tilespmem:s0+$0x4830] =	vst v63  }
0x257: {  	[tilespmem:s0+$0x4820] =	vst v3  }
0x258: {  	s30 =	simm.s32 $0x0;
	s0 =	rddreg [dreg:$0x9]  }
0x259: {  	[hbm4b:s0+s30] =	stream.linear.scatter [tilespmem:s10], [sflag:$0x3], $0x4000, $0x38;
	[tilespmem:$0x10800] =	vst v63  }
0x25a: {  	_ =	swait.ge [sflag:s9], $0x4000  }
0x25b: {  	[sflag:s9] =	ssyncset.done $0x0  }
0x25c: {  	[sflag:s9] =	ssyncadd.s32 $0xFFFFC000  }
0x25d: {  	_ =	swait.ge [sflag:s9], $0x4000  }
0x25e: {  	[sflag:s9] =	ssyncset.done $0x0  }
0x25f: {  	[sflag:s9] =	ssyncadd.s32 $0xFFFFC000  }
0x260: {  	_ =	swait.ge [sflag:s28], $0x4000  }
0x261: {  	[sflag:s28] =	ssyncset.done $0x0  }
0x262: {  	[sflag:s28] =	ssyncadd.s32 $0xFFFFC000  }
0x263: {  	v3 =	vld [tilespmem:$0x700];
	_ =	sdelay $0x4  }
0x264: {  	v4 =	vshll.u32 v3, $0x3  }
0x265: {  	v3 =	vand.u32 $0x7, v3;
	v4 =	vand.u32 $0xFFFFFFC0, v4  }
0x266: {  	v3 =	vor.u32 v3, v4  }
0x267: {  	v4 =	vperm.xlane v3, v0;
	_ =	sdelay $0x1  }
0x268: {  	v4 =	vadd.s32 v1, v4;
	_ =	sdelay $0x4  }
0x269: {  	[tilespmem:s10], [sflag:$0x1] =	stream.indirect_vreg.gather [hbm4b:s3+s30], $0x80, v4, vm0, $0xb8;
	[tilespmem:$0x10800] =	vst v63  }
0x26a: {  	s11 =	simm.s32 $0x5000;
	v3 =	vperm.xlane v3, v2  }
0x26b: {  	[tilespmem:s11], [sflag:$0x1] =	stream.indirect_vreg.gather [hbm4b:s5+s30], $0x80, v4, vm0, $0xb8;
	[tilespmem:$0x10800] =	vst v63  }
0x26c: {  	s12 =	simm.s32 $0x5800;
	v3 =	vadd.s32 v1, v3  }
0x26d: {  	[tilespmem:s12], [sflag:$0x1] =	stream.indirect_vreg.gather [hbm4b:s6+s30], $0x80, v4, vm0, $0xb8;
	[tilespmem:$0x10800] =	vst v63  }
0x26e: {  	s13 =	simm.s32 $0x6000  }
0x26f: {  	[tilespmem:s13], [sflag:$0x1] =	stream.indirect_vreg.gather [hbm4b:s7+s30], $0x80, v4, vm0, $0xb8;
	[tilespmem:$0x10800] =	vst v63  }
0x270: {  	s14 =	simm.s32 $0x6800  }
0x271: {  	[tilespmem:s14], [sflag:$0x1] =	stream.indirect_vreg.gather [hbm4b:s3+s30], $0x80, v3, vm0, $0xb8;
	[tilespmem:$0x10800] =	vst v63  }
0x272: {  	s15 =	simm.s32 $0x7000  }
0x273: {  	[tilespmem:s15], [sflag:$0x1] =	stream.indirect_vreg.gather [hbm4b:s5+s30], $0x80, v3, vm0, $0xb8;
	[tilespmem:$0x10800] =	vst v63  }
0x274: {  	_ = 	snop  }
0x275: {  	[tilespmem:s16], [sflag:$0x1] =	stream.indirect_vreg.gather [hbm4b:s6+s30], $0x80, v3, vm0, $0xb8;
	[tilespmem:$0x10800] =	vst v63  }
0x276: {  	_ = 	snop  }
0x277: {  	[tilespmem:s8], [sflag:$0x1] =	stream.indirect_vreg.gather [hbm4b:s7+s30], $0x80, v3, vm0, $0xb8;
	[tilespmem:$0x10800] =	vst v63  }
0x278: {  	v3 =	vld [tilespmem:$0x780];
	_ =	sdelay $0x4  }
0x279: {  	v63 =	vshll.u32 v3, $0x3  }
0x27a: {  	v3 =	vand.u32 $0x7, v3;
	v4 =	vand.u32 $0xFFFFFFC0, v63  }
0x27b: {  	v3 =	vor.u32 v3, v4  }
0x27c: {  	v4 =	vperm.xlane v3, v0;
	_ =	sdelay $0x1  }
0x27d: {  	v4 =	vadd.s32 v1, v4;
	_ =	sdelay $0x4  }
0x27e: {  	[tilespmem:s17], [sflag:$0x1] =	stream.indirect_vreg.gather [hbm4b:s3+s30], $0x80, v4, vm0, $0xb8;
	[tilespmem:$0x10800] =	vst v63  }
0x27f: {  	v3 =	vperm.xlane v3, v2  }
0x280: {  	[tilespmem:s19], [sflag:$0x1] =	stream.indirect_vreg.gather [hbm4b:s5+s30], $0x80, v4, vm0, $0xb8;
	[tilespmem:$0x10800] =	vst v63  }
0x281: {  	v3 =	vadd.s32 v1, v3  }
0x282: {  	[tilespmem:s20], [sflag:$0x1] =	stream.indirect_vreg.gather [hbm4b:s6+s30], $0x80, v4, vm0, $0xb8;
	[tilespmem:$0x10800] =	vst v63  }
0x283: {  	_ = 	snop  }
0x284: {  	[tilespmem:s21], [sflag:$0x1] =	stream.indirect_vreg.gather [hbm4b:s7+s30], $0x80, v4, vm0, $0xb8;
	[tilespmem:$0x10800] =	vst v63  }
0x285: {  	_ = 	snop  }
0x286: {  	[tilespmem:s22], [sflag:$0x1] =	stream.indirect_vreg.gather [hbm4b:s3+s30], $0x80, v3, vm0, $0xb8;
	[tilespmem:$0x10800] =	vst v63  }
0x287: {  	_ = 	snop  }
0x288: {  	[tilespmem:s23], [sflag:$0x1] =	stream.indirect_vreg.gather [hbm4b:s5+s30], $0x80, v3, vm0, $0xb8;
	[tilespmem:$0x10800] =	vst v63  }
0x289: {  	_ = 	snop  }
0x28a: {  	[tilespmem:s24], [sflag:$0x1] =	stream.indirect_vreg.gather [hbm4b:s6+s30], $0x80, v3, vm0, $0xb8;
	[tilespmem:$0x10800] =	vst v63  }
0x28b: {  	s31 =	simm.s32 $0x0  }
0x28c: {  	[tilespmem:s25], [sflag:$0x1] =	stream.indirect_vreg.gather [hbm4b:s7+s30], $0x80, v3, vm0, $0xb8;
	[tilespmem:$0x10800] =	vst v63  }
.LBB2_26:
0x28d: {  	s0 =	sshll.u32 s31, $0xA;
	s1 =	sshll.u32 s31, $0x7  }
0x28e: {  	s0 =	sand.u32 $0x2000, s0;
	s1 =	sand.u32 $0x380, s1  }
0x28f: {  	s14 =	sand.u32 $0x40, s30;
	s1 =	sor.u32 s0, s1  }
0x290: {  	s4 =	sand.u32 $0x1C00, s30;
	s0 =	sor.u32 s14, s1  }
0x291: {  	s4 =	sor.u32 s4, s0  }
0x292: {  	v8 =	vld [tilespmem:s4+$0x8830]  }
0x293: {  	v10 =	vld [tilespmem:s4+$0x8820]  }
0x294: {  	v7 =	vld [tilespmem:s4+$0x8800]  }
0x295: {  	v3 =	vld [tilespmem:s4+$0x8810]  }
0x296: {  	s15 =	simm.s32 $0x40;
	v5 =	vld [tilespmem:s4+$0x810]  }
0x297: {  	s11 =	simm.s32 $0x200;
	s0 =	sand.u32 $0x40, s15;
	v9 =	vld [tilespmem:s4+$0x800]  }
0x298: {  	s12 =	sand.u32 $0x1C00, s11;
	s0 =	sor.u32 s0, s1;
	v11 =	vld [tilespmem:s4+$0x830]  }
0x299: {  	v12 =	vld [tilespmem:s4+$0x820];
	s0 =	sor.u32 s12, s0  }
0x29a: {  	v6 =	vld [tilespmem:s0+$0x8830]  }
0x29b: {  	v4 =	vld [tilespmem:s0+$0x8820];
	v13 =	vadd.f32 v3, v5  }
0x29c: {  	v3 =	vld [tilespmem:s0+$0x8800];
	v14 =	vadd.f32 v7, v9  }
0x29d: {  	v5 =	vld [tilespmem:s0+$0x8810];
	v9 =	vadd.f32 v8, v11;
	[tilespmem:s4+$0x810] =	vst v13  }
0x29e: {  	s13 =	simm.s32 $0x80;
	s12 =	simm.s32 $0x4;
	v8 =	vadd.f32 v10, v12;
	v7 =	vld [tilespmem:s0+$0x810];
	[tilespmem:s4+$0x800] =	vst v14  }
.LBB2_27:
0x29f: {  	s14 =	sand.u32 $0x40, s13;
	s12 =	sadd.s32 $0x4, s12;
	v10 =	vld [tilespmem:s0+$0x800];
	s11 =	sadd.s32 $0x200, s11;
	[tilespmem:s4+$0x830] =	vst v9;
	v9 =	vmov v6  }
0x2a0: {  	s15 =	sand.u32 $0x1C00, s11;
	s14 =	sor.u32 s14, s1;
	p0 =	slt.u32 s12, $0x3C;
	v11 =	vld [tilespmem:s0+$0x830];
	[tilespmem:s4+$0x820] =	vst v8;
	v8 =	vmov v4  }
0x2a1: {  	s4 =	smov.u32 s0;
	v12 =	vld [tilespmem:s0+$0x820];
	s0 =	sor.u32 s15, s14  }
.Ltmp12:
0x2a2: {  	v6 =	vld [tilespmem:s0+$0x8830];
	(pc) =	sbr.rel @p0 .LBB2_27-.Ltmp12, $4  }
0x2a3: {  	v4 =	vld [tilespmem:s0+$0x8820];
	v7 =	vadd.f32 v5, v7  }
0x2a4: {  	v10 =	vadd.f32 v3, v10;
	v3 =	vld [tilespmem:s0+$0x8800]  }
0x2a5: {  	v5 =	vld [tilespmem:s0+$0x8810];
	[tilespmem:s4+$0x810] =	vst v7;
	v9 =	vadd.f32 v9, v11  }
0x2a6: {  	s13 =	sadd.s32 $0x40, s13;
	v7 =	vld [tilespmem:s0+$0x810];
	[tilespmem:s4+$0x800] =	vst v10;
	v8 =	vadd.f32 v8, v12  }
0x2a7: {  	v10 =	vld [tilespmem:s0+$0x800];
	[tilespmem:s4+$0x830] =	vst v9  }
0x2a8: {  	v9 =	vld [tilespmem:s0+$0x830];
	[tilespmem:s4+$0x820] =	vst v8  }
0x2a9: {  	v8 =	vld [tilespmem:s0+$0x820]  }
0x2aa: {  	s31 =	sadd.s32 $0x1, s31  }
0x2ab: {  	p0 =	sne.s32 s31, $0x10;
	v5 =	vadd.f32 v5, v7  }
.Ltmp13:
0x2ac: {  	v3 =	vadd.f32 v3, v10;
	(pc) =	sbr.rel @p0 .LBB2_26-.Ltmp13, $4  }
0x2ad: {  	[tilespmem:s0+$0x810] =	vst v5;
	v63 =	vadd.f32 v6, v9  }
0x2ae: {  	[tilespmem:s0+$0x800] =	vst v3;
	v3 =	vadd.f32 v4, v8  }
0x2af: {  	[tilespmem:s0+$0x830] =	vst v63  }
0x2b0: {  	[tilespmem:s0+$0x820] =	vst v3  }
0x2b1: {  	s30 =	simm.s32 $0x0;
	s0 =	rddreg [dreg:$0xa]  }
0x2b2: {  	[hbm4b:s0+s30] =	stream.linear.scatter [tilespmem:s18], [sflag:$0x2], $0x4000, $0x38;
	[tilespmem:$0x10800] =	vst v63  }
0x2b3: {  	_ =	swait.ge [sflag:s9], $0x4000  }
0x2b4: {  	[sflag:s9] =	ssyncset.done $0x0  }
0x2b5: {  	[sflag:s9] =	ssyncadd.s32 $0xFFFFC000  }
0x2b6: {  	_ =	swait.ge [sflag:s9], $0x4000  }
0x2b7: {  	[sflag:s9] =	ssyncset.done $0x0  }
0x2b8: {  	s31 =	simm.s32 $0x0;
	[sflag:s9] =	ssyncadd.s32 $0xFFFFC000  }
.LBB2_30:
0x2b9: {  	s0 =	sshll.u32 s31, $0xA;
	s1 =	sshll.u32 s31, $0x7  }
0x2ba: {  	s0 =	sand.u32 $0x2000, s0;
	s1 =	sand.u32 $0x380, s1  }
0x2bb: {  	s14 =	sand.u32 $0x40, s30;
	s1 =	sor.u32 s1, s0  }
0x2bc: {  	s4 =	sand.u32 $0x1C00, s30;
	s0 =	sor.u32 s14, s1  }
0x2bd: {  	s4 =	sor.u32 s4, s0  }
0x2be: {  	v8 =	vld [tilespmem:s4+$0xC830]  }
0x2bf: {  	v10 =	vld [tilespmem:s4+$0xC820]  }
0x2c0: {  	v7 =	vld [tilespmem:s4+$0xC800]  }
0x2c1: {  	v3 =	vld [tilespmem:s4+$0xC810]  }
0x2c2: {  	s15 =	simm.s32 $0x40;
	v5 =	vld [tilespmem:s4+$0x4810]  }
0x2c3: {  	s11 =	simm.s32 $0x200;
	s0 =	sand.u32 $0x40, s15;
	v9 =	vld [tilespmem:s4+$0x4800]  }
0x2c4: {  	s12 =	sand.u32 $0x1C00, s11;
	s0 =	sor.u32 s0, s1;
	v11 =	vld [tilespmem:s4+$0x4830]  }
0x2c5: {  	v12 =	vld [tilespmem:s4+$0x4820];
	s0 =	sor.u32 s12, s0  }
0x2c6: {  	v6 =	vld [tilespmem:s0+$0xC830]  }
0x2c7: {  	v4 =	vld [tilespmem:s0+$0xC820];
	v13 =	vadd.f32 v3, v5  }
0x2c8: {  	v3 =	vld [tilespmem:s0+$0xC800];
	v14 =	vadd.f32 v7, v9  }
0x2c9: {  	v5 =	vld [tilespmem:s0+$0xC810];
	v9 =	vadd.f32 v8, v11;
	[tilespmem:s4+$0x4810] =	vst v13  }
0x2ca: {  	s13 =	simm.s32 $0x80;
	s12 =	simm.s32 $0x4;
	v8 =	vadd.f32 v10, v12;
	v7 =	vld [tilespmem:s0+$0x4810];
	[tilespmem:s4+$0x4800] =	vst v14  }
.LBB2_31:
0x2cb: {  	s14 =	sand.u32 $0x40, s13;
	s12 =	sadd.s32 $0x4, s12;
	v10 =	vld [tilespmem:s0+$0x4800];
	s11 =	sadd.s32 $0x200, s11;
	[tilespmem:s4+$0x4830] =	vst v9;
	v9 =	vmov v6  }
0x2cc: {  	s15 =	sand.u32 $0x1C00, s11;
	s14 =	sor.u32 s14, s1;
	p0 =	slt.u32 s12, $0x3C;
	v11 =	vld [tilespmem:s0+$0x4830];
	[tilespmem:s4+$0x4820] =	vst v8;
	v8 =	vmov v4  }
0x2cd: {  	s4 =	smov.u32 s0;
	v12 =	vld [tilespmem:s0+$0x4820];
	s0 =	sor.u32 s15, s14  }
.Ltmp14:
0x2ce: {  	v6 =	vld [tilespmem:s0+$0xC830];
	(pc) =	sbr.rel @p0 .LBB2_31-.Ltmp14, $4  }
0x2cf: {  	v4 =	vld [tilespmem:s0+$0xC820];
	v7 =	vadd.f32 v5, v7  }
0x2d0: {  	v10 =	vadd.f32 v3, v10;
	v3 =	vld [tilespmem:s0+$0xC800]  }
0x2d1: {  	v5 =	vld [tilespmem:s0+$0xC810];
	[tilespmem:s4+$0x4810] =	vst v7;
	v9 =	vadd.f32 v9, v11  }
0x2d2: {  	s13 =	sadd.s32 $0x40, s13;
	v7 =	vld [tilespmem:s0+$0x4810];
	[tilespmem:s4+$0x4800] =	vst v10;
	v8 =	vadd.f32 v8, v12  }
0x2d3: {  	v10 =	vld [tilespmem:s0+$0x4800];
	[tilespmem:s4+$0x4830] =	vst v9  }
0x2d4: {  	v9 =	vld [tilespmem:s0+$0x4830];
	[tilespmem:s4+$0x4820] =	vst v8  }
0x2d5: {  	v8 =	vld [tilespmem:s0+$0x4820]  }
0x2d6: {  	s31 =	sadd.s32 $0x1, s31  }
0x2d7: {  	p0 =	sne.s32 s31, $0x10;
	v5 =	vadd.f32 v5, v7  }
.Ltmp15:
0x2d8: {  	v3 =	vadd.f32 v3, v10;
	(pc) =	sbr.rel @p0 .LBB2_30-.Ltmp15, $4  }
0x2d9: {  	[tilespmem:s0+$0x4810] =	vst v5;
	v63 =	vadd.f32 v6, v9  }
0x2da: {  	[tilespmem:s0+$0x4800] =	vst v3;
	v3 =	vadd.f32 v4, v8  }
0x2db: {  	[tilespmem:s0+$0x4830] =	vst v63  }
0x2dc: {  	[tilespmem:s0+$0x4820] =	vst v3  }
0x2dd: {  	s0 =	rddreg [dreg:$0xb]  }
0x2de: {  	[hbm4b:s0+s2] =	stream.linear.scatter [tilespmem:s10], [sflag:$0x3], $0x4000, $0x38;
	[tilespmem:$0x10800] =	vst v63  }
0x2df: {  	_ =	swait.ge [sflag:s26], $0x4000  }
0x2e0: {  	[sflag:s26] =	ssyncset.done $0x0  }
0x2e1: {  	[sflag:s26] =	ssyncadd.s32 $0xFFFFC000  }
0x2e2: {  	_ =	swait.ge [sflag:s28], $0x4000  }
0x2e3: {  	s29 =	sadd.s32 $0x1, s29;
	s31 =	rddreg [dreg:$0xc]  }
0x2e4: {  	p0 =	sne.s32 s29, s31  }
.Ltmp16:
0x2e5: {  	_ = 	snop;
	(pc) =	sbr.rel @p0 .LBB2_1-.Ltmp16, $3  }
0x2e6: {  	_ =	sdelay $0x1  }
0x2e7: {  	[sflag:s28] =	ssyncset.done $0x0  }
0x2e8: {  	[sflag:s28] =	ssyncadd.s32 $0xFFFFC000  }
0x2e9: {  	_ =	sfence.sel $0x180000  }
0x2ea: {  	[bflag:$0x0] =	sbarrier.arrive $0xFFFF  }
0x2eb: {  	_ =	strace $0x9000004A  }
0x2ec: {  	s0 =	stileid.u32;
	[bflag:$0x2] =	sbarrier.arrive $0xFFFF  }
0x2ed: {  	p0 =	sne.s32 s0, $0x0;
	s0 =	rddreg [dreg:$0x2]  }
0x2ee: {  	s0 =	sadd.s32 @!p0 $0x100000, s0  }
0x2ef: {  	[sflag:s0] =	ssyncadd.tile.s32 @!p0 $0x1;
	_ =	shalt  }
.Lfunc_end2:
_tile_overlayer_lowered:
.L_overlay_start_2:
0x2f0: {  	(tag) =	ssettag $0x2  }
0x2f1: {  	s0 =	rddreg [dreg:$0x0];
	s2 =	stileid.u32  }
0x2f2: {  	s1 =	rddreg [dreg:$0x1];
	p0 =	sne.s32 s2, $0x0  }
0x2f3: {  	s3 =	rddreg [dreg:$0x2];
	[bflag:$0x3] =	sbarrier.arrive $0xFFFF;
	s2 =	simm.s32 @!p0 $0x1C04  }
0x2f4: {  	[timem:s3], [sflag:s2] =	dma.local @!p0 [hbm:s0], s1  }
0x2f5: {  	s0 =	simm.s32 @!p0 $0x4  }
0x2f6: {  	_ =	swait.ge @!p0 [sflag:s0], s1  }
0x2f7: {  	s1 =	ssub.s32 @!p0 $0x0, s1;
	[sflag:s0] =	ssyncset.done @!p0 $0x0  }
0x2f8: {  	[sflag:s0] =	ssyncadd.s32 @!p0 s1  }
0x2f9: {  	[bflag:$0x3] =	sbarrier.arrive $0xFFFF  }
0x2fa: {  	_ =	shalt  }

</sc_bundles>
